<compile_context>
chip_gen: v7x
topology: tpu7x:2x2x1
jax: 0.10.2.dev20260603
libtpu: 0.0.44.dev20260713+nightly
codegen_flags: <defaults>
</compile_context>

<pallas_src>
import functools

import jax
import jax.numpy as jnp
from jax import lax
from jax.experimental import pallas as pl
from jax.experimental.pallas import tpu as pltpu
from jax.experimental.pallas import tpu_sc as plsc

_NG = 878
_NG0 = 1154
_ND = 383
_NM = 495
_FEAT = 256
_H = 8
_FA = 64
_HF = _H * _FA
_ZW = _HF + 16
_OUT = 64
_B = 16384

_NC = 2
_NS = 16
_NW = _NC * _NS

_T0 = 880
_T1 = 1160
_N0P = 896
_N1S = 512
_N12 = 896
_R0 = _N0P // _NS
_R12 = _N12 // _NS

_CH = 64
_E0, _E1 = 20000, 10000
_NCH = 10
_EP = _NW * _NCH * _CH

_PW = _B // _NW


def _prep_body(x0, x1, p0, p1, q0, q1, zt0, zt1, esd0, esd1):
    hi = lax.Precision.HIGHEST
    f32 = jnp.float32

    def mm(a, b):
        return lax.dot_general(a, b, (((1,), (0,)), ((), ())),
                               precision=hi, preferred_element_type=f32)

    zt0[...] = jnp.concatenate(
        [mm(x0[...], p0[...]), jnp.zeros((_T0 - _NG, _ZW), f32)], axis=0)
    zt1[...] = jnp.concatenate(
        [mm(x1[...], p1[...]), jnp.zeros((_T1 - _NG0, _ZW), f32)], axis=0)
    e0 = mm(x0[...], q0[...])
    e1 = mm(x1[...], q1[...])
    esd0[...] = jnp.concatenate(
        [jnp.concatenate([e0, e0], axis=1),
         jnp.zeros((_T0 - _NG, 16), f32)], axis=0)
    esd1[...] = jnp.concatenate(
        [jnp.concatenate([e1, e1], axis=1),
         jnp.zeros((_T1 - _NG0, 16), f32)], axis=0)


def _prep_call(x0, x1, p0, p1, q0, q1):
    return pl.pallas_call(
        _prep_body,
        out_shape=[
            jax.ShapeDtypeStruct((_T0, _ZW), jnp.float32),
            jax.ShapeDtypeStruct((_T1, _ZW), jnp.float32),
            jax.ShapeDtypeStruct((_T0, 16), jnp.float32),
            jax.ShapeDtypeStruct((_T1, 16), jnp.float32),
        ],
    )(x0, x1, p0, p1, q0, q1)


@functools.cache
def _mesh():
    return plsc.VectorSubcoreMesh(core_axis_name="c", subcore_axis_name="s",
                                  num_cores=_NC, num_subcores=_NS)


@functools.cache
def _edge_kernel():
    return functools.partial(
        pl.kernel,
        out_type=[
            jax.ShapeDtypeStruct((_NC, _N0P, _ZW), jnp.float32),
            jax.ShapeDtypeStruct((_NC, _N12, _ZW), jnp.float32),
        ],
        mesh=_mesh(),
        compiler_params=pltpu.CompilerParams(needs_layout_passes=False,
                                             use_tc_tiling_on_sc=False),
        scratch_types=[
            pltpu.VMEM_SHARED((_N0P, _ZW), jnp.float32),
            pltpu.VMEM_SHARED((_N12, _ZW), jnp.float32),
            pltpu.VMEM((_CH, _ZW), jnp.float32),
            pltpu.VMEM((_CH, _ZW), jnp.float32),
            pltpu.VMEM((_CH, 16), jnp.float32),
            pltpu.VMEM((_CH, 16), jnp.float32),
            pltpu.VMEM((_NCH, _CH), jnp.int32),
            pltpu.VMEM((_NCH, _CH), jnp.int32),
            pltpu.SemaphoreType.DMA,
            pltpu.SemaphoreType.DMA,
            pltpu.SemaphoreType.DMA,
            pltpu.SemaphoreType.DMA,
            pltpu.SemaphoreType.DMA,
            pltpu.SemaphoreType.DMA,
        ],
    )(_edge_body)


def _edge_body(zt0, esd0, zt1, esd1, s0r, d0r, s12r, d12r, zer,
               out0, out12, acc0, acc12,
               zb0, zb1, eb0, eb1, s2d, d2d,
               gz0, gz1, ge0, ge1, sc0, sc1):
    c = lax.axis_index("c")
    s = lax.axis_index("s")
    wid = c * _NS + s
    zb = (zb0, zb1)
    eb = (eb0, eb1)
    gz = (gz0, gz1)
    ge = (ge0, ge1)
    sc = (sc0, sc1)

    pltpu.sync_copy(zer.at[pl.ds(0, _R0)], acc0.at[pl.ds(s * _R0, _R0)])
    pltpu.sync_copy(zer, acc12.at[pl.ds(s * _R12, _R12)])
    plsc.subcore_barrier()

    iota16 = lax.iota(jnp.int32, 16)
    lane_lt8 = iota16 < 8

    def remap0(v, gidx):
        return jnp.where(v < _NG, v, _NG + 2 + iota16)

    def remap12(v, gidx):
        t = v - _ND
        r1 = jnp.where((t >= 0) & (t < _NM), t, _NM + iota16)
        r2 = jnp.where(v < _ND, v + 511, _NM + iota16)
        return jnp.where(gidx < _E1, r1, r2)

    def do_graph(zt, esd, sarr, darr, acc, remap):
        pltpu.sync_copy(sarr.at[wid], s2d)
        pltpu.sync_copy(darr.at[wid], d2d)

        def issue(j, b):
            pltpu.async_copy(zt.at[s2d.at[j]], zb[b], gz[b])
            pltpu.async_copy(esd.at[d2d.at[j]], eb[b], ge[b])

        def wait_gather(j, b):
            pltpu.make_async_copy(zt.at[s2d.at[j]], zb[b], gz[b]).wait()
            pltpu.make_async_copy(esd.at[d2d.at[j]], eb[b], ge[b]).wait()

        def wait_scatter(j, b):
            pltpu.make_async_copy(zb[b], acc.at[d2d.at[j]], sc[b]).wait()

        issue(0, 0)

        def step(j, b):
            zrows = zb[b]
            edrows = eb[b]

            @pl.when(j >= 1)
            def _():
                wait_scatter(j - 1, 1 - b)

            @pl.when(j < _NCH - 1)
            def _():
                issue(j + 1, 1 - b)

            wait_gather(j, b)

            base = wid * (_NCH * _CH) + j * _CH
            for q in range(_CH // 16):
                sl = pl.ds(q * 16, 16)
                gidx = base + q * 16 + iota16
                d2d[j, sl] = remap(d2d[j, sl], gidx)

            def edge(e, carry2):
                esv = zrows[e, pl.ds(_HF, 16)]
                edv = edrows[e, :]
                x = esv + edv
                lk = jnp.where(x >= 0, x, jnp.float32(0.2) * x)
                w = jnp.exp(lk)
                wm = jnp.where(lane_lt8, w, jnp.float32(0.0))
                dn = lax.GatherDimensionNumbers(
                    offset_dims=(), collapsed_slice_dims=(0,),
                    start_index_map=(0,))
                for h in range(_H):
                    wspl = lax.gather(
                        w, jnp.full((16, 1), h, jnp.int32), dn, (1,),
                        mode=lax.GatherScatterMode.PROMISE_IN_BOUNDS)
                    for q in range(4):
                        t = h * 4 + q
                        sl = pl.ds(t * 16, 16)
                        zrows[e, sl] = zrows[e, sl] * wspl
                zrows[e, pl.ds(_HF, 16)] = wm
                return carry2

            lax.fori_loop(0, _CH, edge, 0)
            pltpu.async_copy(zrows, acc.at[d2d.at[j]], sc[b], add=True)

        def pair(j2, carry):
            step(j2 * 2, 0)
            step(j2 * 2 + 1, 1)
            return carry

        lax.fori_loop(0, _NCH // 2, pair, 0)
        wait_scatter(_NCH - 1, 1)

    do_graph(zt0, esd0, s0r, d0r, acc0, remap0)
    do_graph(zt1, esd1, s12r, d12r, acc12, remap12)
    plsc.subcore_barrier()

    pltpu.sync_copy(acc0.at[pl.ds(s * _R0, _R0)],
                    out0.at[c, pl.ds(s * _R0, _R0)])
    pltpu.sync_copy(acc12.at[pl.ds(s * _R12, _R12)],
                    out12.at[c, pl.ds(s * _R12, _R12)])


def _fuse_body(p0, p12, dsim, msim, dfcw, dfcb,
               mfcw, mfcb, hfcw, hfcb, h_ref):
    hi = lax.Precision.HIGHEST
    f32 = jnp.float32

    def mm(a, b):
        return lax.dot_general(a, b, (((1,), (0,)), ((), ())),
                               precision=hi, preferred_element_type=f32)

    def elu(x):
        return jnp.where(x > 0, x, jnp.exp(jnp.minimum(x, 0.0)) - 1.0)

    ii = lax.broadcasted_iota(jnp.int32, (_H, _HF), 0)
    jj = lax.broadcasted_iota(jnp.int32, (_H, _HF), 1)
    r8 = (jj // _FA == ii).astype(f32)

    def hpart(p):
        a = p[0] + p[1]
        msg = a[:, :_HF]
        den = a[:, _HF:_HF + _H]
        dinv = 1.0 / (den + 1e-9)
        return elu(msg * mm(dinv, r8))

    h0 = hpart(p0[...])
    h12 = hpart(p12[...])
    hs1 = 0.5 * (h0[:_ND + 1] + h12[511:511 + _ND + 1])
    hs2 = 0.5 * (h0[_ND:_ND + _NM + 1] + h12[:_NM + 1])
    dss = jnp.concatenate(
        [dsim[:_ND], jnp.zeros((1, _ND), f32)], axis=0)
    mss = jnp.concatenate(
        [msim[_ND:_NG], jnp.zeros((1, _NM), f32)], axis=0)
    dw = dfcw[...]
    mw = mfcw[...]
    hd = elu(mm(hs1, dw[:_HF]) + mm(dss, dw[_HF:])
             + dfcb[...].reshape(1, _OUT))
    hm = elu(mm(hs2, mw[:_HF]) + mm(mss, mw[_HF:])
             + mfcb[...].reshape(1, _OUT))
    hcat = jnp.concatenate([hd[:_ND], hm[:_NM]], axis=0)
    h = elu(mm(hcat, hfcw[...]) + hfcb[...].reshape(1, _OUT))
    h_ref[...] = jnp.transpose(
        jnp.concatenate([h, jnp.zeros((_N0P - _NG, _OUT), f32)], axis=0),
        (1, 0))


def _fuse_call(p0, p12, dsim, msim, dfcw, dfcb, mfcw, mfcb, hfcw, hfcb):
    return pl.pallas_call(
        _fuse_body,
        out_shape=jax.ShapeDtypeStruct((_OUT, _N0P), jnp.float32),
    )(p0, p12, dsim, msim, dfcw, dfcb, mfcw, mfcb, hfcw, hfcb)


@functools.cache
def _pair_kernel():
    return functools.partial(
        pl.kernel,
        out_type=jax.ShapeDtypeStruct((_B,), jnp.float32),
        mesh=_mesh(),
        compiler_params=pltpu.CompilerParams(needs_layout_passes=False, use_tc_tiling_on_sc=False),
        scratch_types=[
            pltpu.VMEM((_N0P * _OUT,), jnp.float32),
            pltpu.VMEM((_PW,), jnp.int32),
            pltpu.VMEM((_PW,), jnp.int32),
            pltpu.VMEM((_PW,), jnp.float32),
        ],
    )(_pair_body)


def _pair_body(hflat, dis, mir, out, hbuf, dbuf, mbuf, obuf):
    c = lax.axis_index("c")
    s = lax.axis_index("s")
    wid = c * _NS + s
    pltpu.sync_copy(hflat, hbuf)
    pltpu.sync_copy(dis.at[pl.ds(wid * _PW, _PW)], dbuf)
    pltpu.sync_copy(mir.at[pl.ds(wid * _PW, _PW)], mbuf)

    def grp(g, carry):
        dv = dbuf[pl.ds(g * 16, 16)]
        mv = mbuf[pl.ds(g * 16, 16)]
        accs = [jnp.zeros((16,), jnp.float32) for _ in range(4)]
        for k in range(_OUT):
            a = plsc.load_gather(hbuf, [dv + k * _N0P])
            b = plsc.load_gather(hbuf, [mv + k * _N0P])
            accs[k % 4] = accs[k % 4] + a * b
        acc = (accs[0] + accs[1]) + (accs[2] + accs[3])
        obuf[pl.ds(g * 16, 16)] = 1.0 / (1.0 + jnp.exp(-acc))
        return carry

    lax.fori_loop(0, _PW // 16, grp, 0)
    pltpu.sync_copy(obuf, out.at[pl.ds(wid * _PW, _PW)])


def kernel(x_g, x_g0, d_sim, m_sim, edge_index_md, edge_index_ml,
           edge_index_dl, diseases, mirnas, gat_W, gat_asrc, gat_adst,
           mp_W, mp_asrc, mp_adst, sem_P1, sem_b1, sem_P2, mfc_W, mfc_b,
           dfc_W, dfc_b, hfc_W, hfc_b):
    f32 = jnp.float32
    i32 = jnp.int32

    wf0 = gat_W.reshape(_FEAT, _HF)
    was0 = jnp.einsum('fhk,hk->fh', gat_W, gat_asrc)
    wad0 = jnp.einsum('fhk,hk->fh', gat_W, gat_adst)
    p0w = jnp.concatenate([wf0, was0, wad0], axis=1)
    wf1 = jnp.transpose(mp_W, (1, 0, 2)).reshape(_FEAT, _HF)
    was1 = jnp.einsum('hfk,hk->fh', mp_W, mp_asrc)
    wad1 = jnp.einsum('hfk,hk->fh', mp_W, mp_adst)
    p1w = jnp.concatenate([wf1, was1, wad1], axis=1)

    zt0, zt1, esd0, esd1 = _prep_call(x_g, x_g0, p0w, p1w, wad0, wad1)

    npad0 = _EP - _E0
    s0 = jnp.concatenate([edge_index_md[0].astype(i32),
                          jnp.zeros((npad0,), i32)]).reshape(_NW, _NCH, _CH)
    d0 = jnp.concatenate([edge_index_md[1].astype(i32),
                          jnp.full((npad0,), _NG, i32)]).reshape(
                              _NW, _NCH, _CH)
    npad12 = _EP - 2 * _E1
    s12 = jnp.concatenate([edge_index_ml[0].astype(i32),
                           edge_index_dl[0].astype(i32),
                           jnp.zeros((npad12,), i32)]).reshape(
                               _NW, _NCH, _CH)
    d12 = jnp.concatenate([edge_index_ml[1].astype(i32),
                           edge_index_dl[1].astype(i32),
                           jnp.full((npad12,), _NG0 - 1, i32)]).reshape(
                               _NW, _NCH, _CH)
    zer = jnp.zeros((_R12, _ZW), f32)

    pp0, pp12 = _edge_kernel()(zt0, esd0, zt1, esd1, s0, d0, s12, d12, zer)

    h = _fuse_call(pp0, pp12, d_sim, m_sim, dfc_W, dfc_b, mfc_W, mfc_b,
                   hfc_W, hfc_b)

    return _pair_kernel()(h.reshape(-1), diseases.astype(i32),
                          mirnas.astype(i32))

# --- scband reference (transcript-rebuilt; emitter-appended) ---
"""Pipeline reference for scband-hganmda-11467562680530 (READ-ONLY COPY).

The authoritative reference and input builder live on the scoring server;
editing this copy changes nothing except your own understanding.
"""

import jax, jax.numpy as jnp
import numpy as np

N_G = 878
N_G0 = 1154
NUM_D = 383
FEAT = 256
H = 8
FA = 64
OUT = 64
D_SIM = 383
M_SIM = 495
SLOPE = 0.2
B = 16384
E_MD = 20000
E_ML = 10000
E_DL = 10000


def _multihead_gat(x, W, a_src, a_dst, edge_index, n_nodes):
    # x: [N, Fin], W: [Fin, H, FA], a_src/a_dst: [H, FA]
    z = jnp.einsum('nf,fhk->nhk', x, W)
    src = edge_index[0]
    dst = edge_index[1]
    es = (z * a_src[None]).sum(-1)  # [N, H]
    ed = (z * a_dst[None]).sum(-1)  # [N, H]
    e = jax.nn.leaky_relu(es[src] + ed[dst], SLOPE)  # [E, H]
    m = jax.ops.segment_max(e, dst, num_segments=n_nodes)
    m = jnp.where(jnp.isfinite(m), m, 0.0)
    m = jax.lax.stop_gradient(m)
    w = jnp.exp(e - m[dst])
    den = jax.ops.segment_sum(w, dst, num_segments=n_nodes)
    msg = jax.ops.segment_sum(z[src] * w[:, :, None], dst, num_segments=n_nodes)
    out = msg / (den[:, :, None] + 1e-9)
    return jax.nn.elu(out).reshape(n_nodes, -1)


def _sem_att(z, P1, b1, P2):
    # SemanticAttention: project is computed but (faithful to source) output is (0.5*z).sum(1)
    w = jnp.mean(jnp.tanh(z @ P1 + b1) @ P2, axis=0)
    beta = jax.nn.sigmoid(w)
    beta = jnp.broadcast_to(beta, (z.shape[0],) + beta.shape)
    return (0.5 * z).sum(1)


def setup_inputs(seed: int = 0):
    key = jax.random.key(seed)
    ks = jax.random.split(key, 24)
    s = 0.05
    inp = {}
    inp['x_g'] = jax.random.normal(ks[0], (N_G, FEAT), jnp.float32)
    inp['x_g0'] = jax.random.normal(ks[1], (N_G0, FEAT), jnp.float32)
    inp['d_sim'] = jax.random.uniform(ks[2], (N_G, D_SIM), jnp.float32)
    inp['m_sim'] = jax.random.uniform(ks[3], (N_G, M_SIM), jnp.float32)
    inp['edge_index_md'] = jax.random.randint(ks[4], (2, E_MD), 0, N_G)
    inp['edge_index_ml'] = jax.random.randint(ks[5], (2, E_ML), 0, N_G0)
    inp['edge_index_dl'] = jax.random.randint(ks[6], (2, E_DL), 0, N_G0)
    inp['diseases'] = jax.random.randint(ks[7], (B,), 0, NUM_D)
    inp['mirnas'] = jax.random.randint(ks[8], (B,), NUM_D, N_G)
    inp['gat_W'] = jax.random.normal(ks[9], (FEAT, H, FA), jnp.float32) * s
    inp['gat_asrc'] = jax.random.normal(ks[10], (H, FA), jnp.float32) * s
    inp['gat_adst'] = jax.random.normal(ks[11], (H, FA), jnp.float32) * s
    inp['mp_W'] = jax.random.normal(ks[12], (H, FEAT, FA), jnp.float32) * s
    inp['mp_asrc'] = jax.random.normal(ks[13], (H, FA), jnp.float32) * s
    inp['mp_adst'] = jax.random.normal(ks[14], (H, FA), jnp.float32) * s
    inp['sem_P1'] = jax.random.normal(ks[15], (FA * H, 512), jnp.float32) * s
    inp['sem_b1'] = jnp.zeros((512,), jnp.float32)
    inp['sem_P2'] = jax.random.normal(ks[16], (512, 1), jnp.float32) * s
    inp['mfc_W'] = jax.random.normal(ks[17], (FA * H + M_SIM, OUT), jnp.float32) * s
    inp['mfc_b'] = jnp.zeros((OUT,), jnp.float32)
    inp['dfc_W'] = jax.random.normal(ks[18], (FA * H + D_SIM, OUT), jnp.float32) * s
    inp['dfc_b'] = jnp.zeros((OUT,), jnp.float32)
    inp['hfc_W'] = jax.random.normal(ks[19], (OUT, OUT), jnp.float32) * s
    inp['hfc_b'] = jnp.zeros((OUT,), jnp.float32)
    return inp


def reference(x_g, x_g0, d_sim, m_sim, edge_index_md, edge_index_ml, edge_index_dl, diseases, mirnas, gat_W, gat_asrc, gat_adst, mp_W, mp_asrc, mp_adst, sem_P1, sem_b1, sem_P2, mfc_W, mfc_b, dfc_W, dfc_b, hfc_W, hfc_b):
    # meta-path 'md'/'dm': multi-head GAT over G
    h_agg0 = _multihead_gat(x_g, gat_W, gat_asrc, gat_adst, edge_index_md, N_G)
    # meta-paths 'ml' and 'dl': metapath-specific heads over G0 edge subgraphs
    Wt = jnp.transpose(mp_W, (1, 0, 2))
    h_agg1 = _multihead_gat(x_g0, Wt, mp_asrc, mp_adst, edge_index_ml, N_G0)
    h_agg2 = _multihead_gat(x_g0, Wt, mp_asrc, mp_adst, edge_index_dl, N_G0)
    disease0 = h_agg0[:NUM_D]
    mirna0 = h_agg0[NUM_D:N_G]
    disease1 = h_agg2[:NUM_D]
    mirna1 = h_agg1[NUM_D:N_G]
    h1 = _sem_att(jnp.stack((disease0, disease1), axis=1), sem_P1, sem_b1, sem_P2)
    h2 = _sem_att(jnp.stack((mirna0, mirna1), axis=1), sem_P1, sem_b1, sem_P2)
    h_d = jnp.concatenate((h1, d_sim[:NUM_D]), axis=1)
    h_m = jnp.concatenate((h2, m_sim[NUM_D:N_G]), axis=1)
    h_m = jax.nn.elu(h_m @ mfc_W + mfc_b)
    h_d = jax.nn.elu(h_d @ dfc_W + dfc_b)
    h = jnp.concatenate((h_d, h_m), axis=0)
    h = jax.nn.elu(h @ hfc_W + hfc_b)
    h_diseases = h[diseases]
    h_mirnas = h[mirnas]
    # InnerProductDecoder
    x = (h_diseases * h_mirnas).sum(1)
    return jax.nn.sigmoid(jnp.reshape(x, (-1,)))

if __name__ == "__main__":
    import jax
    _d = setup_inputs()
    print(jax.jit(kernel)(*tuple(_d.values())))

</pallas_src>

<mosaic_0001>
#map = affine_map<(d0, d1) -> (0, 0)>
#map1 = affine_map<(d0, d1) -> (0, 0, 0)>
module attributes {stable_mosaic.version = 14 : i64} {
  func.func @_edge_body(%arg0: i32, %arg1: i32, %arg2: memref<880x528xf32, #tpu.memory_space<hbm>>, %arg3: memref<880x16xf32, #tpu.memory_space<hbm>>, %arg4: memref<1160x528xf32, #tpu.memory_space<hbm>>, %arg5: memref<1160x16xf32, #tpu.memory_space<hbm>>, %arg6: memref<32x10x64xi32, #tpu.memory_space<hbm>>, %arg7: memref<32x10x64xi32, #tpu.memory_space<hbm>>, %arg8: memref<32x10x64xi32, #tpu.memory_space<hbm>>, %arg9: memref<32x10x64xi32, #tpu.memory_space<hbm>>, %arg10: memref<56x528xf32, #tpu.memory_space<hbm>>, %arg11: memref<2x896x528xf32, #tpu.memory_space<hbm>>, %arg12: memref<2x896x528xf32, #tpu.memory_space<hbm>>, %arg13: memref<896x528xf32, #tpu.memory_space<vmem_shared>>, %arg14: memref<896x528xf32, #tpu.memory_space<vmem_shared>>, %arg15: memref<64x528xf32, #tpu.memory_space<vmem>>, %arg16: memref<64x528xf32, #tpu.memory_space<vmem>>, %arg17: memref<64x16xf32, #tpu.memory_space<vmem>>, %arg18: memref<64x16xf32, #tpu.memory_space<vmem>>, %arg19: memref<10x64xi32, #tpu.memory_space<vmem>>, %arg20: memref<10x64xi32, #tpu.memory_space<vmem>>, %arg21: memref<!tpu.dma_semaphore, #tpu.memory_space<semaphore_mem>>, %arg22: memref<!tpu.dma_semaphore, #tpu.memory_space<semaphore_mem>>, %arg23: memref<!tpu.dma_semaphore, #tpu.memory_space<semaphore_mem>>, %arg24: memref<!tpu.dma_semaphore, #tpu.memory_space<semaphore_mem>>, %arg25: memref<!tpu.dma_semaphore, #tpu.memory_space<semaphore_mem>>, %arg26: memref<!tpu.dma_semaphore, #tpu.memory_space<semaphore_mem>>) attributes {dimension_semantics = [#tpu.dimension_semantics<core_parallel>, #tpu.dimension_semantics<subcore_parallel>], iteration_bounds = array<i64: 2, 16>, scalar_prefetch = 0 : i64, scratch_operands = 14 : i64, tpu.core_type = #tpu.core_type<sc_vector_subcore>, window_params = [{transform_indices = #map}, {transform_indices = #map}, {transform_indices = #map}, {transform_indices = #map}, {transform_indices = #map1}, {transform_indices = #map1}, {transform_indices = #map1}, {transform_indices = #map1}, {transform_indices = #map}, {transform_indices = #map1}, {transform_indices = #map1}]} {
    %mul3A = arith.constant 16 : i32
    %mul3A_0 = arith.muli %arg0, %mul3A : i32
    %add3A = arith.addi %mul3A_0, %arg1 : i32
    %mul3A_1 = arith.constant 56 : i32
    %mul3A_2 = arith.muli %arg1, %mul3A_1 : i32
    "tpu.region"() ({
      %run_scoped3A = tpu.sem_alloc : memref<!tpu.dma_semaphore, #tpu.memory_space<semaphore_mem>>
      %dma_start3A_67 = arith.constant 0 : i32
      %dma_start3A_68 = tpu.memref_slice %arg13[%mul3A_2, %dma_start3A_67] : memref<896x528xf32, #tpu.memory_space<vmem_shared>> -> memref<56x528xf32, #tpu.memory_space<vmem_shared>>
      %dma_start3A_69 = arith.constant 0 : i32
      %dma_start3A_70 = arith.constant 0 : i32
      %dma_start3A_71 = tpu.memref_slice %arg10[%dma_start3A_69, %dma_start3A_70] : memref<56x528xf32, #tpu.memory_space<hbm>> -> memref<56x528xf32, #tpu.memory_space<hbm>>
      tpu.enqueue_dma source(%dma_start3A_71 : memref<56x528xf32, #tpu.memory_space<hbm>>) target(%dma_start3A_68 : memref<56x528xf32, #tpu.memory_space<vmem_shared>>) target_semaphore(%run_scoped3A : memref<!tpu.dma_semaphore, #tpu.memory_space<semaphore_mem>>)
      %dma_wait3A_72 = arith.constant 0 : i32
      %dma_wait3A_73 = tpu.memref_slice %arg13[%mul3A_2, %dma_wait3A_72] : memref<896x528xf32, #tpu.memory_space<vmem_shared>> -> memref<56x528xf32, #tpu.memory_space<vmem_shared>>
      %dma_wait3A_74 = arith.constant 0 : i32
      %dma_wait3A_75 = arith.constant 0 : i32
      %dma_wait3A_76 = tpu.memref_slice %arg10[%dma_wait3A_74, %dma_wait3A_75] : memref<56x528xf32, #tpu.memory_space<hbm>> -> memref<56x528xf32, #tpu.memory_space<hbm>>
      tpu.wait_dma2 semaphore(%run_scoped3A : memref<!tpu.dma_semaphore, #tpu.memory_space<semaphore_mem>>) src(%dma_wait3A_76 : memref<56x528xf32, #tpu.memory_space<hbm>>) dst(%dma_wait3A_73 : memref<56x528xf32, #tpu.memory_space<vmem_shared>>)
      tpu.yield
    }) : () -> ()
    %mul3A_3 = arith.constant 56 : i32
    %mul3A_4 = arith.muli %arg1, %mul3A_3 : i32
    "tpu.region"() ({
      %run_scoped3A = tpu.sem_alloc : memref<!tpu.dma_semaphore, #tpu.memory_space<semaphore_mem>>
      %dma_start3A_67 = arith.constant 0 : i32
      %dma_start3A_68 = tpu.memref_slice %arg14[%mul3A_4, %dma_start3A_67] : memref<896x528xf32, #tpu.memory_space<vmem_shared>> -> memref<56x528xf32, #tpu.memory_space<vmem_shared>>
      tpu.enqueue_dma source(%arg10 : memref<56x528xf32, #tpu.memory_space<hbm>>) target(%dma_start3A_68 : memref<56x528xf32, #tpu.memory_space<vmem_shared>>) target_semaphore(%run_scoped3A : memref<!tpu.dma_semaphore, #tpu.memory_space<semaphore_mem>>)
      %dma_wait3A_69 = arith.constant 0 : i32
      %dma_wait3A_70 = tpu.memref_slice %arg14[%mul3A_4, %dma_wait3A_69] : memref<896x528xf32, #tpu.memory_space<vmem_shared>> -> memref<56x528xf32, #tpu.memory_space<vmem_shared>>
      tpu.wait_dma2 semaphore(%run_scoped3A : memref<!tpu.dma_semaphore, #tpu.memory_space<semaphore_mem>>) src(%arg10 : memref<56x528xf32, #tpu.memory_space<hbm>>) dst(%dma_wait3A_70 : memref<56x528xf32, #tpu.memory_space<vmem_shared>>)
      tpu.yield
    }) : () -> ()
    %barrier3A = arith.constant 0 : index
    tpu.barrier barrier_id(%barrier3A)
    %iota3A = tpu.iota {dimensions = array<i32: 0>} : vector<16xi32>
    %lt3A = arith.constant 8 : i32
    %lt3A_5 = vector.broadcast %lt3A : i32 to vector<16xi32>
    %lt3A_6 = arith.cmpi slt, %iota3A, %lt3A_5 : vector<16xi32>
    "tpu.region"() ({
      %run_scoped3A = tpu.sem_alloc : memref<!tpu.dma_semaphore, #tpu.memory_space<semaphore_mem>>
      %dma_start3A_67 = arith.constant 0 : i32
      %dma_start3A_68 = arith.constant 0 : i32
      %dma_start3A_69 = tpu.memref_slice %arg6[%add3A, %dma_start3A_67, %dma_start3A_68] : memref<32x10x64xi32, #tpu.memory_space<hbm>> -> memref<1x10x64xi32, #tpu.memory_space<hbm>>
      %dma_start3A_70 = tpu.memref_squeeze %dma_start3A_69 : memref<1x10x64xi32, #tpu.memory_space<hbm>> -> memref<10x64xi32, #tpu.memory_space<hbm>>
      %dma_start3A_71 = arith.constant 0 : i32
      %dma_start3A_72 = arith.constant 0 : i32
      %dma_start3A_73 = tpu.memref_slice %arg6[%add3A, %dma_start3A_71, %dma_start3A_72] : memref<32x10x64xi32, #tpu.memory_space<hbm>> -> memref<1x10x64xi32, #tpu.memory_space<hbm>>
      %dma_start3A_74 = tpu.memref_squeeze %dma_start3A_73 : memref<1x10x64xi32, #tpu.memory_space<hbm>> -> memref<10x64xi32, #tpu.memory_space<hbm>>
      tpu.enqueue_dma source(%dma_start3A_74 : memref<10x64xi32, #tpu.memory_space<hbm>>) target(%arg19 : memref<10x64xi32, #tpu.memory_space<vmem>>) target_semaphore(%run_scoped3A : memref<!tpu.dma_semaphore, #tpu.memory_space<semaphore_mem>>)
      %dma_wait3A_75 = arith.constant 0 : i32
      %dma_wait3A_76 = arith.constant 0 : i32
      %dma_wait3A_77 = tpu.memref_slice %arg6[%add3A, %dma_wait3A_75, %dma_wait3A_76] : memref<32x10x64xi32, #tpu.memory_space<hbm>> -> memref<1x10x64xi32, #tpu.memory_space<hbm>>
      %dma_wait3A_78 = tpu.memref_squeeze %dma_wait3A_77 : memref<1x10x64xi32, #tpu.memory_space<hbm>> -> memref<10x64xi32, #tpu.memory_space<hbm>>
      %dma_wait3A_79 = arith.constant 0 : i32
      %dma_wait3A_80 = arith.constant 0 : i32
      %dma_wait3A_81 = tpu.memref_slice %arg6[%add3A, %dma_wait3A_79, %dma_wait3A_80] : memref<32x10x64xi32, #tpu.memory_space<hbm>> -> memref<1x10x64xi32, #tpu.memory_space<hbm>>
      %dma_wait3A_82 = tpu.memref_squeeze %dma_wait3A_81 : memref<1x10x64xi32, #tpu.memory_space<hbm>> -> memref<10x64xi32, #tpu.memory_space<hbm>>
      tpu.wait_dma2 semaphore(%run_scoped3A : memref<!tpu.dma_semaphore, #tpu.memory_space<semaphore_mem>>) src(%dma_wait3A_82 : memref<10x64xi32, #tpu.memory_space<hbm>>) dst(%arg19 : memref<10x64xi32, #tpu.memory_space<vmem>>)
      tpu.yield
    }) : () -> ()
    "tpu.region"() ({
      %run_scoped3A = tpu.sem_alloc : memref<!tpu.dma_semaphore, #tpu.memory_space<semaphore_mem>>
      %dma_start3A_67 = arith.constant 0 : i32
      %dma_start3A_68 = arith.constant 0 : i32
      %dma_start3A_69 = tpu.memref_slice %arg7[%add3A, %dma_start3A_67, %dma_start3A_68] : memref<32x10x64xi32, #tpu.memory_space<hbm>> -> memref<1x10x64xi32, #tpu.memory_space<hbm>>
      %dma_start3A_70 = tpu.memref_squeeze %dma_start3A_69 : memref<1x10x64xi32, #tpu.memory_space<hbm>> -> memref<10x64xi32, #tpu.memory_space<hbm>>
      %dma_start3A_71 = arith.constant 0 : i32
      %dma_start3A_72 = arith.constant 0 : i32
      %dma_start3A_73 = tpu.memref_slice %arg7[%add3A, %dma_start3A_71, %dma_start3A_72] : memref<32x10x64xi32, #tpu.memory_space<hbm>> -> memref<1x10x64xi32, #tpu.memory_space<hbm>>
      %dma_start3A_74 = tpu.memref_squeeze %dma_start3A_73 : memref<1x10x64xi32, #tpu.memory_space<hbm>> -> memref<10x64xi32, #tpu.memory_space<hbm>>
      tpu.enqueue_dma source(%dma_start3A_74 : memref<10x64xi32, #tpu.memory_space<hbm>>) target(%arg20 : memref<10x64xi32, #tpu.memory_space<vmem>>) target_semaphore(%run_scoped3A : memref<!tpu.dma_semaphore, #tpu.memory_space<semaphore_mem>>)
      %dma_wait3A_75 = arith.constant 0 : i32
      %dma_wait3A_76 = arith.constant 0 : i32
      %dma_wait3A_77 = tpu.memref_slice %arg7[%add3A, %dma_wait3A_75, %dma_wait3A_76] : memref<32x10x64xi32, #tpu.memory_space<hbm>> -> memref<1x10x64xi32, #tpu.memory_space<hbm>>
      %dma_wait3A_78 = tpu.memref_squeeze %dma_wait3A_77 : memref<1x10x64xi32, #tpu.memory_space<hbm>> -> memref<10x64xi32, #tpu.memory_space<hbm>>
      %dma_wait3A_79 = arith.constant 0 : i32
      %dma_wait3A_80 = arith.constant 0 : i32
      %dma_wait3A_81 = tpu.memref_slice %arg7[%add3A, %dma_wait3A_79, %dma_wait3A_80] : memref<32x10x64xi32, #tpu.memory_space<hbm>> -> memref<1x10x64xi32, #tpu.memory_space<hbm>>
      %dma_wait3A_82 = tpu.memref_squeeze %dma_wait3A_81 : memref<1x10x64xi32, #tpu.memory_space<hbm>> -> memref<10x64xi32, #tpu.memory_space<hbm>>
      tpu.wait_dma2 semaphore(%run_scoped3A : memref<!tpu.dma_semaphore, #tpu.memory_space<semaphore_mem>>) src(%dma_wait3A_82 : memref<10x64xi32, #tpu.memory_space<hbm>>) dst(%arg20 : memref<10x64xi32, #tpu.memory_space<vmem>>)
      tpu.yield
    }) : () -> ()
    %dma_start3A = arith.constant 0 : i32
    %dma_start3A_7 = arith.constant 0 : i32
    %dma_start3A_8 = tpu.memref_slice %arg19[%dma_start3A, %dma_start3A_7] : memref<10x64xi32, #tpu.memory_space<vmem>> -> memref<1x64xi32, #tpu.memory_space<vmem>>
    %dma_start3A_9 = tpu.memref_squeeze %dma_start3A_8 : memref<1x64xi32, #tpu.memory_space<vmem>> -> memref<64xi32, #tpu.memory_space<vmem>>
    %dma_start3A_10 = arith.constant 0 : i32
    %dma_start3A_11 = arith.constant 0 : i32
    %dma_start3A_12 = tpu.memref_slice %arg2[%dma_start3A_10, %dma_start3A_11] : memref<880x528xf32, #tpu.memory_space<hbm>> -> memref<880x528xf32, #tpu.memory_space<hbm>>
    tpu.enqueue_indirect_dma source(%dma_start3A_12 : memref<880x528xf32, #tpu.memory_space<hbm>>) target(%arg15 : memref<64x528xf32, #tpu.memory_space<vmem>>) offsets(%dma_start3A_9 : memref<64xi32, #tpu.memory_space<vmem>>) semaphore(%arg21 : memref<!tpu.dma_semaphore, #tpu.memory_space<semaphore_mem>>)
    %dma_start3A_13 = arith.constant 0 : i32
    %dma_start3A_14 = arith.constant 0 : i32
    %dma_start3A_15 = tpu.memref_slice %arg20[%dma_start3A_13, %dma_start3A_14] : memref<10x64xi32, #tpu.memory_space<vmem>> -> memref<1x64xi32, #tpu.memory_space<vmem>>
    %dma_start3A_16 = tpu.memref_squeeze %dma_start3A_15 : memref<1x64xi32, #tpu.memory_space<vmem>> -> memref<64xi32, #tpu.memory_space<vmem>>
    %dma_start3A_17 = arith.constant 0 : i32
    %dma_start3A_18 = arith.constant 0 : i32
    %dma_start3A_19 = tpu.memref_slice %arg3[%dma_start3A_17, %dma_start3A_18] : memref<880x16xf32, #tpu.memory_space<hbm>> -> memref<880x16xf32, #tpu.memory_space<hbm>>
    tpu.enqueue_indirect_dma source(%dma_start3A_19 : memref<880x16xf32, #tpu.memory_space<hbm>>) target(%arg17 : memref<64x16xf32, #tpu.memory_space<vmem>>) offsets(%dma_start3A_16 : memref<64xi32, #tpu.memory_space<vmem>>) semaphore(%arg23 : memref<!tpu.dma_semaphore, #tpu.memory_space<semaphore_mem>>)
    %scan3A = arith.constant 0 : i32
    %scan3A_20 = arith.constant 0 : i32
    %scan3A_21 = arith.constant 5 : i32
    %scan3A_22 = arith.addi %scan3A_20, %scan3A_21 : i32
    %scan3A_23 = arith.constant 1 : i32
    scf.for %scan3A_67 = %scan3A_20 to %scan3A_22 step %scan3A_23  : i32 {
      %mul3A_68 = arith.constant 2 : i32
      %mul3A_69 = arith.muli %scan3A_67, %mul3A_68 : i32
      %ge3A = arith.constant 1 : i32
      %ge3A_70 = arith.cmpi sge, %mul3A_69, %ge3A : i32
      %convert_element_type3A = arith.extui %ge3A_70 : i1 to i32
      %cond3A = arith.constant 0 : i32
      %cond3A_71 = arith.cmpi ne, %convert_element_type3A, %cond3A : i32
      scf.if %cond3A_71 {
        %sub3A = arith.constant 1 : i32
        %sub3A_282 = arith.subi %mul3A_69, %sub3A : i32
        %dma_wait3A_283 = arith.constant 0 : i32
        %dma_wait3A_284 = tpu.memref_slice %arg20[%sub3A_282, %dma_wait3A_283] : memref<10x64xi32, #tpu.memory_space<vmem>> -> memref<1x64xi32, #tpu.memory_space<vmem>>
        %dma_wait3A_285 = tpu.memref_squeeze %dma_wait3A_284 : memref<1x64xi32, #tpu.memory_space<vmem>> -> memref<64xi32, #tpu.memory_space<vmem>>
        %dma_wait3A_286 = arith.constant 0 : i32
        %dma_wait3A_287 = arith.constant 0 : i32
        %dma_wait3A_288 = tpu.memref_slice %arg13[%dma_wait3A_286, %dma_wait3A_287] : memref<896x528xf32, #tpu.memory_space<vmem_shared>> -> memref<896x528xf32, #tpu.memory_space<vmem_shared>>
        tpu.wait_indirect_dma semaphore(%arg26 : memref<!tpu.dma_semaphore, #tpu.memory_space<semaphore_mem>>) src(%arg16 : memref<64x528xf32, #tpu.memory_space<vmem>>) dst(%dma_wait3A_288 : memref<896x528xf32, #tpu.memory_space<vmem_shared>>)
      } else {
      }
      %lt3A_72 = arith.constant 9 : i32
      %lt3A_73 = arith.cmpi slt, %mul3A_69, %lt3A_72 : i32
      %convert_element_type3A_74 = arith.extui %lt3A_73 : i1 to i32
      %cond3A_75 = arith.constant 0 : i32
      %cond3A_76 = arith.cmpi ne, %convert_element_type3A_74, %cond3A_75 : i32
      scf.if %cond3A_76 {
        %add3A_282 = arith.constant 1 : i32
        %add3A_283 = arith.addi %mul3A_69, %add3A_282 : i32
        %dma_start3A_284 = arith.constant 0 : i32
        %dma_start3A_285 = tpu.memref_slice %arg19[%add3A_283, %dma_start3A_284] : memref<10x64xi32, #tpu.memory_space<vmem>> -> memref<1x64xi32, #tpu.memory_space<vmem>>
        %dma_start3A_286 = tpu.memref_squeeze %dma_start3A_285 : memref<1x64xi32, #tpu.memory_space<vmem>> -> memref<64xi32, #tpu.memory_space<vmem>>
        %dma_start3A_287 = arith.constant 0 : i32
        %dma_start3A_288 = arith.constant 0 : i32
        %dma_start3A_289 = tpu.memref_slice %arg2[%dma_start3A_287, %dma_start3A_288] : memref<880x528xf32, #tpu.memory_space<hbm>> -> memref<880x528xf32, #tpu.memory_space<hbm>>
        tpu.enqueue_indirect_dma source(%dma_start3A_289 : memref<880x528xf32, #tpu.memory_space<hbm>>) target(%arg16 : memref<64x528xf32, #tpu.memory_space<vmem>>) offsets(%dma_start3A_286 : memref<64xi32, #tpu.memory_space<vmem>>) semaphore(%arg22 : memref<!tpu.dma_semaphore, #tpu.memory_space<semaphore_mem>>)
        %dma_start3A_290 = arith.constant 0 : i32
        %dma_start3A_291 = tpu.memref_slice %arg20[%add3A_283, %dma_start3A_290] : memref<10x64xi32, #tpu.memory_space<vmem>> -> memref<1x64xi32, #tpu.memory_space<vmem>>
        %dma_start3A_292 = tpu.memref_squeeze %dma_start3A_291 : memref<1x64xi32, #tpu.memory_space<vmem>> -> memref<64xi32, #tpu.memory_space<vmem>>
        %dma_start3A_293 = arith.constant 0 : i32
        %dma_start3A_294 = arith.constant 0 : i32
        %dma_start3A_295 = tpu.memref_slice %arg3[%dma_start3A_293, %dma_start3A_294] : memref<880x16xf32, #tpu.memory_space<hbm>> -> memref<880x16xf32, #tpu.memory_space<hbm>>
        tpu.enqueue_indirect_dma source(%dma_start3A_295 : memref<880x16xf32, #tpu.memory_space<hbm>>) target(%arg18 : memref<64x16xf32, #tpu.memory_space<vmem>>) offsets(%dma_start3A_292 : memref<64xi32, #tpu.memory_space<vmem>>) semaphore(%arg24 : memref<!tpu.dma_semaphore, #tpu.memory_space<semaphore_mem>>)
      } else {
      }
      %dma_wait3A_77 = arith.constant 0 : i32
      %dma_wait3A_78 = tpu.memref_slice %arg19[%mul3A_69, %dma_wait3A_77] : memref<10x64xi32, #tpu.memory_space<vmem>> -> memref<1x64xi32, #tpu.memory_space<vmem>>
      %dma_wait3A_79 = tpu.memref_squeeze %dma_wait3A_78 : memref<1x64xi32, #tpu.memory_space<vmem>> -> memref<64xi32, #tpu.memory_space<vmem>>
      %dma_wait3A_80 = arith.constant 0 : i32
      %dma_wait3A_81 = arith.constant 0 : i32
      %dma_wait3A_82 = tpu.memref_slice %arg2[%dma_wait3A_80, %dma_wait3A_81] : memref<880x528xf32, #tpu.memory_space<hbm>> -> memref<880x528xf32, #tpu.memory_space<hbm>>
      tpu.wait_indirect_dma semaphore(%arg21 : memref<!tpu.dma_semaphore, #tpu.memory_space<semaphore_mem>>) src(%dma_wait3A_82 : memref<880x528xf32, #tpu.memory_space<hbm>>) dst(%arg15 : memref<64x528xf32, #tpu.memory_space<vmem>>)
      %dma_wait3A_83 = arith.constant 0 : i32
      %dma_wait3A_84 = tpu.memref_slice %arg20[%mul3A_69, %dma_wait3A_83] : memref<10x64xi32, #tpu.memory_space<vmem>> -> memref<1x64xi32, #tpu.memory_space<vmem>>
      %dma_wait3A_85 = tpu.memref_squeeze %dma_wait3A_84 : memref<1x64xi32, #tpu.memory_space<vmem>> -> memref<64xi32, #tpu.memory_space<vmem>>
      %dma_wait3A_86 = arith.constant 0 : i32
      %dma_wait3A_87 = arith.constant 0 : i32
      %dma_wait3A_88 = tpu.memref_slice %arg3[%dma_wait3A_86, %dma_wait3A_87] : memref<880x16xf32, #tpu.memory_space<hbm>> -> memref<880x16xf32, #tpu.memory_space<hbm>>
      tpu.wait_indirect_dma semaphore(%arg23 : memref<!tpu.dma_semaphore, #tpu.memory_space<semaphore_mem>>) src(%dma_wait3A_88 : memref<880x16xf32, #tpu.memory_space<hbm>>) dst(%arg17 : memref<64x16xf32, #tpu.memory_space<vmem>>)
      %mul3A_89 = arith.constant 640 : i32
      %mul3A_90 = arith.muli %add3A, %mul3A_89 : i32
      %mul3A_91 = arith.constant 64 : i32
      %mul3A_92 = arith.muli %mul3A_69, %mul3A_91 : i32
      %add3A_93 = arith.addi %mul3A_90, %mul3A_92 : i32
      %add3A_94 = arith.constant 0 : i32
      %add3A_95 = arith.addi %add3A_93, %add3A_94 : i32
      %add3A_96 = vector.broadcast %add3A_95 : i32 to vector<16xi32>
      %add3A_97 = arith.addi %add3A_96, %iota3A : vector<16xi32>
      %get3A = arith.index_cast %mul3A_69 : i32 to index
      %get3A_98 = arith.constant 0 : index
      %get3A_99 = tpu.vector_load %arg20[%get3A, %get3A_98] {strides = array<i32>} : memref<10x64xi32, #tpu.memory_space<vmem>>, vector<16xi32>,
      %lt3A_100 = arith.constant 878 : i32
      %lt3A_101 = vector.broadcast %lt3A_100 : i32 to vector<16xi32>
      %lt3A_102 = arith.cmpi slt, %get3A_99, %lt3A_101 : vector<16xi32>
      %add3A_103 = arith.constant 880 : i32
      %add3A_104 = vector.broadcast %add3A_103 : i32 to vector<16xi32>
      %add3A_105 = arith.addi %add3A_104, %iota3A : vector<16xi32>
      %select_n3A = arith.select %lt3A_102, %get3A_99, %add3A_105 : vector<16xi1>, vector<16xi32>
      %swap3A = arith.index_cast %mul3A_69 : i32 to index
      %swap3A_106 = arith.constant 0 : index
      %swap3A_107 = tpu.vector_load %arg20[%swap3A, %swap3A_106] {strides = array<i32>} : memref<10x64xi32, #tpu.memory_space<vmem>>, vector<16xi32>,
      tpu.vector_store %arg20[%swap3A, %swap3A_106], %select_n3A {strides = array<i32>} : memref<10x64xi32, #tpu.memory_space<vmem>>, vector<16xi32>,
      %add3A_108 = arith.constant 16 : i32
      %add3A_109 = arith.addi %add3A_93, %add3A_108 : i32
      %add3A_110 = vector.broadcast %add3A_109 : i32 to vector<16xi32>
      %add3A_111 = arith.addi %add3A_110, %iota3A : vector<16xi32>
      %get3A_112 = arith.index_cast %mul3A_69 : i32 to index
      %get3A_113 = arith.constant 16 : index
      %get3A_114 = tpu.vector_load %arg20[%get3A_112, %get3A_113] {strides = array<i32>} : memref<10x64xi32, #tpu.memory_space<vmem>>, vector<16xi32>,
      %lt3A_115 = arith.constant 878 : i32
      %lt3A_116 = vector.broadcast %lt3A_115 : i32 to vector<16xi32>
      %lt3A_117 = arith.cmpi slt, %get3A_114, %lt3A_116 : vector<16xi32>
      %add3A_118 = arith.constant 880 : i32
      %add3A_119 = vector.broadcast %add3A_118 : i32 to vector<16xi32>
      %add3A_120 = arith.addi %add3A_119, %iota3A : vector<16xi32>
      %select_n3A_121 = arith.select %lt3A_117, %get3A_114, %add3A_120 : vector<16xi1>, vector<16xi32>
      %swap3A_122 = arith.index_cast %mul3A_69 : i32 to index
      %swap3A_123 = arith.constant 16 : index
      %swap3A_124 = tpu.vector_load %arg20[%swap3A_122, %swap3A_123] {strides = array<i32>} : memref<10x64xi32, #tpu.memory_space<vmem>>, vector<16xi32>,
      tpu.vector_store %arg20[%swap3A_122, %swap3A_123], %select_n3A_121 {strides = array<i32>} : memref<10x64xi32, #tpu.memory_space<vmem>>, vector<16xi32>,
      %add3A_125 = arith.constant 32 : i32
      %add3A_126 = arith.addi %add3A_93, %add3A_125 : i32
      %add3A_127 = vector.broadcast %add3A_126 : i32 to vector<16xi32>
      %add3A_128 = arith.addi %add3A_127, %iota3A : vector<16xi32>
      %get3A_129 = arith.index_cast %mul3A_69 : i32 to index
      %get3A_130 = arith.constant 32 : index
      %get3A_131 = tpu.vector_load %arg20[%get3A_129, %get3A_130] {strides = array<i32>} : memref<10x64xi32, #tpu.memory_space<vmem>>, vector<16xi32>,
      %lt3A_132 = arith.constant 878 : i32
      %lt3A_133 = vector.broadcast %lt3A_132 : i32 to vector<16xi32>
      %lt3A_134 = arith.cmpi slt, %get3A_131, %lt3A_133 : vector<16xi32>
      %add3A_135 = arith.constant 880 : i32
      %add3A_136 = vector.broadcast %add3A_135 : i32 to vector<16xi32>
      %add3A_137 = arith.addi %add3A_136, %iota3A : vector<16xi32>
      %select_n3A_138 = arith.select %lt3A_134, %get3A_131, %add3A_137 : vector<16xi1>, vector<16xi32>
      %swap3A_139 = arith.index_cast %mul3A_69 : i32 to index
      %swap3A_140 = arith.constant 32 : index
      %swap3A_141 = tpu.vector_load %arg20[%swap3A_139, %swap3A_140] {strides = array<i32>} : memref<10x64xi32, #tpu.memory_space<vmem>>, vector<16xi32>,
      tpu.vector_store %arg20[%swap3A_139, %swap3A_140], %select_n3A_138 {strides = array<i32>} : memref<10x64xi32, #tpu.memory_space<vmem>>, vector<16xi32>,
      %add3A_142 = arith.constant 48 : i32
      %add3A_143 = arith.addi %add3A_93, %add3A_142 : i32
      %add3A_144 = vector.broadcast %add3A_143 : i32 to vector<16xi32>
      %add3A_145 = arith.addi %add3A_144, %iota3A : vector<16xi32>
      %get3A_146 = arith.index_cast %mul3A_69 : i32 to index
      %get3A_147 = arith.constant 48 : index
      %get3A_148 = tpu.vector_load %arg20[%get3A_146, %get3A_147] {strides = array<i32>} : memref<10x64xi32, #tpu.memory_space<vmem>>, vector<16xi32>,
      %lt3A_149 = arith.constant 878 : i32
      %lt3A_150 = vector.broadcast %lt3A_149 : i32 to vector<16xi32>
      %lt3A_151 = arith.cmpi slt, %get3A_148, %lt3A_150 : vector<16xi32>
      %add3A_152 = arith.constant 880 : i32
      %add3A_153 = vector.broadcast %add3A_152 : i32 to vector<16xi32>
      %add3A_154 = arith.addi %add3A_153, %iota3A : vector<16xi32>
      %select_n3A_155 = arith.select %lt3A_151, %get3A_148, %add3A_154 : vector<16xi1>, vector<16xi32>
      %swap3A_156 = arith.index_cast %mul3A_69 : i32 to index
      %swap3A_157 = arith.constant 48 : index
      %swap3A_158 = tpu.vector_load %arg20[%swap3A_156, %swap3A_157] {strides = array<i32>} : memref<10x64xi32, #tpu.memory_space<vmem>>, vector<16xi32>,
      tpu.vector_store %arg20[%swap3A_156, %swap3A_157], %select_n3A_155 {strides = array<i32>} : memref<10x64xi32, #tpu.memory_space<vmem>>, vector<16xi32>,
      %scan3A_159 = arith.constant 0 : i32
      %scan3A_160 = arith.constant 0 : i32
      %scan3A_161 = arith.constant 64 : i32
      %scan3A_162 = arith.addi %scan3A_160, %scan3A_161 : i32
      %scan3A_163 = arith.constant 1 : i32
      scf.for %scan3A_282 = %scan3A_160 to %scan3A_162 step %scan3A_163  : i32 {
        %get3A_283 = arith.index_cast %scan3A_282 : i32 to index
        %get3A_284 = arith.constant 512 : index
        %get3A_285 = tpu.vector_load %arg15[%get3A_283, %get3A_284] {strides = array<i32>} : memref<64x528xf32, #tpu.memory_space<vmem>>, vector<16xf32>,
        %get3A_286 = arith.index_cast %scan3A_282 : i32 to index
        %get3A_287 = arith.constant 0 : index
        %get3A_288 = tpu.vector_load %arg17[%get3A_286, %get3A_287] {strides = array<i32>} : memref<64x16xf32, #tpu.memory_space<vmem>>, vector<16xf32>,
        %add3A_289 = arith.addf %get3A_285, %get3A_288 : vector<16xf32>
        %ge3A_290 = arith.constant 0.000000e+00 : f32
        %ge3A_291 = vector.broadcast %ge3A_290 : f32 to vector<16xf32>
        %ge3A_292 = arith.cmpf oge, %add3A_289, %ge3A_291 : vector<16xf32>
        %mul3A_293 = arith.constant 2.000000e-01 : f32
        %mul3A_294 = vector.broadcast %mul3A_293 : f32 to vector<16xf32>
        %mul3A_295 = arith.mulf %mul3A_294, %add3A_289 : vector<16xf32>
        %select_n3A_296 = arith.select %ge3A_292, %add3A_289, %mul3A_295 : vector<16xi1>, vector<16xf32>
        %exp3A = math.exp %select_n3A_296 : vector<16xf32>
        %jit3A = arith.constant 0.000000e+00 : f32
        %broadcast_in_dim3A = vector.broadcast %jit3A : f32 to vector<16xf32>
        %select_n3A_297 = arith.select %lt3A_6, %exp3A, %broadcast_in_dim3A : vector<16xi1>, vector<16xf32>
        %broadcast_in_dim3A_298 = arith.constant 0 : i32
        %broadcast_in_dim3A_299 = vector.broadcast %broadcast_in_dim3A_298 : i32 to vector<16x1xi32>
        %gather3A = vector.shape_cast %broadcast_in_dim3A_299 : vector<16x1xi32> to vector<16xi32>
        %gather3A_300 = tpu.dynamic_gather %exp3A[%gather3A] in [0] : vector<16xf32>, vector<16xi32> -> vector<16xf32>
        %get3A_301 = arith.index_cast %scan3A_282 : i32 to index
        %get3A_302 = arith.constant 0 : index
        %get3A_303 = tpu.vector_load %arg15[%get3A_301, %get3A_302] {strides = array<i32>} : memref<64x528xf32, #tpu.memory_space<vmem>>, vector<16xf32>,
        %mul3A_304 = arith.mulf %get3A_303, %gather3A_300 : vector<16xf32>
        %swap3A_305 = arith.index_cast %scan3A_282 : i32 to index
        %swap3A_306 = arith.constant 0 : index
        %swap3A_307 = tpu.vector_load %arg15[%swap3A_305, %swap3A_306] {strides = array<i32>} : memref<64x528xf32, #tpu.memory_space<vmem>>, vector<16xf32>,
        tpu.vector_store %arg15[%swap3A_305, %swap3A_306], %mul3A_304 {strides = array<i32>} : memref<64x528xf32, #tpu.memory_space<vmem>>, vector<16xf32>,
        %get3A_308 = arith.index_cast %scan3A_282 : i32 to index
        %get3A_309 = arith.constant 16 : index
        %get3A_310 = tpu.vector_load %arg15[%get3A_308, %get3A_309] {strides = array<i32>} : memref<64x528xf32, #tpu.memory_space<vmem>>, vector<16xf32>,
        %mul3A_311 = arith.mulf %get3A_310, %gather3A_300 : vector<16xf32>
        %swap3A_312 = arith.index_cast %scan3A_282 : i32 to index
        %swap3A_313 = arith.constant 16 : index
        %swap3A_314 = tpu.vector_load %arg15[%swap3A_312, %swap3A_313] {strides = array<i32>} : memref<64x528xf32, #tpu.memory_space<vmem>>, vector<16xf32>,
        tpu.vector_store %arg15[%swap3A_312, %swap3A_313], %mul3A_311 {strides = array<i32>} : memref<64x528xf32, #tpu.memory_space<vmem>>, vector<16xf32>,
        %get3A_315 = arith.index_cast %scan3A_282 : i32 to index
        %get3A_316 = arith.constant 32 : index
        %get3A_317 = tpu.vector_load %arg15[%get3A_315, %get3A_316] {strides = array<i32>} : memref<64x528xf32, #tpu.memory_space<vmem>>, vector<16xf32>,
        %mul3A_318 = arith.mulf %get3A_317, %gather3A_300 : vector<16xf32>
        %swap3A_319 = arith.index_cast %scan3A_282 : i32 to index
        %swap3A_320 = arith.constant 32 : index
        %swap3A_321 = tpu.vector_load %arg15[%swap3A_319, %swap3A_320] {strides = array<i32>} : memref<64x528xf32, #tpu.memory_space<vmem>>, vector<16xf32>,
        tpu.vector_store %arg15[%swap3A_319, %swap3A_320], %mul3A_318 {strides = array<i32>} : memref<64x528xf32, #tpu.memory_space<vmem>>, vector<16xf32>,
        %get3A_322 = arith.index_cast %scan3A_282 : i32 to index
        %get3A_323 = arith.constant 48 : index
        %get3A_324 = tpu.vector_load %arg15[%get3A_322, %get3A_323] {strides = array<i32>} : memref<64x528xf32, #tpu.memory_space<vmem>>, vector<16xf32>,
        %mul3A_325 = arith.mulf %get3A_324, %gather3A_300 : vector<16xf32>
        %swap3A_326 = arith.index_cast %scan3A_282 : i32 to index
        %swap3A_327 = arith.constant 48 : index
        %swap3A_328 = tpu.vector_load %arg15[%swap3A_326, %swap3A_327] {strides = array<i32>} : memref<64x528xf32, #tpu.memory_space<vmem>>, vector<16xf32>,
        tpu.vector_store %arg15[%swap3A_326, %swap3A_327], %mul3A_325 {strides = array<i32>} : memref<64x528xf32, #tpu.memory_space<vmem>>, vector<16xf32>,
        %broadcast_in_dim3A_329 = arith.constant 1 : i32
        %broadcast_in_dim3A_330 = vector.broadcast %broadcast_in_dim3A_329 : i32 to vector<16x1xi32>
        %gather3A_331 = vector.shape_cast %broadcast_in_dim3A_330 : vector<16x1xi32> to vector<16xi32>
        %gather3A_332 = tpu.dynamic_gather %exp3A[%gather3A_331] in [0] : vector<16xf32>, vector<16xi32> -> vector<16xf32>
        %get3A_333 = arith.index_cast %scan3A_282 : i32 to index
        %get3A_334 = arith.constant 64 : index
        %get3A_335 = tpu.vector_load %arg15[%get3A_333, %get3A_334] {strides = array<i32>} : memref<64x528xf32, #tpu.memory_space<vmem>>, vector<16xf32>,
        %mul3A_336 = arith.mulf %get3A_335, %gather3A_332 : vector<16xf32>
        %swap3A_337 = arith.index_cast %scan3A_282 : i32 to index
        %swap3A_338 = arith.constant 64 : index
        %swap3A_339 = tpu.vector_load %arg15[%swap3A_337, %swap3A_338] {strides = array<i32>} : memref<64x528xf32, #tpu.memory_space<vmem>>, vector<16xf32>,
        tpu.vector_store %arg15[%swap3A_337, %swap3A_338], %mul3A_336 {strides = array<i32>} : memref<64x528xf32, #tpu.memory_space<vmem>>, vector<16xf32>,
        %get3A_340 = arith.index_cast %scan3A_282 : i32 to index
        %get3A_341 = arith.constant 80 : index
        %get3A_342 = tpu.vector_load %arg15[%get3A_340, %get3A_341] {strides = array<i32>} : memref<64x528xf32, #tpu.memory_space<vmem>>, vector<16xf32>,
        %mul3A_343 = arith.mulf %get3A_342, %gather3A_332 : vector<16xf32>
        %swap3A_344 = arith.index_cast %scan3A_282 : i32 to index
        %swap3A_345 = arith.constant 80 : index
        %swap3A_346 = tpu.vector_load %arg15[%swap3A_344, %swap3A_345] {strides = array<i32>} : memref<64x528xf32, #tpu.memory_space<vmem>>, vector<16xf32>,
        tpu.vector_store %arg15[%swap3A_344, %swap3A_345], %mul3A_343 {strides = array<i32>} : memref<64x528xf32, #tpu.memory_space<vmem>>, vector<16xf32>,
        %get3A_347 = arith.index_cast %scan3A_282 : i32 to index
        %get3A_348 = arith.constant 96 : index
        %get3A_349 = tpu.vector_load %arg15[%get3A_347, %get3A_348] {strides = array<i32>} : memref<64x528xf32, #tpu.memory_space<vmem>>, vector<16xf32>,
        %mul3A_350 = arith.mulf %get3A_349, %gather3A_332 : vector<16xf32>
        %swap3A_351 = arith.index_cast %scan3A_282 : i32 to index
        %swap3A_352 = arith.constant 96 : index
        %swap3A_353 = tpu.vector_load %arg15[%swap3A_351, %swap3A_352] {strides = array<i32>} : memref<64x528xf32, #tpu.memory_space<vmem>>, vector<16xf32>,
        tpu.vector_store %arg15[%swap3A_351, %swap3A_352], %mul3A_350 {strides = array<i32>} : memref<64x528xf32, #tpu.memory_space<vmem>>, vector<16xf32>,
        %get3A_354 = arith.index_cast %scan3A_282 : i32 to index
        %get3A_355 = arith.constant 112 : index
        %get3A_356 = tpu.vector_load %arg15[%get3A_354, %get3A_355] {strides = array<i32>} : memref<64x528xf32, #tpu.memory_space<vmem>>, vector<16xf32>,
        %mul3A_357 = arith.mulf %get3A_356, %gather3A_332 : vector<16xf32>
        %swap3A_358 = arith.index_cast %scan3A_282 : i32 to index
        %swap3A_359 = arith.constant 112 : index
        %swap3A_360 = tpu.vector_load %arg15[%swap3A_358, %swap3A_359] {strides = array<i32>} : memref<64x528xf32, #tpu.memory_space<vmem>>, vector<16xf32>,
        tpu.vector_store %arg15[%swap3A_358, %swap3A_359], %mul3A_357 {strides = array<i32>} : memref<64x528xf32, #tpu.memory_space<vmem>>, vector<16xf32>,
        %broadcast_in_dim3A_361 = arith.constant 2 : i32
        %broadcast_in_dim3A_362 = vector.broadcast %broadcast_in_dim3A_361 : i32 to vector<16x1xi32>
        %gather3A_363 = vector.shape_cast %broadcast_in_dim3A_362 : vector<16x1xi32> to vector<16xi32>
        %gather3A_364 = tpu.dynamic_gather %exp3A[%gather3A_363] in [0] : vector<16xf32>, vector<16xi32> -> vector<16xf32>
        %get3A_365 = arith.index_cast %scan3A_282 : i32 to index
        %get3A_366 = arith.constant 128 : index
        %get3A_367 = tpu.vector_load %arg15[%get3A_365, %get3A_366] {strides = array<i32>} : memref<64x528xf32, #tpu.memory_space<vmem>>, vector<16xf32>,
        %mul3A_368 = arith.mulf %get3A_367, %gather3A_364 : vector<16xf32>
        %swap3A_369 = arith.index_cast %scan3A_282 : i32 to index
        %swap3A_370 = arith.constant 128 : index
        %swap3A_371 = tpu.vector_load %arg15[%swap3A_369, %swap3A_370] {strides = array<i32>} : memref<64x528xf32, #tpu.memory_space<vmem>>, vector<16xf32>,
        tpu.vector_store %arg15[%swap3A_369, %swap3A_370], %mul3A_368 {strides = array<i32>} : memref<64x528xf32, #tpu.memory_space<vmem>>, vector<16xf32>,
        %get3A_372 = arith.index_cast %scan3A_282 : i32 to index
        %get3A_373 = arith.constant 144 : index
        %get3A_374 = tpu.vector_load %arg15[%get3A_372, %get3A_373] {strides = array<i32>} : memref<64x528xf32, #tpu.memory_space<vmem>>, vector<16xf32>,
        %mul3A_375 = arith.mulf %get3A_374, %gather3A_364 : vector<16xf32>
        %swap3A_376 = arith.index_cast %scan3A_282 : i32 to index
        %swap3A_377 = arith.constant 144 : index
        %swap3A_378 = tpu.vector_load %arg15[%swap3A_376, %swap3A_377] {strides = array<i32>} : memref<64x528xf32, #tpu.memory_space<vmem>>, vector<16xf32>,
        tpu.vector_store %arg15[%swap3A_376, %swap3A_377], %mul3A_375 {strides = array<i32>} : memref<64x528xf32, #tpu.memory_space<vmem>>, vector<16xf32>,
        %get3A_379 = arith.index_cast %scan3A_282 : i32 to index
        %get3A_380 = arith.constant 160 : index
        %get3A_381 = tpu.vector_load %arg15[%get3A_379, %get3A_380] {strides = array<i32>} : memref<64x528xf32, #tpu.memory_space<vmem>>, vector<16xf32>,
        %mul3A_382 = arith.mulf %get3A_381, %gather3A_364 : vector<16xf32>
        %swap3A_383 = arith.index_cast %scan3A_282 : i32 to index
        %swap3A_384 = arith.constant 160 : index
        %swap3A_385 = tpu.vector_load %arg15[%swap3A_383, %swap3A_384] {strides = array<i32>} : memref<64x528xf32, #tpu.memory_space<vmem>>, vector<16xf32>,
        tpu.vector_store %arg15[%swap3A_383, %swap3A_384], %mul3A_382 {strides = array<i32>} : memref<64x528xf32, #tpu.memory_space<vmem>>, vector<16xf32>,
        %get3A_386 = arith.index_cast %scan3A_282 : i32 to index
        %get3A_387 = arith.constant 176 : index
        %get3A_388 = tpu.vector_load %arg15[%get3A_386, %get3A_387] {strides = array<i32>} : memref<64x528xf32, #tpu.memory_space<vmem>>, vector<16xf32>,
        %mul3A_389 = arith.mulf %get3A_388, %gather3A_364 : vector<16xf32>
        %swap3A_390 = arith.index_cast %scan3A_282 : i32 to index
        %swap3A_391 = arith.constant 176 : index
        %swap3A_392 = tpu.vector_load %arg15[%swap3A_390, %swap3A_391] {strides = array<i32>} : memref<64x528xf32, #tpu.memory_space<vmem>>, vector<16xf32>,
        tpu.vector_store %arg15[%swap3A_390, %swap3A_391], %mul3A_389 {strides = array<i32>} : memref<64x528xf32, #tpu.memory_space<vmem>>, vector<16xf32>,
        %broadcast_in_dim3A_393 = arith.constant 3 : i32
        %broadcast_in_dim3A_394 = vector.broadcast %broadcast_in_dim3A_393 : i32 to vector<16x1xi32>
        %gather3A_395 = vector.shape_cast %broadcast_in_dim3A_394 : vector<16x1xi32> to vector<16xi32>
        %gather3A_396 = tpu.dynamic_gather %exp3A[%gather3A_395] in [0] : vector<16xf32>, vector<16xi32> -> vector<16xf32>
        %get3A_397 = arith.index_cast %scan3A_282 : i32 to index
        %get3A_398 = arith.constant 192 : index
        %get3A_399 = tpu.vector_load %arg15[%get3A_397, %get3A_398] {strides = array<i32>} : memref<64x528xf32, #tpu.memory_space<vmem>>, vector<16xf32>,
        %mul3A_400 = arith.mulf %get3A_399, %gather3A_396 : vector<16xf32>
        %swap3A_401 = arith.index_cast %scan3A_282 : i32 to index
        %swap3A_402 = arith.constant 192 : index
        %swap3A_403 = tpu.vector_load %arg15[%swap3A_401, %swap3A_402] {strides = array<i32>} : memref<64x528xf32, #tpu.memory_space<vmem>>, vector<16xf32>,
        tpu.vector_store %arg15[%swap3A_401, %swap3A_402], %mul3A_400 {strides = array<i32>} : memref<64x528xf32, #tpu.memory_space<vmem>>, vector<16xf32>,
        %get3A_404 = arith.index_cast %scan3A_282 : i32 to index
        %get3A_405 = arith.constant 208 : index
        %get3A_406 = tpu.vector_load %arg15[%get3A_404, %get3A_405] {strides = array<i32>} : memref<64x528xf32, #tpu.memory_space<vmem>>, vector<16xf32>,
        %mul3A_407 = arith.mulf %get3A_406, %gather3A_396 : vector<16xf32>
        %swap3A_408 = arith.index_cast %scan3A_282 : i32 to index
        %swap3A_409 = arith.constant 208 : index
        %swap3A_410 = tpu.vector_load %arg15[%swap3A_408, %swap3A_409] {strides = array<i32>} : memref<64x528xf32, #tpu.memory_space<vmem>>, vector<16xf32>,
        tpu.vector_store %arg15[%swap3A_408, %swap3A_409], %mul3A_407 {strides = array<i32>} : memref<64x528xf32, #tpu.memory_space<vmem>>, vector<16xf32>,
        %get3A_411 = arith.index_cast %scan3A_282 : i32 to index
        %get3A_412 = arith.constant 224 : index
        %get3A_413 = tpu.vector_load %arg15[%get3A_411, %get3A_412] {strides = array<i32>} : memref<64x528xf32, #tpu.memory_space<vmem>>, vector<16xf32>,
        %mul3A_414 = arith.mulf %get3A_413, %gather3A_396 : vector<16xf32>
        %swap3A_415 = arith.index_cast %scan3A_282 : i32 to index
        %swap3A_416 = arith.constant 224 : index
        %swap3A_417 = tpu.vector_load %arg15[%swap3A_415, %swap3A_416] {strides = array<i32>} : memref<64x528xf32, #tpu.memory_space<vmem>>, vector<16xf32>,
        tpu.vector_store %arg15[%swap3A_415, %swap3A_416], %mul3A_414 {strides = array<i32>} : memref<64x528xf32, #tpu.memory_space<vmem>>, vector<16xf32>,
        %get3A_418 = arith.index_cast %scan3A_282 : i32 to index
        %get3A_419 = arith.constant 240 : index
        %get3A_420 = tpu.vector_load %arg15[%get3A_418, %get3A_419] {strides = array<i32>} : memref<64x528xf32, #tpu.memory_space<vmem>>, vector<16xf32>,
        %mul3A_421 = arith.mulf %get3A_420, %gather3A_396 : vector<16xf32>
        %swap3A_422 = arith.index_cast %scan3A_282 : i32 to index
        %swap3A_423 = arith.constant 240 : index
        %swap3A_424 = tpu.vector_load %arg15[%swap3A_422, %swap3A_423] {strides = array<i32>} : memref<64x528xf32, #tpu.memory_space<vmem>>, vector<16xf32>,
        tpu.vector_store %arg15[%swap3A_422, %swap3A_423], %mul3A_421 {strides = array<i32>} : memref<64x528xf32, #tpu.memory_space<vmem>>, vector<16xf32>,
        %broadcast_in_dim3A_425 = arith.constant 4 : i32
        %broadcast_in_dim3A_426 = vector.broadcast %broadcast_in_dim3A_425 : i32 to vector<16x1xi32>
        %gather3A_427 = vector.shape_cast %broadcast_in_dim3A_426 : vector<16x1xi32> to vector<16xi32>
        %gather3A_428 = tpu.dynamic_gather %exp3A[%gather3A_427] in [0] : vector<16xf32>, vector<16xi32> -> vector<16xf32>
        %get3A_429 = arith.index_cast %scan3A_282 : i32 to index
        %get3A_430 = arith.constant 256 : index
        %get3A_431 = tpu.vector_load %arg15[%get3A_429, %get3A_430] {strides = array<i32>} : memref<64x528xf32, #tpu.memory_space<vmem>>, vector<16xf32>,
        %mul3A_432 = arith.mulf %get3A_431, %gather3A_428 : vector<16xf32>
        %swap3A_433 = arith.index_cast %scan3A_282 : i32 to index
        %swap3A_434 = arith.constant 256 : index
        %swap3A_435 = tpu.vector_load %arg15[%swap3A_433, %swap3A_434] {strides = array<i32>} : memref<64x528xf32, #tpu.memory_space<vmem>>, vector<16xf32>,
        tpu.vector_store %arg15[%swap3A_433, %swap3A_434], %mul3A_432 {strides = array<i32>} : memref<64x528xf32, #tpu.memory_space<vmem>>, vector<16xf32>,
        %get3A_436 = arith.index_cast %scan3A_282 : i32 to index
        %get3A_437 = arith.constant 272 : index
        %get3A_438 = tpu.vector_load %arg15[%get3A_436, %get3A_437] {strides = array<i32>} : memref<64x528xf32, #tpu.memory_space<vmem>>, vector<16xf32>,
        %mul3A_439 = arith.mulf %get3A_438, %gather3A_428 : vector<16xf32>
        %swap3A_440 = arith.index_cast %scan3A_282 : i32 to index
        %swap3A_441 = arith.constant 272 : index
        %swap3A_442 = tpu.vector_load %arg15[%swap3A_440, %swap3A_441] {strides = array<i32>} : memref<64x528xf32, #tpu.memory_space<vmem>>, vector<16xf32>,
        tpu.vector_store %arg15[%swap3A_440, %swap3A_441], %mul3A_439 {strides = array<i32>} : memref<64x528xf32, #tpu.memory_space<vmem>>, vector<16xf32>,
        %get3A_443 = arith.index_cast %scan3A_282 : i32 to index
        %get3A_444 = arith.constant 288 : index
        %get3A_445 = tpu.vector_load %arg15[%get3A_443, %get3A_444] {strides = array<i32>} : memref<64x528xf32, #tpu.memory_space<vmem>>, vector<16xf32>,
        %mul3A_446 = arith.mulf %get3A_445, %gather3A_428 : vector<16xf32>
        %swap3A_447 = arith.index_cast %scan3A_282 : i32 to index
        %swap3A_448 = arith.constant 288 : index
        %swap3A_449 = tpu.vector_load %arg15[%swap3A_447, %swap3A_448] {strides = array<i32>} : memref<64x528xf32, #tpu.memory_space<vmem>>, vector<16xf32>,
        tpu.vector_store %arg15[%swap3A_447, %swap3A_448], %mul3A_446 {strides = array<i32>} : memref<64x528xf32, #tpu.memory_space<vmem>>, vector<16xf32>,
        %get3A_450 = arith.index_cast %scan3A_282 : i32 to index
        %get3A_451 = arith.constant 304 : index
        %get3A_452 = tpu.vector_load %arg15[%get3A_450, %get3A_451] {strides = array<i32>} : memref<64x528xf32, #tpu.memory_space<vmem>>, vector<16xf32>,
        %mul3A_453 = arith.mulf %get3A_452, %gather3A_428 : vector<16xf32>
        %swap3A_454 = arith.index_cast %scan3A_282 : i32 to index
        %swap3A_455 = arith.constant 304 : index
        %swap3A_456 = tpu.vector_load %arg15[%swap3A_454, %swap3A_455] {strides = array<i32>} : memref<64x528xf32, #tpu.memory_space<vmem>>, vector<16xf32>,
        tpu.vector_store %arg15[%swap3A_454, %swap3A_455], %mul3A_453 {strides = array<i32>} : memref<64x528xf32, #tpu.memory_space<vmem>>, vector<16xf32>,
        %broadcast_in_dim3A_457 = arith.constant 5 : i32
        %broadcast_in_dim3A_458 = vector.broadcast %broadcast_in_dim3A_457 : i32 to vector<16x1xi32>
        %gather3A_459 = vector.shape_cast %broadcast_in_dim3A_458 : vector<16x1xi32> to vector<16xi32>
        %gather3A_460 = tpu.dynamic_gather %exp3A[%gather3A_459] in [0] : vector<16xf32>, vector<16xi32> -> vector<16xf32>
        %get3A_461 = arith.index_cast %scan3A_282 : i32 to index
        %get3A_462 = arith.constant 320 : index
        %get3A_463 = tpu.vector_load %arg15[%get3A_461, %get3A_462] {strides = array<i32>} : memref<64x528xf32, #tpu.memory_space<vmem>>, vector<16xf32>,
        %mul3A_464 = arith.mulf %get3A_463, %gather3A_460 : vector<16xf32>
        %swap3A_465 = arith.index_cast %scan3A_282 : i32 to index
        %swap3A_466 = arith.constant 320 : index
        %swap3A_467 = tpu.vector_load %arg15[%swap3A_465, %swap3A_466] {strides = array<i32>} : memref<64x528xf32, #tpu.memory_space<vmem>>, vector<16xf32>,
        tpu.vector_store %arg15[%swap3A_465, %swap3A_466], %mul3A_464 {strides = array<i32>} : memref<64x528xf32, #tpu.memory_space<vmem>>, vector<16xf32>,
        %get3A_468 = arith.index_cast %scan3A_282 : i32 to index
        %get3A_469 = arith.constant 336 : index
        %get3A_470 = tpu.vector_load %arg15[%get3A_468, %get3A_469] {strides = array<i32>} : memref<64x528xf32, #tpu.memory_space<vmem>>, vector<16xf32>,
        %mul3A_471 = arith.mulf %get3A_470, %gather3A_460 : vector<16xf32>
        %swap3A_472 = arith.index_cast %scan3A_282 : i32 to index
        %swap3A_473 = arith.constant 336 : index
        %swap3A_474 = tpu.vector_load %arg15[%swap3A_472, %swap3A_473] {strides = array<i32>} : memref<64x528xf32, #tpu.memory_space<vmem>>, vector<16xf32>,
        tpu.vector_store %arg15[%swap3A_472, %swap3A_473], %mul3A_471 {strides = array<i32>} : memref<64x528xf32, #tpu.memory_space<vmem>>, vector<16xf32>,
        %get3A_475 = arith.index_cast %scan3A_282 : i32 to index
        %get3A_476 = arith.constant 352 : index
        %get3A_477 = tpu.vector_load %arg15[%get3A_475, %get3A_476] {strides = array<i32>} : memref<64x528xf32, #tpu.memory_space<vmem>>, vector<16xf32>,
        %mul3A_478 = arith.mulf %get3A_477, %gather3A_460 : vector<16xf32>
        %swap3A_479 = arith.index_cast %scan3A_282 : i32 to index
        %swap3A_480 = arith.constant 352 : index
        %swap3A_481 = tpu.vector_load %arg15[%swap3A_479, %swap3A_480] {strides = array<i32>} : memref<64x528xf32, #tpu.memory_space<vmem>>, vector<16xf32>,
        tpu.vector_store %arg15[%swap3A_479, %swap3A_480], %mul3A_478 {strides = array<i32>} : memref<64x528xf32, #tpu.memory_space<vmem>>, vector<16xf32>,
        %get3A_482 = arith.index_cast %scan3A_282 : i32 to index
        %get3A_483 = arith.constant 368 : index
        %get3A_484 = tpu.vector_load %arg15[%get3A_482, %get3A_483] {strides = array<i32>} : memref<64x528xf32, #tpu.memory_space<vmem>>, vector<16xf32>,
        %mul3A_485 = arith.mulf %get3A_484, %gather3A_460 : vector<16xf32>
        %swap3A_486 = arith.index_cast %scan3A_282 : i32 to index
        %swap3A_487 = arith.constant 368 : index
        %swap3A_488 = tpu.vector_load %arg15[%swap3A_486, %swap3A_487] {strides = array<i32>} : memref<64x528xf32, #tpu.memory_space<vmem>>, vector<16xf32>,
        tpu.vector_store %arg15[%swap3A_486, %swap3A_487], %mul3A_485 {strides = array<i32>} : memref<64x528xf32, #tpu.memory_space<vmem>>, vector<16xf32>,
        %broadcast_in_dim3A_489 = arith.constant 6 : i32
        %broadcast_in_dim3A_490 = vector.broadcast %broadcast_in_dim3A_489 : i32 to vector<16x1xi32>
        %gather3A_491 = vector.shape_cast %broadcast_in_dim3A_490 : vector<16x1xi32> to vector<16xi32>
        %gather3A_492 = tpu.dynamic_gather %exp3A[%gather3A_491] in [0] : vector<16xf32>, vector<16xi32> -> vector<16xf32>
        %get3A_493 = arith.index_cast %scan3A_282 : i32 to index
        %get3A_494 = arith.constant 384 : index
        %get3A_495 = tpu.vector_load %arg15[%get3A_493, %get3A_494] {strides = array<i32>} : memref<64x528xf32, #tpu.memory_space<vmem>>, vector<16xf32>,
        %mul3A_496 = arith.mulf %get3A_495, %gather3A_492 : vector<16xf32>
        %swap3A_497 = arith.index_cast %scan3A_282 : i32 to index
        %swap3A_498 = arith.constant 384 : index
        %swap3A_499 = tpu.vector_load %arg15[%swap3A_497, %swap3A_498] {strides = array<i32>} : memref<64x528xf32, #tpu.memory_space<vmem>>, vector<16xf32>,
        tpu.vector_store %arg15[%swap3A_497, %swap3A_498], %mul3A_496 {strides = array<i32>} : memref<64x528xf32, #tpu.memory_space<vmem>>, vector<16xf32>,
        %get3A_500 = arith.index_cast %scan3A_282 : i32 to index
        %get3A_501 = arith.constant 400 : index
        %get3A_502 = tpu.vector_load %arg15[%get3A_500, %get3A_501] {strides = array<i32>} : memref<64x528xf32, #tpu.memory_space<vmem>>, vector<16xf32>,
        %mul3A_503 = arith.mulf %get3A_502, %gather3A_492 : vector<16xf32>
        %swap3A_504 = arith.index_cast %scan3A_282 : i32 to index
        %swap3A_505 = arith.constant 400 : index
        %swap3A_506 = tpu.vector_load %arg15[%swap3A_504, %swap3A_505] {strides = array<i32>} : memref<64x528xf32, #tpu.memory_space<vmem>>, vector<16xf32>,
        tpu.vector_store %arg15[%swap3A_504, %swap3A_505], %mul3A_503 {strides = array<i32>} : memref<64x528xf32, #tpu.memory_space<vmem>>, vector<16xf32>,
        %get3A_507 = arith.index_cast %scan3A_282 : i32 to index
        %get3A_508 = arith.constant 416 : index
        %get3A_509 = tpu.vector_load %arg15[%get3A_507, %get3A_508] {strides = array<i32>} : memref<64x528xf32, #tpu.memory_space<vmem>>, vector<16xf32>,
        %mul3A_510 = arith.mulf %get3A_509, %gather3A_492 : vector<16xf32>
        %swap3A_511 = arith.index_cast %scan3A_282 : i32 to index
        %swap3A_512 = arith.constant 416 : index
        %swap3A_513 = tpu.vector_load %arg15[%swap3A_511, %swap3A_512] {strides = array<i32>} : memref<64x528xf32, #tpu.memory_space<vmem>>, vector<16xf32>,
        tpu.vector_store %arg15[%swap3A_511, %swap3A_512], %mul3A_510 {strides = array<i32>} : memref<64x528xf32, #tpu.memory_space<vmem>>, vector<16xf32>,
        %get3A_514 = arith.index_cast %scan3A_282 : i32 to index
        %get3A_515 = arith.constant 432 : index
        %get3A_516 = tpu.vector_load %arg15[%get3A_514, %get3A_515] {strides = array<i32>} : memref<64x528xf32, #tpu.memory_space<vmem>>, vector<16xf32>,
        %mul3A_517 = arith.mulf %get3A_516, %gather3A_492 : vector<16xf32>
        %swap3A_518 = arith.index_cast %scan3A_282 : i32 to index
        %swap3A_519 = arith.constant 432 : index
        %swap3A_520 = tpu.vector_load %arg15[%swap3A_518, %swap3A_519] {strides = array<i32>} : memref<64x528xf32, #tpu.memory_space<vmem>>, vector<16xf32>,
        tpu.vector_store %arg15[%swap3A_518, %swap3A_519], %mul3A_517 {strides = array<i32>} : memref<64x528xf32, #tpu.memory_space<vmem>>, vector<16xf32>,
        %broadcast_in_dim3A_521 = arith.constant 7 : i32
        %broadcast_in_dim3A_522 = vector.broadcast %broadcast_in_dim3A_521 : i32 to vector<16x1xi32>
        %gather3A_523 = vector.shape_cast %broadcast_in_dim3A_522 : vector<16x1xi32> to vector<16xi32>
        %gather3A_524 = tpu.dynamic_gather %exp3A[%gather3A_523] in [0] : vector<16xf32>, vector<16xi32> -> vector<16xf32>
        %get3A_525 = arith.index_cast %scan3A_282 : i32 to index
        %get3A_526 = arith.constant 448 : index
        %get3A_527 = tpu.vector_load %arg15[%get3A_525, %get3A_526] {strides = array<i32>} : memref<64x528xf32, #tpu.memory_space<vmem>>, vector<16xf32>,
        %mul3A_528 = arith.mulf %get3A_527, %gather3A_524 : vector<16xf32>
        %swap3A_529 = arith.index_cast %scan3A_282 : i32 to index
        %swap3A_530 = arith.constant 448 : index
        %swap3A_531 = tpu.vector_load %arg15[%swap3A_529, %swap3A_530] {strides = array<i32>} : memref<64x528xf32, #tpu.memory_space<vmem>>, vector<16xf32>,
        tpu.vector_store %arg15[%swap3A_529, %swap3A_530], %mul3A_528 {strides = array<i32>} : memref<64x528xf32, #tpu.memory_space<vmem>>, vector<16xf32>,
        %get3A_532 = arith.index_cast %scan3A_282 : i32 to index
        %get3A_533 = arith.constant 464 : index
        %get3A_534 = tpu.vector_load %arg15[%get3A_532, %get3A_533] {strides = array<i32>} : memref<64x528xf32, #tpu.memory_space<vmem>>, vector<16xf32>,
        %mul3A_535 = arith.mulf %get3A_534, %gather3A_524 : vector<16xf32>
        %swap3A_536 = arith.index_cast %scan3A_282 : i32 to index
        %swap3A_537 = arith.constant 464 : index
        %swap3A_538 = tpu.vector_load %arg15[%swap3A_536, %swap3A_537] {strides = array<i32>} : memref<64x528xf32, #tpu.memory_space<vmem>>, vector<16xf32>,
        tpu.vector_store %arg15[%swap3A_536, %swap3A_537], %mul3A_535 {strides = array<i32>} : memref<64x528xf32, #tpu.memory_space<vmem>>, vector<16xf32>,
        %get3A_539 = arith.index_cast %scan3A_282 : i32 to index
        %get3A_540 = arith.constant 480 : index
        %get3A_541 = tpu.vector_load %arg15[%get3A_539, %get3A_540] {strides = array<i32>} : memref<64x528xf32, #tpu.memory_space<vmem>>, vector<16xf32>,
        %mul3A_542 = arith.mulf %get3A_541, %gather3A_524 : vector<16xf32>
        %swap3A_543 = arith.index_cast %scan3A_282 : i32 to index
        %swap3A_544 = arith.constant 480 : index
        %swap3A_545 = tpu.vector_load %arg15[%swap3A_543, %swap3A_544] {strides = array<i32>} : memref<64x528xf32, #tpu.memory_space<vmem>>, vector<16xf32>,
        tpu.vector_store %arg15[%swap3A_543, %swap3A_544], %mul3A_542 {strides = array<i32>} : memref<64x528xf32, #tpu.memory_space<vmem>>, vector<16xf32>,
        %get3A_546 = arith.index_cast %scan3A_282 : i32 to index
        %get3A_547 = arith.constant 496 : index
        %get3A_548 = tpu.vector_load %arg15[%get3A_546, %get3A_547] {strides = array<i32>} : memref<64x528xf32, #tpu.memory_space<vmem>>, vector<16xf32>,
        %mul3A_549 = arith.mulf %get3A_548, %gather3A_524 : vector<16xf32>
        %swap3A_550 = arith.index_cast %scan3A_282 : i32 to index
        %swap3A_551 = arith.constant 496 : index
        %swap3A_552 = tpu.vector_load %arg15[%swap3A_550, %swap3A_551] {strides = array<i32>} : memref<64x528xf32, #tpu.memory_space<vmem>>, vector<16xf32>,
        tpu.vector_store %arg15[%swap3A_550, %swap3A_551], %mul3A_549 {strides = array<i32>} : memref<64x528xf32, #tpu.memory_space<vmem>>, vector<16xf32>,
        %swap3A_553 = arith.index_cast %scan3A_282 : i32 to index
        %swap3A_554 = arith.constant 512 : index
        %swap3A_555 = tpu.vector_load %arg15[%swap3A_553, %swap3A_554] {strides = array<i32>} : memref<64x528xf32, #tpu.memory_space<vmem>>, vector<16xf32>,
        tpu.vector_store %arg15[%swap3A_553, %swap3A_554], %select_n3A_297 {strides = array<i32>} : memref<64x528xf32, #tpu.memory_space<vmem>>, vector<16xf32>,
      }
      %scan3A_164 = arith.constant 64 : i32
      %dma_start3A_165 = arith.constant 0 : i32
      %dma_start3A_166 = tpu.memref_slice %arg20[%mul3A_69, %dma_start3A_165] : memref<10x64xi32, #tpu.memory_space<vmem>> -> memref<1x64xi32, #tpu.memory_space<vmem>>
      %dma_start3A_167 = tpu.memref_squeeze %dma_start3A_166 : memref<1x64xi32, #tpu.memory_space<vmem>> -> memref<64xi32, #tpu.memory_space<vmem>>
      %dma_start3A_168 = arith.constant 0 : i32
      %dma_start3A_169 = arith.constant 0 : i32
      %dma_start3A_170 = tpu.memref_slice %arg13[%dma_start3A_168, %dma_start3A_169] : memref<896x528xf32, #tpu.memory_space<vmem_shared>> -> memref<896x528xf32, #tpu.memory_space<vmem_shared>>
      tpu.enqueue_indirect_dma source(%arg15 : memref<64x528xf32, #tpu.memory_space<vmem>>) target(%dma_start3A_170 : memref<896x528xf32, #tpu.memory_space<vmem_shared>>) offsets(%dma_start3A_167 : memref<64xi32, #tpu.memory_space<vmem>>) semaphore(%arg25 : memref<!tpu.dma_semaphore, #tpu.memory_space<semaphore_mem>>) {add = true}
      %mul3A_171 = arith.constant 2 : i32
      %mul3A_172 = arith.muli %scan3A_67, %mul3A_171 : i32
      %add3A_173 = arith.constant 1 : i32
      %add3A_174 = arith.addi %mul3A_172, %add3A_173 : i32
      %ge3A_175 = arith.constant 1 : i32
      %ge3A_176 = arith.cmpi sge, %add3A_174, %ge3A_175 : i32
      %convert_element_type3A_177 = arith.extui %ge3A_176 : i1 to i32
      %cond3A_178 = arith.constant 0 : i32
      %cond3A_179 = arith.cmpi ne, %convert_element_type3A_177, %cond3A_178 : i32
      scf.if %cond3A_179 {
        %sub3A = arith.constant 1 : i32
        %sub3A_282 = arith.subi %add3A_174, %sub3A : i32
        %dma_wait3A_283 = arith.constant 0 : i32
        %dma_wait3A_284 = tpu.memref_slice %arg20[%sub3A_282, %dma_wait3A_283] : memref<10x64xi32, #tpu.memory_space<vmem>> -> memref<1x64xi32, #tpu.memory_space<vmem>>
        %dma_wait3A_285 = tpu.memref_squeeze %dma_wait3A_284 : memref<1x64xi32, #tpu.memory_space<vmem>> -> memref<64xi32, #tpu.memory_space<vmem>>
        %dma_wait3A_286 = arith.constant 0 : i32
        %dma_wait3A_287 = arith.constant 0 : i32
        %dma_wait3A_288 = tpu.memref_slice %arg13[%dma_wait3A_286, %dma_wait3A_287] : memref<896x528xf32, #tpu.memory_space<vmem_shared>> -> memref<896x528xf32, #tpu.memory_space<vmem_shared>>
        tpu.wait_indirect_dma semaphore(%arg25 : memref<!tpu.dma_semaphore, #tpu.memory_space<semaphore_mem>>) src(%arg15 : memref<64x528xf32, #tpu.memory_space<vmem>>) dst(%dma_wait3A_288 : memref<896x528xf32, #tpu.memory_space<vmem_shared>>)
      } else {
      }
      %lt3A_180 = arith.constant 9 : i32
      %lt3A_181 = arith.cmpi slt, %add3A_174, %lt3A_180 : i32
      %convert_element_type3A_182 = arith.extui %lt3A_181 : i1 to i32
      %cond3A_183 = arith.constant 0 : i32
      %cond3A_184 = arith.cmpi ne, %convert_element_type3A_182, %cond3A_183 : i32
      scf.if %cond3A_184 {
        %add3A_282 = arith.constant 1 : i32
        %add3A_283 = arith.addi %add3A_174, %add3A_282 : i32
        %dma_start3A_284 = arith.constant 0 : i32
        %dma_start3A_285 = tpu.memref_slice %arg19[%add3A_283, %dma_start3A_284] : memref<10x64xi32, #tpu.memory_space<vmem>> -> memref<1x64xi32, #tpu.memory_space<vmem>>
        %dma_start3A_286 = tpu.memref_squeeze %dma_start3A_285 : memref<1x64xi32, #tpu.memory_space<vmem>> -> memref<64xi32, #tpu.memory_space<vmem>>
        %dma_start3A_287 = arith.constant 0 : i32
        %dma_start3A_288 = arith.constant 0 : i32
        %dma_start3A_289 = tpu.memref_slice %arg2[%dma_start3A_287, %dma_start3A_288] : memref<880x528xf32, #tpu.memory_space<hbm>> -> memref<880x528xf32, #tpu.memory_space<hbm>>
        tpu.enqueue_indirect_dma source(%dma_start3A_289 : memref<880x528xf32, #tpu.memory_space<hbm>>) target(%arg15 : memref<64x528xf32, #tpu.memory_space<vmem>>) offsets(%dma_start3A_286 : memref<64xi32, #tpu.memory_space<vmem>>) semaphore(%arg21 : memref<!tpu.dma_semaphore, #tpu.memory_space<semaphore_mem>>)
        %dma_start3A_290 = arith.constant 0 : i32
        %dma_start3A_291 = tpu.memref_slice %arg20[%add3A_283, %dma_start3A_290] : memref<10x64xi32, #tpu.memory_space<vmem>> -> memref<1x64xi32, #tpu.memory_space<vmem>>
        %dma_start3A_292 = tpu.memref_squeeze %dma_start3A_291 : memref<1x64xi32, #tpu.memory_space<vmem>> -> memref<64xi32, #tpu.memory_space<vmem>>
        %dma_start3A_293 = arith.constant 0 : i32
        %dma_start3A_294 = arith.constant 0 : i32
        %dma_start3A_295 = tpu.memref_slice %arg3[%dma_start3A_293, %dma_start3A_294] : memref<880x16xf32, #tpu.memory_space<hbm>> -> memref<880x16xf32, #tpu.memory_space<hbm>>
        tpu.enqueue_indirect_dma source(%dma_start3A_295 : memref<880x16xf32, #tpu.memory_space<hbm>>) target(%arg17 : memref<64x16xf32, #tpu.memory_space<vmem>>) offsets(%dma_start3A_292 : memref<64xi32, #tpu.memory_space<vmem>>) semaphore(%arg23 : memref<!tpu.dma_semaphore, #tpu.memory_space<semaphore_mem>>)
      } else {
      }
      %dma_wait3A_185 = arith.constant 0 : i32
      %dma_wait3A_186 = tpu.memref_slice %arg19[%add3A_174, %dma_wait3A_185] : memref<10x64xi32, #tpu.memory_space<vmem>> -> memref<1x64xi32, #tpu.memory_space<vmem>>
      %dma_wait3A_187 = tpu.memref_squeeze %dma_wait3A_186 : memref<1x64xi32, #tpu.memory_space<vmem>> -> memref<64xi32, #tpu.memory_space<vmem>>
      %dma_wait3A_188 = arith.constant 0 : i32
      %dma_wait3A_189 = arith.constant 0 : i32
      %dma_wait3A_190 = tpu.memref_slice %arg2[%dma_wait3A_188, %dma_wait3A_189] : memref<880x528xf32, #tpu.memory_space<hbm>> -> memref<880x528xf32, #tpu.memory_space<hbm>>
      tpu.wait_indirect_dma semaphore(%arg22 : memref<!tpu.dma_semaphore, #tpu.memory_space<semaphore_mem>>) src(%dma_wait3A_190 : memref<880x528xf32, #tpu.memory_space<hbm>>) dst(%arg16 : memref<64x528xf32, #tpu.memory_space<vmem>>)
      %dma_wait3A_191 = arith.constant 0 : i32
      %dma_wait3A_192 = tpu.memref_slice %arg20[%add3A_174, %dma_wait3A_191] : memref<10x64xi32, #tpu.memory_space<vmem>> -> memref<1x64xi32, #tpu.memory_space<vmem>>
      %dma_wait3A_193 = tpu.memref_squeeze %dma_wait3A_192 : memref<1x64xi32, #tpu.memory_space<vmem>> -> memref<64xi32, #tpu.memory_space<vmem>>
      %dma_wait3A_194 = arith.constant 0 : i32
      %dma_wait3A_195 = arith.constant 0 : i32
      %dma_wait3A_196 = tpu.memref_slice %arg3[%dma_wait3A_194, %dma_wait3A_195] : memref<880x16xf32, #tpu.memory_space<hbm>> -> memref<880x16xf32, #tpu.memory_space<hbm>>
      tpu.wait_indirect_dma semaphore(%arg24 : memref<!tpu.dma_semaphore, #tpu.memory_space<semaphore_mem>>) src(%dma_wait3A_196 : memref<880x16xf32, #tpu.memory_space<hbm>>) dst(%arg18 : memref<64x16xf32, #tpu.memory_space<vmem>>)
      %mul3A_197 = arith.constant 640 : i32
      %mul3A_198 = arith.muli %add3A, %mul3A_197 : i32
      %mul3A_199 = arith.constant 64 : i32
      %mul3A_200 = arith.muli %add3A_174, %mul3A_199 : i32
      %add3A_201 = arith.addi %mul3A_198, %mul3A_200 : i32
      %add3A_202 = arith.constant 0 : i32
      %add3A_203 = arith.addi %add3A_201, %add3A_202 : i32
      %add3A_204 = vector.broadcast %add3A_203 : i32 to vector<16xi32>
      %add3A_205 = arith.addi %add3A_204, %iota3A : vector<16xi32>
      %get3A_206 = arith.index_cast %add3A_174 : i32 to index
      %get3A_207 = arith.constant 0 : index
      %get3A_208 = tpu.vector_load %arg20[%get3A_206, %get3A_207] {strides = array<i32>} : memref<10x64xi32, #tpu.memory_space<vmem>>, vector<16xi32>,
      %lt3A_209 = arith.constant 878 : i32
      %lt3A_210 = vector.broadcast %lt3A_209 : i32 to vector<16xi32>
      %lt3A_211 = arith.cmpi slt, %get3A_208, %lt3A_210 : vector<16xi32>
      %add3A_212 = arith.constant 880 : i32
      %add3A_213 = vector.broadcast %add3A_212 : i32 to vector<16xi32>
      %add3A_214 = arith.addi %add3A_213, %iota3A : vector<16xi32>
      %select_n3A_215 = arith.select %lt3A_211, %get3A_208, %add3A_214 : vector<16xi1>, vector<16xi32>
      %swap3A_216 = arith.index_cast %add3A_174 : i32 to index
      %swap3A_217 = arith.constant 0 : index
      %swap3A_218 = tpu.vector_load %arg20[%swap3A_216, %swap3A_217] {strides = array<i32>} : memref<10x64xi32, #tpu.memory_space<vmem>>, vector<16xi32>,
      tpu.vector_store %arg20[%swap3A_216, %swap3A_217], %select_n3A_215 {strides = array<i32>} : memref<10x64xi32, #tpu.memory_space<vmem>>, vector<16xi32>,
      %add3A_219 = arith.constant 16 : i32
      %add3A_220 = arith.addi %add3A_201, %add3A_219 : i32
      %add3A_221 = vector.broadcast %add3A_220 : i32 to vector<16xi32>
      %add3A_222 = arith.addi %add3A_221, %iota3A : vector<16xi32>
      %get3A_223 = arith.index_cast %add3A_174 : i32 to index
      %get3A_224 = arith.constant 16 : index
      %get3A_225 = tpu.vector_load %arg20[%get3A_223, %get3A_224] {strides = array<i32>} : memref<10x64xi32, #tpu.memory_space<vmem>>, vector<16xi32>,
      %lt3A_226 = arith.constant 878 : i32
      %lt3A_227 = vector.broadcast %lt3A_226 : i32 to vector<16xi32>
      %lt3A_228 = arith.cmpi slt, %get3A_225, %lt3A_227 : vector<16xi32>
      %add3A_229 = arith.constant 880 : i32
      %add3A_230 = vector.broadcast %add3A_229 : i32 to vector<16xi32>
      %add3A_231 = arith.addi %add3A_230, %iota3A : vector<16xi32>
      %select_n3A_232 = arith.select %lt3A_228, %get3A_225, %add3A_231 : vector<16xi1>, vector<16xi32>
      %swap3A_233 = arith.index_cast %add3A_174 : i32 to index
      %swap3A_234 = arith.constant 16 : index
      %swap3A_235 = tpu.vector_load %arg20[%swap3A_233, %swap3A_234] {strides = array<i32>} : memref<10x64xi32, #tpu.memory_space<vmem>>, vector<16xi32>,
      tpu.vector_store %arg20[%swap3A_233, %swap3A_234], %select_n3A_232 {strides = array<i32>} : memref<10x64xi32, #tpu.memory_space<vmem>>, vector<16xi32>,
      %add3A_236 = arith.constant 32 : i32
      %add3A_237 = arith.addi %add3A_201, %add3A_236 : i32
      %add3A_238 = vector.broadcast %add3A_237 : i32 to vector<16xi32>
      %add3A_239 = arith.addi %add3A_238, %iota3A : vector<16xi32>
      %get3A_240 = arith.index_cast %add3A_174 : i32 to index
      %get3A_241 = arith.constant 32 : index
      %get3A_242 = tpu.vector_load %arg20[%get3A_240, %get3A_241] {strides = array<i32>} : memref<10x64xi32, #tpu.memory_space<vmem>>, vector<16xi32>,
      %lt3A_243 = arith.constant 878 : i32
      %lt3A_244 = vector.broadcast %lt3A_243 : i32 to vector<16xi32>
      %lt3A_245 = arith.cmpi slt, %get3A_242, %lt3A_244 : vector<16xi32>
      %add3A_246 = arith.constant 880 : i32
      %add3A_247 = vector.broadcast %add3A_246 : i32 to vector<16xi32>
      %add3A_248 = arith.addi %add3A_247, %iota3A : vector<16xi32>
      %select_n3A_249 = arith.select %lt3A_245, %get3A_242, %add3A_248 : vector<16xi1>, vector<16xi32>
      %swap3A_250 = arith.index_cast %add3A_174 : i32 to index
      %swap3A_251 = arith.constant 32 : index
      %swap3A_252 = tpu.vector_load %arg20[%swap3A_250, %swap3A_251] {strides = array<i32>} : memref<10x64xi32, #tpu.memory_space<vmem>>, vector<16xi32>,
      tpu.vector_store %arg20[%swap3A_250, %swap3A_251], %select_n3A_249 {strides = array<i32>} : memref<10x64xi32, #tpu.memory_space<vmem>>, vector<16xi32>,
      %add3A_253 = arith.constant 48 : i32
      %add3A_254 = arith.addi %add3A_201, %add3A_253 : i32
      %add3A_255 = vector.broadcast %add3A_254 : i32 to vector<16xi32>
      %add3A_256 = arith.addi %add3A_255, %iota3A : vector<16xi32>
      %get3A_257 = arith.index_cast %add3A_174 : i32 to index
      %get3A_258 = arith.constant 48 : index
      %get3A_259 = tpu.vector_load %arg20[%get3A_257, %get3A_258] {strides = array<i32>} : memref<10x64xi32, #tpu.memory_space<vmem>>, vector<16xi32>,
      %lt3A_260 = arith.constant 878 : i32
      %lt3A_261 = vector.broadcast %lt3A_260 : i32 to vector<16xi32>
      %lt3A_262 = arith.cmpi slt, %get3A_259, %lt3A_261 : vector<16xi32>
      %add3A_263 = arith.constant 880 : i32
      %add3A_264 = vector.broadcast %add3A_263 : i32 to vector<16xi32>
      %add3A_265 = arith.addi %add3A_264, %iota3A : vector<16xi32>
      %select_n3A_266 = arith.select %lt3A_262, %get3A_259, %add3A_265 : vector<16xi1>, vector<16xi32>
      %swap3A_267 = arith.index_cast %add3A_174 : i32 to index
      %swap3A_268 = arith.constant 48 : index
      %swap3A_269 = tpu.vector_load %arg20[%swap3A_267, %swap3A_268] {strides = array<i32>} : memref<10x64xi32, #tpu.memory_space<vmem>>, vector<16xi32>,
      tpu.vector_store %arg20[%swap3A_267, %swap3A_268], %select_n3A_266 {strides = array<i32>} : memref<10x64xi32, #tpu.memory_space<vmem>>, vector<16xi32>,
      %scan3A_270 = arith.constant 0 : i32
      %scan3A_271 = arith.constant 0 : i32
      %scan3A_272 = arith.constant 64 : i32
      %scan3A_273 = arith.addi %scan3A_271, %scan3A_272 : i32
      %scan3A_274 = arith.constant 1 : i32
      scf.for %scan3A_282 = %scan3A_271 to %scan3A_273 step %scan3A_274  : i32 {
        %get3A_283 = arith.index_cast %scan3A_282 : i32 to index
        %get3A_284 = arith.constant 512 : index
        %get3A_285 = tpu.vector_load %arg16[%get3A_283, %get3A_284] {strides = array<i32>} : memref<64x528xf32, #tpu.memory_space<vmem>>, vector<16xf32>,
        %get3A_286 = arith.index_cast %scan3A_282 : i32 to index
        %get3A_287 = arith.constant 0 : index
        %get3A_288 = tpu.vector_load %arg18[%get3A_286, %get3A_287] {strides = array<i32>} : memref<64x16xf32, #tpu.memory_space<vmem>>, vector<16xf32>,
        %add3A_289 = arith.addf %get3A_285, %get3A_288 : vector<16xf32>
        %ge3A_290 = arith.constant 0.000000e+00 : f32
        %ge3A_291 = vector.broadcast %ge3A_290 : f32 to vector<16xf32>
        %ge3A_292 = arith.cmpf oge, %add3A_289, %ge3A_291 : vector<16xf32>
        %mul3A_293 = arith.constant 2.000000e-01 : f32
        %mul3A_294 = vector.broadcast %mul3A_293 : f32 to vector<16xf32>
        %mul3A_295 = arith.mulf %mul3A_294, %add3A_289 : vector<16xf32>
        %select_n3A_296 = arith.select %ge3A_292, %add3A_289, %mul3A_295 : vector<16xi1>, vector<16xf32>
        %exp3A = math.exp %select_n3A_296 : vector<16xf32>
        %jit3A = arith.constant 0.000000e+00 : f32
        %broadcast_in_dim3A = vector.broadcast %jit3A : f32 to vector<16xf32>
        %select_n3A_297 = arith.select %lt3A_6, %exp3A, %broadcast_in_dim3A : vector<16xi1>, vector<16xf32>
        %broadcast_in_dim3A_298 = arith.constant 0 : i32
        %broadcast_in_dim3A_299 = vector.broadcast %broadcast_in_dim3A_298 : i32 to vector<16x1xi32>
        %gather3A = vector.shape_cast %broadcast_in_dim3A_299 : vector<16x1xi32> to vector<16xi32>
        %gather3A_300 = tpu.dynamic_gather %exp3A[%gather3A] in [0] : vector<16xf32>, vector<16xi32> -> vector<16xf32>
        %get3A_301 = arith.index_cast %scan3A_282 : i32 to index
        %get3A_302 = arith.constant 0 : index
        %get3A_303 = tpu.vector_load %arg16[%get3A_301, %get3A_302] {strides = array<i32>} : memref<64x528xf32, #tpu.memory_space<vmem>>, vector<16xf32>,
        %mul3A_304 = arith.mulf %get3A_303, %gather3A_300 : vector<16xf32>
        %swap3A_305 = arith.index_cast %scan3A_282 : i32 to index
        %swap3A_306 = arith.constant 0 : index
        %swap3A_307 = tpu.vector_load %arg16[%swap3A_305, %swap3A_306] {strides = array<i32>} : memref<64x528xf32, #tpu.memory_space<vmem>>, vector<16xf32>,
        tpu.vector_store %arg16[%swap3A_305, %swap3A_306], %mul3A_304 {strides = array<i32>} : memref<64x528xf32, #tpu.memory_space<vmem>>, vector<16xf32>,
        %get3A_308 = arith.index_cast %scan3A_282 : i32 to index
        %get3A_309 = arith.constant 16 : index
        %get3A_310 = tpu.vector_load %arg16[%get3A_308, %get3A_309] {strides = array<i32>} : memref<64x528xf32, #tpu.memory_space<vmem>>, vector<16xf32>,
        %mul3A_311 = arith.mulf %get3A_310, %gather3A_300 : vector<16xf32>
        %swap3A_312 = arith.index_cast %scan3A_282 : i32 to index
        %swap3A_313 = arith.constant 16 : index
        %swap3A_314 = tpu.vector_load %arg16[%swap3A_312, %swap3A_313] {strides = array<i32>} : memref<64x528xf32, #tpu.memory_space<vmem>>, vector<16xf32>,
        tpu.vector_store %arg16[%swap3A_312, %swap3A_313], %mul3A_311 {strides = array<i32>} : memref<64x528xf32, #tpu.memory_space<vmem>>, vector<16xf32>,
        %get3A_315 = arith.index_cast %scan3A_282 : i32 to index
        %get3A_316 = arith.constant 32 : index
        %get3A_317 = tpu.vector_load %arg16[%get3A_315, %get3A_316] {strides = array<i32>} : memref<64x528xf32, #tpu.memory_space<vmem>>, vector<16xf32>,
        %mul3A_318 = arith.mulf %get3A_317, %gather3A_300 : vector<16xf32>
        %swap3A_319 = arith.index_cast %scan3A_282 : i32 to index
        %swap3A_320 = arith.constant 32 : index
        %swap3A_321 = tpu.vector_load %arg16[%swap3A_319, %swap3A_320] {strides = array<i32>} : memref<64x528xf32, #tpu.memory_space<vmem>>, vector<16xf32>,
        tpu.vector_store %arg16[%swap3A_319, %swap3A_320], %mul3A_318 {strides = array<i32>} : memref<64x528xf32, #tpu.memory_space<vmem>>, vector<16xf32>,
        %get3A_322 = arith.index_cast %scan3A_282 : i32 to index
        %get3A_323 = arith.constant 48 : index
        %get3A_324 = tpu.vector_load %arg16[%get3A_322, %get3A_323] {strides = array<i32>} : memref<64x528xf32, #tpu.memory_space<vmem>>, vector<16xf32>,
        %mul3A_325 = arith.mulf %get3A_324, %gather3A_300 : vector<16xf32>
        %swap3A_326 = arith.index_cast %scan3A_282 : i32 to index
        %swap3A_327 = arith.constant 48 : index
        %swap3A_328 = tpu.vector_load %arg16[%swap3A_326, %swap3A_327] {strides = array<i32>} : memref<64x528xf32, #tpu.memory_space<vmem>>, vector<16xf32>,
        tpu.vector_store %arg16[%swap3A_326, %swap3A_327], %mul3A_325 {strides = array<i32>} : memref<64x528xf32, #tpu.memory_space<vmem>>, vector<16xf32>,
        %broadcast_in_dim3A_329 = arith.constant 1 : i32
        %broadcast_in_dim3A_330 = vector.broadcast %broadcast_in_dim3A_329 : i32 to vector<16x1xi32>
        %gather3A_331 = vector.shape_cast %broadcast_in_dim3A_330 : vector<16x1xi32> to vector<16xi32>
        %gather3A_332 = tpu.dynamic_gather %exp3A[%gather3A_331] in [0] : vector<16xf32>, vector<16xi32> -> vector<16xf32>
        %get3A_333 = arith.index_cast %scan3A_282 : i32 to index
        %get3A_334 = arith.constant 64 : index
        %get3A_335 = tpu.vector_load %arg16[%get3A_333, %get3A_334] {strides = array<i32>} : memref<64x528xf32, #tpu.memory_space<vmem>>, vector<16xf32>,
        %mul3A_336 = arith.mulf %get3A_335, %gather3A_332 : vector<16xf32>
        %swap3A_337 = arith.index_cast %scan3A_282 : i32 to index
        %swap3A_338 = arith.constant 64 : index
        %swap3A_339 = tpu.vector_load %arg16[%swap3A_337, %swap3A_338] {strides = array<i32>} : memref<64x528xf32, #tpu.memory_space<vmem>>, vector<16xf32>,
        tpu.vector_store %arg16[%swap3A_337, %swap3A_338], %mul3A_336 {strides = array<i32>} : memref<64x528xf32, #tpu.memory_space<vmem>>, vector<16xf32>,
        %get3A_340 = arith.index_cast %scan3A_282 : i32 to index
        %get3A_341 = arith.constant 80 : index
        %get3A_342 = tpu.vector_load %arg16[%get3A_340, %get3A_341] {strides = array<i32>} : memref<64x528xf32, #tpu.memory_space<vmem>>, vector<16xf32>,
        %mul3A_343 = arith.mulf %get3A_342, %gather3A_332 : vector<16xf32>
        %swap3A_344 = arith.index_cast %scan3A_282 : i32 to index
        %swap3A_345 = arith.constant 80 : index
        %swap3A_346 = tpu.vector_load %arg16[%swap3A_344, %swap3A_345] {strides = array<i32>} : memref<64x528xf32, #tpu.memory_space<vmem>>, vector<16xf32>,
        tpu.vector_store %arg16[%swap3A_344, %swap3A_345], %mul3A_343 {strides = array<i32>} : memref<64x528xf32, #tpu.memory_space<vmem>>, vector<16xf32>,
        %get3A_347 = arith.index_cast %scan3A_282 : i32 to index
        %get3A_348 = arith.constant 96 : index
        %get3A_349 = tpu.vector_load %arg16[%get3A_347, %get3A_348] {strides = array<i32>} : memref<64x528xf32, #tpu.memory_space<vmem>>, vector<16xf32>,
        %mul3A_350 = arith.mulf %get3A_349, %gather3A_332 : vector<16xf32>
        %swap3A_351 = arith.index_cast %scan3A_282 : i32 to index
        %swap3A_352 = arith.constant 96 : index
        %swap3A_353 = tpu.vector_load %arg16[%swap3A_351, %swap3A_352] {strides = array<i32>} : memref<64x528xf32, #tpu.memory_space<vmem>>, vector<16xf32>,
        tpu.vector_store %arg16[%swap3A_351, %swap3A_352], %mul3A_350 {strides = array<i32>} : memref<64x528xf32, #tpu.memory_space<vmem>>, vector<16xf32>,
        %get3A_354 = arith.index_cast %scan3A_282 : i32 to index
        %get3A_355 = arith.constant 112 : index
        %get3A_356 = tpu.vector_load %arg16[%get3A_354, %get3A_355] {strides = array<i32>} : memref<64x528xf32, #tpu.memory_space<vmem>>, vector<16xf32>,
        %mul3A_357 = arith.mulf %get3A_356, %gather3A_332 : vector<16xf32>
        %swap3A_358 = arith.index_cast %scan3A_282 : i32 to index
        %swap3A_359 = arith.constant 112 : index
        %swap3A_360 = tpu.vector_load %arg16[%swap3A_358, %swap3A_359] {strides = array<i32>} : memref<64x528xf32, #tpu.memory_space<vmem>>, vector<16xf32>,
        tpu.vector_store %arg16[%swap3A_358, %swap3A_359], %mul3A_357 {strides = array<i32>} : memref<64x528xf32, #tpu.memory_space<vmem>>, vector<16xf32>,
        %broadcast_in_dim3A_361 = arith.constant 2 : i32
        %broadcast_in_dim3A_362 = vector.broadcast %broadcast_in_dim3A_361 : i32 to vector<16x1xi32>
        %gather3A_363 = vector.shape_cast %broadcast_in_dim3A_362 : vector<16x1xi32> to vector<16xi32>
        %gather3A_364 = tpu.dynamic_gather %exp3A[%gather3A_363] in [0] : vector<16xf32>, vector<16xi32> -> vector<16xf32>
        %get3A_365 = arith.index_cast %scan3A_282 : i32 to index
        %get3A_366 = arith.constant 128 : index
        %get3A_367 = tpu.vector_load %arg16[%get3A_365, %get3A_366] {strides = array<i32>} : memref<64x528xf32, #tpu.memory_space<vmem>>, vector<16xf32>,
        %mul3A_368 = arith.mulf %get3A_367, %gather3A_364 : vector<16xf32>
        %swap3A_369 = arith.index_cast %scan3A_282 : i32 to index
        %swap3A_370 = arith.constant 128 : index
        %swap3A_371 = tpu.vector_load %arg16[%swap3A_369, %swap3A_370] {strides = array<i32>} : memref<64x528xf32, #tpu.memory_space<vmem>>, vector<16xf32>,
        tpu.vector_store %arg16[%swap3A_369, %swap3A_370], %mul3A_368 {strides = array<i32>} : memref<64x528xf32, #tpu.memory_space<vmem>>, vector<16xf32>,
        %get3A_372 = arith.index_cast %scan3A_282 : i32 to index
        %get3A_373 = arith.constant 144 : index
        %get3A_374 = tpu.vector_load %arg16[%get3A_372, %get3A_373] {strides = array<i32>} : memref<64x528xf32, #tpu.memory_space<vmem>>, vector<16xf32>,
        %mul3A_375 = arith.mulf %get3A_374, %gather3A_364 : vector<16xf32>
        %swap3A_376 = arith.index_cast %scan3A_282 : i32 to index
        %swap3A_377 = arith.constant 144 : index
        %swap3A_378 = tpu.vector_load %arg16[%swap3A_376, %swap3A_377] {strides = array<i32>} : memref<64x528xf32, #tpu.memory_space<vmem>>, vector<16xf32>,
        tpu.vector_store %arg16[%swap3A_376, %swap3A_377], %mul3A_375 {strides = array<i32>} : memref<64x528xf32, #tpu.memory_space<vmem>>, vector<16xf32>,
        %get3A_379 = arith.index_cast %scan3A_282 : i32 to index
        %get3A_380 = arith.constant 160 : index
        %get3A_381 = tpu.vector_load %arg16[%get3A_379, %get3A_380] {strides = array<i32>} : memref<64x528xf32, #tpu.memory_space<vmem>>, vector<16xf32>,
        %mul3A_382 = arith.mulf %get3A_381, %gather3A_364 : vector<16xf32>
        %swap3A_383 = arith.index_cast %scan3A_282 : i32 to index
        %swap3A_384 = arith.constant 160 : index
        %swap3A_385 = tpu.vector_load %arg16[%swap3A_383, %swap3A_384] {strides = array<i32>} : memref<64x528xf32, #tpu.memory_space<vmem>>, vector<16xf32>,
        tpu.vector_store %arg16[%swap3A_383, %swap3A_384], %mul3A_382 {strides = array<i32>} : memref<64x528xf32, #tpu.memory_space<vmem>>, vector<16xf32>,
        %get3A_386 = arith.index_cast %scan3A_282 : i32 to index
        %get3A_387 = arith.constant 176 : index
        %get3A_388 = tpu.vector_load %arg16[%get3A_386, %get3A_387] {strides = array<i32>} : memref<64x528xf32, #tpu.memory_space<vmem>>, vector<16xf32>,
        %mul3A_389 = arith.mulf %get3A_388, %gather3A_364 : vector<16xf32>
        %swap3A_390 = arith.index_cast %scan3A_282 : i32 to index
        %swap3A_391 = arith.constant 176 : index
        %swap3A_392 = tpu.vector_load %arg16[%swap3A_390, %swap3A_391] {strides = array<i32>} : memref<64x528xf32, #tpu.memory_space<vmem>>, vector<16xf32>,
        tpu.vector_store %arg16[%swap3A_390, %swap3A_391], %mul3A_389 {strides = array<i32>} : memref<64x528xf32, #tpu.memory_space<vmem>>, vector<16xf32>,
        %broadcast_in_dim3A_393 = arith.constant 3 : i32
        %broadcast_in_dim3A_394 = vector.broadcast %broadcast_in_dim3A_393 : i32 to vector<16x1xi32>
        %gather3A_395 = vector.shape_cast %broadcast_in_dim3A_394 : vector<16x1xi32> to vector<16xi32>
        %gather3A_396 = tpu.dynamic_gather %exp3A[%gather3A_395] in [0] : vector<16xf32>, vector<16xi32> -> vector<16xf32>
        %get3A_397 = arith.index_cast %scan3A_282 : i32 to index
        %get3A_398 = arith.constant 192 : index
        %get3A_399 = tpu.vector_load %arg16[%get3A_397, %get3A_398] {strides = array<i32>} : memref<64x528xf32, #tpu.memory_space<vmem>>, vector<16xf32>,
        %mul3A_400 = arith.mulf %get3A_399, %gather3A_396 : vector<16xf32>
        %swap3A_401 = arith.index_cast %scan3A_282 : i32 to index
        %swap3A_402 = arith.constant 192 : index
        %swap3A_403 = tpu.vector_load %arg16[%swap3A_401, %swap3A_402] {strides = array<i32>} : memref<64x528xf32, #tpu.memory_space<vmem>>, vector<16xf32>,
        tpu.vector_store %arg16[%swap3A_401, %swap3A_402], %mul3A_400 {strides = array<i32>} : memref<64x528xf32, #tpu.memory_space<vmem>>, vector<16xf32>,
        %get3A_404 = arith.index_cast %scan3A_282 : i32 to index
        %get3A_405 = arith.constant 208 : index
        %get3A_406 = tpu.vector_load %arg16[%get3A_404, %get3A_405] {strides = array<i32>} : memref<64x528xf32, #tpu.memory_space<vmem>>, vector<16xf32>,
        %mul3A_407 = arith.mulf %get3A_406, %gather3A_396 : vector<16xf32>
        %swap3A_408 = arith.index_cast %scan3A_282 : i32 to index
        %swap3A_409 = arith.constant 208 : index
        %swap3A_410 = tpu.vector_load %arg16[%swap3A_408, %swap3A_409] {strides = array<i32>} : memref<64x528xf32, #tpu.memory_space<vmem>>, vector<16xf32>,
        tpu.vector_store %arg16[%swap3A_408, %swap3A_409], %mul3A_407 {strides = array<i32>} : memref<64x528xf32, #tpu.memory_space<vmem>>, vector<16xf32>,
        %get3A_411 = arith.index_cast %scan3A_282 : i32 to index
        %get3A_412 = arith.constant 224 : index
        %get3A_413 = tpu.vector_load %arg16[%get3A_411, %get3A_412] {strides = array<i32>} : memref<64x528xf32, #tpu.memory_space<vmem>>, vector<16xf32>,
        %mul3A_414 = arith.mulf %get3A_413, %gather3A_396 : vector<16xf32>
        %swap3A_415 = arith.index_cast %scan3A_282 : i32 to index
        %swap3A_416 = arith.constant 224 : index
        %swap3A_417 = tpu.vector_load %arg16[%swap3A_415, %swap3A_416] {strides = array<i32>} : memref<64x528xf32, #tpu.memory_space<vmem>>, vector<16xf32>,
        tpu.vector_store %arg16[%swap3A_415, %swap3A_416], %mul3A_414 {strides = array<i32>} : memref<64x528xf32, #tpu.memory_space<vmem>>, vector<16xf32>,
        %get3A_418 = arith.index_cast %scan3A_282 : i32 to index
        %get3A_419 = arith.constant 240 : index
        %get3A_420 = tpu.vector_load %arg16[%get3A_418, %get3A_419] {strides = array<i32>} : memref<64x528xf32, #tpu.memory_space<vmem>>, vector<16xf32>,
        %mul3A_421 = arith.mulf %get3A_420, %gather3A_396 : vector<16xf32>
        %swap3A_422 = arith.index_cast %scan3A_282 : i32 to index
        %swap3A_423 = arith.constant 240 : index
        %swap3A_424 = tpu.vector_load %arg16[%swap3A_422, %swap3A_423] {strides = array<i32>} : memref<64x528xf32, #tpu.memory_space<vmem>>, vector<16xf32>,
        tpu.vector_store %arg16[%swap3A_422, %swap3A_423], %mul3A_421 {strides = array<i32>} : memref<64x528xf32, #tpu.memory_space<vmem>>, vector<16xf32>,
        %broadcast_in_dim3A_425 = arith.constant 4 : i32
        %broadcast_in_dim3A_426 = vector.broadcast %broadcast_in_dim3A_425 : i32 to vector<16x1xi32>
        %gather3A_427 = vector.shape_cast %broadcast_in_dim3A_426 : vector<16x1xi32> to vector<16xi32>
        %gather3A_428 = tpu.dynamic_gather %exp3A[%gather3A_427] in [0] : vector<16xf32>, vector<16xi32> -> vector<16xf32>
        %get3A_429 = arith.index_cast %scan3A_282 : i32 to index
        %get3A_430 = arith.constant 256 : index
        %get3A_431 = tpu.vector_load %arg16[%get3A_429, %get3A_430] {strides = array<i32>} : memref<64x528xf32, #tpu.memory_space<vmem>>, vector<16xf32>,
        %mul3A_432 = arith.mulf %get3A_431, %gather3A_428 : vector<16xf32>
        %swap3A_433 = arith.index_cast %scan3A_282 : i32 to index
        %swap3A_434 = arith.constant 256 : index
        %swap3A_435 = tpu.vector_load %arg16[%swap3A_433, %swap3A_434] {strides = array<i32>} : memref<64x528xf32, #tpu.memory_space<vmem>>, vector<16xf32>,
        tpu.vector_store %arg16[%swap3A_433, %swap3A_434], %mul3A_432 {strides = array<i32>} : memref<64x528xf32, #tpu.memory_space<vmem>>, vector<16xf32>,
        %get3A_436 = arith.index_cast %scan3A_282 : i32 to index
        %get3A_437 = arith.constant 272 : index
        %get3A_438 = tpu.vector_load %arg16[%get3A_436, %get3A_437] {strides = array<i32>} : memref<64x528xf32, #tpu.memory_space<vmem>>, vector<16xf32>,
        %mul3A_439 = arith.mulf %get3A_438, %gather3A_428 : vector<16xf32>
        %swap3A_440 = arith.index_cast %scan3A_282 : i32 to index
        %swap3A_441 = arith.constant 272 : index
        %swap3A_442 = tpu.vector_load %arg16[%swap3A_440, %swap3A_441] {strides = array<i32>} : memref<64x528xf32, #tpu.memory_space<vmem>>, vector<16xf32>,
        tpu.vector_store %arg16[%swap3A_440, %swap3A_441], %mul3A_439 {strides = array<i32>} : memref<64x528xf32, #tpu.memory_space<vmem>>, vector<16xf32>,
        %get3A_443 = arith.index_cast %scan3A_282 : i32 to index
        %get3A_444 = arith.constant 288 : index
        %get3A_445 = tpu.vector_load %arg16[%get3A_443, %get3A_444] {strides = array<i32>} : memref<64x528xf32, #tpu.memory_space<vmem>>, vector<16xf32>,
        %mul3A_446 = arith.mulf %get3A_445, %gather3A_428 : vector<16xf32>
        %swap3A_447 = arith.index_cast %scan3A_282 : i32 to index
        %swap3A_448 = arith.constant 288 : index
        %swap3A_449 = tpu.vector_load %arg16[%swap3A_447, %swap3A_448] {strides = array<i32>} : memref<64x528xf32, #tpu.memory_space<vmem>>, vector<16xf32>,
        tpu.vector_store %arg16[%swap3A_447, %swap3A_448], %mul3A_446 {strides = array<i32>} : memref<64x528xf32, #tpu.memory_space<vmem>>, vector<16xf32>,
        %get3A_450 = arith.index_cast %scan3A_282 : i32 to index
        %get3A_451 = arith.constant 304 : index
        %get3A_452 = tpu.vector_load %arg16[%get3A_450, %get3A_451] {strides = array<i32>} : memref<64x528xf32, #tpu.memory_space<vmem>>, vector<16xf32>,
        %mul3A_453 = arith.mulf %get3A_452, %gather3A_428 : vector<16xf32>
        %swap3A_454 = arith.index_cast %scan3A_282 : i32 to index
        %swap3A_455 = arith.constant 304 : index
        %swap3A_456 = tpu.vector_load %arg16[%swap3A_454, %swap3A_455] {strides = array<i32>} : memref<64x528xf32, #tpu.memory_space<vmem>>, vector<16xf32>,
        tpu.vector_store %arg16[%swap3A_454, %swap3A_455], %mul3A_453 {strides = array<i32>} : memref<64x528xf32, #tpu.memory_space<vmem>>, vector<16xf32>,
        %broadcast_in_dim3A_457 = arith.constant 5 : i32
        %broadcast_in_dim3A_458 = vector.broadcast %broadcast_in_dim3A_457 : i32 to vector<16x1xi32>
        %gather3A_459 = vector.shape_cast %broadcast_in_dim3A_458 : vector<16x1xi32> to vector<16xi32>
        %gather3A_460 = tpu.dynamic_gather %exp3A[%gather3A_459] in [0] : vector<16xf32>, vector<16xi32> -> vector<16xf32>
        %get3A_461 = arith.index_cast %scan3A_282 : i32 to index
        %get3A_462 = arith.constant 320 : index
        %get3A_463 = tpu.vector_load %arg16[%get3A_461, %get3A_462] {strides = array<i32>} : memref<64x528xf32, #tpu.memory_space<vmem>>, vector<16xf32>,
        %mul3A_464 = arith.mulf %get3A_463, %gather3A_460 : vector<16xf32>
        %swap3A_465 = arith.index_cast %scan3A_282 : i32 to index
        %swap3A_466 = arith.constant 320 : index
        %swap3A_467 = tpu.vector_load %arg16[%swap3A_465, %swap3A_466] {strides = array<i32>} : memref<64x528xf32, #tpu.memory_space<vmem>>, vector<16xf32>,
        tpu.vector_store %arg16[%swap3A_465, %swap3A_466], %mul3A_464 {strides = array<i32>} : memref<64x528xf32, #tpu.memory_space<vmem>>, vector<16xf32>,
        %get3A_468 = arith.index_cast %scan3A_282 : i32 to index
        %get3A_469 = arith.constant 336 : index
        %get3A_470 = tpu.vector_load %arg16[%get3A_468, %get3A_469] {strides = array<i32>} : memref<64x528xf32, #tpu.memory_space<vmem>>, vector<16xf32>,
        %mul3A_471 = arith.mulf %get3A_470, %gather3A_460 : vector<16xf32>
        %swap3A_472 = arith.index_cast %scan3A_282 : i32 to index
        %swap3A_473 = arith.constant 336 : index
        %swap3A_474 = tpu.vector_load %arg16[%swap3A_472, %swap3A_473] {strides = array<i32>} : memref<64x528xf32, #tpu.memory_space<vmem>>, vector<16xf32>,
        tpu.vector_store %arg16[%swap3A_472, %swap3A_473], %mul3A_471 {strides = array<i32>} : memref<64x528xf32, #tpu.memory_space<vmem>>, vector<16xf32>,
        %get3A_475 = arith.index_cast %scan3A_282 : i32 to index
        %get3A_476 = arith.constant 352 : index
        %get3A_477 = tpu.vector_load %arg16[%get3A_475, %get3A_476] {strides = array<i32>} : memref<64x528xf32, #tpu.memory_space<vmem>>, vector<16xf32>,
        %mul3A_478 = arith.mulf %get3A_477, %gather3A_460 : vector<16xf32>
        %swap3A_479 = arith.index_cast %scan3A_282 : i32 to index
        %swap3A_480 = arith.constant 352 : index
        %swap3A_481 = tpu.vector_load %arg16[%swap3A_479, %swap3A_480] {strides = array<i32>} : memref<64x528xf32, #tpu.memory_space<vmem>>, vector<16xf32>,
        tpu.vector_store %arg16[%swap3A_479, %swap3A_480], %mul3A_478 {strides = array<i32>} : memref<64x528xf32, #tpu.memory_space<vmem>>, vector<16xf32>,
        %get3A_482 = arith.index_cast %scan3A_282 : i32 to index
        %get3A_483 = arith.constant 368 : index
        %get3A_484 = tpu.vector_load %arg16[%get3A_482, %get3A_483] {strides = array<i32>} : memref<64x528xf32, #tpu.memory_space<vmem>>, vector<16xf32>,
        %mul3A_485 = arith.mulf %get3A_484, %gather3A_460 : vector<16xf32>
        %swap3A_486 = arith.index_cast %scan3A_282 : i32 to index
        %swap3A_487 = arith.constant 368 : index
        %swap3A_488 = tpu.vector_load %arg16[%swap3A_486, %swap3A_487] {strides = array<i32>} : memref<64x528xf32, #tpu.memory_space<vmem>>, vector<16xf32>,
        tpu.vector_store %arg16[%swap3A_486, %swap3A_487], %mul3A_485 {strides = array<i32>} : memref<64x528xf32, #tpu.memory_space<vmem>>, vector<16xf32>,
        %broadcast_in_dim3A_489 = arith.constant 6 : i32
        %broadcast_in_dim3A_490 = vector.broadcast %broadcast_in_dim3A_489 : i32 to vector<16x1xi32>
        %gather3A_491 = vector.shape_cast %broadcast_in_dim3A_490 : vector<16x1xi32> to vector<16xi32>
        %gather3A_492 = tpu.dynamic_gather %exp3A[%gather3A_491] in [0] : vector<16xf32>, vector<16xi32> -> vector<16xf32>
        %get3A_493 = arith.index_cast %scan3A_282 : i32 to index
        %get3A_494 = arith.constant 384 : index
        %get3A_495 = tpu.vector_load %arg16[%get3A_493, %get3A_494] {strides = array<i32>} : memref<64x528xf32, #tpu.memory_space<vmem>>, vector<16xf32>,
        %mul3A_496 = arith.mulf %get3A_495, %gather3A_492 : vector<16xf32>
        %swap3A_497 = arith.index_cast %scan3A_282 : i32 to index
        %swap3A_498 = arith.constant 384 : index
        %swap3A_499 = tpu.vector_load %arg16[%swap3A_497, %swap3A_498] {strides = array<i32>} : memref<64x528xf32, #tpu.memory_space<vmem>>, vector<16xf32>,
        tpu.vector_store %arg16[%swap3A_497, %swap3A_498], %mul3A_496 {strides = array<i32>} : memref<64x528xf32, #tpu.memory_space<vmem>>, vector<16xf32>,
        %get3A_500 = arith.index_cast %scan3A_282 : i32 to index
        %get3A_501 = arith.constant 400 : index
        %get3A_502 = tpu.vector_load %arg16[%get3A_500, %get3A_501] {strides = array<i32>} : memref<64x528xf32, #tpu.memory_space<vmem>>, vector<16xf32>,
        %mul3A_503 = arith.mulf %get3A_502, %gather3A_492 : vector<16xf32>
        %swap3A_504 = arith.index_cast %scan3A_282 : i32 to index
        %swap3A_505 = arith.constant 400 : index
        %swap3A_506 = tpu.vector_load %arg16[%swap3A_504, %swap3A_505] {strides = array<i32>} : memref<64x528xf32, #tpu.memory_space<vmem>>, vector<16xf32>,
        tpu.vector_store %arg16[%swap3A_504, %swap3A_505], %mul3A_503 {strides = array<i32>} : memref<64x528xf32, #tpu.memory_space<vmem>>, vector<16xf32>,
        %get3A_507 = arith.index_cast %scan3A_282 : i32 to index
        %get3A_508 = arith.constant 416 : index
        %get3A_509 = tpu.vector_load %arg16[%get3A_507, %get3A_508] {strides = array<i32>} : memref<64x528xf32, #tpu.memory_space<vmem>>, vector<16xf32>,
        %mul3A_510 = arith.mulf %get3A_509, %gather3A_492 : vector<16xf32>
        %swap3A_511 = arith.index_cast %scan3A_282 : i32 to index
        %swap3A_512 = arith.constant 416 : index
        %swap3A_513 = tpu.vector_load %arg16[%swap3A_511, %swap3A_512] {strides = array<i32>} : memref<64x528xf32, #tpu.memory_space<vmem>>, vector<16xf32>,
        tpu.vector_store %arg16[%swap3A_511, %swap3A_512], %mul3A_510 {strides = array<i32>} : memref<64x528xf32, #tpu.memory_space<vmem>>, vector<16xf32>,
        %get3A_514 = arith.index_cast %scan3A_282 : i32 to index
        %get3A_515 = arith.constant 432 : index
        %get3A_516 = tpu.vector_load %arg16[%get3A_514, %get3A_515] {strides = array<i32>} : memref<64x528xf32, #tpu.memory_space<vmem>>, vector<16xf32>,
        %mul3A_517 = arith.mulf %get3A_516, %gather3A_492 : vector<16xf32>
        %swap3A_518 = arith.index_cast %scan3A_282 : i32 to index
        %swap3A_519 = arith.constant 432 : index
        %swap3A_520 = tpu.vector_load %arg16[%swap3A_518, %swap3A_519] {strides = array<i32>} : memref<64x528xf32, #tpu.memory_space<vmem>>, vector<16xf32>,
        tpu.vector_store %arg16[%swap3A_518, %swap3A_519], %mul3A_517 {strides = array<i32>} : memref<64x528xf32, #tpu.memory_space<vmem>>, vector<16xf32>,
        %broadcast_in_dim3A_521 = arith.constant 7 : i32
        %broadcast_in_dim3A_522 = vector.broadcast %broadcast_in_dim3A_521 : i32 to vector<16x1xi32>
        %gather3A_523 = vector.shape_cast %broadcast_in_dim3A_522 : vector<16x1xi32> to vector<16xi32>
        %gather3A_524 = tpu.dynamic_gather %exp3A[%gather3A_523] in [0] : vector<16xf32>, vector<16xi32> -> vector<16xf32>
        %get3A_525 = arith.index_cast %scan3A_282 : i32 to index
        %get3A_526 = arith.constant 448 : index
        %get3A_527 = tpu.vector_load %arg16[%get3A_525, %get3A_526] {strides = array<i32>} : memref<64x528xf32, #tpu.memory_space<vmem>>, vector<16xf32>,
        %mul3A_528 = arith.mulf %get3A_527, %gather3A_524 : vector<16xf32>
        %swap3A_529 = arith.index_cast %scan3A_282 : i32 to index
        %swap3A_530 = arith.constant 448 : index
        %swap3A_531 = tpu.vector_load %arg16[%swap3A_529, %swap3A_530] {strides = array<i32>} : memref<64x528xf32, #tpu.memory_space<vmem>>, vector<16xf32>,
        tpu.vector_store %arg16[%swap3A_529, %swap3A_530], %mul3A_528 {strides = array<i32>} : memref<64x528xf32, #tpu.memory_space<vmem>>, vector<16xf32>,
        %get3A_532 = arith.index_cast %scan3A_282 : i32 to index
        %get3A_533 = arith.constant 464 : index
        %get3A_534 = tpu.vector_load %arg16[%get3A_532, %get3A_533] {strides = array<i32>} : memref<64x528xf32, #tpu.memory_space<vmem>>, vector<16xf32>,
        %mul3A_535 = arith.mulf %get3A_534, %gather3A_524 : vector<16xf32>
        %swap3A_536 = arith.index_cast %scan3A_282 : i32 to index
        %swap3A_537 = arith.constant 464 : index
        %swap3A_538 = tpu.vector_load %arg16[%swap3A_536, %swap3A_537] {strides = array<i32>} : memref<64x528xf32, #tpu.memory_space<vmem>>, vector<16xf32>,
        tpu.vector_store %arg16[%swap3A_536, %swap3A_537], %mul3A_535 {strides = array<i32>} : memref<64x528xf32, #tpu.memory_space<vmem>>, vector<16xf32>,
        %get3A_539 = arith.index_cast %scan3A_282 : i32 to index
        %get3A_540 = arith.constant 480 : index
        %get3A_541 = tpu.vector_load %arg16[%get3A_539, %get3A_540] {strides = array<i32>} : memref<64x528xf32, #tpu.memory_space<vmem>>, vector<16xf32>,
        %mul3A_542 = arith.mulf %get3A_541, %gather3A_524 : vector<16xf32>
        %swap3A_543 = arith.index_cast %scan3A_282 : i32 to index
        %swap3A_544 = arith.constant 480 : index
        %swap3A_545 = tpu.vector_load %arg16[%swap3A_543, %swap3A_544] {strides = array<i32>} : memref<64x528xf32, #tpu.memory_space<vmem>>, vector<16xf32>,
        tpu.vector_store %arg16[%swap3A_543, %swap3A_544], %mul3A_542 {strides = array<i32>} : memref<64x528xf32, #tpu.memory_space<vmem>>, vector<16xf32>,
        %get3A_546 = arith.index_cast %scan3A_282 : i32 to index
        %get3A_547 = arith.constant 496 : index
        %get3A_548 = tpu.vector_load %arg16[%get3A_546, %get3A_547] {strides = array<i32>} : memref<64x528xf32, #tpu.memory_space<vmem>>, vector<16xf32>,
        %mul3A_549 = arith.mulf %get3A_548, %gather3A_524 : vector<16xf32>
        %swap3A_550 = arith.index_cast %scan3A_282 : i32 to index
        %swap3A_551 = arith.constant 496 : index
        %swap3A_552 = tpu.vector_load %arg16[%swap3A_550, %swap3A_551] {strides = array<i32>} : memref<64x528xf32, #tpu.memory_space<vmem>>, vector<16xf32>,
        tpu.vector_store %arg16[%swap3A_550, %swap3A_551], %mul3A_549 {strides = array<i32>} : memref<64x528xf32, #tpu.memory_space<vmem>>, vector<16xf32>,
        %swap3A_553 = arith.index_cast %scan3A_282 : i32 to index
        %swap3A_554 = arith.constant 512 : index
        %swap3A_555 = tpu.vector_load %arg16[%swap3A_553, %swap3A_554] {strides = array<i32>} : memref<64x528xf32, #tpu.memory_space<vmem>>, vector<16xf32>,
        tpu.vector_store %arg16[%swap3A_553, %swap3A_554], %select_n3A_297 {strides = array<i32>} : memref<64x528xf32, #tpu.memory_space<vmem>>, vector<16xf32>,
      }
      %scan3A_275 = arith.constant 64 : i32
      %dma_start3A_276 = arith.constant 0 : i32
      %dma_start3A_277 = tpu.memref_slice %arg20[%add3A_174, %dma_start3A_276] : memref<10x64xi32, #tpu.memory_space<vmem>> -> memref<1x64xi32, #tpu.memory_space<vmem>>
      %dma_start3A_278 = tpu.memref_squeeze %dma_start3A_277 : memref<1x64xi32, #tpu.memory_space<vmem>> -> memref<64xi32, #tpu.memory_space<vmem>>
      %dma_start3A_279 = arith.constant 0 : i32
      %dma_start3A_280 = arith.constant 0 : i32
      %dma_start3A_281 = tpu.memref_slice %arg13[%dma_start3A_279, %dma_start3A_280] : memref<896x528xf32, #tpu.memory_space<vmem_shared>> -> memref<896x528xf32, #tpu.memory_space<vmem_shared>>
      tpu.enqueue_indirect_dma source(%arg16 : memref<64x528xf32, #tpu.memory_space<vmem>>) target(%dma_start3A_281 : memref<896x528xf32, #tpu.memory_space<vmem_shared>>) offsets(%dma_start3A_278 : memref<64xi32, #tpu.memory_space<vmem>>) semaphore(%arg26 : memref<!tpu.dma_semaphore, #tpu.memory_space<semaphore_mem>>) {add = true}
    }
    %scan3A_24 = arith.constant 5 : i32
    %dma_wait3A = arith.constant 9 : i32
    %dma_wait3A_25 = arith.constant 0 : i32
    %dma_wait3A_26 = tpu.memref_slice %arg20[%dma_wait3A, %dma_wait3A_25] : memref<10x64xi32, #tpu.memory_space<vmem>> -> memref<1x64xi32, #tpu.memory_space<vmem>>
    %dma_wait3A_27 = tpu.memref_squeeze %dma_wait3A_26 : memref<1x64xi32, #tpu.memory_space<vmem>> -> memref<64xi32, #tpu.memory_space<vmem>>
    %dma_wait3A_28 = arith.constant 0 : i32
    %dma_wait3A_29 = arith.constant 0 : i32
    %dma_wait3A_30 = tpu.memref_slice %arg13[%dma_wait3A_28, %dma_wait3A_29] : memref<896x528xf32, #tpu.memory_space<vmem_shared>> -> memref<896x528xf32, #tpu.memory_space<vmem_shared>>
    tpu.wait_indirect_dma semaphore(%arg26 : memref<!tpu.dma_semaphore, #tpu.memory_space<semaphore_mem>>) src(%arg16 : memref<64x528xf32, #tpu.memory_space<vmem>>) dst(%dma_wait3A_30 : memref<896x528xf32, #tpu.memory_space<vmem_shared>>)
    "tpu.region"() ({
      %run_scoped3A = tpu.sem_alloc : memref<!tpu.dma_semaphore, #tpu.memory_space<semaphore_mem>>
      %dma_start3A_67 = arith.constant 0 : i32
      %dma_start3A_68 = arith.constant 0 : i32
      %dma_start3A_69 = tpu.memref_slice %arg8[%add3A, %dma_start3A_67, %dma_start3A_68] : memref<32x10x64xi32, #tpu.memory_space<hbm>> -> memref<1x10x64xi32, #tpu.memory_space<hbm>>
      %dma_start3A_70 = tpu.memref_squeeze %dma_start3A_69 : memref<1x10x64xi32, #tpu.memory_space<hbm>> -> memref<10x64xi32, #tpu.memory_space<hbm>>
      %dma_start3A_71 = arith.constant 0 : i32
      %dma_start3A_72 = arith.constant 0 : i32
      %dma_start3A_73 = tpu.memref_slice %arg8[%add3A, %dma_start3A_71, %dma_start3A_72] : memref<32x10x64xi32, #tpu.memory_space<hbm>> -> memref<1x10x64xi32, #tpu.memory_space<hbm>>
      %dma_start3A_74 = tpu.memref_squeeze %dma_start3A_73 : memref<1x10x64xi32, #tpu.memory_space<hbm>> -> memref<10x64xi32, #tpu.memory_space<hbm>>
      tpu.enqueue_dma source(%dma_start3A_74 : memref<10x64xi32, #tpu.memory_space<hbm>>) target(%arg19 : memref<10x64xi32, #tpu.memory_space<vmem>>) target_semaphore(%run_scoped3A : memref<!tpu.dma_semaphore, #tpu.memory_space<semaphore_mem>>)
      %dma_wait3A_75 = arith.constant 0 : i32
      %dma_wait3A_76 = arith.constant 0 : i32
      %dma_wait3A_77 = tpu.memref_slice %arg8[%add3A, %dma_wait3A_75, %dma_wait3A_76] : memref<32x10x64xi32, #tpu.memory_space<hbm>> -> memref<1x10x64xi32, #tpu.memory_space<hbm>>
      %dma_wait3A_78 = tpu.memref_squeeze %dma_wait3A_77 : memref<1x10x64xi32, #tpu.memory_space<hbm>> -> memref<10x64xi32, #tpu.memory_space<hbm>>
      %dma_wait3A_79 = arith.constant 0 : i32
      %dma_wait3A_80 = arith.constant 0 : i32
      %dma_wait3A_81 = tpu.memref_slice %arg8[%add3A, %dma_wait3A_79, %dma_wait3A_80] : memref<32x10x64xi32, #tpu.memory_space<hbm>> -> memref<1x10x64xi32, #tpu.memory_space<hbm>>
      %dma_wait3A_82 = tpu.memref_squeeze %dma_wait3A_81 : memref<1x10x64xi32, #tpu.memory_space<hbm>> -> memref<10x64xi32, #tpu.memory_space<hbm>>
      tpu.wait_dma2 semaphore(%run_scoped3A : memref<!tpu.dma_semaphore, #tpu.memory_space<semaphore_mem>>) src(%dma_wait3A_82 : memref<10x64xi32, #tpu.memory_space<hbm>>) dst(%arg19 : memref<10x64xi32, #tpu.memory_space<vmem>>)
      tpu.yield
    }) : () -> ()
    "tpu.region"() ({
      %run_scoped3A = tpu.sem_alloc : memref<!tpu.dma_semaphore, #tpu.memory_space<semaphore_mem>>
      %dma_start3A_67 = arith.constant 0 : i32
      %dma_start3A_68 = arith.constant 0 : i32
      %dma_start3A_69 = tpu.memref_slice %arg9[%add3A, %dma_start3A_67, %dma_start3A_68] : memref<32x10x64xi32, #tpu.memory_space<hbm>> -> memref<1x10x64xi32, #tpu.memory_space<hbm>>
      %dma_start3A_70 = tpu.memref_squeeze %dma_start3A_69 : memref<1x10x64xi32, #tpu.memory_space<hbm>> -> memref<10x64xi32, #tpu.memory_space<hbm>>
      %dma_start3A_71 = arith.constant 0 : i32
      %dma_start3A_72 = arith.constant 0 : i32
      %dma_start3A_73 = tpu.memref_slice %arg9[%add3A, %dma_start3A_71, %dma_start3A_72] : memref<32x10x64xi32, #tpu.memory_space<hbm>> -> memref<1x10x64xi32, #tpu.memory_space<hbm>>
      %dma_start3A_74 = tpu.memref_squeeze %dma_start3A_73 : memref<1x10x64xi32, #tpu.memory_space<hbm>> -> memref<10x64xi32, #tpu.memory_space<hbm>>
      tpu.enqueue_dma source(%dma_start3A_74 : memref<10x64xi32, #tpu.memory_space<hbm>>) target(%arg20 : memref<10x64xi32, #tpu.memory_space<vmem>>) target_semaphore(%run_scoped3A : memref<!tpu.dma_semaphore, #tpu.memory_space<semaphore_mem>>)
      %dma_wait3A_75 = arith.constant 0 : i32
      %dma_wait3A_76 = arith.constant 0 : i32
      %dma_wait3A_77 = tpu.memref_slice %arg9[%add3A, %dma_wait3A_75, %dma_wait3A_76] : memref<32x10x64xi32, #tpu.memory_space<hbm>> -> memref<1x10x64xi32, #tpu.memory_space<hbm>>
      %dma_wait3A_78 = tpu.memref_squeeze %dma_wait3A_77 : memref<1x10x64xi32, #tpu.memory_space<hbm>> -> memref<10x64xi32, #tpu.memory_space<hbm>>
      %dma_wait3A_79 = arith.constant 0 : i32
      %dma_wait3A_80 = arith.constant 0 : i32
      %dma_wait3A_81 = tpu.memref_slice %arg9[%add3A, %dma_wait3A_79, %dma_wait3A_80] : memref<32x10x64xi32, #tpu.memory_space<hbm>> -> memref<1x10x64xi32, #tpu.memory_space<hbm>>
      %dma_wait3A_82 = tpu.memref_squeeze %dma_wait3A_81 : memref<1x10x64xi32, #tpu.memory_space<hbm>> -> memref<10x64xi32, #tpu.memory_space<hbm>>
      tpu.wait_dma2 semaphore(%run_scoped3A : memref<!tpu.dma_semaphore, #tpu.memory_space<semaphore_mem>>) src(%dma_wait3A_82 : memref<10x64xi32, #tpu.memory_space<hbm>>) dst(%arg20 : memref<10x64xi32, #tpu.memory_space<vmem>>)
      tpu.yield
    }) : () -> ()
    %dma_start3A_31 = arith.constant 0 : i32
    %dma_start3A_32 = arith.constant 0 : i32
    %dma_start3A_33 = tpu.memref_slice %arg19[%dma_start3A_31, %dma_start3A_32] : memref<10x64xi32, #tpu.memory_space<vmem>> -> memref<1x64xi32, #tpu.memory_space<vmem>>
    %dma_start3A_34 = tpu.memref_squeeze %dma_start3A_33 : memref<1x64xi32, #tpu.memory_space<vmem>> -> memref<64xi32, #tpu.memory_space<vmem>>
    %dma_start3A_35 = arith.constant 0 : i32
    %dma_start3A_36 = arith.constant 0 : i32
    %dma_start3A_37 = tpu.memref_slice %arg4[%dma_start3A_35, %dma_start3A_36] : memref<1160x528xf32, #tpu.memory_space<hbm>> -> memref<1160x528xf32, #tpu.memory_space<hbm>>
    tpu.enqueue_indirect_dma source(%dma_start3A_37 : memref<1160x528xf32, #tpu.memory_space<hbm>>) target(%arg15 : memref<64x528xf32, #tpu.memory_space<vmem>>) offsets(%dma_start3A_34 : memref<64xi32, #tpu.memory_space<vmem>>) semaphore(%arg21 : memref<!tpu.dma_semaphore, #tpu.memory_space<semaphore_mem>>)
    %dma_start3A_38 = arith.constant 0 : i32
    %dma_start3A_39 = arith.constant 0 : i32
    %dma_start3A_40 = tpu.memref_slice %arg20[%dma_start3A_38, %dma_start3A_39] : memref<10x64xi32, #tpu.memory_space<vmem>> -> memref<1x64xi32, #tpu.memory_space<vmem>>
    %dma_start3A_41 = tpu.memref_squeeze %dma_start3A_40 : memref<1x64xi32, #tpu.memory_space<vmem>> -> memref<64xi32, #tpu.memory_space<vmem>>
    %dma_start3A_42 = arith.constant 0 : i32
    %dma_start3A_43 = arith.constant 0 : i32
    %dma_start3A_44 = tpu.memref_slice %arg5[%dma_start3A_42, %dma_start3A_43] : memref<1160x16xf32, #tpu.memory_space<hbm>> -> memref<1160x16xf32, #tpu.memory_space<hbm>>
    tpu.enqueue_indirect_dma source(%dma_start3A_44 : memref<1160x16xf32, #tpu.memory_space<hbm>>) target(%arg17 : memref<64x16xf32, #tpu.memory_space<vmem>>) offsets(%dma_start3A_41 : memref<64xi32, #tpu.memory_space<vmem>>) semaphore(%arg23 : memref<!tpu.dma_semaphore, #tpu.memory_space<semaphore_mem>>)
    %scan3A_45 = arith.constant 0 : i32
    %scan3A_46 = arith.constant 0 : i32
    %scan3A_47 = arith.constant 5 : i32
    %scan3A_48 = arith.addi %scan3A_46, %scan3A_47 : i32
    %scan3A_49 = arith.constant 1 : i32
    scf.for %scan3A_67 = %scan3A_46 to %scan3A_48 step %scan3A_49  : i32 {
      %mul3A_68 = arith.constant 2 : i32
      %mul3A_69 = arith.muli %scan3A_67, %mul3A_68 : i32
      %ge3A = arith.constant 1 : i32
      %ge3A_70 = arith.cmpi sge, %mul3A_69, %ge3A : i32
      %convert_element_type3A = arith.extui %ge3A_70 : i1 to i32
      %cond3A = arith.constant 0 : i32
      %cond3A_71 = arith.cmpi ne, %convert_element_type3A, %cond3A : i32
      scf.if %cond3A_71 {
        %sub3A_448 = arith.constant 1 : i32
        %sub3A_449 = arith.subi %mul3A_69, %sub3A_448 : i32
        %dma_wait3A_450 = arith.constant 0 : i32
        %dma_wait3A_451 = tpu.memref_slice %arg20[%sub3A_449, %dma_wait3A_450] : memref<10x64xi32, #tpu.memory_space<vmem>> -> memref<1x64xi32, #tpu.memory_space<vmem>>
        %dma_wait3A_452 = tpu.memref_squeeze %dma_wait3A_451 : memref<1x64xi32, #tpu.memory_space<vmem>> -> memref<64xi32, #tpu.memory_space<vmem>>
        %dma_wait3A_453 = arith.constant 0 : i32
        %dma_wait3A_454 = arith.constant 0 : i32
        %dma_wait3A_455 = tpu.memref_slice %arg14[%dma_wait3A_453, %dma_wait3A_454] : memref<896x528xf32, #tpu.memory_space<vmem_shared>> -> memref<896x528xf32, #tpu.memory_space<vmem_shared>>
        tpu.wait_indirect_dma semaphore(%arg26 : memref<!tpu.dma_semaphore, #tpu.memory_space<semaphore_mem>>) src(%arg16 : memref<64x528xf32, #tpu.memory_space<vmem>>) dst(%dma_wait3A_455 : memref<896x528xf32, #tpu.memory_space<vmem_shared>>)
      } else {
      }
      %lt3A_72 = arith.constant 9 : i32
      %lt3A_73 = arith.cmpi slt, %mul3A_69, %lt3A_72 : i32
      %convert_element_type3A_74 = arith.extui %lt3A_73 : i1 to i32
      %cond3A_75 = arith.constant 0 : i32
      %cond3A_76 = arith.cmpi ne, %convert_element_type3A_74, %cond3A_75 : i32
      scf.if %cond3A_76 {
        %add3A_448 = arith.constant 1 : i32
        %add3A_449 = arith.addi %mul3A_69, %add3A_448 : i32
        %dma_start3A_450 = arith.constant 0 : i32
        %dma_start3A_451 = tpu.memref_slice %arg19[%add3A_449, %dma_start3A_450] : memref<10x64xi32, #tpu.memory_space<vmem>> -> memref<1x64xi32, #tpu.memory_space<vmem>>
        %dma_start3A_452 = tpu.memref_squeeze %dma_start3A_451 : memref<1x64xi32, #tpu.memory_space<vmem>> -> memref<64xi32, #tpu.memory_space<vmem>>
        %dma_start3A_453 = arith.constant 0 : i32
        %dma_start3A_454 = arith.constant 0 : i32
        %dma_start3A_455 = tpu.memref_slice %arg4[%dma_start3A_453, %dma_start3A_454] : memref<1160x528xf32, #tpu.memory_space<hbm>> -> memref<1160x528xf32, #tpu.memory_space<hbm>>
        tpu.enqueue_indirect_dma source(%dma_start3A_455 : memref<1160x528xf32, #tpu.memory_space<hbm>>) target(%arg16 : memref<64x528xf32, #tpu.memory_space<vmem>>) offsets(%dma_start3A_452 : memref<64xi32, #tpu.memory_space<vmem>>) semaphore(%arg22 : memref<!tpu.dma_semaphore, #tpu.memory_space<semaphore_mem>>)
        %dma_start3A_456 = arith.constant 0 : i32
        %dma_start3A_457 = tpu.memref_slice %arg20[%add3A_449, %dma_start3A_456] : memref<10x64xi32, #tpu.memory_space<vmem>> -> memref<1x64xi32, #tpu.memory_space<vmem>>
        %dma_start3A_458 = tpu.memref_squeeze %dma_start3A_457 : memref<1x64xi32, #tpu.memory_space<vmem>> -> memref<64xi32, #tpu.memory_space<vmem>>
        %dma_start3A_459 = arith.constant 0 : i32
        %dma_start3A_460 = arith.constant 0 : i32
        %dma_start3A_461 = tpu.memref_slice %arg5[%dma_start3A_459, %dma_start3A_460] : memref<1160x16xf32, #tpu.memory_space<hbm>> -> memref<1160x16xf32, #tpu.memory_space<hbm>>
        tpu.enqueue_indirect_dma source(%dma_start3A_461 : memref<1160x16xf32, #tpu.memory_space<hbm>>) target(%arg18 : memref<64x16xf32, #tpu.memory_space<vmem>>) offsets(%dma_start3A_458 : memref<64xi32, #tpu.memory_space<vmem>>) semaphore(%arg24 : memref<!tpu.dma_semaphore, #tpu.memory_space<semaphore_mem>>)
      } else {
      }
      %dma_wait3A_77 = arith.constant 0 : i32
      %dma_wait3A_78 = tpu.memref_slice %arg19[%mul3A_69, %dma_wait3A_77] : memref<10x64xi32, #tpu.memory_space<vmem>> -> memref<1x64xi32, #tpu.memory_space<vmem>>
      %dma_wait3A_79 = tpu.memref_squeeze %dma_wait3A_78 : memref<1x64xi32, #tpu.memory_space<vmem>> -> memref<64xi32, #tpu.memory_space<vmem>>
      %dma_wait3A_80 = arith.constant 0 : i32
      %dma_wait3A_81 = arith.constant 0 : i32
      %dma_wait3A_82 = tpu.memref_slice %arg4[%dma_wait3A_80, %dma_wait3A_81] : memref<1160x528xf32, #tpu.memory_space<hbm>> -> memref<1160x528xf32, #tpu.memory_space<hbm>>
      tpu.wait_indirect_dma semaphore(%arg21 : memref<!tpu.dma_semaphore, #tpu.memory_space<semaphore_mem>>) src(%dma_wait3A_82 : memref<1160x528xf32, #tpu.memory_space<hbm>>) dst(%arg15 : memref<64x528xf32, #tpu.memory_space<vmem>>)
      %dma_wait3A_83 = arith.constant 0 : i32
      %dma_wait3A_84 = tpu.memref_slice %arg20[%mul3A_69, %dma_wait3A_83] : memref<10x64xi32, #tpu.memory_space<vmem>> -> memref<1x64xi32, #tpu.memory_space<vmem>>
      %dma_wait3A_85 = tpu.memref_squeeze %dma_wait3A_84 : memref<1x64xi32, #tpu.memory_space<vmem>> -> memref<64xi32, #tpu.memory_space<vmem>>
      %dma_wait3A_86 = arith.constant 0 : i32
      %dma_wait3A_87 = arith.constant 0 : i32
      %dma_wait3A_88 = tpu.memref_slice %arg5[%dma_wait3A_86, %dma_wait3A_87] : memref<1160x16xf32, #tpu.memory_space<hbm>> -> memref<1160x16xf32, #tpu.memory_space<hbm>>
      tpu.wait_indirect_dma semaphore(%arg23 : memref<!tpu.dma_semaphore, #tpu.memory_space<semaphore_mem>>) src(%dma_wait3A_88 : memref<1160x16xf32, #tpu.memory_space<hbm>>) dst(%arg17 : memref<64x16xf32, #tpu.memory_space<vmem>>)
      %mul3A_89 = arith.constant 640 : i32
      %mul3A_90 = arith.muli %add3A, %mul3A_89 : i32
      %mul3A_91 = arith.constant 64 : i32
      %mul3A_92 = arith.muli %mul3A_69, %mul3A_91 : i32
      %add3A_93 = arith.addi %mul3A_90, %mul3A_92 : i32
      %add3A_94 = arith.constant 0 : i32
      %add3A_95 = arith.addi %add3A_93, %add3A_94 : i32
      %add3A_96 = vector.broadcast %add3A_95 : i32 to vector<16xi32>
      %add3A_97 = arith.addi %add3A_96, %iota3A : vector<16xi32>
      %get3A = arith.index_cast %mul3A_69 : i32 to index
      %get3A_98 = arith.constant 0 : index
      %get3A_99 = tpu.vector_load %arg20[%get3A, %get3A_98] {strides = array<i32>} : memref<10x64xi32, #tpu.memory_space<vmem>>, vector<16xi32>,
      %sub3A = arith.constant 383 : i32
      %sub3A_100 = vector.broadcast %sub3A : i32 to vector<16xi32>
      %sub3A_101 = arith.subi %get3A_99, %sub3A_100 : vector<16xi32>
      %ge3A_102 = arith.constant 0 : i32
      %ge3A_103 = vector.broadcast %ge3A_102 : i32 to vector<16xi32>
      %ge3A_104 = arith.cmpi sge, %sub3A_101, %ge3A_103 : vector<16xi32>
      %lt3A_105 = arith.constant 495 : i32
      %lt3A_106 = vector.broadcast %lt3A_105 : i32 to vector<16xi32>
      %lt3A_107 = arith.cmpi slt, %sub3A_101, %lt3A_106 : vector<16xi32>
      %and3A = arith.andi %ge3A_104, %lt3A_107 : vector<16xi1>
      %add3A_108 = arith.constant 495 : i32
      %add3A_109 = vector.broadcast %add3A_108 : i32 to vector<16xi32>
      %add3A_110 = arith.addi %add3A_109, %iota3A : vector<16xi32>
      %select_n3A = arith.select %and3A, %sub3A_101, %add3A_110 : vector<16xi1>, vector<16xi32>
      %lt3A_111 = arith.constant 383 : i32
      %lt3A_112 = vector.broadcast %lt3A_111 : i32 to vector<16xi32>
      %lt3A_113 = arith.cmpi slt, %get3A_99, %lt3A_112 : vector<16xi32>
      %add3A_114 = arith.constant 511 : i32
      %add3A_115 = vector.broadcast %add3A_114 : i32 to vector<16xi32>
      %add3A_116 = arith.addi %get3A_99, %add3A_115 : vector<16xi32>
      %add3A_117 = arith.constant 495 : i32
      %add3A_118 = vector.broadcast %add3A_117 : i32 to vector<16xi32>
      %add3A_119 = arith.addi %add3A_118, %iota3A : vector<16xi32>
      %select_n3A_120 = arith.select %lt3A_113, %add3A_116, %add3A_119 : vector<16xi1>, vector<16xi32>
      %lt3A_121 = arith.constant 10000 : i32
      %lt3A_122 = vector.broadcast %lt3A_121 : i32 to vector<16xi32>
      %lt3A_123 = arith.cmpi slt, %add3A_97, %lt3A_122 : vector<16xi32>
      %select_n3A_124 = arith.select %lt3A_123, %select_n3A, %select_n3A_120 : vector<16xi1>, vector<16xi32>
      %swap3A = arith.index_cast %mul3A_69 : i32 to index
      %swap3A_125 = arith.constant 0 : index
      %swap3A_126 = tpu.vector_load %arg20[%swap3A, %swap3A_125] {strides = array<i32>} : memref<10x64xi32, #tpu.memory_space<vmem>>, vector<16xi32>,
      tpu.vector_store %arg20[%swap3A, %swap3A_125], %select_n3A_124 {strides = array<i32>} : memref<10x64xi32, #tpu.memory_space<vmem>>, vector<16xi32>,
      %add3A_127 = arith.constant 16 : i32
      %add3A_128 = arith.addi %add3A_93, %add3A_127 : i32
      %add3A_129 = vector.broadcast %add3A_128 : i32 to vector<16xi32>
      %add3A_130 = arith.addi %add3A_129, %iota3A : vector<16xi32>
      %get3A_131 = arith.index_cast %mul3A_69 : i32 to index
      %get3A_132 = arith.constant 16 : index
      %get3A_133 = tpu.vector_load %arg20[%get3A_131, %get3A_132] {strides = array<i32>} : memref<10x64xi32, #tpu.memory_space<vmem>>, vector<16xi32>,
      %sub3A_134 = arith.constant 383 : i32
      %sub3A_135 = vector.broadcast %sub3A_134 : i32 to vector<16xi32>
      %sub3A_136 = arith.subi %get3A_133, %sub3A_135 : vector<16xi32>
      %ge3A_137 = arith.constant 0 : i32
      %ge3A_138 = vector.broadcast %ge3A_137 : i32 to vector<16xi32>
      %ge3A_139 = arith.cmpi sge, %sub3A_136, %ge3A_138 : vector<16xi32>
      %lt3A_140 = arith.constant 495 : i32
      %lt3A_141 = vector.broadcast %lt3A_140 : i32 to vector<16xi32>
      %lt3A_142 = arith.cmpi slt, %sub3A_136, %lt3A_141 : vector<16xi32>
      %and3A_143 = arith.andi %ge3A_139, %lt3A_142 : vector<16xi1>
      %add3A_144 = arith.constant 495 : i32
      %add3A_145 = vector.broadcast %add3A_144 : i32 to vector<16xi32>
      %add3A_146 = arith.addi %add3A_145, %iota3A : vector<16xi32>
      %select_n3A_147 = arith.select %and3A_143, %sub3A_136, %add3A_146 : vector<16xi1>, vector<16xi32>
      %lt3A_148 = arith.constant 383 : i32
      %lt3A_149 = vector.broadcast %lt3A_148 : i32 to vector<16xi32>
      %lt3A_150 = arith.cmpi slt, %get3A_133, %lt3A_149 : vector<16xi32>
      %add3A_151 = arith.constant 511 : i32
      %add3A_152 = vector.broadcast %add3A_151 : i32 to vector<16xi32>
      %add3A_153 = arith.addi %get3A_133, %add3A_152 : vector<16xi32>
      %add3A_154 = arith.constant 495 : i32
      %add3A_155 = vector.broadcast %add3A_154 : i32 to vector<16xi32>
      %add3A_156 = arith.addi %add3A_155, %iota3A : vector<16xi32>
      %select_n3A_157 = arith.select %lt3A_150, %add3A_153, %add3A_156 : vector<16xi1>, vector<16xi32>
      %lt3A_158 = arith.constant 10000 : i32
      %lt3A_159 = vector.broadcast %lt3A_158 : i32 to vector<16xi32>
      %lt3A_160 = arith.cmpi slt, %add3A_130, %lt3A_159 : vector<16xi32>
      %select_n3A_161 = arith.select %lt3A_160, %select_n3A_147, %select_n3A_157 : vector<16xi1>, vector<16xi32>
      %swap3A_162 = arith.index_cast %mul3A_69 : i32 to index
      %swap3A_163 = arith.constant 16 : index
      %swap3A_164 = tpu.vector_load %arg20[%swap3A_162, %swap3A_163] {strides = array<i32>} : memref<10x64xi32, #tpu.memory_space<vmem>>, vector<16xi32>,
      tpu.vector_store %arg20[%swap3A_162, %swap3A_163], %select_n3A_161 {strides = array<i32>} : memref<10x64xi32, #tpu.memory_space<vmem>>, vector<16xi32>,
      %add3A_165 = arith.constant 32 : i32
      %add3A_166 = arith.addi %add3A_93, %add3A_165 : i32
      %add3A_167 = vector.broadcast %add3A_166 : i32 to vector<16xi32>
      %add3A_168 = arith.addi %add3A_167, %iota3A : vector<16xi32>
      %get3A_169 = arith.index_cast %mul3A_69 : i32 to index
      %get3A_170 = arith.constant 32 : index
      %get3A_171 = tpu.vector_load %arg20[%get3A_169, %get3A_170] {strides = array<i32>} : memref<10x64xi32, #tpu.memory_space<vmem>>, vector<16xi32>,
      %sub3A_172 = arith.constant 383 : i32
      %sub3A_173 = vector.broadcast %sub3A_172 : i32 to vector<16xi32>
      %sub3A_174 = arith.subi %get3A_171, %sub3A_173 : vector<16xi32>
      %ge3A_175 = arith.constant 0 : i32
      %ge3A_176 = vector.broadcast %ge3A_175 : i32 to vector<16xi32>
      %ge3A_177 = arith.cmpi sge, %sub3A_174, %ge3A_176 : vector<16xi32>
      %lt3A_178 = arith.constant 495 : i32
      %lt3A_179 = vector.broadcast %lt3A_178 : i32 to vector<16xi32>
      %lt3A_180 = arith.cmpi slt, %sub3A_174, %lt3A_179 : vector<16xi32>
      %and3A_181 = arith.andi %ge3A_177, %lt3A_180 : vector<16xi1>
      %add3A_182 = arith.constant 495 : i32
      %add3A_183 = vector.broadcast %add3A_182 : i32 to vector<16xi32>
      %add3A_184 = arith.addi %add3A_183, %iota3A : vector<16xi32>
      %select_n3A_185 = arith.select %and3A_181, %sub3A_174, %add3A_184 : vector<16xi1>, vector<16xi32>
      %lt3A_186 = arith.constant 383 : i32
      %lt3A_187 = vector.broadcast %lt3A_186 : i32 to vector<16xi32>
      %lt3A_188 = arith.cmpi slt, %get3A_171, %lt3A_187 : vector<16xi32>
      %add3A_189 = arith.constant 511 : i32
      %add3A_190 = vector.broadcast %add3A_189 : i32 to vector<16xi32>
      %add3A_191 = arith.addi %get3A_171, %add3A_190 : vector<16xi32>
      %add3A_192 = arith.constant 495 : i32
      %add3A_193 = vector.broadcast %add3A_192 : i32 to vector<16xi32>
      %add3A_194 = arith.addi %add3A_193, %iota3A : vector<16xi32>
      %select_n3A_195 = arith.select %lt3A_188, %add3A_191, %add3A_194 : vector<16xi1>, vector<16xi32>
      %lt3A_196 = arith.constant 10000 : i32
      %lt3A_197 = vector.broadcast %lt3A_196 : i32 to vector<16xi32>
      %lt3A_198 = arith.cmpi slt, %add3A_168, %lt3A_197 : vector<16xi32>
      %select_n3A_199 = arith.select %lt3A_198, %select_n3A_185, %select_n3A_195 : vector<16xi1>, vector<16xi32>
      %swap3A_200 = arith.index_cast %mul3A_69 : i32 to index
      %swap3A_201 = arith.constant 32 : index
      %swap3A_202 = tpu.vector_load %arg20[%swap3A_200, %swap3A_201] {strides = array<i32>} : memref<10x64xi32, #tpu.memory_space<vmem>>, vector<16xi32>,
      tpu.vector_store %arg20[%swap3A_200, %swap3A_201], %select_n3A_199 {strides = array<i32>} : memref<10x64xi32, #tpu.memory_space<vmem>>, vector<16xi32>,
      %add3A_203 = arith.constant 48 : i32
      %add3A_204 = arith.addi %add3A_93, %add3A_203 : i32
      %add3A_205 = vector.broadcast %add3A_204 : i32 to vector<16xi32>
      %add3A_206 = arith.addi %add3A_205, %iota3A : vector<16xi32>
      %get3A_207 = arith.index_cast %mul3A_69 : i32 to index
      %get3A_208 = arith.constant 48 : index
      %get3A_209 = tpu.vector_load %arg20[%get3A_207, %get3A_208] {strides = array<i32>} : memref<10x64xi32, #tpu.memory_space<vmem>>, vector<16xi32>,
      %sub3A_210 = arith.constant 383 : i32
      %sub3A_211 = vector.broadcast %sub3A_210 : i32 to vector<16xi32>
      %sub3A_212 = arith.subi %get3A_209, %sub3A_211 : vector<16xi32>
      %ge3A_213 = arith.constant 0 : i32
      %ge3A_214 = vector.broadcast %ge3A_213 : i32 to vector<16xi32>
      %ge3A_215 = arith.cmpi sge, %sub3A_212, %ge3A_214 : vector<16xi32>
      %lt3A_216 = arith.constant 495 : i32
      %lt3A_217 = vector.broadcast %lt3A_216 : i32 to vector<16xi32>
      %lt3A_218 = arith.cmpi slt, %sub3A_212, %lt3A_217 : vector<16xi32>
      %and3A_219 = arith.andi %ge3A_215, %lt3A_218 : vector<16xi1>
      %add3A_220 = arith.constant 495 : i32
      %add3A_221 = vector.broadcast %add3A_220 : i32 to vector<16xi32>
      %add3A_222 = arith.addi %add3A_221, %iota3A : vector<16xi32>
      %select_n3A_223 = arith.select %and3A_219, %sub3A_212, %add3A_222 : vector<16xi1>, vector<16xi32>
      %lt3A_224 = arith.constant 383 : i32
      %lt3A_225 = vector.broadcast %lt3A_224 : i32 to vector<16xi32>
      %lt3A_226 = arith.cmpi slt, %get3A_209, %lt3A_225 : vector<16xi32>
      %add3A_227 = arith.constant 511 : i32
      %add3A_228 = vector.broadcast %add3A_227 : i32 to vector<16xi32>
      %add3A_229 = arith.addi %get3A_209, %add3A_228 : vector<16xi32>
      %add3A_230 = arith.constant 495 : i32
      %add3A_231 = vector.broadcast %add3A_230 : i32 to vector<16xi32>
      %add3A_232 = arith.addi %add3A_231, %iota3A : vector<16xi32>
      %select_n3A_233 = arith.select %lt3A_226, %add3A_229, %add3A_232 : vector<16xi1>, vector<16xi32>
      %lt3A_234 = arith.constant 10000 : i32
      %lt3A_235 = vector.broadcast %lt3A_234 : i32 to vector<16xi32>
      %lt3A_236 = arith.cmpi slt, %add3A_206, %lt3A_235 : vector<16xi32>
      %select_n3A_237 = arith.select %lt3A_236, %select_n3A_223, %select_n3A_233 : vector<16xi1>, vector<16xi32>
      %swap3A_238 = arith.index_cast %mul3A_69 : i32 to index
      %swap3A_239 = arith.constant 48 : index
      %swap3A_240 = tpu.vector_load %arg20[%swap3A_238, %swap3A_239] {strides = array<i32>} : memref<10x64xi32, #tpu.memory_space<vmem>>, vector<16xi32>,
      tpu.vector_store %arg20[%swap3A_238, %swap3A_239], %select_n3A_237 {strides = array<i32>} : memref<10x64xi32, #tpu.memory_space<vmem>>, vector<16xi32>,
      %scan3A_241 = arith.constant 0 : i32
      %scan3A_242 = arith.constant 0 : i32
      %scan3A_243 = arith.constant 64 : i32
      %scan3A_244 = arith.addi %scan3A_242, %scan3A_243 : i32
      %scan3A_245 = arith.constant 1 : i32
      scf.for %scan3A_448 = %scan3A_242 to %scan3A_244 step %scan3A_245  : i32 {
        %get3A_449 = arith.index_cast %scan3A_448 : i32 to index
        %get3A_450 = arith.constant 512 : index
        %get3A_451 = tpu.vector_load %arg15[%get3A_449, %get3A_450] {strides = array<i32>} : memref<64x528xf32, #tpu.memory_space<vmem>>, vector<16xf32>,
        %get3A_452 = arith.index_cast %scan3A_448 : i32 to index
        %get3A_453 = arith.constant 0 : index
        %get3A_454 = tpu.vector_load %arg17[%get3A_452, %get3A_453] {strides = array<i32>} : memref<64x16xf32, #tpu.memory_space<vmem>>, vector<16xf32>,
        %add3A_455 = arith.addf %get3A_451, %get3A_454 : vector<16xf32>
        %ge3A_456 = arith.constant 0.000000e+00 : f32
        %ge3A_457 = vector.broadcast %ge3A_456 : f32 to vector<16xf32>
        %ge3A_458 = arith.cmpf oge, %add3A_455, %ge3A_457 : vector<16xf32>
        %mul3A_459 = arith.constant 2.000000e-01 : f32
        %mul3A_460 = vector.broadcast %mul3A_459 : f32 to vector<16xf32>
        %mul3A_461 = arith.mulf %mul3A_460, %add3A_455 : vector<16xf32>
        %select_n3A_462 = arith.select %ge3A_458, %add3A_455, %mul3A_461 : vector<16xi1>, vector<16xf32>
        %exp3A = math.exp %select_n3A_462 : vector<16xf32>
        %jit3A = arith.constant 0.000000e+00 : f32
        %broadcast_in_dim3A = vector.broadcast %jit3A : f32 to vector<16xf32>
        %select_n3A_463 = arith.select %lt3A_6, %exp3A, %broadcast_in_dim3A : vector<16xi1>, vector<16xf32>
        %broadcast_in_dim3A_464 = arith.constant 0 : i32
        %broadcast_in_dim3A_465 = vector.broadcast %broadcast_in_dim3A_464 : i32 to vector<16x1xi32>
        %gather3A = vector.shape_cast %broadcast_in_dim3A_465 : vector<16x1xi32> to vector<16xi32>
        %gather3A_466 = tpu.dynamic_gather %exp3A[%gather3A] in [0] : vector<16xf32>, vector<16xi32> -> vector<16xf32>
        %get3A_467 = arith.index_cast %scan3A_448 : i32 to index
        %get3A_468 = arith.constant 0 : index
        %get3A_469 = tpu.vector_load %arg15[%get3A_467, %get3A_468] {strides = array<i32>} : memref<64x528xf32, #tpu.memory_space<vmem>>, vector<16xf32>,
        %mul3A_470 = arith.mulf %get3A_469, %gather3A_466 : vector<16xf32>
        %swap3A_471 = arith.index_cast %scan3A_448 : i32 to index
        %swap3A_472 = arith.constant 0 : index
        %swap3A_473 = tpu.vector_load %arg15[%swap3A_471, %swap3A_472] {strides = array<i32>} : memref<64x528xf32, #tpu.memory_space<vmem>>, vector<16xf32>,
        tpu.vector_store %arg15[%swap3A_471, %swap3A_472], %mul3A_470 {strides = array<i32>} : memref<64x528xf32, #tpu.memory_space<vmem>>, vector<16xf32>,
        %get3A_474 = arith.index_cast %scan3A_448 : i32 to index
        %get3A_475 = arith.constant 16 : index
        %get3A_476 = tpu.vector_load %arg15[%get3A_474, %get3A_475] {strides = array<i32>} : memref<64x528xf32, #tpu.memory_space<vmem>>, vector<16xf32>,
        %mul3A_477 = arith.mulf %get3A_476, %gather3A_466 : vector<16xf32>
        %swap3A_478 = arith.index_cast %scan3A_448 : i32 to index
        %swap3A_479 = arith.constant 16 : index
        %swap3A_480 = tpu.vector_load %arg15[%swap3A_478, %swap3A_479] {strides = array<i32>} : memref<64x528xf32, #tpu.memory_space<vmem>>, vector<16xf32>,
        tpu.vector_store %arg15[%swap3A_478, %swap3A_479], %mul3A_477 {strides = array<i32>} : memref<64x528xf32, #tpu.memory_space<vmem>>, vector<16xf32>,
        %get3A_481 = arith.index_cast %scan3A_448 : i32 to index
        %get3A_482 = arith.constant 32 : index
        %get3A_483 = tpu.vector_load %arg15[%get3A_481, %get3A_482] {strides = array<i32>} : memref<64x528xf32, #tpu.memory_space<vmem>>, vector<16xf32>,
        %mul3A_484 = arith.mulf %get3A_483, %gather3A_466 : vector<16xf32>
        %swap3A_485 = arith.index_cast %scan3A_448 : i32 to index
        %swap3A_486 = arith.constant 32 : index
        %swap3A_487 = tpu.vector_load %arg15[%swap3A_485, %swap3A_486] {strides = array<i32>} : memref<64x528xf32, #tpu.memory_space<vmem>>, vector<16xf32>,
        tpu.vector_store %arg15[%swap3A_485, %swap3A_486], %mul3A_484 {strides = array<i32>} : memref<64x528xf32, #tpu.memory_space<vmem>>, vector<16xf32>,
        %get3A_488 = arith.index_cast %scan3A_448 : i32 to index
        %get3A_489 = arith.constant 48 : index
        %get3A_490 = tpu.vector_load %arg15[%get3A_488, %get3A_489] {strides = array<i32>} : memref<64x528xf32, #tpu.memory_space<vmem>>, vector<16xf32>,
        %mul3A_491 = arith.mulf %get3A_490, %gather3A_466 : vector<16xf32>
        %swap3A_492 = arith.index_cast %scan3A_448 : i32 to index
        %swap3A_493 = arith.constant 48 : index
        %swap3A_494 = tpu.vector_load %arg15[%swap3A_492, %swap3A_493] {strides = array<i32>} : memref<64x528xf32, #tpu.memory_space<vmem>>, vector<16xf32>,
        tpu.vector_store %arg15[%swap3A_492, %swap3A_493], %mul3A_491 {strides = array<i32>} : memref<64x528xf32, #tpu.memory_space<vmem>>, vector<16xf32>,
        %broadcast_in_dim3A_495 = arith.constant 1 : i32
        %broadcast_in_dim3A_496 = vector.broadcast %broadcast_in_dim3A_495 : i32 to vector<16x1xi32>
        %gather3A_497 = vector.shape_cast %broadcast_in_dim3A_496 : vector<16x1xi32> to vector<16xi32>
        %gather3A_498 = tpu.dynamic_gather %exp3A[%gather3A_497] in [0] : vector<16xf32>, vector<16xi32> -> vector<16xf32>
        %get3A_499 = arith.index_cast %scan3A_448 : i32 to index
        %get3A_500 = arith.constant 64 : index
        %get3A_501 = tpu.vector_load %arg15[%get3A_499, %get3A_500] {strides = array<i32>} : memref<64x528xf32, #tpu.memory_space<vmem>>, vector<16xf32>,
        %mul3A_502 = arith.mulf %get3A_501, %gather3A_498 : vector<16xf32>
        %swap3A_503 = arith.index_cast %scan3A_448 : i32 to index
        %swap3A_504 = arith.constant 64 : index
        %swap3A_505 = tpu.vector_load %arg15[%swap3A_503, %swap3A_504] {strides = array<i32>} : memref<64x528xf32, #tpu.memory_space<vmem>>, vector<16xf32>,
        tpu.vector_store %arg15[%swap3A_503, %swap3A_504], %mul3A_502 {strides = array<i32>} : memref<64x528xf32, #tpu.memory_space<vmem>>, vector<16xf32>,
        %get3A_506 = arith.index_cast %scan3A_448 : i32 to index
        %get3A_507 = arith.constant 80 : index
        %get3A_508 = tpu.vector_load %arg15[%get3A_506, %get3A_507] {strides = array<i32>} : memref<64x528xf32, #tpu.memory_space<vmem>>, vector<16xf32>,
        %mul3A_509 = arith.mulf %get3A_508, %gather3A_498 : vector<16xf32>
        %swap3A_510 = arith.index_cast %scan3A_448 : i32 to index
        %swap3A_511 = arith.constant 80 : index
        %swap3A_512 = tpu.vector_load %arg15[%swap3A_510, %swap3A_511] {strides = array<i32>} : memref<64x528xf32, #tpu.memory_space<vmem>>, vector<16xf32>,
        tpu.vector_store %arg15[%swap3A_510, %swap3A_511], %mul3A_509 {strides = array<i32>} : memref<64x528xf32, #tpu.memory_space<vmem>>, vector<16xf32>,
        %get3A_513 = arith.index_cast %scan3A_448 : i32 to index
        %get3A_514 = arith.constant 96 : index
        %get3A_515 = tpu.vector_load %arg15[%get3A_513, %get3A_514] {strides = array<i32>} : memref<64x528xf32, #tpu.memory_space<vmem>>, vector<16xf32>,
        %mul3A_516 = arith.mulf %get3A_515, %gather3A_498 : vector<16xf32>
        %swap3A_517 = arith.index_cast %scan3A_448 : i32 to index
        %swap3A_518 = arith.constant 96 : index
        %swap3A_519 = tpu.vector_load %arg15[%swap3A_517, %swap3A_518] {strides = array<i32>} : memref<64x528xf32, #tpu.memory_space<vmem>>, vector<16xf32>,
        tpu.vector_store %arg15[%swap3A_517, %swap3A_518], %mul3A_516 {strides = array<i32>} : memref<64x528xf32, #tpu.memory_space<vmem>>, vector<16xf32>,
        %get3A_520 = arith.index_cast %scan3A_448 : i32 to index
        %get3A_521 = arith.constant 112 : index
        %get3A_522 = tpu.vector_load %arg15[%get3A_520, %get3A_521] {strides = array<i32>} : memref<64x528xf32, #tpu.memory_space<vmem>>, vector<16xf32>,
        %mul3A_523 = arith.mulf %get3A_522, %gather3A_498 : vector<16xf32>
        %swap3A_524 = arith.index_cast %scan3A_448 : i32 to index
        %swap3A_525 = arith.constant 112 : index
        %swap3A_526 = tpu.vector_load %arg15[%swap3A_524, %swap3A_525] {strides = array<i32>} : memref<64x528xf32, #tpu.memory_space<vmem>>, vector<16xf32>,
        tpu.vector_store %arg15[%swap3A_524, %swap3A_525], %mul3A_523 {strides = array<i32>} : memref<64x528xf32, #tpu.memory_space<vmem>>, vector<16xf32>,
        %broadcast_in_dim3A_527 = arith.constant 2 : i32
        %broadcast_in_dim3A_528 = vector.broadcast %broadcast_in_dim3A_527 : i32 to vector<16x1xi32>
        %gather3A_529 = vector.shape_cast %broadcast_in_dim3A_528 : vector<16x1xi32> to vector<16xi32>
        %gather3A_530 = tpu.dynamic_gather %exp3A[%gather3A_529] in [0] : vector<16xf32>, vector<16xi32> -> vector<16xf32>
        %get3A_531 = arith.index_cast %scan3A_448 : i32 to index
        %get3A_532 = arith.constant 128 : index
        %get3A_533 = tpu.vector_load %arg15[%get3A_531, %get3A_532] {strides = array<i32>} : memref<64x528xf32, #tpu.memory_space<vmem>>, vector<16xf32>,
        %mul3A_534 = arith.mulf %get3A_533, %gather3A_530 : vector<16xf32>
        %swap3A_535 = arith.index_cast %scan3A_448 : i32 to index
        %swap3A_536 = arith.constant 128 : index
        %swap3A_537 = tpu.vector_load %arg15[%swap3A_535, %swap3A_536] {strides = array<i32>} : memref<64x528xf32, #tpu.memory_space<vmem>>, vector<16xf32>,
        tpu.vector_store %arg15[%swap3A_535, %swap3A_536], %mul3A_534 {strides = array<i32>} : memref<64x528xf32, #tpu.memory_space<vmem>>, vector<16xf32>,
        %get3A_538 = arith.index_cast %scan3A_448 : i32 to index
        %get3A_539 = arith.constant 144 : index
        %get3A_540 = tpu.vector_load %arg15[%get3A_538, %get3A_539] {strides = array<i32>} : memref<64x528xf32, #tpu.memory_space<vmem>>, vector<16xf32>,
        %mul3A_541 = arith.mulf %get3A_540, %gather3A_530 : vector<16xf32>
        %swap3A_542 = arith.index_cast %scan3A_448 : i32 to index
        %swap3A_543 = arith.constant 144 : index
        %swap3A_544 = tpu.vector_load %arg15[%swap3A_542, %swap3A_543] {strides = array<i32>} : memref<64x528xf32, #tpu.memory_space<vmem>>, vector<16xf32>,
        tpu.vector_store %arg15[%swap3A_542, %swap3A_543], %mul3A_541 {strides = array<i32>} : memref<64x528xf32, #tpu.memory_space<vmem>>, vector<16xf32>,
        %get3A_545 = arith.index_cast %scan3A_448 : i32 to index
        %get3A_546 = arith.constant 160 : index
        %get3A_547 = tpu.vector_load %arg15[%get3A_545, %get3A_546] {strides = array<i32>} : memref<64x528xf32, #tpu.memory_space<vmem>>, vector<16xf32>,
        %mul3A_548 = arith.mulf %get3A_547, %gather3A_530 : vector<16xf32>
        %swap3A_549 = arith.index_cast %scan3A_448 : i32 to index
        %swap3A_550 = arith.constant 160 : index
        %swap3A_551 = tpu.vector_load %arg15[%swap3A_549, %swap3A_550] {strides = array<i32>} : memref<64x528xf32, #tpu.memory_space<vmem>>, vector<16xf32>,
        tpu.vector_store %arg15[%swap3A_549, %swap3A_550], %mul3A_548 {strides = array<i32>} : memref<64x528xf32, #tpu.memory_space<vmem>>, vector<16xf32>,
        %get3A_552 = arith.index_cast %scan3A_448 : i32 to index
        %get3A_553 = arith.constant 176 : index
        %get3A_554 = tpu.vector_load %arg15[%get3A_552, %get3A_553] {strides = array<i32>} : memref<64x528xf32, #tpu.memory_space<vmem>>, vector<16xf32>,
        %mul3A_555 = arith.mulf %get3A_554, %gather3A_530 : vector<16xf32>
        %swap3A_556 = arith.index_cast %scan3A_448 : i32 to index
        %swap3A_557 = arith.constant 176 : index
        %swap3A_558 = tpu.vector_load %arg15[%swap3A_556, %swap3A_557] {strides = array<i32>} : memref<64x528xf32, #tpu.memory_space<vmem>>, vector<16xf32>,
        tpu.vector_store %arg15[%swap3A_556, %swap3A_557], %mul3A_555 {strides = array<i32>} : memref<64x528xf32, #tpu.memory_space<vmem>>, vector<16xf32>,
        %broadcast_in_dim3A_559 = arith.constant 3 : i32
        %broadcast_in_dim3A_560 = vector.broadcast %broadcast_in_dim3A_559 : i32 to vector<16x1xi32>
        %gather3A_561 = vector.shape_cast %broadcast_in_dim3A_560 : vector<16x1xi32> to vector<16xi32>
        %gather3A_562 = tpu.dynamic_gather %exp3A[%gather3A_561] in [0] : vector<16xf32>, vector<16xi32> -> vector<16xf32>
        %get3A_563 = arith.index_cast %scan3A_448 : i32 to index
        %get3A_564 = arith.constant 192 : index
        %get3A_565 = tpu.vector_load %arg15[%get3A_563, %get3A_564] {strides = array<i32>} : memref<64x528xf32, #tpu.memory_space<vmem>>, vector<16xf32>,
        %mul3A_566 = arith.mulf %get3A_565, %gather3A_562 : vector<16xf32>
        %swap3A_567 = arith.index_cast %scan3A_448 : i32 to index
        %swap3A_568 = arith.constant 192 : index
        %swap3A_569 = tpu.vector_load %arg15[%swap3A_567, %swap3A_568] {strides = array<i32>} : memref<64x528xf32, #tpu.memory_space<vmem>>, vector<16xf32>,
        tpu.vector_store %arg15[%swap3A_567, %swap3A_568], %mul3A_566 {strides = array<i32>} : memref<64x528xf32, #tpu.memory_space<vmem>>, vector<16xf32>,
        %get3A_570 = arith.index_cast %scan3A_448 : i32 to index
        %get3A_571 = arith.constant 208 : index
        %get3A_572 = tpu.vector_load %arg15[%get3A_570, %get3A_571] {strides = array<i32>} : memref<64x528xf32, #tpu.memory_space<vmem>>, vector<16xf32>,
        %mul3A_573 = arith.mulf %get3A_572, %gather3A_562 : vector<16xf32>
        %swap3A_574 = arith.index_cast %scan3A_448 : i32 to index
        %swap3A_575 = arith.constant 208 : index
        %swap3A_576 = tpu.vector_load %arg15[%swap3A_574, %swap3A_575] {strides = array<i32>} : memref<64x528xf32, #tpu.memory_space<vmem>>, vector<16xf32>,
        tpu.vector_store %arg15[%swap3A_574, %swap3A_575], %mul3A_573 {strides = array<i32>} : memref<64x528xf32, #tpu.memory_space<vmem>>, vector<16xf32>,
        %get3A_577 = arith.index_cast %scan3A_448 : i32 to index
        %get3A_578 = arith.constant 224 : index
        %get3A_579 = tpu.vector_load %arg15[%get3A_577, %get3A_578] {strides = array<i32>} : memref<64x528xf32, #tpu.memory_space<vmem>>, vector<16xf32>,
        %mul3A_580 = arith.mulf %get3A_579, %gather3A_562 : vector<16xf32>
        %swap3A_581 = arith.index_cast %scan3A_448 : i32 to index
        %swap3A_582 = arith.constant 224 : index
        %swap3A_583 = tpu.vector_load %arg15[%swap3A_581, %swap3A_582] {strides = array<i32>} : memref<64x528xf32, #tpu.memory_space<vmem>>, vector<16xf32>,
        tpu.vector_store %arg15[%swap3A_581, %swap3A_582], %mul3A_580 {strides = array<i32>} : memref<64x528xf32, #tpu.memory_space<vmem>>, vector<16xf32>,
        %get3A_584 = arith.index_cast %scan3A_448 : i32 to index
        %get3A_585 = arith.constant 240 : index
        %get3A_586 = tpu.vector_load %arg15[%get3A_584, %get3A_585] {strides = array<i32>} : memref<64x528xf32, #tpu.memory_space<vmem>>, vector<16xf32>,
        %mul3A_587 = arith.mulf %get3A_586, %gather3A_562 : vector<16xf32>
        %swap3A_588 = arith.index_cast %scan3A_448 : i32 to index
        %swap3A_589 = arith.constant 240 : index
        %swap3A_590 = tpu.vector_load %arg15[%swap3A_588, %swap3A_589] {strides = array<i32>} : memref<64x528xf32, #tpu.memory_space<vmem>>, vector<16xf32>,
        tpu.vector_store %arg15[%swap3A_588, %swap3A_589], %mul3A_587 {strides = array<i32>} : memref<64x528xf32, #tpu.memory_space<vmem>>, vector<16xf32>,
        %broadcast_in_dim3A_591 = arith.constant 4 : i32
        %broadcast_in_dim3A_592 = vector.broadcast %broadcast_in_dim3A_591 : i32 to vector<16x1xi32>
        %gather3A_593 = vector.shape_cast %broadcast_in_dim3A_592 : vector<16x1xi32> to vector<16xi32>
        %gather3A_594 = tpu.dynamic_gather %exp3A[%gather3A_593] in [0] : vector<16xf32>, vector<16xi32> -> vector<16xf32>
        %get3A_595 = arith.index_cast %scan3A_448 : i32 to index
        %get3A_596 = arith.constant 256 : index
        %get3A_597 = tpu.vector_load %arg15[%get3A_595, %get3A_596] {strides = array<i32>} : memref<64x528xf32, #tpu.memory_space<vmem>>, vector<16xf32>,
        %mul3A_598 = arith.mulf %get3A_597, %gather3A_594 : vector<16xf32>
        %swap3A_599 = arith.index_cast %scan3A_448 : i32 to index
        %swap3A_600 = arith.constant 256 : index
        %swap3A_601 = tpu.vector_load %arg15[%swap3A_599, %swap3A_600] {strides = array<i32>} : memref<64x528xf32, #tpu.memory_space<vmem>>, vector<16xf32>,
        tpu.vector_store %arg15[%swap3A_599, %swap3A_600], %mul3A_598 {strides = array<i32>} : memref<64x528xf32, #tpu.memory_space<vmem>>, vector<16xf32>,
        %get3A_602 = arith.index_cast %scan3A_448 : i32 to index
        %get3A_603 = arith.constant 272 : index
        %get3A_604 = tpu.vector_load %arg15[%get3A_602, %get3A_603] {strides = array<i32>} : memref<64x528xf32, #tpu.memory_space<vmem>>, vector<16xf32>,
        %mul3A_605 = arith.mulf %get3A_604, %gather3A_594 : vector<16xf32>
        %swap3A_606 = arith.index_cast %scan3A_448 : i32 to index
        %swap3A_607 = arith.constant 272 : index
        %swap3A_608 = tpu.vector_load %arg15[%swap3A_606, %swap3A_607] {strides = array<i32>} : memref<64x528xf32, #tpu.memory_space<vmem>>, vector<16xf32>,
        tpu.vector_store %arg15[%swap3A_606, %swap3A_607], %mul3A_605 {strides = array<i32>} : memref<64x528xf32, #tpu.memory_space<vmem>>, vector<16xf32>,
        %get3A_609 = arith.index_cast %scan3A_448 : i32 to index
        %get3A_610 = arith.constant 288 : index
        %get3A_611 = tpu.vector_load %arg15[%get3A_609, %get3A_610] {strides = array<i32>} : memref<64x528xf32, #tpu.memory_space<vmem>>, vector<16xf32>,
        %mul3A_612 = arith.mulf %get3A_611, %gather3A_594 : vector<16xf32>
        %swap3A_613 = arith.index_cast %scan3A_448 : i32 to index
        %swap3A_614 = arith.constant 288 : index
        %swap3A_615 = tpu.vector_load %arg15[%swap3A_613, %swap3A_614] {strides = array<i32>} : memref<64x528xf32, #tpu.memory_space<vmem>>, vector<16xf32>,
        tpu.vector_store %arg15[%swap3A_613, %swap3A_614], %mul3A_612 {strides = array<i32>} : memref<64x528xf32, #tpu.memory_space<vmem>>, vector<16xf32>,
        %get3A_616 = arith.index_cast %scan3A_448 : i32 to index
        %get3A_617 = arith.constant 304 : index
        %get3A_618 = tpu.vector_load %arg15[%get3A_616, %get3A_617] {strides = array<i32>} : memref<64x528xf32, #tpu.memory_space<vmem>>, vector<16xf32>,
        %mul3A_619 = arith.mulf %get3A_618, %gather3A_594 : vector<16xf32>
        %swap3A_620 = arith.index_cast %scan3A_448 : i32 to index
        %swap3A_621 = arith.constant 304 : index
        %swap3A_622 = tpu.vector_load %arg15[%swap3A_620, %swap3A_621] {strides = array<i32>} : memref<64x528xf32, #tpu.memory_space<vmem>>, vector<16xf32>,
        tpu.vector_store %arg15[%swap3A_620, %swap3A_621], %mul3A_619 {strides = array<i32>} : memref<64x528xf32, #tpu.memory_space<vmem>>, vector<16xf32>,
        %broadcast_in_dim3A_623 = arith.constant 5 : i32
        %broadcast_in_dim3A_624 = vector.broadcast %broadcast_in_dim3A_623 : i32 to vector<16x1xi32>
        %gather3A_625 = vector.shape_cast %broadcast_in_dim3A_624 : vector<16x1xi32> to vector<16xi32>
        %gather3A_626 = tpu.dynamic_gather %exp3A[%gather3A_625] in [0] : vector<16xf32>, vector<16xi32> -> vector<16xf32>
        %get3A_627 = arith.index_cast %scan3A_448 : i32 to index
        %get3A_628 = arith.constant 320 : index
        %get3A_629 = tpu.vector_load %arg15[%get3A_627, %get3A_628] {strides = array<i32>} : memref<64x528xf32, #tpu.memory_space<vmem>>, vector<16xf32>,
        %mul3A_630 = arith.mulf %get3A_629, %gather3A_626 : vector<16xf32>
        %swap3A_631 = arith.index_cast %scan3A_448 : i32 to index
        %swap3A_632 = arith.constant 320 : index
        %swap3A_633 = tpu.vector_load %arg15[%swap3A_631, %swap3A_632] {strides = array<i32>} : memref<64x528xf32, #tpu.memory_space<vmem>>, vector<16xf32>,
        tpu.vector_store %arg15[%swap3A_631, %swap3A_632], %mul3A_630 {strides = array<i32>} : memref<64x528xf32, #tpu.memory_space<vmem>>, vector<16xf32>,
        %get3A_634 = arith.index_cast %scan3A_448 : i32 to index
        %get3A_635 = arith.constant 336 : index
        %get3A_636 = tpu.vector_load %arg15[%get3A_634, %get3A_635] {strides = array<i32>} : memref<64x528xf32, #tpu.memory_space<vmem>>, vector<16xf32>,
        %mul3A_637 = arith.mulf %get3A_636, %gather3A_626 : vector<16xf32>
        %swap3A_638 = arith.index_cast %scan3A_448 : i32 to index
        %swap3A_639 = arith.constant 336 : index
        %swap3A_640 = tpu.vector_load %arg15[%swap3A_638, %swap3A_639] {strides = array<i32>} : memref<64x528xf32, #tpu.memory_space<vmem>>, vector<16xf32>,
        tpu.vector_store %arg15[%swap3A_638, %swap3A_639], %mul3A_637 {strides = array<i32>} : memref<64x528xf32, #tpu.memory_space<vmem>>, vector<16xf32>,
        %get3A_641 = arith.index_cast %scan3A_448 : i32 to index
        %get3A_642 = arith.constant 352 : index
        %get3A_643 = tpu.vector_load %arg15[%get3A_641, %get3A_642] {strides = array<i32>} : memref<64x528xf32, #tpu.memory_space<vmem>>, vector<16xf32>,
        %mul3A_644 = arith.mulf %get3A_643, %gather3A_626 : vector<16xf32>
        %swap3A_645 = arith.index_cast %scan3A_448 : i32 to index
        %swap3A_646 = arith.constant 352 : index
        %swap3A_647 = tpu.vector_load %arg15[%swap3A_645, %swap3A_646] {strides = array<i32>} : memref<64x528xf32, #tpu.memory_space<vmem>>, vector<16xf32>,
        tpu.vector_store %arg15[%swap3A_645, %swap3A_646], %mul3A_644 {strides = array<i32>} : memref<64x528xf32, #tpu.memory_space<vmem>>, vector<16xf32>,
        %get3A_648 = arith.index_cast %scan3A_448 : i32 to index
        %get3A_649 = arith.constant 368 : index
        %get3A_650 = tpu.vector_load %arg15[%get3A_648, %get3A_649] {strides = array<i32>} : memref<64x528xf32, #tpu.memory_space<vmem>>, vector<16xf32>,
        %mul3A_651 = arith.mulf %get3A_650, %gather3A_626 : vector<16xf32>
        %swap3A_652 = arith.index_cast %scan3A_448 : i32 to index
        %swap3A_653 = arith.constant 368 : index
        %swap3A_654 = tpu.vector_load %arg15[%swap3A_652, %swap3A_653] {strides = array<i32>} : memref<64x528xf32, #tpu.memory_space<vmem>>, vector<16xf32>,
        tpu.vector_store %arg15[%swap3A_652, %swap3A_653], %mul3A_651 {strides = array<i32>} : memref<64x528xf32, #tpu.memory_space<vmem>>, vector<16xf32>,
        %broadcast_in_dim3A_655 = arith.constant 6 : i32
        %broadcast_in_dim3A_656 = vector.broadcast %broadcast_in_dim3A_655 : i32 to vector<16x1xi32>
        %gather3A_657 = vector.shape_cast %broadcast_in_dim3A_656 : vector<16x1xi32> to vector<16xi32>
        %gather3A_658 = tpu.dynamic_gather %exp3A[%gather3A_657] in [0] : vector<16xf32>, vector<16xi32> -> vector<16xf32>
        %get3A_659 = arith.index_cast %scan3A_448 : i32 to index
        %get3A_660 = arith.constant 384 : index
        %get3A_661 = tpu.vector_load %arg15[%get3A_659, %get3A_660] {strides = array<i32>} : memref<64x528xf32, #tpu.memory_space<vmem>>, vector<16xf32>,
        %mul3A_662 = arith.mulf %get3A_661, %gather3A_658 : vector<16xf32>
        %swap3A_663 = arith.index_cast %scan3A_448 : i32 to index
        %swap3A_664 = arith.constant 384 : index
        %swap3A_665 = tpu.vector_load %arg15[%swap3A_663, %swap3A_664] {strides = array<i32>} : memref<64x528xf32, #tpu.memory_space<vmem>>, vector<16xf32>,
        tpu.vector_store %arg15[%swap3A_663, %swap3A_664], %mul3A_662 {strides = array<i32>} : memref<64x528xf32, #tpu.memory_space<vmem>>, vector<16xf32>,
        %get3A_666 = arith.index_cast %scan3A_448 : i32 to index
        %get3A_667 = arith.constant 400 : index
        %get3A_668 = tpu.vector_load %arg15[%get3A_666, %get3A_667] {strides = array<i32>} : memref<64x528xf32, #tpu.memory_space<vmem>>, vector<16xf32>,
        %mul3A_669 = arith.mulf %get3A_668, %gather3A_658 : vector<16xf32>
        %swap3A_670 = arith.index_cast %scan3A_448 : i32 to index
        %swap3A_671 = arith.constant 400 : index
        %swap3A_672 = tpu.vector_load %arg15[%swap3A_670, %swap3A_671] {strides = array<i32>} : memref<64x528xf32, #tpu.memory_space<vmem>>, vector<16xf32>,
        tpu.vector_store %arg15[%swap3A_670, %swap3A_671], %mul3A_669 {strides = array<i32>} : memref<64x528xf32, #tpu.memory_space<vmem>>, vector<16xf32>,
        %get3A_673 = arith.index_cast %scan3A_448 : i32 to index
        %get3A_674 = arith.constant 416 : index
        %get3A_675 = tpu.vector_load %arg15[%get3A_673, %get3A_674] {strides = array<i32>} : memref<64x528xf32, #tpu.memory_space<vmem>>, vector<16xf32>,
        %mul3A_676 = arith.mulf %get3A_675, %gather3A_658 : vector<16xf32>
        %swap3A_677 = arith.index_cast %scan3A_448 : i32 to index
        %swap3A_678 = arith.constant 416 : index
        %swap3A_679 = tpu.vector_load %arg15[%swap3A_677, %swap3A_678] {strides = array<i32>} : memref<64x528xf32, #tpu.memory_space<vmem>>, vector<16xf32>,
        tpu.vector_store %arg15[%swap3A_677, %swap3A_678], %mul3A_676 {strides = array<i32>} : memref<64x528xf32, #tpu.memory_space<vmem>>, vector<16xf32>,
        %get3A_680 = arith.index_cast %scan3A_448 : i32 to index
        %get3A_681 = arith.constant 432 : index
        %get3A_682 = tpu.vector_load %arg15[%get3A_680, %get3A_681] {strides = array<i32>} : memref<64x528xf32, #tpu.memory_space<vmem>>, vector<16xf32>,
        %mul3A_683 = arith.mulf %get3A_682, %gather3A_658 : vector<16xf32>
        %swap3A_684 = arith.index_cast %scan3A_448 : i32 to index
        %swap3A_685 = arith.constant 432 : index
        %swap3A_686 = tpu.vector_load %arg15[%swap3A_684, %swap3A_685] {strides = array<i32>} : memref<64x528xf32, #tpu.memory_space<vmem>>, vector<16xf32>,
        tpu.vector_store %arg15[%swap3A_684, %swap3A_685], %mul3A_683 {strides = array<i32>} : memref<64x528xf32, #tpu.memory_space<vmem>>, vector<16xf32>,
        %broadcast_in_dim3A_687 = arith.constant 7 : i32
        %broadcast_in_dim3A_688 = vector.broadcast %broadcast_in_dim3A_687 : i32 to vector<16x1xi32>
        %gather3A_689 = vector.shape_cast %broadcast_in_dim3A_688 : vector<16x1xi32> to vector<16xi32>
        %gather3A_690 = tpu.dynamic_gather %exp3A[%gather3A_689] in [0] : vector<16xf32>, vector<16xi32> -> vector<16xf32>
        %get3A_691 = arith.index_cast %scan3A_448 : i32 to index
        %get3A_692 = arith.constant 448 : index
        %get3A_693 = tpu.vector_load %arg15[%get3A_691, %get3A_692] {strides = array<i32>} : memref<64x528xf32, #tpu.memory_space<vmem>>, vector<16xf32>,
        %mul3A_694 = arith.mulf %get3A_693, %gather3A_690 : vector<16xf32>
        %swap3A_695 = arith.index_cast %scan3A_448 : i32 to index
        %swap3A_696 = arith.constant 448 : index
        %swap3A_697 = tpu.vector_load %arg15[%swap3A_695, %swap3A_696] {strides = array<i32>} : memref<64x528xf32, #tpu.memory_space<vmem>>, vector<16xf32>,
        tpu.vector_store %arg15[%swap3A_695, %swap3A_696], %mul3A_694 {strides = array<i32>} : memref<64x528xf32, #tpu.memory_space<vmem>>, vector<16xf32>,
        %get3A_698 = arith.index_cast %scan3A_448 : i32 to index
        %get3A_699 = arith.constant 464 : index
        %get3A_700 = tpu.vector_load %arg15[%get3A_698, %get3A_699] {strides = array<i32>} : memref<64x528xf32, #tpu.memory_space<vmem>>, vector<16xf32>,
        %mul3A_701 = arith.mulf %get3A_700, %gather3A_690 : vector<16xf32>
        %swap3A_702 = arith.index_cast %scan3A_448 : i32 to index
        %swap3A_703 = arith.constant 464 : index
        %swap3A_704 = tpu.vector_load %arg15[%swap3A_702, %swap3A_703] {strides = array<i32>} : memref<64x528xf32, #tpu.memory_space<vmem>>, vector<16xf32>,
        tpu.vector_store %arg15[%swap3A_702, %swap3A_703], %mul3A_701 {strides = array<i32>} : memref<64x528xf32, #tpu.memory_space<vmem>>, vector<16xf32>,
        %get3A_705 = arith.index_cast %scan3A_448 : i32 to index
        %get3A_706 = arith.constant 480 : index
        %get3A_707 = tpu.vector_load %arg15[%get3A_705, %get3A_706] {strides = array<i32>} : memref<64x528xf32, #tpu.memory_space<vmem>>, vector<16xf32>,
        %mul3A_708 = arith.mulf %get3A_707, %gather3A_690 : vector<16xf32>
        %swap3A_709 = arith.index_cast %scan3A_448 : i32 to index
        %swap3A_710 = arith.constant 480 : index
        %swap3A_711 = tpu.vector_load %arg15[%swap3A_709, %swap3A_710] {strides = array<i32>} : memref<64x528xf32, #tpu.memory_space<vmem>>, vector<16xf32>,
        tpu.vector_store %arg15[%swap3A_709, %swap3A_710], %mul3A_708 {strides = array<i32>} : memref<64x528xf32, #tpu.memory_space<vmem>>, vector<16xf32>,
        %get3A_712 = arith.index_cast %scan3A_448 : i32 to index
        %get3A_713 = arith.constant 496 : index
        %get3A_714 = tpu.vector_load %arg15[%get3A_712, %get3A_713] {strides = array<i32>} : memref<64x528xf32, #tpu.memory_space<vmem>>, vector<16xf32>,
        %mul3A_715 = arith.mulf %get3A_714, %gather3A_690 : vector<16xf32>
        %swap3A_716 = arith.index_cast %scan3A_448 : i32 to index
        %swap3A_717 = arith.constant 496 : index
        %swap3A_718 = tpu.vector_load %arg15[%swap3A_716, %swap3A_717] {strides = array<i32>} : memref<64x528xf32, #tpu.memory_space<vmem>>, vector<16xf32>,
        tpu.vector_store %arg15[%swap3A_716, %swap3A_717], %mul3A_715 {strides = array<i32>} : memref<64x528xf32, #tpu.memory_space<vmem>>, vector<16xf32>,
        %swap3A_719 = arith.index_cast %scan3A_448 : i32 to index
        %swap3A_720 = arith.constant 512 : index
        %swap3A_721 = tpu.vector_load %arg15[%swap3A_719, %swap3A_720] {strides = array<i32>} : memref<64x528xf32, #tpu.memory_space<vmem>>, vector<16xf32>,
        tpu.vector_store %arg15[%swap3A_719, %swap3A_720], %select_n3A_463 {strides = array<i32>} : memref<64x528xf32, #tpu.memory_space<vmem>>, vector<16xf32>,
      }
      %scan3A_246 = arith.constant 64 : i32
      %dma_start3A_247 = arith.constant 0 : i32
      %dma_start3A_248 = tpu.memref_slice %arg20[%mul3A_69, %dma_start3A_247] : memref<10x64xi32, #tpu.memory_space<vmem>> -> memref<1x64xi32, #tpu.memory_space<vmem>>
      %dma_start3A_249 = tpu.memref_squeeze %dma_start3A_248 : memref<1x64xi32, #tpu.memory_space<vmem>> -> memref<64xi32, #tpu.memory_space<vmem>>
      %dma_start3A_250 = arith.constant 0 : i32
      %dma_start3A_251 = arith.constant 0 : i32
      %dma_start3A_252 = tpu.memref_slice %arg14[%dma_start3A_250, %dma_start3A_251] : memref<896x528xf32, #tpu.memory_space<vmem_shared>> -> memref<896x528xf32, #tpu.memory_space<vmem_shared>>
      tpu.enqueue_indirect_dma source(%arg15 : memref<64x528xf32, #tpu.memory_space<vmem>>) target(%dma_start3A_252 : memref<896x528xf32, #tpu.memory_space<vmem_shared>>) offsets(%dma_start3A_249 : memref<64xi32, #tpu.memory_space<vmem>>) semaphore(%arg25 : memref<!tpu.dma_semaphore, #tpu.memory_space<semaphore_mem>>) {add = true}
      %mul3A_253 = arith.constant 2 : i32
      %mul3A_254 = arith.muli %scan3A_67, %mul3A_253 : i32
      %add3A_255 = arith.constant 1 : i32
      %add3A_256 = arith.addi %mul3A_254, %add3A_255 : i32
      %ge3A_257 = arith.constant 1 : i32
      %ge3A_258 = arith.cmpi sge, %add3A_256, %ge3A_257 : i32
      %convert_element_type3A_259 = arith.extui %ge3A_258 : i1 to i32
      %cond3A_260 = arith.constant 0 : i32
      %cond3A_261 = arith.cmpi ne, %convert_element_type3A_259, %cond3A_260 : i32
      scf.if %cond3A_261 {
        %sub3A_448 = arith.constant 1 : i32
        %sub3A_449 = arith.subi %add3A_256, %sub3A_448 : i32
        %dma_wait3A_450 = arith.constant 0 : i32
        %dma_wait3A_451 = tpu.memref_slice %arg20[%sub3A_449, %dma_wait3A_450] : memref<10x64xi32, #tpu.memory_space<vmem>> -> memref<1x64xi32, #tpu.memory_space<vmem>>
        %dma_wait3A_452 = tpu.memref_squeeze %dma_wait3A_451 : memref<1x64xi32, #tpu.memory_space<vmem>> -> memref<64xi32, #tpu.memory_space<vmem>>
        %dma_wait3A_453 = arith.constant 0 : i32
        %dma_wait3A_454 = arith.constant 0 : i32
        %dma_wait3A_455 = tpu.memref_slice %arg14[%dma_wait3A_453, %dma_wait3A_454] : memref<896x528xf32, #tpu.memory_space<vmem_shared>> -> memref<896x528xf32, #tpu.memory_space<vmem_shared>>
        tpu.wait_indirect_dma semaphore(%arg25 : memref<!tpu.dma_semaphore, #tpu.memory_space<semaphore_mem>>) src(%arg15 : memref<64x528xf32, #tpu.memory_space<vmem>>) dst(%dma_wait3A_455 : memref<896x528xf32, #tpu.memory_space<vmem_shared>>)
      } else {
      }
      %lt3A_262 = arith.constant 9 : i32
      %lt3A_263 = arith.cmpi slt, %add3A_256, %lt3A_262 : i32
      %convert_element_type3A_264 = arith.extui %lt3A_263 : i1 to i32
      %cond3A_265 = arith.constant 0 : i32
      %cond3A_266 = arith.cmpi ne, %convert_element_type3A_264, %cond3A_265 : i32
      scf.if %cond3A_266 {
        %add3A_448 = arith.constant 1 : i32
        %add3A_449 = arith.addi %add3A_256, %add3A_448 : i32
        %dma_start3A_450 = arith.constant 0 : i32
        %dma_start3A_451 = tpu.memref_slice %arg19[%add3A_449, %dma_start3A_450] : memref<10x64xi32, #tpu.memory_space<vmem>> -> memref<1x64xi32, #tpu.memory_space<vmem>>
        %dma_start3A_452 = tpu.memref_squeeze %dma_start3A_451 : memref<1x64xi32, #tpu.memory_space<vmem>> -> memref<64xi32, #tpu.memory_space<vmem>>
        %dma_start3A_453 = arith.constant 0 : i32
        %dma_start3A_454 = arith.constant 0 : i32
        %dma_start3A_455 = tpu.memref_slice %arg4[%dma_start3A_453, %dma_start3A_454] : memref<1160x528xf32, #tpu.memory_space<hbm>> -> memref<1160x528xf32, #tpu.memory_space<hbm>>
        tpu.enqueue_indirect_dma source(%dma_start3A_455 : memref<1160x528xf32, #tpu.memory_space<hbm>>) target(%arg15 : memref<64x528xf32, #tpu.memory_space<vmem>>) offsets(%dma_start3A_452 : memref<64xi32, #tpu.memory_space<vmem>>) semaphore(%arg21 : memref<!tpu.dma_semaphore, #tpu.memory_space<semaphore_mem>>)
        %dma_start3A_456 = arith.constant 0 : i32
        %dma_start3A_457 = tpu.memref_slice %arg20[%add3A_449, %dma_start3A_456] : memref<10x64xi32, #tpu.memory_space<vmem>> -> memref<1x64xi32, #tpu.memory_space<vmem>>
        %dma_start3A_458 = tpu.memref_squeeze %dma_start3A_457 : memref<1x64xi32, #tpu.memory_space<vmem>> -> memref<64xi32, #tpu.memory_space<vmem>>
        %dma_start3A_459 = arith.constant 0 : i32
        %dma_start3A_460 = arith.constant 0 : i32
        %dma_start3A_461 = tpu.memref_slice %arg5[%dma_start3A_459, %dma_start3A_460] : memref<1160x16xf32, #tpu.memory_space<hbm>> -> memref<1160x16xf32, #tpu.memory_space<hbm>>
        tpu.enqueue_indirect_dma source(%dma_start3A_461 : memref<1160x16xf32, #tpu.memory_space<hbm>>) target(%arg17 : memref<64x16xf32, #tpu.memory_space<vmem>>) offsets(%dma_start3A_458 : memref<64xi32, #tpu.memory_space<vmem>>) semaphore(%arg23 : memref<!tpu.dma_semaphore, #tpu.memory_space<semaphore_mem>>)
      } else {
      }
      %dma_wait3A_267 = arith.constant 0 : i32
      %dma_wait3A_268 = tpu.memref_slice %arg19[%add3A_256, %dma_wait3A_267] : memref<10x64xi32, #tpu.memory_space<vmem>> -> memref<1x64xi32, #tpu.memory_space<vmem>>
      %dma_wait3A_269 = tpu.memref_squeeze %dma_wait3A_268 : memref<1x64xi32, #tpu.memory_space<vmem>> -> memref<64xi32, #tpu.memory_space<vmem>>
      %dma_wait3A_270 = arith.constant 0 : i32
      %dma_wait3A_271 = arith.constant 0 : i32
      %dma_wait3A_272 = tpu.memref_slice %arg4[%dma_wait3A_270, %dma_wait3A_271] : memref<1160x528xf32, #tpu.memory_space<hbm>> -> memref<1160x528xf32, #tpu.memory_space<hbm>>
      tpu.wait_indirect_dma semaphore(%arg22 : memref<!tpu.dma_semaphore, #tpu.memory_space<semaphore_mem>>) src(%dma_wait3A_272 : memref<1160x528xf32, #tpu.memory_space<hbm>>) dst(%arg16 : memref<64x528xf32, #tpu.memory_space<vmem>>)
      %dma_wait3A_273 = arith.constant 0 : i32
      %dma_wait3A_274 = tpu.memref_slice %arg20[%add3A_256, %dma_wait3A_273] : memref<10x64xi32, #tpu.memory_space<vmem>> -> memref<1x64xi32, #tpu.memory_space<vmem>>
      %dma_wait3A_275 = tpu.memref_squeeze %dma_wait3A_274 : memref<1x64xi32, #tpu.memory_space<vmem>> -> memref<64xi32, #tpu.memory_space<vmem>>
      %dma_wait3A_276 = arith.constant 0 : i32
      %dma_wait3A_277 = arith.constant 0 : i32
      %dma_wait3A_278 = tpu.memref_slice %arg5[%dma_wait3A_276, %dma_wait3A_277] : memref<1160x16xf32, #tpu.memory_space<hbm>> -> memref<1160x16xf32, #tpu.memory_space<hbm>>
      tpu.wait_indirect_dma semaphore(%arg24 : memref<!tpu.dma_semaphore, #tpu.memory_space<semaphore_mem>>) src(%dma_wait3A_278 : memref<1160x16xf32, #tpu.memory_space<hbm>>) dst(%arg18 : memref<64x16xf32, #tpu.memory_space<vmem>>)
      %mul3A_279 = arith.constant 640 : i32
      %mul3A_280 = arith.muli %add3A, %mul3A_279 : i32
      %mul3A_281 = arith.constant 64 : i32
      %mul3A_282 = arith.muli %add3A_256, %mul3A_281 : i32
      %add3A_283 = arith.addi %mul3A_280, %mul3A_282 : i32
      %add3A_284 = arith.constant 0 : i32
      %add3A_285 = arith.addi %add3A_283, %add3A_284 : i32
      %add3A_286 = vector.broadcast %add3A_285 : i32 to vector<16xi32>
      %add3A_287 = arith.addi %add3A_286, %iota3A : vector<16xi32>
      %get3A_288 = arith.index_cast %add3A_256 : i32 to index
      %get3A_289 = arith.constant 0 : index
      %get3A_290 = tpu.vector_load %arg20[%get3A_288, %get3A_289] {strides = array<i32>} : memref<10x64xi32, #tpu.memory_space<vmem>>, vector<16xi32>,
      %sub3A_291 = arith.constant 383 : i32
      %sub3A_292 = vector.broadcast %sub3A_291 : i32 to vector<16xi32>
      %sub3A_293 = arith.subi %get3A_290, %sub3A_292 : vector<16xi32>
      %ge3A_294 = arith.constant 0 : i32
      %ge3A_295 = vector.broadcast %ge3A_294 : i32 to vector<16xi32>
      %ge3A_296 = arith.cmpi sge, %sub3A_293, %ge3A_295 : vector<16xi32>
      %lt3A_297 = arith.constant 495 : i32
      %lt3A_298 = vector.broadcast %lt3A_297 : i32 to vector<16xi32>
      %lt3A_299 = arith.cmpi slt, %sub3A_293, %lt3A_298 : vector<16xi32>
      %and3A_300 = arith.andi %ge3A_296, %lt3A_299 : vector<16xi1>
      %add3A_301 = arith.constant 495 : i32
      %add3A_302 = vector.broadcast %add3A_301 : i32 to vector<16xi32>
      %add3A_303 = arith.addi %add3A_302, %iota3A : vector<16xi32>
      %select_n3A_304 = arith.select %and3A_300, %sub3A_293, %add3A_303 : vector<16xi1>, vector<16xi32>
      %lt3A_305 = arith.constant 383 : i32
      %lt3A_306 = vector.broadcast %lt3A_305 : i32 to vector<16xi32>
      %lt3A_307 = arith.cmpi slt, %get3A_290, %lt3A_306 : vector<16xi32>
      %add3A_308 = arith.constant 511 : i32
      %add3A_309 = vector.broadcast %add3A_308 : i32 to vector<16xi32>
      %add3A_310 = arith.addi %get3A_290, %add3A_309 : vector<16xi32>
      %add3A_311 = arith.constant 495 : i32
      %add3A_312 = vector.broadcast %add3A_311 : i32 to vector<16xi32>
      %add3A_313 = arith.addi %add3A_312, %iota3A : vector<16xi32>
      %select_n3A_314 = arith.select %lt3A_307, %add3A_310, %add3A_313 : vector<16xi1>, vector<16xi32>
      %lt3A_315 = arith.constant 10000 : i32
      %lt3A_316 = vector.broadcast %lt3A_315 : i32 to vector<16xi32>
      %lt3A_317 = arith.cmpi slt, %add3A_287, %lt3A_316 : vector<16xi32>
      %select_n3A_318 = arith.select %lt3A_317, %select_n3A_304, %select_n3A_314 : vector<16xi1>, vector<16xi32>
      %swap3A_319 = arith.index_cast %add3A_256 : i32 to index
      %swap3A_320 = arith.constant 0 : index
      %swap3A_321 = tpu.vector_load %arg20[%swap3A_319, %swap3A_320] {strides = array<i32>} : memref<10x64xi32, #tpu.memory_space<vmem>>, vector<16xi32>,
      tpu.vector_store %arg20[%swap3A_319, %swap3A_320], %select_n3A_318 {strides = array<i32>} : memref<10x64xi32, #tpu.memory_space<vmem>>, vector<16xi32>,
      %add3A_322 = arith.constant 16 : i32
      %add3A_323 = arith.addi %add3A_283, %add3A_322 : i32
      %add3A_324 = vector.broadcast %add3A_323 : i32 to vector<16xi32>
      %add3A_325 = arith.addi %add3A_324, %iota3A : vector<16xi32>
      %get3A_326 = arith.index_cast %add3A_256 : i32 to index
      %get3A_327 = arith.constant 16 : index
      %get3A_328 = tpu.vector_load %arg20[%get3A_326, %get3A_327] {strides = array<i32>} : memref<10x64xi32, #tpu.memory_space<vmem>>, vector<16xi32>,
      %sub3A_329 = arith.constant 383 : i32
      %sub3A_330 = vector.broadcast %sub3A_329 : i32 to vector<16xi32>
      %sub3A_331 = arith.subi %get3A_328, %sub3A_330 : vector<16xi32>
      %ge3A_332 = arith.constant 0 : i32
      %ge3A_333 = vector.broadcast %ge3A_332 : i32 to vector<16xi32>
      %ge3A_334 = arith.cmpi sge, %sub3A_331, %ge3A_333 : vector<16xi32>
      %lt3A_335 = arith.constant 495 : i32
      %lt3A_336 = vector.broadcast %lt3A_335 : i32 to vector<16xi32>
      %lt3A_337 = arith.cmpi slt, %sub3A_331, %lt3A_336 : vector<16xi32>
      %and3A_338 = arith.andi %ge3A_334, %lt3A_337 : vector<16xi1>
      %add3A_339 = arith.constant 495 : i32
      %add3A_340 = vector.broadcast %add3A_339 : i32 to vector<16xi32>
      %add3A_341 = arith.addi %add3A_340, %iota3A : vector<16xi32>
      %select_n3A_342 = arith.select %and3A_338, %sub3A_331, %add3A_341 : vector<16xi1>, vector<16xi32>
      %lt3A_343 = arith.constant 383 : i32
      %lt3A_344 = vector.broadcast %lt3A_343 : i32 to vector<16xi32>
      %lt3A_345 = arith.cmpi slt, %get3A_328, %lt3A_344 : vector<16xi32>
      %add3A_346 = arith.constant 511 : i32
      %add3A_347 = vector.broadcast %add3A_346 : i32 to vector<16xi32>
      %add3A_348 = arith.addi %get3A_328, %add3A_347 : vector<16xi32>
      %add3A_349 = arith.constant 495 : i32
      %add3A_350 = vector.broadcast %add3A_349 : i32 to vector<16xi32>
      %add3A_351 = arith.addi %add3A_350, %iota3A : vector<16xi32>
      %select_n3A_352 = arith.select %lt3A_345, %add3A_348, %add3A_351 : vector<16xi1>, vector<16xi32>
      %lt3A_353 = arith.constant 10000 : i32
      %lt3A_354 = vector.broadcast %lt3A_353 : i32 to vector<16xi32>
      %lt3A_355 = arith.cmpi slt, %add3A_325, %lt3A_354 : vector<16xi32>
      %select_n3A_356 = arith.select %lt3A_355, %select_n3A_342, %select_n3A_352 : vector<16xi1>, vector<16xi32>
      %swap3A_357 = arith.index_cast %add3A_256 : i32 to index
      %swap3A_358 = arith.constant 16 : index
      %swap3A_359 = tpu.vector_load %arg20[%swap3A_357, %swap3A_358] {strides = array<i32>} : memref<10x64xi32, #tpu.memory_space<vmem>>, vector<16xi32>,
      tpu.vector_store %arg20[%swap3A_357, %swap3A_358], %select_n3A_356 {strides = array<i32>} : memref<10x64xi32, #tpu.memory_space<vmem>>, vector<16xi32>,
      %add3A_360 = arith.constant 32 : i32
      %add3A_361 = arith.addi %add3A_283, %add3A_360 : i32
      %add3A_362 = vector.broadcast %add3A_361 : i32 to vector<16xi32>
      %add3A_363 = arith.addi %add3A_362, %iota3A : vector<16xi32>
      %get3A_364 = arith.index_cast %add3A_256 : i32 to index
      %get3A_365 = arith.constant 32 : index
      %get3A_366 = tpu.vector_load %arg20[%get3A_364, %get3A_365] {strides = array<i32>} : memref<10x64xi32, #tpu.memory_space<vmem>>, vector<16xi32>,
      %sub3A_367 = arith.constant 383 : i32
      %sub3A_368 = vector.broadcast %sub3A_367 : i32 to vector<16xi32>
      %sub3A_369 = arith.subi %get3A_366, %sub3A_368 : vector<16xi32>
      %ge3A_370 = arith.constant 0 : i32
      %ge3A_371 = vector.broadcast %ge3A_370 : i32 to vector<16xi32>
      %ge3A_372 = arith.cmpi sge, %sub3A_369, %ge3A_371 : vector<16xi32>
      %lt3A_373 = arith.constant 495 : i32
      %lt3A_374 = vector.broadcast %lt3A_373 : i32 to vector<16xi32>
      %lt3A_375 = arith.cmpi slt, %sub3A_369, %lt3A_374 : vector<16xi32>
      %and3A_376 = arith.andi %ge3A_372, %lt3A_375 : vector<16xi1>
      %add3A_377 = arith.constant 495 : i32
      %add3A_378 = vector.broadcast %add3A_377 : i32 to vector<16xi32>
      %add3A_379 = arith.addi %add3A_378, %iota3A : vector<16xi32>
      %select_n3A_380 = arith.select %and3A_376, %sub3A_369, %add3A_379 : vector<16xi1>, vector<16xi32>
      %lt3A_381 = arith.constant 383 : i32
      %lt3A_382 = vector.broadcast %lt3A_381 : i32 to vector<16xi32>
      %lt3A_383 = arith.cmpi slt, %get3A_366, %lt3A_382 : vector<16xi32>
      %add3A_384 = arith.constant 511 : i32
      %add3A_385 = vector.broadcast %add3A_384 : i32 to vector<16xi32>
      %add3A_386 = arith.addi %get3A_366, %add3A_385 : vector<16xi32>
      %add3A_387 = arith.constant 495 : i32
      %add3A_388 = vector.broadcast %add3A_387 : i32 to vector<16xi32>
      %add3A_389 = arith.addi %add3A_388, %iota3A : vector<16xi32>
      %select_n3A_390 = arith.select %lt3A_383, %add3A_386, %add3A_389 : vector<16xi1>, vector<16xi32>
      %lt3A_391 = arith.constant 10000 : i32
      %lt3A_392 = vector.broadcast %lt3A_391 : i32 to vector<16xi32>
      %lt3A_393 = arith.cmpi slt, %add3A_363, %lt3A_392 : vector<16xi32>
      %select_n3A_394 = arith.select %lt3A_393, %select_n3A_380, %select_n3A_390 : vector<16xi1>, vector<16xi32>
      %swap3A_395 = arith.index_cast %add3A_256 : i32 to index
      %swap3A_396 = arith.constant 32 : index
      %swap3A_397 = tpu.vector_load %arg20[%swap3A_395, %swap3A_396] {strides = array<i32>} : memref<10x64xi32, #tpu.memory_space<vmem>>, vector<16xi32>,
      tpu.vector_store %arg20[%swap3A_395, %swap3A_396], %select_n3A_394 {strides = array<i32>} : memref<10x64xi32, #tpu.memory_space<vmem>>, vector<16xi32>,
      %add3A_398 = arith.constant 48 : i32
      %add3A_399 = arith.addi %add3A_283, %add3A_398 : i32
      %add3A_400 = vector.broadcast %add3A_399 : i32 to vector<16xi32>
      %add3A_401 = arith.addi %add3A_400, %iota3A : vector<16xi32>
      %get3A_402 = arith.index_cast %add3A_256 : i32 to index
      %get3A_403 = arith.constant 48 : index
      %get3A_404 = tpu.vector_load %arg20[%get3A_402, %get3A_403] {strides = array<i32>} : memref<10x64xi32, #tpu.memory_space<vmem>>, vector<16xi32>,
      %sub3A_405 = arith.constant 383 : i32
      %sub3A_406 = vector.broadcast %sub3A_405 : i32 to vector<16xi32>
      %sub3A_407 = arith.subi %get3A_404, %sub3A_406 : vector<16xi32>
      %ge3A_408 = arith.constant 0 : i32
      %ge3A_409 = vector.broadcast %ge3A_408 : i32 to vector<16xi32>
      %ge3A_410 = arith.cmpi sge, %sub3A_407, %ge3A_409 : vector<16xi32>
      %lt3A_411 = arith.constant 495 : i32
      %lt3A_412 = vector.broadcast %lt3A_411 : i32 to vector<16xi32>
      %lt3A_413 = arith.cmpi slt, %sub3A_407, %lt3A_412 : vector<16xi32>
      %and3A_414 = arith.andi %ge3A_410, %lt3A_413 : vector<16xi1>
      %add3A_415 = arith.constant 495 : i32
      %add3A_416 = vector.broadcast %add3A_415 : i32 to vector<16xi32>
      %add3A_417 = arith.addi %add3A_416, %iota3A : vector<16xi32>
      %select_n3A_418 = arith.select %and3A_414, %sub3A_407, %add3A_417 : vector<16xi1>, vector<16xi32>
      %lt3A_419 = arith.constant 383 : i32
      %lt3A_420 = vector.broadcast %lt3A_419 : i32 to vector<16xi32>
      %lt3A_421 = arith.cmpi slt, %get3A_404, %lt3A_420 : vector<16xi32>
      %add3A_422 = arith.constant 511 : i32
      %add3A_423 = vector.broadcast %add3A_422 : i32 to vector<16xi32>
      %add3A_424 = arith.addi %get3A_404, %add3A_423 : vector<16xi32>
      %add3A_425 = arith.constant 495 : i32
      %add3A_426 = vector.broadcast %add3A_425 : i32 to vector<16xi32>
      %add3A_427 = arith.addi %add3A_426, %iota3A : vector<16xi32>
      %select_n3A_428 = arith.select %lt3A_421, %add3A_424, %add3A_427 : vector<16xi1>, vector<16xi32>
      %lt3A_429 = arith.constant 10000 : i32
      %lt3A_430 = vector.broadcast %lt3A_429 : i32 to vector<16xi32>
      %lt3A_431 = arith.cmpi slt, %add3A_401, %lt3A_430 : vector<16xi32>
      %select_n3A_432 = arith.select %lt3A_431, %select_n3A_418, %select_n3A_428 : vector<16xi1>, vector<16xi32>
      %swap3A_433 = arith.index_cast %add3A_256 : i32 to index
      %swap3A_434 = arith.constant 48 : index
      %swap3A_435 = tpu.vector_load %arg20[%swap3A_433, %swap3A_434] {strides = array<i32>} : memref<10x64xi32, #tpu.memory_space<vmem>>, vector<16xi32>,
      tpu.vector_store %arg20[%swap3A_433, %swap3A_434], %select_n3A_432 {strides = array<i32>} : memref<10x64xi32, #tpu.memory_space<vmem>>, vector<16xi32>,
      %scan3A_436 = arith.constant 0 : i32
      %scan3A_437 = arith.constant 0 : i32
      %scan3A_438 = arith.constant 64 : i32
      %scan3A_439 = arith.addi %scan3A_437, %scan3A_438 : i32
      %scan3A_440 = arith.constant 1 : i32
      scf.for %scan3A_448 = %scan3A_437 to %scan3A_439 step %scan3A_440  : i32 {
        %get3A_449 = arith.index_cast %scan3A_448 : i32 to index
        %get3A_450 = arith.constant 512 : index
        %get3A_451 = tpu.vector_load %arg16[%get3A_449, %get3A_450] {strides = array<i32>} : memref<64x528xf32, #tpu.memory_space<vmem>>, vector<16xf32>,
        %get3A_452 = arith.index_cast %scan3A_448 : i32 to index
        %get3A_453 = arith.constant 0 : index
        %get3A_454 = tpu.vector_load %arg18[%get3A_452, %get3A_453] {strides = array<i32>} : memref<64x16xf32, #tpu.memory_space<vmem>>, vector<16xf32>,
        %add3A_455 = arith.addf %get3A_451, %get3A_454 : vector<16xf32>
        %ge3A_456 = arith.constant 0.000000e+00 : f32
        %ge3A_457 = vector.broadcast %ge3A_456 : f32 to vector<16xf32>
        %ge3A_458 = arith.cmpf oge, %add3A_455, %ge3A_457 : vector<16xf32>
        %mul3A_459 = arith.constant 2.000000e-01 : f32
        %mul3A_460 = vector.broadcast %mul3A_459 : f32 to vector<16xf32>
        %mul3A_461 = arith.mulf %mul3A_460, %add3A_455 : vector<16xf32>
        %select_n3A_462 = arith.select %ge3A_458, %add3A_455, %mul3A_461 : vector<16xi1>, vector<16xf32>
        %exp3A = math.exp %select_n3A_462 : vector<16xf32>
        %jit3A = arith.constant 0.000000e+00 : f32
        %broadcast_in_dim3A = vector.broadcast %jit3A : f32 to vector<16xf32>
        %select_n3A_463 = arith.select %lt3A_6, %exp3A, %broadcast_in_dim3A : vector<16xi1>, vector<16xf32>
        %broadcast_in_dim3A_464 = arith.constant 0 : i32
        %broadcast_in_dim3A_465 = vector.broadcast %broadcast_in_dim3A_464 : i32 to vector<16x1xi32>
        %gather3A = vector.shape_cast %broadcast_in_dim3A_465 : vector<16x1xi32> to vector<16xi32>
        %gather3A_466 = tpu.dynamic_gather %exp3A[%gather3A] in [0] : vector<16xf32>, vector<16xi32> -> vector<16xf32>
        %get3A_467 = arith.index_cast %scan3A_448 : i32 to index
        %get3A_468 = arith.constant 0 : index
        %get3A_469 = tpu.vector_load %arg16[%get3A_467, %get3A_468] {strides = array<i32>} : memref<64x528xf32, #tpu.memory_space<vmem>>, vector<16xf32>,
        %mul3A_470 = arith.mulf %get3A_469, %gather3A_466 : vector<16xf32>
        %swap3A_471 = arith.index_cast %scan3A_448 : i32 to index
        %swap3A_472 = arith.constant 0 : index
        %swap3A_473 = tpu.vector_load %arg16[%swap3A_471, %swap3A_472] {strides = array<i32>} : memref<64x528xf32, #tpu.memory_space<vmem>>, vector<16xf32>,
        tpu.vector_store %arg16[%swap3A_471, %swap3A_472], %mul3A_470 {strides = array<i32>} : memref<64x528xf32, #tpu.memory_space<vmem>>, vector<16xf32>,
        %get3A_474 = arith.index_cast %scan3A_448 : i32 to index
        %get3A_475 = arith.constant 16 : index
        %get3A_476 = tpu.vector_load %arg16[%get3A_474, %get3A_475] {strides = array<i32>} : memref<64x528xf32, #tpu.memory_space<vmem>>, vector<16xf32>,
        %mul3A_477 = arith.mulf %get3A_476, %gather3A_466 : vector<16xf32>
        %swap3A_478 = arith.index_cast %scan3A_448 : i32 to index
        %swap3A_479 = arith.constant 16 : index
        %swap3A_480 = tpu.vector_load %arg16[%swap3A_478, %swap3A_479] {strides = array<i32>} : memref<64x528xf32, #tpu.memory_space<vmem>>, vector<16xf32>,
        tpu.vector_store %arg16[%swap3A_478, %swap3A_479], %mul3A_477 {strides = array<i32>} : memref<64x528xf32, #tpu.memory_space<vmem>>, vector<16xf32>,
        %get3A_481 = arith.index_cast %scan3A_448 : i32 to index
        %get3A_482 = arith.constant 32 : index
        %get3A_483 = tpu.vector_load %arg16[%get3A_481, %get3A_482] {strides = array<i32>} : memref<64x528xf32, #tpu.memory_space<vmem>>, vector<16xf32>,
        %mul3A_484 = arith.mulf %get3A_483, %gather3A_466 : vector<16xf32>
        %swap3A_485 = arith.index_cast %scan3A_448 : i32 to index
        %swap3A_486 = arith.constant 32 : index
        %swap3A_487 = tpu.vector_load %arg16[%swap3A_485, %swap3A_486] {strides = array<i32>} : memref<64x528xf32, #tpu.memory_space<vmem>>, vector<16xf32>,
        tpu.vector_store %arg16[%swap3A_485, %swap3A_486], %mul3A_484 {strides = array<i32>} : memref<64x528xf32, #tpu.memory_space<vmem>>, vector<16xf32>,
        %get3A_488 = arith.index_cast %scan3A_448 : i32 to index
        %get3A_489 = arith.constant 48 : index
        %get3A_490 = tpu.vector_load %arg16[%get3A_488, %get3A_489] {strides = array<i32>} : memref<64x528xf32, #tpu.memory_space<vmem>>, vector<16xf32>,
        %mul3A_491 = arith.mulf %get3A_490, %gather3A_466 : vector<16xf32>
        %swap3A_492 = arith.index_cast %scan3A_448 : i32 to index
        %swap3A_493 = arith.constant 48 : index
        %swap3A_494 = tpu.vector_load %arg16[%swap3A_492, %swap3A_493] {strides = array<i32>} : memref<64x528xf32, #tpu.memory_space<vmem>>, vector<16xf32>,
        tpu.vector_store %arg16[%swap3A_492, %swap3A_493], %mul3A_491 {strides = array<i32>} : memref<64x528xf32, #tpu.memory_space<vmem>>, vector<16xf32>,
        %broadcast_in_dim3A_495 = arith.constant 1 : i32
        %broadcast_in_dim3A_496 = vector.broadcast %broadcast_in_dim3A_495 : i32 to vector<16x1xi32>
        %gather3A_497 = vector.shape_cast %broadcast_in_dim3A_496 : vector<16x1xi32> to vector<16xi32>
        %gather3A_498 = tpu.dynamic_gather %exp3A[%gather3A_497] in [0] : vector<16xf32>, vector<16xi32> -> vector<16xf32>
        %get3A_499 = arith.index_cast %scan3A_448 : i32 to index
        %get3A_500 = arith.constant 64 : index
        %get3A_501 = tpu.vector_load %arg16[%get3A_499, %get3A_500] {strides = array<i32>} : memref<64x528xf32, #tpu.memory_space<vmem>>, vector<16xf32>,
        %mul3A_502 = arith.mulf %get3A_501, %gather3A_498 : vector<16xf32>
        %swap3A_503 = arith.index_cast %scan3A_448 : i32 to index
        %swap3A_504 = arith.constant 64 : index
        %swap3A_505 = tpu.vector_load %arg16[%swap3A_503, %swap3A_504] {strides = array<i32>} : memref<64x528xf32, #tpu.memory_space<vmem>>, vector<16xf32>,
        tpu.vector_store %arg16[%swap3A_503, %swap3A_504], %mul3A_502 {strides = array<i32>} : memref<64x528xf32, #tpu.memory_space<vmem>>, vector<16xf32>,
        %get3A_506 = arith.index_cast %scan3A_448 : i32 to index
        %get3A_507 = arith.constant 80 : index
        %get3A_508 = tpu.vector_load %arg16[%get3A_506, %get3A_507] {strides = array<i32>} : memref<64x528xf32, #tpu.memory_space<vmem>>, vector<16xf32>,
        %mul3A_509 = arith.mulf %get3A_508, %gather3A_498 : vector<16xf32>
        %swap3A_510 = arith.index_cast %scan3A_448 : i32 to index
        %swap3A_511 = arith.constant 80 : index
        %swap3A_512 = tpu.vector_load %arg16[%swap3A_510, %swap3A_511] {strides = array<i32>} : memref<64x528xf32, #tpu.memory_space<vmem>>, vector<16xf32>,
        tpu.vector_store %arg16[%swap3A_510, %swap3A_511], %mul3A_509 {strides = array<i32>} : memref<64x528xf32, #tpu.memory_space<vmem>>, vector<16xf32>,
        %get3A_513 = arith.index_cast %scan3A_448 : i32 to index
        %get3A_514 = arith.constant 96 : index
        %get3A_515 = tpu.vector_load %arg16[%get3A_513, %get3A_514] {strides = array<i32>} : memref<64x528xf32, #tpu.memory_space<vmem>>, vector<16xf32>,
        %mul3A_516 = arith.mulf %get3A_515, %gather3A_498 : vector<16xf32>
        %swap3A_517 = arith.index_cast %scan3A_448 : i32 to index
        %swap3A_518 = arith.constant 96 : index
        %swap3A_519 = tpu.vector_load %arg16[%swap3A_517, %swap3A_518] {strides = array<i32>} : memref<64x528xf32, #tpu.memory_space<vmem>>, vector<16xf32>,
        tpu.vector_store %arg16[%swap3A_517, %swap3A_518], %mul3A_516 {strides = array<i32>} : memref<64x528xf32, #tpu.memory_space<vmem>>, vector<16xf32>,
        %get3A_520 = arith.index_cast %scan3A_448 : i32 to index
        %get3A_521 = arith.constant 112 : index
        %get3A_522 = tpu.vector_load %arg16[%get3A_520, %get3A_521] {strides = array<i32>} : memref<64x528xf32, #tpu.memory_space<vmem>>, vector<16xf32>,
        %mul3A_523 = arith.mulf %get3A_522, %gather3A_498 : vector<16xf32>
        %swap3A_524 = arith.index_cast %scan3A_448 : i32 to index
        %swap3A_525 = arith.constant 112 : index
        %swap3A_526 = tpu.vector_load %arg16[%swap3A_524, %swap3A_525] {strides = array<i32>} : memref<64x528xf32, #tpu.memory_space<vmem>>, vector<16xf32>,
        tpu.vector_store %arg16[%swap3A_524, %swap3A_525], %mul3A_523 {strides = array<i32>} : memref<64x528xf32, #tpu.memory_space<vmem>>, vector<16xf32>,
        %broadcast_in_dim3A_527 = arith.constant 2 : i32
        %broadcast_in_dim3A_528 = vector.broadcast %broadcast_in_dim3A_527 : i32 to vector<16x1xi32>
        %gather3A_529 = vector.shape_cast %broadcast_in_dim3A_528 : vector<16x1xi32> to vector<16xi32>
        %gather3A_530 = tpu.dynamic_gather %exp3A[%gather3A_529] in [0] : vector<16xf32>, vector<16xi32> -> vector<16xf32>
        %get3A_531 = arith.index_cast %scan3A_448 : i32 to index
        %get3A_532 = arith.constant 128 : index
        %get3A_533 = tpu.vector_load %arg16[%get3A_531, %get3A_532] {strides = array<i32>} : memref<64x528xf32, #tpu.memory_space<vmem>>, vector<16xf32>,
        %mul3A_534 = arith.mulf %get3A_533, %gather3A_530 : vector<16xf32>
        %swap3A_535 = arith.index_cast %scan3A_448 : i32 to index
        %swap3A_536 = arith.constant 128 : index
        %swap3A_537 = tpu.vector_load %arg16[%swap3A_535, %swap3A_536] {strides = array<i32>} : memref<64x528xf32, #tpu.memory_space<vmem>>, vector<16xf32>,
        tpu.vector_store %arg16[%swap3A_535, %swap3A_536], %mul3A_534 {strides = array<i32>} : memref<64x528xf32, #tpu.memory_space<vmem>>, vector<16xf32>,
        %get3A_538 = arith.index_cast %scan3A_448 : i32 to index
        %get3A_539 = arith.constant 144 : index
        %get3A_540 = tpu.vector_load %arg16[%get3A_538, %get3A_539] {strides = array<i32>} : memref<64x528xf32, #tpu.memory_space<vmem>>, vector<16xf32>,
        %mul3A_541 = arith.mulf %get3A_540, %gather3A_530 : vector<16xf32>
        %swap3A_542 = arith.index_cast %scan3A_448 : i32 to index
        %swap3A_543 = arith.constant 144 : index
        %swap3A_544 = tpu.vector_load %arg16[%swap3A_542, %swap3A_543] {strides = array<i32>} : memref<64x528xf32, #tpu.memory_space<vmem>>, vector<16xf32>,
        tpu.vector_store %arg16[%swap3A_542, %swap3A_543], %mul3A_541 {strides = array<i32>} : memref<64x528xf32, #tpu.memory_space<vmem>>, vector<16xf32>,
        %get3A_545 = arith.index_cast %scan3A_448 : i32 to index
        %get3A_546 = arith.constant 160 : index
        %get3A_547 = tpu.vector_load %arg16[%get3A_545, %get3A_546] {strides = array<i32>} : memref<64x528xf32, #tpu.memory_space<vmem>>, vector<16xf32>,
        %mul3A_548 = arith.mulf %get3A_547, %gather3A_530 : vector<16xf32>
        %swap3A_549 = arith.index_cast %scan3A_448 : i32 to index
        %swap3A_550 = arith.constant 160 : index
        %swap3A_551 = tpu.vector_load %arg16[%swap3A_549, %swap3A_550] {strides = array<i32>} : memref<64x528xf32, #tpu.memory_space<vmem>>, vector<16xf32>,
        tpu.vector_store %arg16[%swap3A_549, %swap3A_550], %mul3A_548 {strides = array<i32>} : memref<64x528xf32, #tpu.memory_space<vmem>>, vector<16xf32>,
        %get3A_552 = arith.index_cast %scan3A_448 : i32 to index
        %get3A_553 = arith.constant 176 : index
        %get3A_554 = tpu.vector_load %arg16[%get3A_552, %get3A_553] {strides = array<i32>} : memref<64x528xf32, #tpu.memory_space<vmem>>, vector<16xf32>,
        %mul3A_555 = arith.mulf %get3A_554, %gather3A_530 : vector<16xf32>
        %swap3A_556 = arith.index_cast %scan3A_448 : i32 to index
        %swap3A_557 = arith.constant 176 : index
        %swap3A_558 = tpu.vector_load %arg16[%swap3A_556, %swap3A_557] {strides = array<i32>} : memref<64x528xf32, #tpu.memory_space<vmem>>, vector<16xf32>,
        tpu.vector_store %arg16[%swap3A_556, %swap3A_557], %mul3A_555 {strides = array<i32>} : memref<64x528xf32, #tpu.memory_space<vmem>>, vector<16xf32>,
        %broadcast_in_dim3A_559 = arith.constant 3 : i32
        %broadcast_in_dim3A_560 = vector.broadcast %broadcast_in_dim3A_559 : i32 to vector<16x1xi32>
        %gather3A_561 = vector.shape_cast %broadcast_in_dim3A_560 : vector<16x1xi32> to vector<16xi32>
        %gather3A_562 = tpu.dynamic_gather %exp3A[%gather3A_561] in [0] : vector<16xf32>, vector<16xi32> -> vector<16xf32>
        %get3A_563 = arith.index_cast %scan3A_448 : i32 to index
        %get3A_564 = arith.constant 192 : index
        %get3A_565 = tpu.vector_load %arg16[%get3A_563, %get3A_564] {strides = array<i32>} : memref<64x528xf32, #tpu.memory_space<vmem>>, vector<16xf32>,
        %mul3A_566 = arith.mulf %get3A_565, %gather3A_562 : vector<16xf32>
        %swap3A_567 = arith.index_cast %scan3A_448 : i32 to index
        %swap3A_568 = arith.constant 192 : index
        %swap3A_569 = tpu.vector_load %arg16[%swap3A_567, %swap3A_568] {strides = array<i32>} : memref<64x528xf32, #tpu.memory_space<vmem>>, vector<16xf32>,
        tpu.vector_store %arg16[%swap3A_567, %swap3A_568], %mul3A_566 {strides = array<i32>} : memref<64x528xf32, #tpu.memory_space<vmem>>, vector<16xf32>,
        %get3A_570 = arith.index_cast %scan3A_448 : i32 to index
        %get3A_571 = arith.constant 208 : index
        %get3A_572 = tpu.vector_load %arg16[%get3A_570, %get3A_571] {strides = array<i32>} : memref<64x528xf32, #tpu.memory_space<vmem>>, vector<16xf32>,
        %mul3A_573 = arith.mulf %get3A_572, %gather3A_562 : vector<16xf32>
        %swap3A_574 = arith.index_cast %scan3A_448 : i32 to index
        %swap3A_575 = arith.constant 208 : index
        %swap3A_576 = tpu.vector_load %arg16[%swap3A_574, %swap3A_575] {strides = array<i32>} : memref<64x528xf32, #tpu.memory_space<vmem>>, vector<16xf32>,
        tpu.vector_store %arg16[%swap3A_574, %swap3A_575], %mul3A_573 {strides = array<i32>} : memref<64x528xf32, #tpu.memory_space<vmem>>, vector<16xf32>,
        %get3A_577 = arith.index_cast %scan3A_448 : i32 to index
        %get3A_578 = arith.constant 224 : index
        %get3A_579 = tpu.vector_load %arg16[%get3A_577, %get3A_578] {strides = array<i32>} : memref<64x528xf32, #tpu.memory_space<vmem>>, vector<16xf32>,
        %mul3A_580 = arith.mulf %get3A_579, %gather3A_562 : vector<16xf32>
        %swap3A_581 = arith.index_cast %scan3A_448 : i32 to index
        %swap3A_582 = arith.constant 224 : index
        %swap3A_583 = tpu.vector_load %arg16[%swap3A_581, %swap3A_582] {strides = array<i32>} : memref<64x528xf32, #tpu.memory_space<vmem>>, vector<16xf32>,
        tpu.vector_store %arg16[%swap3A_581, %swap3A_582], %mul3A_580 {strides = array<i32>} : memref<64x528xf32, #tpu.memory_space<vmem>>, vector<16xf32>,
        %get3A_584 = arith.index_cast %scan3A_448 : i32 to index
        %get3A_585 = arith.constant 240 : index
        %get3A_586 = tpu.vector_load %arg16[%get3A_584, %get3A_585] {strides = array<i32>} : memref<64x528xf32, #tpu.memory_space<vmem>>, vector<16xf32>,
        %mul3A_587 = arith.mulf %get3A_586, %gather3A_562 : vector<16xf32>
        %swap3A_588 = arith.index_cast %scan3A_448 : i32 to index
        %swap3A_589 = arith.constant 240 : index
        %swap3A_590 = tpu.vector_load %arg16[%swap3A_588, %swap3A_589] {strides = array<i32>} : memref<64x528xf32, #tpu.memory_space<vmem>>, vector<16xf32>,
        tpu.vector_store %arg16[%swap3A_588, %swap3A_589], %mul3A_587 {strides = array<i32>} : memref<64x528xf32, #tpu.memory_space<vmem>>, vector<16xf32>,
        %broadcast_in_dim3A_591 = arith.constant 4 : i32
        %broadcast_in_dim3A_592 = vector.broadcast %broadcast_in_dim3A_591 : i32 to vector<16x1xi32>
        %gather3A_593 = vector.shape_cast %broadcast_in_dim3A_592 : vector<16x1xi32> to vector<16xi32>
        %gather3A_594 = tpu.dynamic_gather %exp3A[%gather3A_593] in [0] : vector<16xf32>, vector<16xi32> -> vector<16xf32>
        %get3A_595 = arith.index_cast %scan3A_448 : i32 to index
        %get3A_596 = arith.constant 256 : index
        %get3A_597 = tpu.vector_load %arg16[%get3A_595, %get3A_596] {strides = array<i32>} : memref<64x528xf32, #tpu.memory_space<vmem>>, vector<16xf32>,
        %mul3A_598 = arith.mulf %get3A_597, %gather3A_594 : vector<16xf32>
        %swap3A_599 = arith.index_cast %scan3A_448 : i32 to index
        %swap3A_600 = arith.constant 256 : index
        %swap3A_601 = tpu.vector_load %arg16[%swap3A_599, %swap3A_600] {strides = array<i32>} : memref<64x528xf32, #tpu.memory_space<vmem>>, vector<16xf32>,
        tpu.vector_store %arg16[%swap3A_599, %swap3A_600], %mul3A_598 {strides = array<i32>} : memref<64x528xf32, #tpu.memory_space<vmem>>, vector<16xf32>,
        %get3A_602 = arith.index_cast %scan3A_448 : i32 to index
        %get3A_603 = arith.constant 272 : index
        %get3A_604 = tpu.vector_load %arg16[%get3A_602, %get3A_603] {strides = array<i32>} : memref<64x528xf32, #tpu.memory_space<vmem>>, vector<16xf32>,
        %mul3A_605 = arith.mulf %get3A_604, %gather3A_594 : vector<16xf32>
        %swap3A_606 = arith.index_cast %scan3A_448 : i32 to index
        %swap3A_607 = arith.constant 272 : index
        %swap3A_608 = tpu.vector_load %arg16[%swap3A_606, %swap3A_607] {strides = array<i32>} : memref<64x528xf32, #tpu.memory_space<vmem>>, vector<16xf32>,
        tpu.vector_store %arg16[%swap3A_606, %swap3A_607], %mul3A_605 {strides = array<i32>} : memref<64x528xf32, #tpu.memory_space<vmem>>, vector<16xf32>,
        %get3A_609 = arith.index_cast %scan3A_448 : i32 to index
        %get3A_610 = arith.constant 288 : index
        %get3A_611 = tpu.vector_load %arg16[%get3A_609, %get3A_610] {strides = array<i32>} : memref<64x528xf32, #tpu.memory_space<vmem>>, vector<16xf32>,
        %mul3A_612 = arith.mulf %get3A_611, %gather3A_594 : vector<16xf32>
        %swap3A_613 = arith.index_cast %scan3A_448 : i32 to index
        %swap3A_614 = arith.constant 288 : index
        %swap3A_615 = tpu.vector_load %arg16[%swap3A_613, %swap3A_614] {strides = array<i32>} : memref<64x528xf32, #tpu.memory_space<vmem>>, vector<16xf32>,
        tpu.vector_store %arg16[%swap3A_613, %swap3A_614], %mul3A_612 {strides = array<i32>} : memref<64x528xf32, #tpu.memory_space<vmem>>, vector<16xf32>,
        %get3A_616 = arith.index_cast %scan3A_448 : i32 to index
        %get3A_617 = arith.constant 304 : index
        %get3A_618 = tpu.vector_load %arg16[%get3A_616, %get3A_617] {strides = array<i32>} : memref<64x528xf32, #tpu.memory_space<vmem>>, vector<16xf32>,
        %mul3A_619 = arith.mulf %get3A_618, %gather3A_594 : vector<16xf32>
        %swap3A_620 = arith.index_cast %scan3A_448 : i32 to index
        %swap3A_621 = arith.constant 304 : index
        %swap3A_622 = tpu.vector_load %arg16[%swap3A_620, %swap3A_621] {strides = array<i32>} : memref<64x528xf32, #tpu.memory_space<vmem>>, vector<16xf32>,
        tpu.vector_store %arg16[%swap3A_620, %swap3A_621], %mul3A_619 {strides = array<i32>} : memref<64x528xf32, #tpu.memory_space<vmem>>, vector<16xf32>,
        %broadcast_in_dim3A_623 = arith.constant 5 : i32
        %broadcast_in_dim3A_624 = vector.broadcast %broadcast_in_dim3A_623 : i32 to vector<16x1xi32>
        %gather3A_625 = vector.shape_cast %broadcast_in_dim3A_624 : vector<16x1xi32> to vector<16xi32>
        %gather3A_626 = tpu.dynamic_gather %exp3A[%gather3A_625] in [0] : vector<16xf32>, vector<16xi32> -> vector<16xf32>
        %get3A_627 = arith.index_cast %scan3A_448 : i32 to index
        %get3A_628 = arith.constant 320 : index
        %get3A_629 = tpu.vector_load %arg16[%get3A_627, %get3A_628] {strides = array<i32>} : memref<64x528xf32, #tpu.memory_space<vmem>>, vector<16xf32>,
        %mul3A_630 = arith.mulf %get3A_629, %gather3A_626 : vector<16xf32>
        %swap3A_631 = arith.index_cast %scan3A_448 : i32 to index
        %swap3A_632 = arith.constant 320 : index
        %swap3A_633 = tpu.vector_load %arg16[%swap3A_631, %swap3A_632] {strides = array<i32>} : memref<64x528xf32, #tpu.memory_space<vmem>>, vector<16xf32>,
        tpu.vector_store %arg16[%swap3A_631, %swap3A_632], %mul3A_630 {strides = array<i32>} : memref<64x528xf32, #tpu.memory_space<vmem>>, vector<16xf32>,
        %get3A_634 = arith.index_cast %scan3A_448 : i32 to index
        %get3A_635 = arith.constant 336 : index
        %get3A_636 = tpu.vector_load %arg16[%get3A_634, %get3A_635] {strides = array<i32>} : memref<64x528xf32, #tpu.memory_space<vmem>>, vector<16xf32>,
        %mul3A_637 = arith.mulf %get3A_636, %gather3A_626 : vector<16xf32>
        %swap3A_638 = arith.index_cast %scan3A_448 : i32 to index
        %swap3A_639 = arith.constant 336 : index
        %swap3A_640 = tpu.vector_load %arg16[%swap3A_638, %swap3A_639] {strides = array<i32>} : memref<64x528xf32, #tpu.memory_space<vmem>>, vector<16xf32>,
        tpu.vector_store %arg16[%swap3A_638, %swap3A_639], %mul3A_637 {strides = array<i32>} : memref<64x528xf32, #tpu.memory_space<vmem>>, vector<16xf32>,
        %get3A_641 = arith.index_cast %scan3A_448 : i32 to index
        %get3A_642 = arith.constant 352 : index
        %get3A_643 = tpu.vector_load %arg16[%get3A_641, %get3A_642] {strides = array<i32>} : memref<64x528xf32, #tpu.memory_space<vmem>>, vector<16xf32>,
        %mul3A_644 = arith.mulf %get3A_643, %gather3A_626 : vector<16xf32>
        %swap3A_645 = arith.index_cast %scan3A_448 : i32 to index
        %swap3A_646 = arith.constant 352 : index
        %swap3A_647 = tpu.vector_load %arg16[%swap3A_645, %swap3A_646] {strides = array<i32>} : memref<64x528xf32, #tpu.memory_space<vmem>>, vector<16xf32>,
        tpu.vector_store %arg16[%swap3A_645, %swap3A_646], %mul3A_644 {strides = array<i32>} : memref<64x528xf32, #tpu.memory_space<vmem>>, vector<16xf32>,
        %get3A_648 = arith.index_cast %scan3A_448 : i32 to index
        %get3A_649 = arith.constant 368 : index
        %get3A_650 = tpu.vector_load %arg16[%get3A_648, %get3A_649] {strides = array<i32>} : memref<64x528xf32, #tpu.memory_space<vmem>>, vector<16xf32>,
        %mul3A_651 = arith.mulf %get3A_650, %gather3A_626 : vector<16xf32>
        %swap3A_652 = arith.index_cast %scan3A_448 : i32 to index
        %swap3A_653 = arith.constant 368 : index
        %swap3A_654 = tpu.vector_load %arg16[%swap3A_652, %swap3A_653] {strides = array<i32>} : memref<64x528xf32, #tpu.memory_space<vmem>>, vector<16xf32>,
        tpu.vector_store %arg16[%swap3A_652, %swap3A_653], %mul3A_651 {strides = array<i32>} : memref<64x528xf32, #tpu.memory_space<vmem>>, vector<16xf32>,
        %broadcast_in_dim3A_655 = arith.constant 6 : i32
        %broadcast_in_dim3A_656 = vector.broadcast %broadcast_in_dim3A_655 : i32 to vector<16x1xi32>
        %gather3A_657 = vector.shape_cast %broadcast_in_dim3A_656 : vector<16x1xi32> to vector<16xi32>
        %gather3A_658 = tpu.dynamic_gather %exp3A[%gather3A_657] in [0] : vector<16xf32>, vector<16xi32> -> vector<16xf32>
        %get3A_659 = arith.index_cast %scan3A_448 : i32 to index
        %get3A_660 = arith.constant 384 : index
        %get3A_661 = tpu.vector_load %arg16[%get3A_659, %get3A_660] {strides = array<i32>} : memref<64x528xf32, #tpu.memory_space<vmem>>, vector<16xf32>,
        %mul3A_662 = arith.mulf %get3A_661, %gather3A_658 : vector<16xf32>
        %swap3A_663 = arith.index_cast %scan3A_448 : i32 to index
        %swap3A_664 = arith.constant 384 : index
        %swap3A_665 = tpu.vector_load %arg16[%swap3A_663, %swap3A_664] {strides = array<i32>} : memref<64x528xf32, #tpu.memory_space<vmem>>, vector<16xf32>,
        tpu.vector_store %arg16[%swap3A_663, %swap3A_664], %mul3A_662 {strides = array<i32>} : memref<64x528xf32, #tpu.memory_space<vmem>>, vector<16xf32>,
        %get3A_666 = arith.index_cast %scan3A_448 : i32 to index
        %get3A_667 = arith.constant 400 : index
        %get3A_668 = tpu.vector_load %arg16[%get3A_666, %get3A_667] {strides = array<i32>} : memref<64x528xf32, #tpu.memory_space<vmem>>, vector<16xf32>,
        %mul3A_669 = arith.mulf %get3A_668, %gather3A_658 : vector<16xf32>
        %swap3A_670 = arith.index_cast %scan3A_448 : i32 to index
        %swap3A_671 = arith.constant 400 : index
        %swap3A_672 = tpu.vector_load %arg16[%swap3A_670, %swap3A_671] {strides = array<i32>} : memref<64x528xf32, #tpu.memory_space<vmem>>, vector<16xf32>,
        tpu.vector_store %arg16[%swap3A_670, %swap3A_671], %mul3A_669 {strides = array<i32>} : memref<64x528xf32, #tpu.memory_space<vmem>>, vector<16xf32>,
        %get3A_673 = arith.index_cast %scan3A_448 : i32 to index
        %get3A_674 = arith.constant 416 : index
        %get3A_675 = tpu.vector_load %arg16[%get3A_673, %get3A_674] {strides = array<i32>} : memref<64x528xf32, #tpu.memory_space<vmem>>, vector<16xf32>,
        %mul3A_676 = arith.mulf %get3A_675, %gather3A_658 : vector<16xf32>
        %swap3A_677 = arith.index_cast %scan3A_448 : i32 to index
        %swap3A_678 = arith.constant 416 : index
        %swap3A_679 = tpu.vector_load %arg16[%swap3A_677, %swap3A_678] {strides = array<i32>} : memref<64x528xf32, #tpu.memory_space<vmem>>, vector<16xf32>,
        tpu.vector_store %arg16[%swap3A_677, %swap3A_678], %mul3A_676 {strides = array<i32>} : memref<64x528xf32, #tpu.memory_space<vmem>>, vector<16xf32>,
        %get3A_680 = arith.index_cast %scan3A_448 : i32 to index
        %get3A_681 = arith.constant 432 : index
        %get3A_682 = tpu.vector_load %arg16[%get3A_680, %get3A_681] {strides = array<i32>} : memref<64x528xf32, #tpu.memory_space<vmem>>, vector<16xf32>,
        %mul3A_683 = arith.mulf %get3A_682, %gather3A_658 : vector<16xf32>
        %swap3A_684 = arith.index_cast %scan3A_448 : i32 to index
        %swap3A_685 = arith.constant 432 : index
        %swap3A_686 = tpu.vector_load %arg16[%swap3A_684, %swap3A_685] {strides = array<i32>} : memref<64x528xf32, #tpu.memory_space<vmem>>, vector<16xf32>,
        tpu.vector_store %arg16[%swap3A_684, %swap3A_685], %mul3A_683 {strides = array<i32>} : memref<64x528xf32, #tpu.memory_space<vmem>>, vector<16xf32>,
        %broadcast_in_dim3A_687 = arith.constant 7 : i32
        %broadcast_in_dim3A_688 = vector.broadcast %broadcast_in_dim3A_687 : i32 to vector<16x1xi32>
        %gather3A_689 = vector.shape_cast %broadcast_in_dim3A_688 : vector<16x1xi32> to vector<16xi32>
        %gather3A_690 = tpu.dynamic_gather %exp3A[%gather3A_689] in [0] : vector<16xf32>, vector<16xi32> -> vector<16xf32>
        %get3A_691 = arith.index_cast %scan3A_448 : i32 to index
        %get3A_692 = arith.constant 448 : index
        %get3A_693 = tpu.vector_load %arg16[%get3A_691, %get3A_692] {strides = array<i32>} : memref<64x528xf32, #tpu.memory_space<vmem>>, vector<16xf32>,
        %mul3A_694 = arith.mulf %get3A_693, %gather3A_690 : vector<16xf32>
        %swap3A_695 = arith.index_cast %scan3A_448 : i32 to index
        %swap3A_696 = arith.constant 448 : index
        %swap3A_697 = tpu.vector_load %arg16[%swap3A_695, %swap3A_696] {strides = array<i32>} : memref<64x528xf32, #tpu.memory_space<vmem>>, vector<16xf32>,
        tpu.vector_store %arg16[%swap3A_695, %swap3A_696], %mul3A_694 {strides = array<i32>} : memref<64x528xf32, #tpu.memory_space<vmem>>, vector<16xf32>,
        %get3A_698 = arith.index_cast %scan3A_448 : i32 to index
        %get3A_699 = arith.constant 464 : index
        %get3A_700 = tpu.vector_load %arg16[%get3A_698, %get3A_699] {strides = array<i32>} : memref<64x528xf32, #tpu.memory_space<vmem>>, vector<16xf32>,
        %mul3A_701 = arith.mulf %get3A_700, %gather3A_690 : vector<16xf32>
        %swap3A_702 = arith.index_cast %scan3A_448 : i32 to index
        %swap3A_703 = arith.constant 464 : index
        %swap3A_704 = tpu.vector_load %arg16[%swap3A_702, %swap3A_703] {strides = array<i32>} : memref<64x528xf32, #tpu.memory_space<vmem>>, vector<16xf32>,
        tpu.vector_store %arg16[%swap3A_702, %swap3A_703], %mul3A_701 {strides = array<i32>} : memref<64x528xf32, #tpu.memory_space<vmem>>, vector<16xf32>,
        %get3A_705 = arith.index_cast %scan3A_448 : i32 to index
        %get3A_706 = arith.constant 480 : index
        %get3A_707 = tpu.vector_load %arg16[%get3A_705, %get3A_706] {strides = array<i32>} : memref<64x528xf32, #tpu.memory_space<vmem>>, vector<16xf32>,
        %mul3A_708 = arith.mulf %get3A_707, %gather3A_690 : vector<16xf32>
        %swap3A_709 = arith.index_cast %scan3A_448 : i32 to index
        %swap3A_710 = arith.constant 480 : index
        %swap3A_711 = tpu.vector_load %arg16[%swap3A_709, %swap3A_710] {strides = array<i32>} : memref<64x528xf32, #tpu.memory_space<vmem>>, vector<16xf32>,
        tpu.vector_store %arg16[%swap3A_709, %swap3A_710], %mul3A_708 {strides = array<i32>} : memref<64x528xf32, #tpu.memory_space<vmem>>, vector<16xf32>,
        %get3A_712 = arith.index_cast %scan3A_448 : i32 to index
        %get3A_713 = arith.constant 496 : index
        %get3A_714 = tpu.vector_load %arg16[%get3A_712, %get3A_713] {strides = array<i32>} : memref<64x528xf32, #tpu.memory_space<vmem>>, vector<16xf32>,
        %mul3A_715 = arith.mulf %get3A_714, %gather3A_690 : vector<16xf32>
        %swap3A_716 = arith.index_cast %scan3A_448 : i32 to index
        %swap3A_717 = arith.constant 496 : index
        %swap3A_718 = tpu.vector_load %arg16[%swap3A_716, %swap3A_717] {strides = array<i32>} : memref<64x528xf32, #tpu.memory_space<vmem>>, vector<16xf32>,
        tpu.vector_store %arg16[%swap3A_716, %swap3A_717], %mul3A_715 {strides = array<i32>} : memref<64x528xf32, #tpu.memory_space<vmem>>, vector<16xf32>,
        %swap3A_719 = arith.index_cast %scan3A_448 : i32 to index
        %swap3A_720 = arith.constant 512 : index
        %swap3A_721 = tpu.vector_load %arg16[%swap3A_719, %swap3A_720] {strides = array<i32>} : memref<64x528xf32, #tpu.memory_space<vmem>>, vector<16xf32>,
        tpu.vector_store %arg16[%swap3A_719, %swap3A_720], %select_n3A_463 {strides = array<i32>} : memref<64x528xf32, #tpu.memory_space<vmem>>, vector<16xf32>,
      }
      %scan3A_441 = arith.constant 64 : i32
      %dma_start3A_442 = arith.constant 0 : i32
      %dma_start3A_443 = tpu.memref_slice %arg20[%add3A_256, %dma_start3A_442] : memref<10x64xi32, #tpu.memory_space<vmem>> -> memref<1x64xi32, #tpu.memory_space<vmem>>
      %dma_start3A_444 = tpu.memref_squeeze %dma_start3A_443 : memref<1x64xi32, #tpu.memory_space<vmem>> -> memref<64xi32, #tpu.memory_space<vmem>>
      %dma_start3A_445 = arith.constant 0 : i32
      %dma_start3A_446 = arith.constant 0 : i32
      %dma_start3A_447 = tpu.memref_slice %arg14[%dma_start3A_445, %dma_start3A_446] : memref<896x528xf32, #tpu.memory_space<vmem_shared>> -> memref<896x528xf32, #tpu.memory_space<vmem_shared>>
      tpu.enqueue_indirect_dma source(%arg16 : memref<64x528xf32, #tpu.memory_space<vmem>>) target(%dma_start3A_447 : memref<896x528xf32, #tpu.memory_space<vmem_shared>>) offsets(%dma_start3A_444 : memref<64xi32, #tpu.memory_space<vmem>>) semaphore(%arg26 : memref<!tpu.dma_semaphore, #tpu.memory_space<semaphore_mem>>) {add = true}
    }
    %scan3A_50 = arith.constant 5 : i32
    %dma_wait3A_51 = arith.constant 9 : i32
    %dma_wait3A_52 = arith.constant 0 : i32
    %dma_wait3A_53 = tpu.memref_slice %arg20[%dma_wait3A_51, %dma_wait3A_52] : memref<10x64xi32, #tpu.memory_space<vmem>> -> memref<1x64xi32, #tpu.memory_space<vmem>>
    %dma_wait3A_54 = tpu.memref_squeeze %dma_wait3A_53 : memref<1x64xi32, #tpu.memory_space<vmem>> -> memref<64xi32, #tpu.memory_space<vmem>>
    %dma_wait3A_55 = arith.constant 0 : i32
    %dma_wait3A_56 = arith.constant 0 : i32
    %dma_wait3A_57 = tpu.memref_slice %arg14[%dma_wait3A_55, %dma_wait3A_56] : memref<896x528xf32, #tpu.memory_space<vmem_shared>> -> memref<896x528xf32, #tpu.memory_space<vmem_shared>>
    tpu.wait_indirect_dma semaphore(%arg26 : memref<!tpu.dma_semaphore, #tpu.memory_space<semaphore_mem>>) src(%arg16 : memref<64x528xf32, #tpu.memory_space<vmem>>) dst(%dma_wait3A_57 : memref<896x528xf32, #tpu.memory_space<vmem_shared>>)
    %barrier3A_58 = arith.constant 0 : index
    tpu.barrier barrier_id(%barrier3A_58)
    %mul3A_59 = arith.constant 56 : i32
    %mul3A_60 = arith.muli %arg1, %mul3A_59 : i32
    %mul3A_61 = arith.constant 56 : i32
    %mul3A_62 = arith.muli %arg1, %mul3A_61 : i32
    "tpu.region"() ({
      %run_scoped3A = tpu.sem_alloc : memref<!tpu.dma_semaphore, #tpu.memory_space<semaphore_mem>>
      %dma_start3A_67 = arith.constant 0 : i32
      %dma_start3A_68 = tpu.memref_slice %arg11[%arg0, %mul3A_62, %dma_start3A_67] : memref<2x896x528xf32, #tpu.memory_space<hbm>> -> memref<1x56x528xf32, #tpu.memory_space<hbm>>
      %dma_start3A_69 = tpu.memref_squeeze %dma_start3A_68 : memref<1x56x528xf32, #tpu.memory_space<hbm>> -> memref<56x528xf32, #tpu.memory_space<hbm>>
      %dma_start3A_70 = arith.constant 0 : i32
      %dma_start3A_71 = tpu.memref_slice %arg13[%mul3A_60, %dma_start3A_70] : memref<896x528xf32, #tpu.memory_space<vmem_shared>> -> memref<56x528xf32, #tpu.memory_space<vmem_shared>>
      tpu.enqueue_dma source(%dma_start3A_71 : memref<56x528xf32, #tpu.memory_space<vmem_shared>>) target(%dma_start3A_69 : memref<56x528xf32, #tpu.memory_space<hbm>>) target_semaphore(%run_scoped3A : memref<!tpu.dma_semaphore, #tpu.memory_space<semaphore_mem>>)
      %dma_wait3A_72 = arith.constant 0 : i32
      %dma_wait3A_73 = tpu.memref_slice %arg11[%arg0, %mul3A_62, %dma_wait3A_72] : memref<2x896x528xf32, #tpu.memory_space<hbm>> -> memref<1x56x528xf32, #tpu.memory_space<hbm>>
      %dma_wait3A_74 = tpu.memref_squeeze %dma_wait3A_73 : memref<1x56x528xf32, #tpu.memory_space<hbm>> -> memref<56x528xf32, #tpu.memory_space<hbm>>
      %dma_wait3A_75 = arith.constant 0 : i32
      %dma_wait3A_76 = tpu.memref_slice %arg13[%mul3A_60, %dma_wait3A_75] : memref<896x528xf32, #tpu.memory_space<vmem_shared>> -> memref<56x528xf32, #tpu.memory_space<vmem_shared>>
      tpu.wait_dma2 semaphore(%run_scoped3A : memref<!tpu.dma_semaphore, #tpu.memory_space<semaphore_mem>>) src(%dma_wait3A_76 : memref<56x528xf32, #tpu.memory_space<vmem_shared>>) dst(%dma_wait3A_74 : memref<56x528xf32, #tpu.memory_space<hbm>>)
      tpu.yield
    }) : () -> ()
    %mul3A_63 = arith.constant 56 : i32
    %mul3A_64 = arith.muli %arg1, %mul3A_63 : i32
    %mul3A_65 = arith.constant 56 : i32
    %mul3A_66 = arith.muli %arg1, %mul3A_65 : i32
    "tpu.region"() ({
      %run_scoped3A = tpu.sem_alloc : memref<!tpu.dma_semaphore, #tpu.memory_space<semaphore_mem>>
      %dma_start3A_67 = arith.constant 0 : i32
      %dma_start3A_68 = tpu.memref_slice %arg12[%arg0, %mul3A_66, %dma_start3A_67] : memref<2x896x528xf32, #tpu.memory_space<hbm>> -> memref<1x56x528xf32, #tpu.memory_space<hbm>>
      %dma_start3A_69 = tpu.memref_squeeze %dma_start3A_68 : memref<1x56x528xf32, #tpu.memory_space<hbm>> -> memref<56x528xf32, #tpu.memory_space<hbm>>
      %dma_start3A_70 = arith.constant 0 : i32
      %dma_start3A_71 = tpu.memref_slice %arg14[%mul3A_64, %dma_start3A_70] : memref<896x528xf32, #tpu.memory_space<vmem_shared>> -> memref<56x528xf32, #tpu.memory_space<vmem_shared>>
      tpu.enqueue_dma source(%dma_start3A_71 : memref<56x528xf32, #tpu.memory_space<vmem_shared>>) target(%dma_start3A_69 : memref<56x528xf32, #tpu.memory_space<hbm>>) target_semaphore(%run_scoped3A : memref<!tpu.dma_semaphore, #tpu.memory_space<semaphore_mem>>)
      %dma_wait3A_72 = arith.constant 0 : i32
      %dma_wait3A_73 = tpu.memref_slice %arg12[%arg0, %mul3A_66, %dma_wait3A_72] : memref<2x896x528xf32, #tpu.memory_space<hbm>> -> memref<1x56x528xf32, #tpu.memory_space<hbm>>
      %dma_wait3A_74 = tpu.memref_squeeze %dma_wait3A_73 : memref<1x56x528xf32, #tpu.memory_space<hbm>> -> memref<56x528xf32, #tpu.memory_space<hbm>>
      %dma_wait3A_75 = arith.constant 0 : i32
      %dma_wait3A_76 = tpu.memref_slice %arg14[%mul3A_64, %dma_wait3A_75] : memref<896x528xf32, #tpu.memory_space<vmem_shared>> -> memref<56x528xf32, #tpu.memory_space<vmem_shared>>
      tpu.wait_dma2 semaphore(%run_scoped3A : memref<!tpu.dma_semaphore, #tpu.memory_space<semaphore_mem>>) src(%dma_wait3A_76 : memref<56x528xf32, #tpu.memory_space<vmem_shared>>) dst(%dma_wait3A_74 : memref<56x528xf32, #tpu.memory_space<hbm>>)
      tpu.yield
    }) : () -> ()
    return
  }
}

#map = affine_map<(d0, d1) -> (0)>
module attributes {stable_mosaic.version = 14 : i64} {
  func.func @_pair_body(%arg0: i32, %arg1: i32, %arg2: memref<57344xf32, #tpu.memory_space<hbm>>, %arg3: memref<16384xi32, #tpu.memory_space<hbm>>, %arg4: memref<16384xi32, #tpu.memory_space<hbm>>, %arg5: memref<16384xf32, #tpu.memory_space<hbm>>, %arg6: memref<57344xf32, #tpu.memory_space<vmem>>, %arg7: memref<512xi32, #tpu.memory_space<vmem>>, %arg8: memref<512xi32, #tpu.memory_space<vmem>>, %arg9: memref<512xf32, #tpu.memory_space<vmem>>) attributes {dimension_semantics = [#tpu.dimension_semantics<core_parallel>, #tpu.dimension_semantics<subcore_parallel>], iteration_bounds = array<i64: 2, 16>, scalar_prefetch = 0 : i64, scratch_operands = 4 : i64, tpu.core_type = #tpu.core_type<sc_vector_subcore>, window_params = [{transform_indices = #map}, {transform_indices = #map}, {transform_indices = #map}, {transform_indices = #map}]} {
    %mul3A = arith.constant 16 : i32
    %mul3A_0 = arith.muli %arg0, %mul3A : i32
    %add3A = arith.addi %mul3A_0, %arg1 : i32
    "tpu.region"() ({
      %run_scoped3A = tpu.sem_alloc : memref<!tpu.dma_semaphore, #tpu.memory_space<semaphore_mem>>
      tpu.enqueue_dma source(%arg2 : memref<57344xf32, #tpu.memory_space<hbm>>) target(%arg6 : memref<57344xf32, #tpu.memory_space<vmem>>) target_semaphore(%run_scoped3A : memref<!tpu.dma_semaphore, #tpu.memory_space<semaphore_mem>>)
      tpu.wait_dma2 semaphore(%run_scoped3A : memref<!tpu.dma_semaphore, #tpu.memory_space<semaphore_mem>>) src(%arg2 : memref<57344xf32, #tpu.memory_space<hbm>>) dst(%arg6 : memref<57344xf32, #tpu.memory_space<vmem>>)
      tpu.yield
    }) : () -> ()
    %mul3A_1 = arith.constant 512 : i32
    %mul3A_2 = arith.muli %add3A, %mul3A_1 : i32
    "tpu.region"() ({
      %run_scoped3A = tpu.sem_alloc : memref<!tpu.dma_semaphore, #tpu.memory_space<semaphore_mem>>
      %dma_start3A = tpu.memref_slice %arg3[%mul3A_2] : memref<16384xi32, #tpu.memory_space<hbm>> -> memref<512xi32, #tpu.memory_space<hbm>>
      %dma_start3A_12 = tpu.memref_slice %arg3[%mul3A_2] : memref<16384xi32, #tpu.memory_space<hbm>> -> memref<512xi32, #tpu.memory_space<hbm>>
      tpu.enqueue_dma source(%dma_start3A_12 : memref<512xi32, #tpu.memory_space<hbm>>) target(%arg7 : memref<512xi32, #tpu.memory_space<vmem>>) target_semaphore(%run_scoped3A : memref<!tpu.dma_semaphore, #tpu.memory_space<semaphore_mem>>)
      %dma_wait3A = tpu.memref_slice %arg3[%mul3A_2] : memref<16384xi32, #tpu.memory_space<hbm>> -> memref<512xi32, #tpu.memory_space<hbm>>
      %dma_wait3A_13 = tpu.memref_slice %arg3[%mul3A_2] : memref<16384xi32, #tpu.memory_space<hbm>> -> memref<512xi32, #tpu.memory_space<hbm>>
      tpu.wait_dma2 semaphore(%run_scoped3A : memref<!tpu.dma_semaphore, #tpu.memory_space<semaphore_mem>>) src(%dma_wait3A_13 : memref<512xi32, #tpu.memory_space<hbm>>) dst(%arg7 : memref<512xi32, #tpu.memory_space<vmem>>)
      tpu.yield
    }) : () -> ()
    %mul3A_3 = arith.constant 512 : i32
    %mul3A_4 = arith.muli %add3A, %mul3A_3 : i32
    "tpu.region"() ({
      %run_scoped3A = tpu.sem_alloc : memref<!tpu.dma_semaphore, #tpu.memory_space<semaphore_mem>>
      %dma_start3A = tpu.memref_slice %arg4[%mul3A_4] : memref<16384xi32, #tpu.memory_space<hbm>> -> memref<512xi32, #tpu.memory_space<hbm>>
      %dma_start3A_12 = tpu.memref_slice %arg4[%mul3A_4] : memref<16384xi32, #tpu.memory_space<hbm>> -> memref<512xi32, #tpu.memory_space<hbm>>
      tpu.enqueue_dma source(%dma_start3A_12 : memref<512xi32, #tpu.memory_space<hbm>>) target(%arg8 : memref<512xi32, #tpu.memory_space<vmem>>) target_semaphore(%run_scoped3A : memref<!tpu.dma_semaphore, #tpu.memory_space<semaphore_mem>>)
      %dma_wait3A = tpu.memref_slice %arg4[%mul3A_4] : memref<16384xi32, #tpu.memory_space<hbm>> -> memref<512xi32, #tpu.memory_space<hbm>>
      %dma_wait3A_13 = tpu.memref_slice %arg4[%mul3A_4] : memref<16384xi32, #tpu.memory_space<hbm>> -> memref<512xi32, #tpu.memory_space<hbm>>
      tpu.wait_dma2 semaphore(%run_scoped3A : memref<!tpu.dma_semaphore, #tpu.memory_space<semaphore_mem>>) src(%dma_wait3A_13 : memref<512xi32, #tpu.memory_space<hbm>>) dst(%arg8 : memref<512xi32, #tpu.memory_space<vmem>>)
      tpu.yield
    }) : () -> ()
    %scan3A = arith.constant 0 : i32
    %scan3A_5 = arith.constant 0 : i32
    %scan3A_6 = arith.constant 32 : i32
    %scan3A_7 = arith.addi %scan3A_5, %scan3A_6 : i32
    %scan3A_8 = arith.constant 1 : i32
    scf.for %scan3A_12 = %scan3A_5 to %scan3A_7 step %scan3A_8  : i32 {
      %mul3A_13 = arith.constant 16 : i32
      %mul3A_14 = arith.muli %scan3A_12, %mul3A_13 : i32
      %get3A = arith.index_cast %mul3A_14 : i32 to index
      %get3A_15 = tpu.vector_load %arg7[%get3A] {strides = array<i32>} : memref<512xi32, #tpu.memory_space<vmem>>, vector<16xi32>,
      %mul3A_16 = arith.constant 16 : i32
      %mul3A_17 = arith.muli %scan3A_12, %mul3A_16 : i32
      %get3A_18 = arith.index_cast %mul3A_17 : i32 to index
      %get3A_19 = tpu.vector_load %arg8[%get3A_18] {strides = array<i32>} : memref<512xi32, #tpu.memory_space<vmem>>, vector<16xi32>,
      %broadcast_in_dim3A = arith.constant 0.000000e+00 : f32
      %broadcast_in_dim3A_20 = vector.broadcast %broadcast_in_dim3A : f32 to vector<16xf32>
      %broadcast_in_dim3A_21 = arith.constant 0.000000e+00 : f32
      %broadcast_in_dim3A_22 = vector.broadcast %broadcast_in_dim3A_21 : f32 to vector<16xf32>
      %broadcast_in_dim3A_23 = arith.constant 0.000000e+00 : f32
      %broadcast_in_dim3A_24 = vector.broadcast %broadcast_in_dim3A_23 : f32 to vector<16xf32>
      %broadcast_in_dim3A_25 = arith.constant 0.000000e+00 : f32
      %broadcast_in_dim3A_26 = vector.broadcast %broadcast_in_dim3A_25 : f32 to vector<16xf32>
      %add3A_27 = arith.constant 0 : i32
      %add3A_28 = vector.broadcast %add3A_27 : i32 to vector<16xi32>
      %add3A_29 = arith.addi %get3A_15, %add3A_28 : vector<16xi32>
      %gather3A = tpu.vector_load_idx %arg6[%add3A_29] : memref<57344xf32, #tpu.memory_space<vmem>>[vector<16xi32>], vector<16xf32>,
      %add3A_30 = arith.constant 0 : i32
      %add3A_31 = vector.broadcast %add3A_30 : i32 to vector<16xi32>
      %add3A_32 = arith.addi %get3A_19, %add3A_31 : vector<16xi32>
      %gather3A_33 = tpu.vector_load_idx %arg6[%add3A_32] : memref<57344xf32, #tpu.memory_space<vmem>>[vector<16xi32>], vector<16xf32>,
      %mul3A_34 = arith.mulf %gather3A, %gather3A_33 : vector<16xf32>
      %add3A_35 = arith.addf %broadcast_in_dim3A_20, %mul3A_34 : vector<16xf32>
      %add3A_36 = arith.constant 896 : i32
      %add3A_37 = vector.broadcast %add3A_36 : i32 to vector<16xi32>
      %add3A_38 = arith.addi %get3A_15, %add3A_37 : vector<16xi32>
      %gather3A_39 = tpu.vector_load_idx %arg6[%add3A_38] : memref<57344xf32, #tpu.memory_space<vmem>>[vector<16xi32>], vector<16xf32>,
      %add3A_40 = arith.constant 896 : i32
      %add3A_41 = vector.broadcast %add3A_40 : i32 to vector<16xi32>
      %add3A_42 = arith.addi %get3A_19, %add3A_41 : vector<16xi32>
      %gather3A_43 = tpu.vector_load_idx %arg6[%add3A_42] : memref<57344xf32, #tpu.memory_space<vmem>>[vector<16xi32>], vector<16xf32>,
      %mul3A_44 = arith.mulf %gather3A_39, %gather3A_43 : vector<16xf32>
      %add3A_45 = arith.addf %broadcast_in_dim3A_22, %mul3A_44 : vector<16xf32>
      %add3A_46 = arith.constant 1792 : i32
      %add3A_47 = vector.broadcast %add3A_46 : i32 to vector<16xi32>
      %add3A_48 = arith.addi %get3A_15, %add3A_47 : vector<16xi32>
      %gather3A_49 = tpu.vector_load_idx %arg6[%add3A_48] : memref<57344xf32, #tpu.memory_space<vmem>>[vector<16xi32>], vector<16xf32>,
      %add3A_50 = arith.constant 1792 : i32
      %add3A_51 = vector.broadcast %add3A_50 : i32 to vector<16xi32>
      %add3A_52 = arith.addi %get3A_19, %add3A_51 : vector<16xi32>
      %gather3A_53 = tpu.vector_load_idx %arg6[%add3A_52] : memref<57344xf32, #tpu.memory_space<vmem>>[vector<16xi32>], vector<16xf32>,
      %mul3A_54 = arith.mulf %gather3A_49, %gather3A_53 : vector<16xf32>
      %add3A_55 = arith.addf %broadcast_in_dim3A_24, %mul3A_54 : vector<16xf32>
      %add3A_56 = arith.constant 2688 : i32
      %add3A_57 = vector.broadcast %add3A_56 : i32 to vector<16xi32>
      %add3A_58 = arith.addi %get3A_15, %add3A_57 : vector<16xi32>
      %gather3A_59 = tpu.vector_load_idx %arg6[%add3A_58] : memref<57344xf32, #tpu.memory_space<vmem>>[vector<16xi32>], vector<16xf32>,
      %add3A_60 = arith.constant 2688 : i32
      %add3A_61 = vector.broadcast %add3A_60 : i32 to vector<16xi32>
      %add3A_62 = arith.addi %get3A_19, %add3A_61 : vector<16xi32>
      %gather3A_63 = tpu.vector_load_idx %arg6[%add3A_62] : memref<57344xf32, #tpu.memory_space<vmem>>[vector<16xi32>], vector<16xf32>,
      %mul3A_64 = arith.mulf %gather3A_59, %gather3A_63 : vector<16xf32>
      %add3A_65 = arith.addf %broadcast_in_dim3A_26, %mul3A_64 : vector<16xf32>
      %add3A_66 = arith.constant 3584 : i32
      %add3A_67 = vector.broadcast %add3A_66 : i32 to vector<16xi32>
      %add3A_68 = arith.addi %get3A_15, %add3A_67 : vector<16xi32>
      %gather3A_69 = tpu.vector_load_idx %arg6[%add3A_68] : memref<57344xf32, #tpu.memory_space<vmem>>[vector<16xi32>], vector<16xf32>,
      %add3A_70 = arith.constant 3584 : i32
      %add3A_71 = vector.broadcast %add3A_70 : i32 to vector<16xi32>
      %add3A_72 = arith.addi %get3A_19, %add3A_71 : vector<16xi32>
      %gather3A_73 = tpu.vector_load_idx %arg6[%add3A_72] : memref<57344xf32, #tpu.memory_space<vmem>>[vector<16xi32>], vector<16xf32>,
      %mul3A_74 = arith.mulf %gather3A_69, %gather3A_73 : vector<16xf32>
      %add3A_75 = arith.addf %add3A_35, %mul3A_74 : vector<16xf32>
      %add3A_76 = arith.constant 4480 : i32
      %add3A_77 = vector.broadcast %add3A_76 : i32 to vector<16xi32>
      %add3A_78 = arith.addi %get3A_15, %add3A_77 : vector<16xi32>
      %gather3A_79 = tpu.vector_load_idx %arg6[%add3A_78] : memref<57344xf32, #tpu.memory_space<vmem>>[vector<16xi32>], vector<16xf32>,
      %add3A_80 = arith.constant 4480 : i32
      %add3A_81 = vector.broadcast %add3A_80 : i32 to vector<16xi32>
      %add3A_82 = arith.addi %get3A_19, %add3A_81 : vector<16xi32>
      %gather3A_83 = tpu.vector_load_idx %arg6[%add3A_82] : memref<57344xf32, #tpu.memory_space<vmem>>[vector<16xi32>], vector<16xf32>,
      %mul3A_84 = arith.mulf %gather3A_79, %gather3A_83 : vector<16xf32>
      %add3A_85 = arith.addf %add3A_45, %mul3A_84 : vector<16xf32>
      %add3A_86 = arith.constant 5376 : i32
      %add3A_87 = vector.broadcast %add3A_86 : i32 to vector<16xi32>
      %add3A_88 = arith.addi %get3A_15, %add3A_87 : vector<16xi32>
      %gather3A_89 = tpu.vector_load_idx %arg6[%add3A_88] : memref<57344xf32, #tpu.memory_space<vmem>>[vector<16xi32>], vector<16xf32>,
      %add3A_90 = arith.constant 5376 : i32
      %add3A_91 = vector.broadcast %add3A_90 : i32 to vector<16xi32>
      %add3A_92 = arith.addi %get3A_19, %add3A_91 : vector<16xi32>
      %gather3A_93 = tpu.vector_load_idx %arg6[%add3A_92] : memref<57344xf32, #tpu.memory_space<vmem>>[vector<16xi32>], vector<16xf32>,
      %mul3A_94 = arith.mulf %gather3A_89, %gather3A_93 : vector<16xf32>
      %add3A_95 = arith.addf %add3A_55, %mul3A_94 : vector<16xf32>
      %add3A_96 = arith.constant 6272 : i32
      %add3A_97 = vector.broadcast %add3A_96 : i32 to vector<16xi32>
      %add3A_98 = arith.addi %get3A_15, %add3A_97 : vector<16xi32>
      %gather3A_99 = tpu.vector_load_idx %arg6[%add3A_98] : memref<57344xf32, #tpu.memory_space<vmem>>[vector<16xi32>], vector<16xf32>,
      %add3A_100 = arith.constant 6272 : i32
      %add3A_101 = vector.broadcast %add3A_100 : i32 to vector<16xi32>
      %add3A_102 = arith.addi %get3A_19, %add3A_101 : vector<16xi32>
      %gather3A_103 = tpu.vector_load_idx %arg6[%add3A_102] : memref<57344xf32, #tpu.memory_space<vmem>>[vector<16xi32>], vector<16xf32>,
      %mul3A_104 = arith.mulf %gather3A_99, %gather3A_103 : vector<16xf32>
      %add3A_105 = arith.addf %add3A_65, %mul3A_104 : vector<16xf32>
      %add3A_106 = arith.constant 7168 : i32
      %add3A_107 = vector.broadcast %add3A_106 : i32 to vector<16xi32>
      %add3A_108 = arith.addi %get3A_15, %add3A_107 : vector<16xi32>
      %gather3A_109 = tpu.vector_load_idx %arg6[%add3A_108] : memref<57344xf32, #tpu.memory_space<vmem>>[vector<16xi32>], vector<16xf32>,
      %add3A_110 = arith.constant 7168 : i32
      %add3A_111 = vector.broadcast %add3A_110 : i32 to vector<16xi32>
      %add3A_112 = arith.addi %get3A_19, %add3A_111 : vector<16xi32>
      %gather3A_113 = tpu.vector_load_idx %arg6[%add3A_112] : memref<57344xf32, #tpu.memory_space<vmem>>[vector<16xi32>], vector<16xf32>,
      %mul3A_114 = arith.mulf %gather3A_109, %gather3A_113 : vector<16xf32>
      %add3A_115 = arith.addf %add3A_75, %mul3A_114 : vector<16xf32>
      %add3A_116 = arith.constant 8064 : i32
      %add3A_117 = vector.broadcast %add3A_116 : i32 to vector<16xi32>
      %add3A_118 = arith.addi %get3A_15, %add3A_117 : vector<16xi32>
      %gather3A_119 = tpu.vector_load_idx %arg6[%add3A_118] : memref<57344xf32, #tpu.memory_space<vmem>>[vector<16xi32>], vector<16xf32>,
      %add3A_120 = arith.constant 8064 : i32
      %add3A_121 = vector.broadcast %add3A_120 : i32 to vector<16xi32>
      %add3A_122 = arith.addi %get3A_19, %add3A_121 : vector<16xi32>
      %gather3A_123 = tpu.vector_load_idx %arg6[%add3A_122] : memref<57344xf32, #tpu.memory_space<vmem>>[vector<16xi32>], vector<16xf32>,
      %mul3A_124 = arith.mulf %gather3A_119, %gather3A_123 : vector<16xf32>
      %add3A_125 = arith.addf %add3A_85, %mul3A_124 : vector<16xf32>
      %add3A_126 = arith.constant 8960 : i32
      %add3A_127 = vector.broadcast %add3A_126 : i32 to vector<16xi32>
      %add3A_128 = arith.addi %get3A_15, %add3A_127 : vector<16xi32>
      %gather3A_129 = tpu.vector_load_idx %arg6[%add3A_128] : memref<57344xf32, #tpu.memory_space<vmem>>[vector<16xi32>], vector<16xf32>,
      %add3A_130 = arith.constant 8960 : i32
      %add3A_131 = vector.broadcast %add3A_130 : i32 to vector<16xi32>
      %add3A_132 = arith.addi %get3A_19, %add3A_131 : vector<16xi32>
      %gather3A_133 = tpu.vector_load_idx %arg6[%add3A_132] : memref<57344xf32, #tpu.memory_space<vmem>>[vector<16xi32>], vector<16xf32>,
      %mul3A_134 = arith.mulf %gather3A_129, %gather3A_133 : vector<16xf32>
      %add3A_135 = arith.addf %add3A_95, %mul3A_134 : vector<16xf32>
      %add3A_136 = arith.constant 9856 : i32
      %add3A_137 = vector.broadcast %add3A_136 : i32 to vector<16xi32>
      %add3A_138 = arith.addi %get3A_15, %add3A_137 : vector<16xi32>
      %gather3A_139 = tpu.vector_load_idx %arg6[%add3A_138] : memref<57344xf32, #tpu.memory_space<vmem>>[vector<16xi32>], vector<16xf32>,
      %add3A_140 = arith.constant 9856 : i32
      %add3A_141 = vector.broadcast %add3A_140 : i32 to vector<16xi32>
      %add3A_142 = arith.addi %get3A_19, %add3A_141 : vector<16xi32>
      %gather3A_143 = tpu.vector_load_idx %arg6[%add3A_142] : memref<57344xf32, #tpu.memory_space<vmem>>[vector<16xi32>], vector<16xf32>,
      %mul3A_144 = arith.mulf %gather3A_139, %gather3A_143 : vector<16xf32>
      %add3A_145 = arith.addf %add3A_105, %mul3A_144 : vector<16xf32>
      %add3A_146 = arith.constant 10752 : i32
      %add3A_147 = vector.broadcast %add3A_146 : i32 to vector<16xi32>
      %add3A_148 = arith.addi %get3A_15, %add3A_147 : vector<16xi32>
      %gather3A_149 = tpu.vector_load_idx %arg6[%add3A_148] : memref<57344xf32, #tpu.memory_space<vmem>>[vector<16xi32>], vector<16xf32>,
      %add3A_150 = arith.constant 10752 : i32
      %add3A_151 = vector.broadcast %add3A_150 : i32 to vector<16xi32>
      %add3A_152 = arith.addi %get3A_19, %add3A_151 : vector<16xi32>
      %gather3A_153 = tpu.vector_load_idx %arg6[%add3A_152] : memref<57344xf32, #tpu.memory_space<vmem>>[vector<16xi32>], vector<16xf32>,
      %mul3A_154 = arith.mulf %gather3A_149, %gather3A_153 : vector<16xf32>
      %add3A_155 = arith.addf %add3A_115, %mul3A_154 : vector<16xf32>
      %add3A_156 = arith.constant 11648 : i32
      %add3A_157 = vector.broadcast %add3A_156 : i32 to vector<16xi32>
      %add3A_158 = arith.addi %get3A_15, %add3A_157 : vector<16xi32>
      %gather3A_159 = tpu.vector_load_idx %arg6[%add3A_158] : memref<57344xf32, #tpu.memory_space<vmem>>[vector<16xi32>], vector<16xf32>,
      %add3A_160 = arith.constant 11648 : i32
      %add3A_161 = vector.broadcast %add3A_160 : i32 to vector<16xi32>
      %add3A_162 = arith.addi %get3A_19, %add3A_161 : vector<16xi32>
      %gather3A_163 = tpu.vector_load_idx %arg6[%add3A_162] : memref<57344xf32, #tpu.memory_space<vmem>>[vector<16xi32>], vector<16xf32>,
      %mul3A_164 = arith.mulf %gather3A_159, %gather3A_163 : vector<16xf32>
      %add3A_165 = arith.addf %add3A_125, %mul3A_164 : vector<16xf32>
      %add3A_166 = arith.constant 12544 : i32
      %add3A_167 = vector.broadcast %add3A_166 : i32 to vector<16xi32>
      %add3A_168 = arith.addi %get3A_15, %add3A_167 : vector<16xi32>
      %gather3A_169 = tpu.vector_load_idx %arg6[%add3A_168] : memref<57344xf32, #tpu.memory_space<vmem>>[vector<16xi32>], vector<16xf32>,
      %add3A_170 = arith.constant 12544 : i32
      %add3A_171 = vector.broadcast %add3A_170 : i32 to vector<16xi32>
      %add3A_172 = arith.addi %get3A_19, %add3A_171 : vector<16xi32>
      %gather3A_173 = tpu.vector_load_idx %arg6[%add3A_172] : memref<57344xf32, #tpu.memory_space<vmem>>[vector<16xi32>], vector<16xf32>,
      %mul3A_174 = arith.mulf %gather3A_169, %gather3A_173 : vector<16xf32>
      %add3A_175 = arith.addf %add3A_135, %mul3A_174 : vector<16xf32>
      %add3A_176 = arith.constant 13440 : i32
      %add3A_177 = vector.broadcast %add3A_176 : i32 to vector<16xi32>
      %add3A_178 = arith.addi %get3A_15, %add3A_177 : vector<16xi32>
      %gather3A_179 = tpu.vector_load_idx %arg6[%add3A_178] : memref<57344xf32, #tpu.memory_space<vmem>>[vector<16xi32>], vector<16xf32>,
      %add3A_180 = arith.constant 13440 : i32
      %add3A_181 = vector.broadcast %add3A_180 : i32 to vector<16xi32>
      %add3A_182 = arith.addi %get3A_19, %add3A_181 : vector<16xi32>
      %gather3A_183 = tpu.vector_load_idx %arg6[%add3A_182] : memref<57344xf32, #tpu.memory_space<vmem>>[vector<16xi32>], vector<16xf32>,
      %mul3A_184 = arith.mulf %gather3A_179, %gather3A_183 : vector<16xf32>
      %add3A_185 = arith.addf %add3A_145, %mul3A_184 : vector<16xf32>
      %add3A_186 = arith.constant 14336 : i32
      %add3A_187 = vector.broadcast %add3A_186 : i32 to vector<16xi32>
      %add3A_188 = arith.addi %get3A_15, %add3A_187 : vector<16xi32>
      %gather3A_189 = tpu.vector_load_idx %arg6[%add3A_188] : memref<57344xf32, #tpu.memory_space<vmem>>[vector<16xi32>], vector<16xf32>,
      %add3A_190 = arith.constant 14336 : i32
      %add3A_191 = vector.broadcast %add3A_190 : i32 to vector<16xi32>
      %add3A_192 = arith.addi %get3A_19, %add3A_191 : vector<16xi32>
      %gather3A_193 = tpu.vector_load_idx %arg6[%add3A_192] : memref<57344xf32, #tpu.memory_space<vmem>>[vector<16xi32>], vector<16xf32>,
      %mul3A_194 = arith.mulf %gather3A_189, %gather3A_193 : vector<16xf32>
      %add3A_195 = arith.addf %add3A_155, %mul3A_194 : vector<16xf32>
      %add3A_196 = arith.constant 15232 : i32
      %add3A_197 = vector.broadcast %add3A_196 : i32 to vector<16xi32>
      %add3A_198 = arith.addi %get3A_15, %add3A_197 : vector<16xi32>
      %gather3A_199 = tpu.vector_load_idx %arg6[%add3A_198] : memref<57344xf32, #tpu.memory_space<vmem>>[vector<16xi32>], vector<16xf32>,
      %add3A_200 = arith.constant 15232 : i32
      %add3A_201 = vector.broadcast %add3A_200 : i32 to vector<16xi32>
      %add3A_202 = arith.addi %get3A_19, %add3A_201 : vector<16xi32>
      %gather3A_203 = tpu.vector_load_idx %arg6[%add3A_202] : memref<57344xf32, #tpu.memory_space<vmem>>[vector<16xi32>], vector<16xf32>,
      %mul3A_204 = arith.mulf %gather3A_199, %gather3A_203 : vector<16xf32>
      %add3A_205 = arith.addf %add3A_165, %mul3A_204 : vector<16xf32>
      %add3A_206 = arith.constant 16128 : i32
      %add3A_207 = vector.broadcast %add3A_206 : i32 to vector<16xi32>
      %add3A_208 = arith.addi %get3A_15, %add3A_207 : vector<16xi32>
      %gather3A_209 = tpu.vector_load_idx %arg6[%add3A_208] : memref<57344xf32, #tpu.memory_space<vmem>>[vector<16xi32>], vector<16xf32>,
      %add3A_210 = arith.constant 16128 : i32
      %add3A_211 = vector.broadcast %add3A_210 : i32 to vector<16xi32>
      %add3A_212 = arith.addi %get3A_19, %add3A_211 : vector<16xi32>
      %gather3A_213 = tpu.vector_load_idx %arg6[%add3A_212] : memref<57344xf32, #tpu.memory_space<vmem>>[vector<16xi32>], vector<16xf32>,
      %mul3A_214 = arith.mulf %gather3A_209, %gather3A_213 : vector<16xf32>
      %add3A_215 = arith.addf %add3A_175, %mul3A_214 : vector<16xf32>
      %add3A_216 = arith.constant 17024 : i32
      %add3A_217 = vector.broadcast %add3A_216 : i32 to vector<16xi32>
      %add3A_218 = arith.addi %get3A_15, %add3A_217 : vector<16xi32>
      %gather3A_219 = tpu.vector_load_idx %arg6[%add3A_218] : memref<57344xf32, #tpu.memory_space<vmem>>[vector<16xi32>], vector<16xf32>,
      %add3A_220 = arith.constant 17024 : i32
      %add3A_221 = vector.broadcast %add3A_220 : i32 to vector<16xi32>
      %add3A_222 = arith.addi %get3A_19, %add3A_221 : vector<16xi32>
      %gather3A_223 = tpu.vector_load_idx %arg6[%add3A_222] : memref<57344xf32, #tpu.memory_space<vmem>>[vector<16xi32>], vector<16xf32>,
      %mul3A_224 = arith.mulf %gather3A_219, %gather3A_223 : vector<16xf32>
      %add3A_225 = arith.addf %add3A_185, %mul3A_224 : vector<16xf32>
      %add3A_226 = arith.constant 17920 : i32
      %add3A_227 = vector.broadcast %add3A_226 : i32 to vector<16xi32>
      %add3A_228 = arith.addi %get3A_15, %add3A_227 : vector<16xi32>
      %gather3A_229 = tpu.vector_load_idx %arg6[%add3A_228] : memref<57344xf32, #tpu.memory_space<vmem>>[vector<16xi32>], vector<16xf32>,
      %add3A_230 = arith.constant 17920 : i32
      %add3A_231 = vector.broadcast %add3A_230 : i32 to vector<16xi32>
      %add3A_232 = arith.addi %get3A_19, %add3A_231 : vector<16xi32>
      %gather3A_233 = tpu.vector_load_idx %arg6[%add3A_232] : memref<57344xf32, #tpu.memory_space<vmem>>[vector<16xi32>], vector<16xf32>,
      %mul3A_234 = arith.mulf %gather3A_229, %gather3A_233 : vector<16xf32>
      %add3A_235 = arith.addf %add3A_195, %mul3A_234 : vector<16xf32>
      %add3A_236 = arith.constant 18816 : i32
      %add3A_237 = vector.broadcast %add3A_236 : i32 to vector<16xi32>
      %add3A_238 = arith.addi %get3A_15, %add3A_237 : vector<16xi32>
      %gather3A_239 = tpu.vector_load_idx %arg6[%add3A_238] : memref<57344xf32, #tpu.memory_space<vmem>>[vector<16xi32>], vector<16xf32>,
      %add3A_240 = arith.constant 18816 : i32
      %add3A_241 = vector.broadcast %add3A_240 : i32 to vector<16xi32>
      %add3A_242 = arith.addi %get3A_19, %add3A_241 : vector<16xi32>
      %gather3A_243 = tpu.vector_load_idx %arg6[%add3A_242] : memref<57344xf32, #tpu.memory_space<vmem>>[vector<16xi32>], vector<16xf32>,
      %mul3A_244 = arith.mulf %gather3A_239, %gather3A_243 : vector<16xf32>
      %add3A_245 = arith.addf %add3A_205, %mul3A_244 : vector<16xf32>
      %add3A_246 = arith.constant 19712 : i32
      %add3A_247 = vector.broadcast %add3A_246 : i32 to vector<16xi32>
      %add3A_248 = arith.addi %get3A_15, %add3A_247 : vector<16xi32>
      %gather3A_249 = tpu.vector_load_idx %arg6[%add3A_248] : memref<57344xf32, #tpu.memory_space<vmem>>[vector<16xi32>], vector<16xf32>,
      %add3A_250 = arith.constant 19712 : i32
      %add3A_251 = vector.broadcast %add3A_250 : i32 to vector<16xi32>
      %add3A_252 = arith.addi %get3A_19, %add3A_251 : vector<16xi32>
      %gather3A_253 = tpu.vector_load_idx %arg6[%add3A_252] : memref<57344xf32, #tpu.memory_space<vmem>>[vector<16xi32>], vector<16xf32>,
      %mul3A_254 = arith.mulf %gather3A_249, %gather3A_253 : vector<16xf32>
      %add3A_255 = arith.addf %add3A_215, %mul3A_254 : vector<16xf32>
      %add3A_256 = arith.constant 20608 : i32
      %add3A_257 = vector.broadcast %add3A_256 : i32 to vector<16xi32>
      %add3A_258 = arith.addi %get3A_15, %add3A_257 : vector<16xi32>
      %gather3A_259 = tpu.vector_load_idx %arg6[%add3A_258] : memref<57344xf32, #tpu.memory_space<vmem>>[vector<16xi32>], vector<16xf32>,
      %add3A_260 = arith.constant 20608 : i32
      %add3A_261 = vector.broadcast %add3A_260 : i32 to vector<16xi32>
      %add3A_262 = arith.addi %get3A_19, %add3A_261 : vector<16xi32>
      %gather3A_263 = tpu.vector_load_idx %arg6[%add3A_262] : memref<57344xf32, #tpu.memory_space<vmem>>[vector<16xi32>], vector<16xf32>,
      %mul3A_264 = arith.mulf %gather3A_259, %gather3A_263 : vector<16xf32>
      %add3A_265 = arith.addf %add3A_225, %mul3A_264 : vector<16xf32>
      %add3A_266 = arith.constant 21504 : i32
      %add3A_267 = vector.broadcast %add3A_266 : i32 to vector<16xi32>
      %add3A_268 = arith.addi %get3A_15, %add3A_267 : vector<16xi32>
      %gather3A_269 = tpu.vector_load_idx %arg6[%add3A_268] : memref<57344xf32, #tpu.memory_space<vmem>>[vector<16xi32>], vector<16xf32>,
      %add3A_270 = arith.constant 21504 : i32
      %add3A_271 = vector.broadcast %add3A_270 : i32 to vector<16xi32>
      %add3A_272 = arith.addi %get3A_19, %add3A_271 : vector<16xi32>
      %gather3A_273 = tpu.vector_load_idx %arg6[%add3A_272] : memref<57344xf32, #tpu.memory_space<vmem>>[vector<16xi32>], vector<16xf32>,
      %mul3A_274 = arith.mulf %gather3A_269, %gather3A_273 : vector<16xf32>
      %add3A_275 = arith.addf %add3A_235, %mul3A_274 : vector<16xf32>
      %add3A_276 = arith.constant 22400 : i32
      %add3A_277 = vector.broadcast %add3A_276 : i32 to vector<16xi32>
      %add3A_278 = arith.addi %get3A_15, %add3A_277 : vector<16xi32>
      %gather3A_279 = tpu.vector_load_idx %arg6[%add3A_278] : memref<57344xf32, #tpu.memory_space<vmem>>[vector<16xi32>], vector<16xf32>,
      %add3A_280 = arith.constant 22400 : i32
      %add3A_281 = vector.broadcast %add3A_280 : i32 to vector<16xi32>
      %add3A_282 = arith.addi %get3A_19, %add3A_281 : vector<16xi32>
      %gather3A_283 = tpu.vector_load_idx %arg6[%add3A_282] : memref<57344xf32, #tpu.memory_space<vmem>>[vector<16xi32>], vector<16xf32>,
      %mul3A_284 = arith.mulf %gather3A_279, %gather3A_283 : vector<16xf32>
      %add3A_285 = arith.addf %add3A_245, %mul3A_284 : vector<16xf32>
      %add3A_286 = arith.constant 23296 : i32
      %add3A_287 = vector.broadcast %add3A_286 : i32 to vector<16xi32>
      %add3A_288 = arith.addi %get3A_15, %add3A_287 : vector<16xi32>
      %gather3A_289 = tpu.vector_load_idx %arg6[%add3A_288] : memref<57344xf32, #tpu.memory_space<vmem>>[vector<16xi32>], vector<16xf32>,
      %add3A_290 = arith.constant 23296 : i32
      %add3A_291 = vector.broadcast %add3A_290 : i32 to vector<16xi32>
      %add3A_292 = arith.addi %get3A_19, %add3A_291 : vector<16xi32>
      %gather3A_293 = tpu.vector_load_idx %arg6[%add3A_292] : memref<57344xf32, #tpu.memory_space<vmem>>[vector<16xi32>], vector<16xf32>,
      %mul3A_294 = arith.mulf %gather3A_289, %gather3A_293 : vector<16xf32>
      %add3A_295 = arith.addf %add3A_255, %mul3A_294 : vector<16xf32>
      %add3A_296 = arith.constant 24192 : i32
      %add3A_297 = vector.broadcast %add3A_296 : i32 to vector<16xi32>
      %add3A_298 = arith.addi %get3A_15, %add3A_297 : vector<16xi32>
      %gather3A_299 = tpu.vector_load_idx %arg6[%add3A_298] : memref<57344xf32, #tpu.memory_space<vmem>>[vector<16xi32>], vector<16xf32>,
      %add3A_300 = arith.constant 24192 : i32
      %add3A_301 = vector.broadcast %add3A_300 : i32 to vector<16xi32>
      %add3A_302 = arith.addi %get3A_19, %add3A_301 : vector<16xi32>
      %gather3A_303 = tpu.vector_load_idx %arg6[%add3A_302] : memref<57344xf32, #tpu.memory_space<vmem>>[vector<16xi32>], vector<16xf32>,
      %mul3A_304 = arith.mulf %gather3A_299, %gather3A_303 : vector<16xf32>
      %add3A_305 = arith.addf %add3A_265, %mul3A_304 : vector<16xf32>
      %add3A_306 = arith.constant 25088 : i32
      %add3A_307 = vector.broadcast %add3A_306 : i32 to vector<16xi32>
      %add3A_308 = arith.addi %get3A_15, %add3A_307 : vector<16xi32>
      %gather3A_309 = tpu.vector_load_idx %arg6[%add3A_308] : memref<57344xf32, #tpu.memory_space<vmem>>[vector<16xi32>], vector<16xf32>,
      %add3A_310 = arith.constant 25088 : i32
      %add3A_311 = vector.broadcast %add3A_310 : i32 to vector<16xi32>
      %add3A_312 = arith.addi %get3A_19, %add3A_311 : vector<16xi32>
      %gather3A_313 = tpu.vector_load_idx %arg6[%add3A_312] : memref<57344xf32, #tpu.memory_space<vmem>>[vector<16xi32>], vector<16xf32>,
      %mul3A_314 = arith.mulf %gather3A_309, %gather3A_313 : vector<16xf32>
      %add3A_315 = arith.addf %add3A_275, %mul3A_314 : vector<16xf32>
      %add3A_316 = arith.constant 25984 : i32
      %add3A_317 = vector.broadcast %add3A_316 : i32 to vector<16xi32>
      %add3A_318 = arith.addi %get3A_15, %add3A_317 : vector<16xi32>
      %gather3A_319 = tpu.vector_load_idx %arg6[%add3A_318] : memref<57344xf32, #tpu.memory_space<vmem>>[vector<16xi32>], vector<16xf32>,
      %add3A_320 = arith.constant 25984 : i32
      %add3A_321 = vector.broadcast %add3A_320 : i32 to vector<16xi32>
      %add3A_322 = arith.addi %get3A_19, %add3A_321 : vector<16xi32>
      %gather3A_323 = tpu.vector_load_idx %arg6[%add3A_322] : memref<57344xf32, #tpu.memory_space<vmem>>[vector<16xi32>], vector<16xf32>,
      %mul3A_324 = arith.mulf %gather3A_319, %gather3A_323 : vector<16xf32>
      %add3A_325 = arith.addf %add3A_285, %mul3A_324 : vector<16xf32>
      %add3A_326 = arith.constant 26880 : i32
      %add3A_327 = vector.broadcast %add3A_326 : i32 to vector<16xi32>
      %add3A_328 = arith.addi %get3A_15, %add3A_327 : vector<16xi32>
      %gather3A_329 = tpu.vector_load_idx %arg6[%add3A_328] : memref<57344xf32, #tpu.memory_space<vmem>>[vector<16xi32>], vector<16xf32>,
      %add3A_330 = arith.constant 26880 : i32
      %add3A_331 = vector.broadcast %add3A_330 : i32 to vector<16xi32>
      %add3A_332 = arith.addi %get3A_19, %add3A_331 : vector<16xi32>
      %gather3A_333 = tpu.vector_load_idx %arg6[%add3A_332] : memref<57344xf32, #tpu.memory_space<vmem>>[vector<16xi32>], vector<16xf32>,
      %mul3A_334 = arith.mulf %gather3A_329, %gather3A_333 : vector<16xf32>
      %add3A_335 = arith.addf %add3A_295, %mul3A_334 : vector<16xf32>
      %add3A_336 = arith.constant 27776 : i32
      %add3A_337 = vector.broadcast %add3A_336 : i32 to vector<16xi32>
      %add3A_338 = arith.addi %get3A_15, %add3A_337 : vector<16xi32>
      %gather3A_339 = tpu.vector_load_idx %arg6[%add3A_338] : memref<57344xf32, #tpu.memory_space<vmem>>[vector<16xi32>], vector<16xf32>,
      %add3A_340 = arith.constant 27776 : i32
      %add3A_341 = vector.broadcast %add3A_340 : i32 to vector<16xi32>
      %add3A_342 = arith.addi %get3A_19, %add3A_341 : vector<16xi32>
      %gather3A_343 = tpu.vector_load_idx %arg6[%add3A_342] : memref<57344xf32, #tpu.memory_space<vmem>>[vector<16xi32>], vector<16xf32>,
      %mul3A_344 = arith.mulf %gather3A_339, %gather3A_343 : vector<16xf32>
      %add3A_345 = arith.addf %add3A_305, %mul3A_344 : vector<16xf32>
      %add3A_346 = arith.constant 28672 : i32
      %add3A_347 = vector.broadcast %add3A_346 : i32 to vector<16xi32>
      %add3A_348 = arith.addi %get3A_15, %add3A_347 : vector<16xi32>
      %gather3A_349 = tpu.vector_load_idx %arg6[%add3A_348] : memref<57344xf32, #tpu.memory_space<vmem>>[vector<16xi32>], vector<16xf32>,
      %add3A_350 = arith.constant 28672 : i32
      %add3A_351 = vector.broadcast %add3A_350 : i32 to vector<16xi32>
      %add3A_352 = arith.addi %get3A_19, %add3A_351 : vector<16xi32>
      %gather3A_353 = tpu.vector_load_idx %arg6[%add3A_352] : memref<57344xf32, #tpu.memory_space<vmem>>[vector<16xi32>], vector<16xf32>,
      %mul3A_354 = arith.mulf %gather3A_349, %gather3A_353 : vector<16xf32>
      %add3A_355 = arith.addf %add3A_315, %mul3A_354 : vector<16xf32>
      %add3A_356 = arith.constant 29568 : i32
      %add3A_357 = vector.broadcast %add3A_356 : i32 to vector<16xi32>
      %add3A_358 = arith.addi %get3A_15, %add3A_357 : vector<16xi32>
      %gather3A_359 = tpu.vector_load_idx %arg6[%add3A_358] : memref<57344xf32, #tpu.memory_space<vmem>>[vector<16xi32>], vector<16xf32>,
      %add3A_360 = arith.constant 29568 : i32
      %add3A_361 = vector.broadcast %add3A_360 : i32 to vector<16xi32>
      %add3A_362 = arith.addi %get3A_19, %add3A_361 : vector<16xi32>
      %gather3A_363 = tpu.vector_load_idx %arg6[%add3A_362] : memref<57344xf32, #tpu.memory_space<vmem>>[vector<16xi32>], vector<16xf32>,
      %mul3A_364 = arith.mulf %gather3A_359, %gather3A_363 : vector<16xf32>
      %add3A_365 = arith.addf %add3A_325, %mul3A_364 : vector<16xf32>
      %add3A_366 = arith.constant 30464 : i32
      %add3A_367 = vector.broadcast %add3A_366 : i32 to vector<16xi32>
      %add3A_368 = arith.addi %get3A_15, %add3A_367 : vector<16xi32>
      %gather3A_369 = tpu.vector_load_idx %arg6[%add3A_368] : memref<57344xf32, #tpu.memory_space<vmem>>[vector<16xi32>], vector<16xf32>,
      %add3A_370 = arith.constant 30464 : i32
      %add3A_371 = vector.broadcast %add3A_370 : i32 to vector<16xi32>
      %add3A_372 = arith.addi %get3A_19, %add3A_371 : vector<16xi32>
      %gather3A_373 = tpu.vector_load_idx %arg6[%add3A_372] : memref<57344xf32, #tpu.memory_space<vmem>>[vector<16xi32>], vector<16xf32>,
      %mul3A_374 = arith.mulf %gather3A_369, %gather3A_373 : vector<16xf32>
      %add3A_375 = arith.addf %add3A_335, %mul3A_374 : vector<16xf32>
      %add3A_376 = arith.constant 31360 : i32
      %add3A_377 = vector.broadcast %add3A_376 : i32 to vector<16xi32>
      %add3A_378 = arith.addi %get3A_15, %add3A_377 : vector<16xi32>
      %gather3A_379 = tpu.vector_load_idx %arg6[%add3A_378] : memref<57344xf32, #tpu.memory_space<vmem>>[vector<16xi32>], vector<16xf32>,
      %add3A_380 = arith.constant 31360 : i32
      %add3A_381 = vector.broadcast %add3A_380 : i32 to vector<16xi32>
      %add3A_382 = arith.addi %get3A_19, %add3A_381 : vector<16xi32>
      %gather3A_383 = tpu.vector_load_idx %arg6[%add3A_382] : memref<57344xf32, #tpu.memory_space<vmem>>[vector<16xi32>], vector<16xf32>,
      %mul3A_384 = arith.mulf %gather3A_379, %gather3A_383 : vector<16xf32>
      %add3A_385 = arith.addf %add3A_345, %mul3A_384 : vector<16xf32>
      %add3A_386 = arith.constant 32256 : i32
      %add3A_387 = vector.broadcast %add3A_386 : i32 to vector<16xi32>
      %add3A_388 = arith.addi %get3A_15, %add3A_387 : vector<16xi32>
      %gather3A_389 = tpu.vector_load_idx %arg6[%add3A_388] : memref<57344xf32, #tpu.memory_space<vmem>>[vector<16xi32>], vector<16xf32>,
      %add3A_390 = arith.constant 32256 : i32
      %add3A_391 = vector.broadcast %add3A_390 : i32 to vector<16xi32>
      %add3A_392 = arith.addi %get3A_19, %add3A_391 : vector<16xi32>
      %gather3A_393 = tpu.vector_load_idx %arg6[%add3A_392] : memref<57344xf32, #tpu.memory_space<vmem>>[vector<16xi32>], vector<16xf32>,
      %mul3A_394 = arith.mulf %gather3A_389, %gather3A_393 : vector<16xf32>
      %add3A_395 = arith.addf %add3A_355, %mul3A_394 : vector<16xf32>
      %add3A_396 = arith.constant 33152 : i32
      %add3A_397 = vector.broadcast %add3A_396 : i32 to vector<16xi32>
      %add3A_398 = arith.addi %get3A_15, %add3A_397 : vector<16xi32>
      %gather3A_399 = tpu.vector_load_idx %arg6[%add3A_398] : memref<57344xf32, #tpu.memory_space<vmem>>[vector<16xi32>], vector<16xf32>,
      %add3A_400 = arith.constant 33152 : i32
      %add3A_401 = vector.broadcast %add3A_400 : i32 to vector<16xi32>
      %add3A_402 = arith.addi %get3A_19, %add3A_401 : vector<16xi32>
      %gather3A_403 = tpu.vector_load_idx %arg6[%add3A_402] : memref<57344xf32, #tpu.memory_space<vmem>>[vector<16xi32>], vector<16xf32>,
      %mul3A_404 = arith.mulf %gather3A_399, %gather3A_403 : vector<16xf32>
      %add3A_405 = arith.addf %add3A_365, %mul3A_404 : vector<16xf32>
      %add3A_406 = arith.constant 34048 : i32
      %add3A_407 = vector.broadcast %add3A_406 : i32 to vector<16xi32>
      %add3A_408 = arith.addi %get3A_15, %add3A_407 : vector<16xi32>
      %gather3A_409 = tpu.vector_load_idx %arg6[%add3A_408] : memref<57344xf32, #tpu.memory_space<vmem>>[vector<16xi32>], vector<16xf32>,
      %add3A_410 = arith.constant 34048 : i32
      %add3A_411 = vector.broadcast %add3A_410 : i32 to vector<16xi32>
      %add3A_412 = arith.addi %get3A_19, %add3A_411 : vector<16xi32>
      %gather3A_413 = tpu.vector_load_idx %arg6[%add3A_412] : memref<57344xf32, #tpu.memory_space<vmem>>[vector<16xi32>], vector<16xf32>,
      %mul3A_414 = arith.mulf %gather3A_409, %gather3A_413 : vector<16xf32>
      %add3A_415 = arith.addf %add3A_375, %mul3A_414 : vector<16xf32>
      %add3A_416 = arith.constant 34944 : i32
      %add3A_417 = vector.broadcast %add3A_416 : i32 to vector<16xi32>
      %add3A_418 = arith.addi %get3A_15, %add3A_417 : vector<16xi32>
      %gather3A_419 = tpu.vector_load_idx %arg6[%add3A_418] : memref<57344xf32, #tpu.memory_space<vmem>>[vector<16xi32>], vector<16xf32>,
      %add3A_420 = arith.constant 34944 : i32
      %add3A_421 = vector.broadcast %add3A_420 : i32 to vector<16xi32>
      %add3A_422 = arith.addi %get3A_19, %add3A_421 : vector<16xi32>
      %gather3A_423 = tpu.vector_load_idx %arg6[%add3A_422] : memref<57344xf32, #tpu.memory_space<vmem>>[vector<16xi32>], vector<16xf32>,
      %mul3A_424 = arith.mulf %gather3A_419, %gather3A_423 : vector<16xf32>
      %add3A_425 = arith.addf %add3A_385, %mul3A_424 : vector<16xf32>
      %add3A_426 = arith.constant 35840 : i32
      %add3A_427 = vector.broadcast %add3A_426 : i32 to vector<16xi32>
      %add3A_428 = arith.addi %get3A_15, %add3A_427 : vector<16xi32>
      %gather3A_429 = tpu.vector_load_idx %arg6[%add3A_428] : memref<57344xf32, #tpu.memory_space<vmem>>[vector<16xi32>], vector<16xf32>,
      %add3A_430 = arith.constant 35840 : i32
      %add3A_431 = vector.broadcast %add3A_430 : i32 to vector<16xi32>
      %add3A_432 = arith.addi %get3A_19, %add3A_431 : vector<16xi32>
      %gather3A_433 = tpu.vector_load_idx %arg6[%add3A_432] : memref<57344xf32, #tpu.memory_space<vmem>>[vector<16xi32>], vector<16xf32>,
      %mul3A_434 = arith.mulf %gather3A_429, %gather3A_433 : vector<16xf32>
      %add3A_435 = arith.addf %add3A_395, %mul3A_434 : vector<16xf32>
      %add3A_436 = arith.constant 36736 : i32
      %add3A_437 = vector.broadcast %add3A_436 : i32 to vector<16xi32>
      %add3A_438 = arith.addi %get3A_15, %add3A_437 : vector<16xi32>
      %gather3A_439 = tpu.vector_load_idx %arg6[%add3A_438] : memref<57344xf32, #tpu.memory_space<vmem>>[vector<16xi32>], vector<16xf32>,
      %add3A_440 = arith.constant 36736 : i32
      %add3A_441 = vector.broadcast %add3A_440 : i32 to vector<16xi32>
      %add3A_442 = arith.addi %get3A_19, %add3A_441 : vector<16xi32>
      %gather3A_443 = tpu.vector_load_idx %arg6[%add3A_442] : memref<57344xf32, #tpu.memory_space<vmem>>[vector<16xi32>], vector<16xf32>,
      %mul3A_444 = arith.mulf %gather3A_439, %gather3A_443 : vector<16xf32>
      %add3A_445 = arith.addf %add3A_405, %mul3A_444 : vector<16xf32>
      %add3A_446 = arith.constant 37632 : i32
      %add3A_447 = vector.broadcast %add3A_446 : i32 to vector<16xi32>
      %add3A_448 = arith.addi %get3A_15, %add3A_447 : vector<16xi32>
      %gather3A_449 = tpu.vector_load_idx %arg6[%add3A_448] : memref<57344xf32, #tpu.memory_space<vmem>>[vector<16xi32>], vector<16xf32>,
      %add3A_450 = arith.constant 37632 : i32
      %add3A_451 = vector.broadcast %add3A_450 : i32 to vector<16xi32>
      %add3A_452 = arith.addi %get3A_19, %add3A_451 : vector<16xi32>
      %gather3A_453 = tpu.vector_load_idx %arg6[%add3A_452] : memref<57344xf32, #tpu.memory_space<vmem>>[vector<16xi32>], vector<16xf32>,
      %mul3A_454 = arith.mulf %gather3A_449, %gather3A_453 : vector<16xf32>
      %add3A_455 = arith.addf %add3A_415, %mul3A_454 : vector<16xf32>
      %add3A_456 = arith.constant 38528 : i32
      %add3A_457 = vector.broadcast %add3A_456 : i32 to vector<16xi32>
      %add3A_458 = arith.addi %get3A_15, %add3A_457 : vector<16xi32>
      %gather3A_459 = tpu.vector_load_idx %arg6[%add3A_458] : memref<57344xf32, #tpu.memory_space<vmem>>[vector<16xi32>], vector<16xf32>,
      %add3A_460 = arith.constant 38528 : i32
      %add3A_461 = vector.broadcast %add3A_460 : i32 to vector<16xi32>
      %add3A_462 = arith.addi %get3A_19, %add3A_461 : vector<16xi32>
      %gather3A_463 = tpu.vector_load_idx %arg6[%add3A_462] : memref<57344xf32, #tpu.memory_space<vmem>>[vector<16xi32>], vector<16xf32>,
      %mul3A_464 = arith.mulf %gather3A_459, %gather3A_463 : vector<16xf32>
      %add3A_465 = arith.addf %add3A_425, %mul3A_464 : vector<16xf32>
      %add3A_466 = arith.constant 39424 : i32
      %add3A_467 = vector.broadcast %add3A_466 : i32 to vector<16xi32>
      %add3A_468 = arith.addi %get3A_15, %add3A_467 : vector<16xi32>
      %gather3A_469 = tpu.vector_load_idx %arg6[%add3A_468] : memref<57344xf32, #tpu.memory_space<vmem>>[vector<16xi32>], vector<16xf32>,
      %add3A_470 = arith.constant 39424 : i32
      %add3A_471 = vector.broadcast %add3A_470 : i32 to vector<16xi32>
      %add3A_472 = arith.addi %get3A_19, %add3A_471 : vector<16xi32>
      %gather3A_473 = tpu.vector_load_idx %arg6[%add3A_472] : memref<57344xf32, #tpu.memory_space<vmem>>[vector<16xi32>], vector<16xf32>,
      %mul3A_474 = arith.mulf %gather3A_469, %gather3A_473 : vector<16xf32>
      %add3A_475 = arith.addf %add3A_435, %mul3A_474 : vector<16xf32>
      %add3A_476 = arith.constant 40320 : i32
      %add3A_477 = vector.broadcast %add3A_476 : i32 to vector<16xi32>
      %add3A_478 = arith.addi %get3A_15, %add3A_477 : vector<16xi32>
      %gather3A_479 = tpu.vector_load_idx %arg6[%add3A_478] : memref<57344xf32, #tpu.memory_space<vmem>>[vector<16xi32>], vector<16xf32>,
      %add3A_480 = arith.constant 40320 : i32
      %add3A_481 = vector.broadcast %add3A_480 : i32 to vector<16xi32>
      %add3A_482 = arith.addi %get3A_19, %add3A_481 : vector<16xi32>
      %gather3A_483 = tpu.vector_load_idx %arg6[%add3A_482] : memref<57344xf32, #tpu.memory_space<vmem>>[vector<16xi32>], vector<16xf32>,
      %mul3A_484 = arith.mulf %gather3A_479, %gather3A_483 : vector<16xf32>
      %add3A_485 = arith.addf %add3A_445, %mul3A_484 : vector<16xf32>
      %add3A_486 = arith.constant 41216 : i32
      %add3A_487 = vector.broadcast %add3A_486 : i32 to vector<16xi32>
      %add3A_488 = arith.addi %get3A_15, %add3A_487 : vector<16xi32>
      %gather3A_489 = tpu.vector_load_idx %arg6[%add3A_488] : memref<57344xf32, #tpu.memory_space<vmem>>[vector<16xi32>], vector<16xf32>,
      %add3A_490 = arith.constant 41216 : i32
      %add3A_491 = vector.broadcast %add3A_490 : i32 to vector<16xi32>
      %add3A_492 = arith.addi %get3A_19, %add3A_491 : vector<16xi32>
      %gather3A_493 = tpu.vector_load_idx %arg6[%add3A_492] : memref<57344xf32, #tpu.memory_space<vmem>>[vector<16xi32>], vector<16xf32>,
      %mul3A_494 = arith.mulf %gather3A_489, %gather3A_493 : vector<16xf32>
      %add3A_495 = arith.addf %add3A_455, %mul3A_494 : vector<16xf32>
      %add3A_496 = arith.constant 42112 : i32
      %add3A_497 = vector.broadcast %add3A_496 : i32 to vector<16xi32>
      %add3A_498 = arith.addi %get3A_15, %add3A_497 : vector<16xi32>
      %gather3A_499 = tpu.vector_load_idx %arg6[%add3A_498] : memref<57344xf32, #tpu.memory_space<vmem>>[vector<16xi32>], vector<16xf32>,
      %add3A_500 = arith.constant 42112 : i32
      %add3A_501 = vector.broadcast %add3A_500 : i32 to vector<16xi32>
      %add3A_502 = arith.addi %get3A_19, %add3A_501 : vector<16xi32>
      %gather3A_503 = tpu.vector_load_idx %arg6[%add3A_502] : memref<57344xf32, #tpu.memory_space<vmem>>[vector<16xi32>], vector<16xf32>,
      %mul3A_504 = arith.mulf %gather3A_499, %gather3A_503 : vector<16xf32>
      %add3A_505 = arith.addf %add3A_465, %mul3A_504 : vector<16xf32>
      %add3A_506 = arith.constant 43008 : i32
      %add3A_507 = vector.broadcast %add3A_506 : i32 to vector<16xi32>
      %add3A_508 = arith.addi %get3A_15, %add3A_507 : vector<16xi32>
      %gather3A_509 = tpu.vector_load_idx %arg6[%add3A_508] : memref<57344xf32, #tpu.memory_space<vmem>>[vector<16xi32>], vector<16xf32>,
      %add3A_510 = arith.constant 43008 : i32
      %add3A_511 = vector.broadcast %add3A_510 : i32 to vector<16xi32>
      %add3A_512 = arith.addi %get3A_19, %add3A_511 : vector<16xi32>
      %gather3A_513 = tpu.vector_load_idx %arg6[%add3A_512] : memref<57344xf32, #tpu.memory_space<vmem>>[vector<16xi32>], vector<16xf32>,
      %mul3A_514 = arith.mulf %gather3A_509, %gather3A_513 : vector<16xf32>
      %add3A_515 = arith.addf %add3A_475, %mul3A_514 : vector<16xf32>
      %add3A_516 = arith.constant 43904 : i32
      %add3A_517 = vector.broadcast %add3A_516 : i32 to vector<16xi32>
      %add3A_518 = arith.addi %get3A_15, %add3A_517 : vector<16xi32>
      %gather3A_519 = tpu.vector_load_idx %arg6[%add3A_518] : memref<57344xf32, #tpu.memory_space<vmem>>[vector<16xi32>], vector<16xf32>,
      %add3A_520 = arith.constant 43904 : i32
      %add3A_521 = vector.broadcast %add3A_520 : i32 to vector<16xi32>
      %add3A_522 = arith.addi %get3A_19, %add3A_521 : vector<16xi32>
      %gather3A_523 = tpu.vector_load_idx %arg6[%add3A_522] : memref<57344xf32, #tpu.memory_space<vmem>>[vector<16xi32>], vector<16xf32>,
      %mul3A_524 = arith.mulf %gather3A_519, %gather3A_523 : vector<16xf32>
      %add3A_525 = arith.addf %add3A_485, %mul3A_524 : vector<16xf32>
      %add3A_526 = arith.constant 44800 : i32
      %add3A_527 = vector.broadcast %add3A_526 : i32 to vector<16xi32>
      %add3A_528 = arith.addi %get3A_15, %add3A_527 : vector<16xi32>
      %gather3A_529 = tpu.vector_load_idx %arg6[%add3A_528] : memref<57344xf32, #tpu.memory_space<vmem>>[vector<16xi32>], vector<16xf32>,
      %add3A_530 = arith.constant 44800 : i32
      %add3A_531 = vector.broadcast %add3A_530 : i32 to vector<16xi32>
      %add3A_532 = arith.addi %get3A_19, %add3A_531 : vector<16xi32>
      %gather3A_533 = tpu.vector_load_idx %arg6[%add3A_532] : memref<57344xf32, #tpu.memory_space<vmem>>[vector<16xi32>], vector<16xf32>,
      %mul3A_534 = arith.mulf %gather3A_529, %gather3A_533 : vector<16xf32>
      %add3A_535 = arith.addf %add3A_495, %mul3A_534 : vector<16xf32>
      %add3A_536 = arith.constant 45696 : i32
      %add3A_537 = vector.broadcast %add3A_536 : i32 to vector<16xi32>
      %add3A_538 = arith.addi %get3A_15, %add3A_537 : vector<16xi32>
      %gather3A_539 = tpu.vector_load_idx %arg6[%add3A_538] : memref<57344xf32, #tpu.memory_space<vmem>>[vector<16xi32>], vector<16xf32>,
      %add3A_540 = arith.constant 45696 : i32
      %add3A_541 = vector.broadcast %add3A_540 : i32 to vector<16xi32>
      %add3A_542 = arith.addi %get3A_19, %add3A_541 : vector<16xi32>
      %gather3A_543 = tpu.vector_load_idx %arg6[%add3A_542] : memref<57344xf32, #tpu.memory_space<vmem>>[vector<16xi32>], vector<16xf32>,
      %mul3A_544 = arith.mulf %gather3A_539, %gather3A_543 : vector<16xf32>
      %add3A_545 = arith.addf %add3A_505, %mul3A_544 : vector<16xf32>
      %add3A_546 = arith.constant 46592 : i32
      %add3A_547 = vector.broadcast %add3A_546 : i32 to vector<16xi32>
      %add3A_548 = arith.addi %get3A_15, %add3A_547 : vector<16xi32>
      %gather3A_549 = tpu.vector_load_idx %arg6[%add3A_548] : memref<57344xf32, #tpu.memory_space<vmem>>[vector<16xi32>], vector<16xf32>,
      %add3A_550 = arith.constant 46592 : i32
      %add3A_551 = vector.broadcast %add3A_550 : i32 to vector<16xi32>
      %add3A_552 = arith.addi %get3A_19, %add3A_551 : vector<16xi32>
      %gather3A_553 = tpu.vector_load_idx %arg6[%add3A_552] : memref<57344xf32, #tpu.memory_space<vmem>>[vector<16xi32>], vector<16xf32>,
      %mul3A_554 = arith.mulf %gather3A_549, %gather3A_553 : vector<16xf32>
      %add3A_555 = arith.addf %add3A_515, %mul3A_554 : vector<16xf32>
      %add3A_556 = arith.constant 47488 : i32
      %add3A_557 = vector.broadcast %add3A_556 : i32 to vector<16xi32>
      %add3A_558 = arith.addi %get3A_15, %add3A_557 : vector<16xi32>
      %gather3A_559 = tpu.vector_load_idx %arg6[%add3A_558] : memref<57344xf32, #tpu.memory_space<vmem>>[vector<16xi32>], vector<16xf32>,
      %add3A_560 = arith.constant 47488 : i32
      %add3A_561 = vector.broadcast %add3A_560 : i32 to vector<16xi32>
      %add3A_562 = arith.addi %get3A_19, %add3A_561 : vector<16xi32>
      %gather3A_563 = tpu.vector_load_idx %arg6[%add3A_562] : memref<57344xf32, #tpu.memory_space<vmem>>[vector<16xi32>], vector<16xf32>,
      %mul3A_564 = arith.mulf %gather3A_559, %gather3A_563 : vector<16xf32>
      %add3A_565 = arith.addf %add3A_525, %mul3A_564 : vector<16xf32>
      %add3A_566 = arith.constant 48384 : i32
      %add3A_567 = vector.broadcast %add3A_566 : i32 to vector<16xi32>
      %add3A_568 = arith.addi %get3A_15, %add3A_567 : vector<16xi32>
      %gather3A_569 = tpu.vector_load_idx %arg6[%add3A_568] : memref<57344xf32, #tpu.memory_space<vmem>>[vector<16xi32>], vector<16xf32>,
      %add3A_570 = arith.constant 48384 : i32
      %add3A_571 = vector.broadcast %add3A_570 : i32 to vector<16xi32>
      %add3A_572 = arith.addi %get3A_19, %add3A_571 : vector<16xi32>
      %gather3A_573 = tpu.vector_load_idx %arg6[%add3A_572] : memref<57344xf32, #tpu.memory_space<vmem>>[vector<16xi32>], vector<16xf32>,
      %mul3A_574 = arith.mulf %gather3A_569, %gather3A_573 : vector<16xf32>
      %add3A_575 = arith.addf %add3A_535, %mul3A_574 : vector<16xf32>
      %add3A_576 = arith.constant 49280 : i32
      %add3A_577 = vector.broadcast %add3A_576 : i32 to vector<16xi32>
      %add3A_578 = arith.addi %get3A_15, %add3A_577 : vector<16xi32>
      %gather3A_579 = tpu.vector_load_idx %arg6[%add3A_578] : memref<57344xf32, #tpu.memory_space<vmem>>[vector<16xi32>], vector<16xf32>,
      %add3A_580 = arith.constant 49280 : i32
      %add3A_581 = vector.broadcast %add3A_580 : i32 to vector<16xi32>
      %add3A_582 = arith.addi %get3A_19, %add3A_581 : vector<16xi32>
      %gather3A_583 = tpu.vector_load_idx %arg6[%add3A_582] : memref<57344xf32, #tpu.memory_space<vmem>>[vector<16xi32>], vector<16xf32>,
      %mul3A_584 = arith.mulf %gather3A_579, %gather3A_583 : vector<16xf32>
      %add3A_585 = arith.addf %add3A_545, %mul3A_584 : vector<16xf32>
      %add3A_586 = arith.constant 50176 : i32
      %add3A_587 = vector.broadcast %add3A_586 : i32 to vector<16xi32>
      %add3A_588 = arith.addi %get3A_15, %add3A_587 : vector<16xi32>
      %gather3A_589 = tpu.vector_load_idx %arg6[%add3A_588] : memref<57344xf32, #tpu.memory_space<vmem>>[vector<16xi32>], vector<16xf32>,
      %add3A_590 = arith.constant 50176 : i32
      %add3A_591 = vector.broadcast %add3A_590 : i32 to vector<16xi32>
      %add3A_592 = arith.addi %get3A_19, %add3A_591 : vector<16xi32>
      %gather3A_593 = tpu.vector_load_idx %arg6[%add3A_592] : memref<57344xf32, #tpu.memory_space<vmem>>[vector<16xi32>], vector<16xf32>,
      %mul3A_594 = arith.mulf %gather3A_589, %gather3A_593 : vector<16xf32>
      %add3A_595 = arith.addf %add3A_555, %mul3A_594 : vector<16xf32>
      %add3A_596 = arith.constant 51072 : i32
      %add3A_597 = vector.broadcast %add3A_596 : i32 to vector<16xi32>
      %add3A_598 = arith.addi %get3A_15, %add3A_597 : vector<16xi32>
      %gather3A_599 = tpu.vector_load_idx %arg6[%add3A_598] : memref<57344xf32, #tpu.memory_space<vmem>>[vector<16xi32>], vector<16xf32>,
      %add3A_600 = arith.constant 51072 : i32
      %add3A_601 = vector.broadcast %add3A_600 : i32 to vector<16xi32>
      %add3A_602 = arith.addi %get3A_19, %add3A_601 : vector<16xi32>
      %gather3A_603 = tpu.vector_load_idx %arg6[%add3A_602] : memref<57344xf32, #tpu.memory_space<vmem>>[vector<16xi32>], vector<16xf32>,
      %mul3A_604 = arith.mulf %gather3A_599, %gather3A_603 : vector<16xf32>
      %add3A_605 = arith.addf %add3A_565, %mul3A_604 : vector<16xf32>
      %add3A_606 = arith.constant 51968 : i32
      %add3A_607 = vector.broadcast %add3A_606 : i32 to vector<16xi32>
      %add3A_608 = arith.addi %get3A_15, %add3A_607 : vector<16xi32>
      %gather3A_609 = tpu.vector_load_idx %arg6[%add3A_608] : memref<57344xf32, #tpu.memory_space<vmem>>[vector<16xi32>], vector<16xf32>,
      %add3A_610 = arith.constant 51968 : i32
      %add3A_611 = vector.broadcast %add3A_610 : i32 to vector<16xi32>
      %add3A_612 = arith.addi %get3A_19, %add3A_611 : vector<16xi32>
      %gather3A_613 = tpu.vector_load_idx %arg6[%add3A_612] : memref<57344xf32, #tpu.memory_space<vmem>>[vector<16xi32>], vector<16xf32>,
      %mul3A_614 = arith.mulf %gather3A_609, %gather3A_613 : vector<16xf32>
      %add3A_615 = arith.addf %add3A_575, %mul3A_614 : vector<16xf32>
      %add3A_616 = arith.constant 52864 : i32
      %add3A_617 = vector.broadcast %add3A_616 : i32 to vector<16xi32>
      %add3A_618 = arith.addi %get3A_15, %add3A_617 : vector<16xi32>
      %gather3A_619 = tpu.vector_load_idx %arg6[%add3A_618] : memref<57344xf32, #tpu.memory_space<vmem>>[vector<16xi32>], vector<16xf32>,
      %add3A_620 = arith.constant 52864 : i32
      %add3A_621 = vector.broadcast %add3A_620 : i32 to vector<16xi32>
      %add3A_622 = arith.addi %get3A_19, %add3A_621 : vector<16xi32>
      %gather3A_623 = tpu.vector_load_idx %arg6[%add3A_622] : memref<57344xf32, #tpu.memory_space<vmem>>[vector<16xi32>], vector<16xf32>,
      %mul3A_624 = arith.mulf %gather3A_619, %gather3A_623 : vector<16xf32>
      %add3A_625 = arith.addf %add3A_585, %mul3A_624 : vector<16xf32>
      %add3A_626 = arith.constant 53760 : i32
      %add3A_627 = vector.broadcast %add3A_626 : i32 to vector<16xi32>
      %add3A_628 = arith.addi %get3A_15, %add3A_627 : vector<16xi32>
      %gather3A_629 = tpu.vector_load_idx %arg6[%add3A_628] : memref<57344xf32, #tpu.memory_space<vmem>>[vector<16xi32>], vector<16xf32>,
      %add3A_630 = arith.constant 53760 : i32
      %add3A_631 = vector.broadcast %add3A_630 : i32 to vector<16xi32>
      %add3A_632 = arith.addi %get3A_19, %add3A_631 : vector<16xi32>
      %gather3A_633 = tpu.vector_load_idx %arg6[%add3A_632] : memref<57344xf32, #tpu.memory_space<vmem>>[vector<16xi32>], vector<16xf32>,
      %mul3A_634 = arith.mulf %gather3A_629, %gather3A_633 : vector<16xf32>
      %add3A_635 = arith.addf %add3A_595, %mul3A_634 : vector<16xf32>
      %add3A_636 = arith.constant 54656 : i32
      %add3A_637 = vector.broadcast %add3A_636 : i32 to vector<16xi32>
      %add3A_638 = arith.addi %get3A_15, %add3A_637 : vector<16xi32>
      %gather3A_639 = tpu.vector_load_idx %arg6[%add3A_638] : memref<57344xf32, #tpu.memory_space<vmem>>[vector<16xi32>], vector<16xf32>,
      %add3A_640 = arith.constant 54656 : i32
      %add3A_641 = vector.broadcast %add3A_640 : i32 to vector<16xi32>
      %add3A_642 = arith.addi %get3A_19, %add3A_641 : vector<16xi32>
      %gather3A_643 = tpu.vector_load_idx %arg6[%add3A_642] : memref<57344xf32, #tpu.memory_space<vmem>>[vector<16xi32>], vector<16xf32>,
      %mul3A_644 = arith.mulf %gather3A_639, %gather3A_643 : vector<16xf32>
      %add3A_645 = arith.addf %add3A_605, %mul3A_644 : vector<16xf32>
      %add3A_646 = arith.constant 55552 : i32
      %add3A_647 = vector.broadcast %add3A_646 : i32 to vector<16xi32>
      %add3A_648 = arith.addi %get3A_15, %add3A_647 : vector<16xi32>
      %gather3A_649 = tpu.vector_load_idx %arg6[%add3A_648] : memref<57344xf32, #tpu.memory_space<vmem>>[vector<16xi32>], vector<16xf32>,
      %add3A_650 = arith.constant 55552 : i32
      %add3A_651 = vector.broadcast %add3A_650 : i32 to vector<16xi32>
      %add3A_652 = arith.addi %get3A_19, %add3A_651 : vector<16xi32>
      %gather3A_653 = tpu.vector_load_idx %arg6[%add3A_652] : memref<57344xf32, #tpu.memory_space<vmem>>[vector<16xi32>], vector<16xf32>,
      %mul3A_654 = arith.mulf %gather3A_649, %gather3A_653 : vector<16xf32>
      %add3A_655 = arith.addf %add3A_615, %mul3A_654 : vector<16xf32>
      %add3A_656 = arith.constant 56448 : i32
      %add3A_657 = vector.broadcast %add3A_656 : i32 to vector<16xi32>
      %add3A_658 = arith.addi %get3A_15, %add3A_657 : vector<16xi32>
      %gather3A_659 = tpu.vector_load_idx %arg6[%add3A_658] : memref<57344xf32, #tpu.memory_space<vmem>>[vector<16xi32>], vector<16xf32>,
      %add3A_660 = arith.constant 56448 : i32
      %add3A_661 = vector.broadcast %add3A_660 : i32 to vector<16xi32>
      %add3A_662 = arith.addi %get3A_19, %add3A_661 : vector<16xi32>
      %gather3A_663 = tpu.vector_load_idx %arg6[%add3A_662] : memref<57344xf32, #tpu.memory_space<vmem>>[vector<16xi32>], vector<16xf32>,
      %mul3A_664 = arith.mulf %gather3A_659, %gather3A_663 : vector<16xf32>
      %add3A_665 = arith.addf %add3A_625, %mul3A_664 : vector<16xf32>
      %add3A_666 = arith.addf %add3A_635, %add3A_645 : vector<16xf32>
      %add3A_667 = arith.addf %add3A_655, %add3A_665 : vector<16xf32>
      %add3A_668 = arith.addf %add3A_666, %add3A_667 : vector<16xf32>
      %neg3A = arith.constant 0.000000e+00 : f32
      %neg3A_669 = vector.broadcast %neg3A : f32 to vector<16xf32>
      %neg3A_670 = arith.subf %neg3A_669, %add3A_668 : vector<16xf32>
      %exp3A = math.exp %neg3A_670 : vector<16xf32>
      %add3A_671 = arith.constant 1.000000e+00 : f32
      %add3A_672 = vector.broadcast %add3A_671 : f32 to vector<16xf32>
      %add3A_673 = arith.addf %add3A_672, %exp3A : vector<16xf32>
      %div3A = arith.constant 1.000000e+00 : f32
      %div3A_674 = vector.broadcast %div3A : f32 to vector<16xf32>
      %div3A_675 = arith.divf %div3A_674, %add3A_673 : vector<16xf32>
      %mul3A_676 = arith.constant 16 : i32
      %mul3A_677 = arith.muli %scan3A_12, %mul3A_676 : i32
      %swap3A = arith.index_cast %mul3A_677 : i32 to index
      %swap3A_678 = tpu.vector_load %arg9[%swap3A] {strides = array<i32>} : memref<512xf32, #tpu.memory_space<vmem>>, vector<16xf32>,
      tpu.vector_store %arg9[%swap3A], %div3A_675 {strides = array<i32>} : memref<512xf32, #tpu.memory_space<vmem>>, vector<16xf32>,
    }
    %scan3A_9 = arith.constant 32 : i32
    %mul3A_10 = arith.constant 512 : i32
    %mul3A_11 = arith.muli %add3A, %mul3A_10 : i32
    "tpu.region"() ({
      %run_scoped3A = tpu.sem_alloc : memref<!tpu.dma_semaphore, #tpu.memory_space<semaphore_mem>>
      %dma_start3A = tpu.memref_slice %arg5[%mul3A_11] : memref<16384xf32, #tpu.memory_space<hbm>> -> memref<512xf32, #tpu.memory_space<hbm>>
      %dma_start3A_12 = tpu.memref_slice %arg5[%mul3A_11] : memref<16384xf32, #tpu.memory_space<hbm>> -> memref<512xf32, #tpu.memory_space<hbm>>
      tpu.enqueue_dma source(%arg9 : memref<512xf32, #tpu.memory_space<vmem>>) target(%dma_start3A_12 : memref<512xf32, #tpu.memory_space<hbm>>) target_semaphore(%run_scoped3A : memref<!tpu.dma_semaphore, #tpu.memory_space<semaphore_mem>>)
      %dma_wait3A = tpu.memref_slice %arg5[%mul3A_11] : memref<16384xf32, #tpu.memory_space<hbm>> -> memref<512xf32, #tpu.memory_space<hbm>>
      %dma_wait3A_13 = tpu.memref_slice %arg5[%mul3A_11] : memref<16384xf32, #tpu.memory_space<hbm>> -> memref<512xf32, #tpu.memory_space<hbm>>
      tpu.wait_dma2 semaphore(%run_scoped3A : memref<!tpu.dma_semaphore, #tpu.memory_space<semaphore_mem>>) src(%arg9 : memref<512xf32, #tpu.memory_space<vmem>>) dst(%dma_wait3A_13 : memref<512xf32, #tpu.memory_space<hbm>>)
      tpu.yield
    }) : () -> ()
    return
  }
}

module attributes {stable_mosaic.version = 14 : i64} {
  func.func @_prep_body(%arg0: memref<878x256xf32, #tpu.memory_space<vmem>>, %arg1: memref<1154x256xf32, #tpu.memory_space<vmem>>, %arg2: memref<256x528xf32, #tpu.memory_space<vmem>>, %arg3: memref<256x528xf32, #tpu.memory_space<vmem>>, %arg4: memref<256x8xf32, #tpu.memory_space<vmem>>, %arg5: memref<256x8xf32, #tpu.memory_space<vmem>>, %arg6: memref<880x528xf32, #tpu.memory_space<vmem>>, %arg7: memref<1160x528xf32, #tpu.memory_space<vmem>>, %arg8: memref<880x16xf32, #tpu.memory_space<vmem>>, %arg9: memref<1160x16xf32, #tpu.memory_space<vmem>>) attributes {dimension_semantics = [], scalar_prefetch = 0 : i64, scratch_operands = 0 : i64, tpu.core_type = #tpu.core_type<tc>} {
    %get3A = arith.constant 0 : index
    %get3A_0 = arith.constant 0 : index
    %get3A_1 = vector.load %arg0[%get3A, %get3A_0] : memref<878x256xf32, #tpu.memory_space<vmem>>, vector<878x256xf32>
    %get3A_2 = arith.constant 0 : index
    %get3A_3 = arith.constant 0 : index
    %get3A_4 = vector.load %arg2[%get3A_2, %get3A_3] : memref<256x528xf32, #tpu.memory_space<vmem>>, vector<256x528xf32>
    %dot_general3A = arith.constant dense<0.000000e+00> : vector<878x528xf32>
    %dot_general3A_5 = tpu.matmul %get3A_1, %get3A_4, %dot_general3A {dimension_numbers = #tpu.dot_dimension_numbers<[1], [0], [0], [1], [0, 0, 1, 1], [], []>, precision = #tpu.contract_precision<fp32>, transpose_lhs_hint = false} : vector<878x256xf32>, vector<256x528xf32>, vector<878x528xf32> -> vector<878x528xf32>
    %broadcast_in_dim3A = arith.constant 0.000000e+00 : f32
    %broadcast_in_dim3A_6 = vector.broadcast %broadcast_in_dim3A : f32 to vector<2x528xf32>
    %concatenate3A = tpu.concatenate %dot_general3A_5, %broadcast_in_dim3A_6 in 0 : vector<878x528xf32>, vector<2x528xf32> -> vector<880x528xf32>
    %swap3A = arith.constant 0 : index
    %swap3A_7 = arith.constant 0 : index
    %swap3A_8 = vector.load %arg6[%swap3A, %swap3A_7] : memref<880x528xf32, #tpu.memory_space<vmem>>, vector<880x528xf32>
    tpu.vector_store %arg6[%swap3A, %swap3A_7], %concatenate3A {strides = array<i32>} : memref<880x528xf32, #tpu.memory_space<vmem>>, vector<880x528xf32>,
    %get3A_9 = arith.constant 0 : index
    %get3A_10 = arith.constant 0 : index
    %get3A_11 = vector.load %arg1[%get3A_9, %get3A_10] : memref<1154x256xf32, #tpu.memory_space<vmem>>, vector<1154x256xf32>
    %get3A_12 = arith.constant 0 : index
    %get3A_13 = arith.constant 0 : index
    %get3A_14 = vector.load %arg3[%get3A_12, %get3A_13] : memref<256x528xf32, #tpu.memory_space<vmem>>, vector<256x528xf32>
    %dot_general3A_15 = arith.constant dense<0.000000e+00> : vector<1154x528xf32>
    %dot_general3A_16 = tpu.matmul %get3A_11, %get3A_14, %dot_general3A_15 {dimension_numbers = #tpu.dot_dimension_numbers<[1], [0], [0], [1], [0, 0, 1, 1], [], []>, precision = #tpu.contract_precision<fp32>, transpose_lhs_hint = false} : vector<1154x256xf32>, vector<256x528xf32>, vector<1154x528xf32> -> vector<1154x528xf32>
    %broadcast_in_dim3A_17 = arith.constant 0.000000e+00 : f32
    %broadcast_in_dim3A_18 = vector.broadcast %broadcast_in_dim3A_17 : f32 to vector<6x528xf32>
    %concatenate3A_19 = tpu.concatenate %dot_general3A_16, %broadcast_in_dim3A_18 in 0 : vector<1154x528xf32>, vector<6x528xf32> -> vector<1160x528xf32>
    %swap3A_20 = arith.constant 0 : index
    %swap3A_21 = arith.constant 0 : index
    %swap3A_22 = vector.load %arg7[%swap3A_20, %swap3A_21] : memref<1160x528xf32, #tpu.memory_space<vmem>>, vector<1160x528xf32>
    tpu.vector_store %arg7[%swap3A_20, %swap3A_21], %concatenate3A_19 {strides = array<i32>} : memref<1160x528xf32, #tpu.memory_space<vmem>>, vector<1160x528xf32>,
    %get3A_23 = arith.constant 0 : index
    %get3A_24 = arith.constant 0 : index
    %get3A_25 = vector.load %arg0[%get3A_23, %get3A_24] : memref<878x256xf32, #tpu.memory_space<vmem>>, vector<878x256xf32>
    %get3A_26 = arith.constant 0 : index
    %get3A_27 = arith.constant 0 : index
    %get3A_28 = vector.load %arg4[%get3A_26, %get3A_27] : memref<256x8xf32, #tpu.memory_space<vmem>>, vector<256x8xf32>
    %dot_general3A_29 = arith.constant dense<0.000000e+00> : vector<878x8xf32>
    %dot_general3A_30 = tpu.matmul %get3A_25, %get3A_28, %dot_general3A_29 {dimension_numbers = #tpu.dot_dimension_numbers<[1], [0], [0], [1], [0, 0, 1, 1], [], []>, precision = #tpu.contract_precision<fp32>, transpose_lhs_hint = false} : vector<878x256xf32>, vector<256x8xf32>, vector<878x8xf32> -> vector<878x8xf32>
    %get3A_31 = arith.constant 0 : index
    %get3A_32 = arith.constant 0 : index
    %get3A_33 = vector.load %arg1[%get3A_31, %get3A_32] : memref<1154x256xf32, #tpu.memory_space<vmem>>, vector<1154x256xf32>
    %get3A_34 = arith.constant 0 : index
    %get3A_35 = arith.constant 0 : index
    %get3A_36 = vector.load %arg5[%get3A_34, %get3A_35] : memref<256x8xf32, #tpu.memory_space<vmem>>, vector<256x8xf32>
    %dot_general3A_37 = arith.constant dense<0.000000e+00> : vector<1154x8xf32>
    %dot_general3A_38 = tpu.matmul %get3A_33, %get3A_36, %dot_general3A_37 {dimension_numbers = #tpu.dot_dimension_numbers<[1], [0], [0], [1], [0, 0, 1, 1], [], []>, precision = #tpu.contract_precision<fp32>, transpose_lhs_hint = false} : vector<1154x256xf32>, vector<256x8xf32>, vector<1154x8xf32> -> vector<1154x8xf32>
    %concatenate3A_39 = tpu.concatenate %dot_general3A_30, %dot_general3A_30 in 1 : vector<878x8xf32>, vector<878x8xf32> -> vector<878x16xf32>
    %broadcast_in_dim3A_40 = arith.constant 0.000000e+00 : f32
    %broadcast_in_dim3A_41 = vector.broadcast %broadcast_in_dim3A_40 : f32 to vector<2x16xf32>
    %concatenate3A_42 = tpu.concatenate %concatenate3A_39, %broadcast_in_dim3A_41 in 0 : vector<878x16xf32>, vector<2x16xf32> -> vector<880x16xf32>
    %swap3A_43 = arith.constant 0 : index
    %swap3A_44 = arith.constant 0 : index
    %swap3A_45 = vector.load %arg8[%swap3A_43, %swap3A_44] : memref<880x16xf32, #tpu.memory_space<vmem>>, vector<880x16xf32>
    tpu.vector_store %arg8[%swap3A_43, %swap3A_44], %concatenate3A_42 {strides = array<i32>} : memref<880x16xf32, #tpu.memory_space<vmem>>, vector<880x16xf32>,
    %concatenate3A_46 = tpu.concatenate %dot_general3A_38, %dot_general3A_38 in 1 : vector<1154x8xf32>, vector<1154x8xf32> -> vector<1154x16xf32>
    %broadcast_in_dim3A_47 = arith.constant 0.000000e+00 : f32
    %broadcast_in_dim3A_48 = vector.broadcast %broadcast_in_dim3A_47 : f32 to vector<6x16xf32>
    %concatenate3A_49 = tpu.concatenate %concatenate3A_46, %broadcast_in_dim3A_48 in 0 : vector<1154x16xf32>, vector<6x16xf32> -> vector<1160x16xf32>
    %swap3A_50 = arith.constant 0 : index
    %swap3A_51 = arith.constant 0 : index
    %swap3A_52 = vector.load %arg9[%swap3A_50, %swap3A_51] : memref<1160x16xf32, #tpu.memory_space<vmem>>, vector<1160x16xf32>
    tpu.vector_store %arg9[%swap3A_50, %swap3A_51], %concatenate3A_49 {strides = array<i32>} : memref<1160x16xf32, #tpu.memory_space<vmem>>, vector<1160x16xf32>,
    return
  }
}

module attributes {stable_mosaic.version = 14 : i64} {
  func.func @_fuse_body(%arg0: memref<2x896x528xf32, #tpu.memory_space<vmem>>, %arg1: memref<2x896x528xf32, #tpu.memory_space<vmem>>, %arg2: memref<878x383xf32, #tpu.memory_space<vmem>>, %arg3: memref<878x495xf32, #tpu.memory_space<vmem>>, %arg4: memref<895x64xf32, #tpu.memory_space<vmem>>, %arg5: memref<64xf32, #tpu.memory_space<vmem>>, %arg6: memref<1007x64xf32, #tpu.memory_space<vmem>>, %arg7: memref<64xf32, #tpu.memory_space<vmem>>, %arg8: memref<64x64xf32, #tpu.memory_space<vmem>>, %arg9: memref<64xf32, #tpu.memory_space<vmem>>, %arg10: memref<64x896xf32, #tpu.memory_space<vmem>>) attributes {dimension_semantics = [], scalar_prefetch = 0 : i64, scratch_operands = 0 : i64, tpu.core_type = #tpu.core_type<tc>} {
    %iota3A = tpu.iota {dimensions = array<i32: 0>} : vector<8x512xi32>
    %iota3A_0 = tpu.iota {dimensions = array<i32: 1>} : vector<8x512xi32>
    %jit3A = arith.constant 64 : i32
    %div3A = vector.broadcast %jit3A : i32 to vector<8x512xi32>
    %div3A_1 = arith.divsi %iota3A_0, %div3A : vector<8x512xi32>
    %sign3A = arith.constant 0 : i32
    %sign3A_2 = vector.broadcast %sign3A : i32 to vector<8x512xi32>
    %sign3A_3 = arith.cmpi sgt, %iota3A_0, %sign3A_2 : vector<8x512xi32>
    %sign3A_4 = arith.extui %sign3A_3 : vector<8x512xi1> to vector<8x512xi32>
    %sign3A_5 = arith.constant 0 : i32
    %sign3A_6 = vector.broadcast %sign3A_5 : i32 to vector<8x512xi32>
    %sign3A_7 = arith.cmpi slt, %iota3A_0, %sign3A_6 : vector<8x512xi32>
    %sign3A_8 = arith.extui %sign3A_7 : vector<8x512xi1> to vector<8x512xi32>
    %sign3A_9 = arith.subi %sign3A_4, %sign3A_8 : vector<8x512xi32>
    %sign3A_10 = arith.constant 0 : i32
    %sign3A_11 = arith.cmpi sgt, %jit3A, %sign3A_10 : i32
    %sign3A_12 = arith.extui %sign3A_11 : i1 to i32
    %sign3A_13 = arith.constant 0 : i32
    %sign3A_14 = arith.cmpi slt, %jit3A, %sign3A_13 : i32
    %sign3A_15 = arith.extui %sign3A_14 : i1 to i32
    %sign3A_16 = arith.subi %sign3A_12, %sign3A_15 : i32
    %ne3A = vector.broadcast %sign3A_16 : i32 to vector<8x512xi32>
    %ne3A_17 = arith.cmpi ne, %sign3A_9, %ne3A : vector<8x512xi32>
    %rem3A = vector.broadcast %jit3A : i32 to vector<8x512xi32>
    %rem3A_18 = arith.remsi %iota3A_0, %rem3A : vector<8x512xi32>
    %ne3A_19 = arith.constant 0 : i32
    %ne3A_20 = vector.broadcast %ne3A_19 : i32 to vector<8x512xi32>
    %ne3A_21 = arith.cmpi ne, %rem3A_18, %ne3A_20 : vector<8x512xi32>
    %and3A = arith.andi %ne3A_17, %ne3A_21 : vector<8x512xi1>
    %sub3A = arith.constant 1 : i32
    %sub3A_22 = vector.broadcast %sub3A : i32 to vector<8x512xi32>
    %sub3A_23 = arith.subi %div3A_1, %sub3A_22 : vector<8x512xi32>
    %select_n3A = arith.select %and3A, %sub3A_23, %div3A_1 : vector<8x512xi1>, vector<8x512xi32>
    %eq3A = arith.cmpi eq, %select_n3A, %iota3A : vector<8x512xi32>
    %convert_element_type3A = arith.extui %eq3A : vector<8x512xi1> to vector<8x512xi32>
    %convert_element_type3A_24 = arith.sitofp %convert_element_type3A : vector<8x512xi32> to vector<8x512xf32>
    %get3A = arith.constant 0 : index
    %get3A_25 = arith.constant 0 : index
    %get3A_26 = arith.constant 0 : index
    %get3A_27 = vector.load %arg0[%get3A, %get3A_25, %get3A_26] : memref<2x896x528xf32, #tpu.memory_space<vmem>>, vector<2x896x528xf32>
    %slice3A = vector.extract_strided_slice %get3A_27 {offsets = [0, 0, 0], sizes = [1, 896, 528], strides = [1, 1, 1]} : vector<2x896x528xf32> to vector<1x896x528xf32>
    %squeeze3A = vector.shape_cast %slice3A : vector<1x896x528xf32> to vector<896x528xf32>
    %slice3A_28 = vector.extract_strided_slice %get3A_27 {offsets = [1, 0, 0], sizes = [1, 896, 528], strides = [1, 1, 1]} : vector<2x896x528xf32> to vector<1x896x528xf32>
    %squeeze3A_29 = vector.shape_cast %slice3A_28 : vector<1x896x528xf32> to vector<896x528xf32>
    %add3A = arith.addf %squeeze3A, %squeeze3A_29 : vector<896x528xf32>
    %slice3A_30 = vector.extract_strided_slice %add3A {offsets = [0, 0], sizes = [896, 512], strides = [1, 1]} : vector<896x528xf32> to vector<896x512xf32>
    %slice3A_31 = vector.extract_strided_slice %add3A {offsets = [0, 512], sizes = [896, 8], strides = [1, 1]} : vector<896x528xf32> to vector<896x8xf32>
    %add3A_32 = arith.constant 9.99999971E-10 : f32
    %add3A_33 = vector.broadcast %add3A_32 : f32 to vector<896x8xf32>
    %add3A_34 = arith.addf %slice3A_31, %add3A_33 : vector<896x8xf32>
    %div3A_35 = arith.constant 1.000000e+00 : f32
    %div3A_36 = vector.broadcast %div3A_35 : f32 to vector<896x8xf32>
    %div3A_37 = arith.divf %div3A_36, %add3A_34 : vector<896x8xf32>
    %dot_general3A = arith.constant dense<0.000000e+00> : vector<896x512xf32>
    %dot_general3A_38 = tpu.matmul %div3A_37, %convert_element_type3A_24, %dot_general3A {dimension_numbers = #tpu.dot_dimension_numbers<[1], [0], [0], [1], [0, 0, 1, 1], [], []>, precision = #tpu.contract_precision<fp32>, transpose_lhs_hint = false} : vector<896x8xf32>, vector<8x512xf32>, vector<896x512xf32> -> vector<896x512xf32>
    %mul3A = arith.mulf %slice3A_30, %dot_general3A_38 : vector<896x512xf32>
    %gt3A = arith.constant 0.000000e+00 : f32
    %gt3A_39 = vector.broadcast %gt3A : f32 to vector<896x512xf32>
    %gt3A_40 = arith.cmpf ogt, %mul3A, %gt3A_39 : vector<896x512xf32>
    %min3A = arith.constant 0.000000e+00 : f32
    %min3A_41 = vector.broadcast %min3A : f32 to vector<896x512xf32>
    %min3A_42 = arith.minimumf %mul3A, %min3A_41 : vector<896x512xf32>
    %exp3A = math.exp %min3A_42 : vector<896x512xf32>
    %sub3A_43 = arith.constant 1.000000e+00 : f32
    %sub3A_44 = vector.broadcast %sub3A_43 : f32 to vector<896x512xf32>
    %sub3A_45 = arith.subf %exp3A, %sub3A_44 : vector<896x512xf32>
    %select_n3A_46 = arith.select %gt3A_40, %mul3A, %sub3A_45 : vector<896x512xi1>, vector<896x512xf32>
    %get3A_47 = arith.constant 0 : index
    %get3A_48 = arith.constant 0 : index
    %get3A_49 = arith.constant 0 : index
    %get3A_50 = vector.load %arg1[%get3A_47, %get3A_48, %get3A_49] : memref<2x896x528xf32, #tpu.memory_space<vmem>>, vector<2x896x528xf32>
    %slice3A_51 = vector.extract_strided_slice %get3A_50 {offsets = [0, 0, 0], sizes = [1, 896, 528], strides = [1, 1, 1]} : vector<2x896x528xf32> to vector<1x896x528xf32>
    %squeeze3A_52 = vector.shape_cast %slice3A_51 : vector<1x896x528xf32> to vector<896x528xf32>
    %slice3A_53 = vector.extract_strided_slice %get3A_50 {offsets = [1, 0, 0], sizes = [1, 896, 528], strides = [1, 1, 1]} : vector<2x896x528xf32> to vector<1x896x528xf32>
    %squeeze3A_54 = vector.shape_cast %slice3A_53 : vector<1x896x528xf32> to vector<896x528xf32>
    %add3A_55 = arith.addf %squeeze3A_52, %squeeze3A_54 : vector<896x528xf32>
    %slice3A_56 = vector.extract_strided_slice %add3A_55 {offsets = [0, 0], sizes = [896, 512], strides = [1, 1]} : vector<896x528xf32> to vector<896x512xf32>
    %slice3A_57 = vector.extract_strided_slice %add3A_55 {offsets = [0, 512], sizes = [896, 8], strides = [1, 1]} : vector<896x528xf32> to vector<896x8xf32>
    %add3A_58 = arith.constant 9.99999971E-10 : f32
    %add3A_59 = vector.broadcast %add3A_58 : f32 to vector<896x8xf32>
    %add3A_60 = arith.addf %slice3A_57, %add3A_59 : vector<896x8xf32>
    %div3A_61 = arith.constant 1.000000e+00 : f32
    %div3A_62 = vector.broadcast %div3A_61 : f32 to vector<896x8xf32>
    %div3A_63 = arith.divf %div3A_62, %add3A_60 : vector<896x8xf32>
    %dot_general3A_64 = arith.constant dense<0.000000e+00> : vector<896x512xf32>
    %dot_general3A_65 = tpu.matmul %div3A_63, %convert_element_type3A_24, %dot_general3A_64 {dimension_numbers = #tpu.dot_dimension_numbers<[1], [0], [0], [1], [0, 0, 1, 1], [], []>, precision = #tpu.contract_precision<fp32>, transpose_lhs_hint = false} : vector<896x8xf32>, vector<8x512xf32>, vector<896x512xf32> -> vector<896x512xf32>
    %mul3A_66 = arith.mulf %slice3A_56, %dot_general3A_65 : vector<896x512xf32>
    %gt3A_67 = arith.constant 0.000000e+00 : f32
    %gt3A_68 = vector.broadcast %gt3A_67 : f32 to vector<896x512xf32>
    %gt3A_69 = arith.cmpf ogt, %mul3A_66, %gt3A_68 : vector<896x512xf32>
    %min3A_70 = arith.constant 0.000000e+00 : f32
    %min3A_71 = vector.broadcast %min3A_70 : f32 to vector<896x512xf32>
    %min3A_72 = arith.minimumf %mul3A_66, %min3A_71 : vector<896x512xf32>
    %exp3A_73 = math.exp %min3A_72 : vector<896x512xf32>
    %sub3A_74 = arith.constant 1.000000e+00 : f32
    %sub3A_75 = vector.broadcast %sub3A_74 : f32 to vector<896x512xf32>
    %sub3A_76 = arith.subf %exp3A_73, %sub3A_75 : vector<896x512xf32>
    %select_n3A_77 = arith.select %gt3A_69, %mul3A_66, %sub3A_76 : vector<896x512xi1>, vector<896x512xf32>
    %slice3A_78 = vector.extract_strided_slice %select_n3A_46 {offsets = [0, 0], sizes = [384, 512], strides = [1, 1]} : vector<896x512xf32> to vector<384x512xf32>
    %slice3A_79 = vector.extract_strided_slice %select_n3A_77 {offsets = [511, 0], sizes = [384, 512], strides = [1, 1]} : vector<896x512xf32> to vector<384x512xf32>
    %add3A_80 = arith.addf %slice3A_78, %slice3A_79 : vector<384x512xf32>
    %mul3A_81 = arith.constant 5.000000e-01 : f32
    %mul3A_82 = vector.broadcast %mul3A_81 : f32 to vector<384x512xf32>
    %mul3A_83 = arith.mulf %mul3A_82, %add3A_80 : vector<384x512xf32>
    %slice3A_84 = vector.extract_strided_slice %select_n3A_46 {offsets = [383, 0], sizes = [496, 512], strides = [1, 1]} : vector<896x512xf32> to vector<496x512xf32>
    %slice3A_85 = vector.extract_strided_slice %select_n3A_77 {offsets = [0, 0], sizes = [496, 512], strides = [1, 1]} : vector<896x512xf32> to vector<496x512xf32>
    %add3A_86 = arith.addf %slice3A_84, %slice3A_85 : vector<496x512xf32>
    %mul3A_87 = arith.constant 5.000000e-01 : f32
    %mul3A_88 = vector.broadcast %mul3A_87 : f32 to vector<496x512xf32>
    %mul3A_89 = arith.mulf %mul3A_88, %add3A_86 : vector<496x512xf32>
    %get3A_90 = arith.constant 0 : index
    %get3A_91 = arith.constant 0 : index
    %get3A_92 = vector.load %arg2[%get3A_90, %get3A_91] : memref<878x383xf32, #tpu.memory_space<vmem>>, vector<383x383xf32>
    %broadcast_in_dim3A = arith.constant 0.000000e+00 : f32
    %broadcast_in_dim3A_93 = vector.broadcast %broadcast_in_dim3A : f32 to vector<1x383xf32>
    %concatenate3A = tpu.concatenate %get3A_92, %broadcast_in_dim3A_93 in 0 : vector<383x383xf32>, vector<1x383xf32> -> vector<384x383xf32>
    %get3A_94 = arith.constant 383 : index
    %get3A_95 = arith.constant 0 : index
    %get3A_96 = vector.load %arg3[%get3A_94, %get3A_95] : memref<878x495xf32, #tpu.memory_space<vmem>>, vector<495x495xf32>
    %broadcast_in_dim3A_97 = arith.constant 0.000000e+00 : f32
    %broadcast_in_dim3A_98 = vector.broadcast %broadcast_in_dim3A_97 : f32 to vector<1x495xf32>
    %concatenate3A_99 = tpu.concatenate %get3A_96, %broadcast_in_dim3A_98 in 0 : vector<495x495xf32>, vector<1x495xf32> -> vector<496x495xf32>
    %get3A_100 = arith.constant 0 : index
    %get3A_101 = arith.constant 0 : index
    %get3A_102 = vector.load %arg4[%get3A_100, %get3A_101] : memref<895x64xf32, #tpu.memory_space<vmem>>, vector<895x64xf32>
    %get3A_103 = arith.constant 0 : index
    %get3A_104 = arith.constant 0 : index
    %get3A_105 = vector.load %arg6[%get3A_103, %get3A_104] : memref<1007x64xf32, #tpu.memory_space<vmem>>, vector<1007x64xf32>
    %slice3A_106 = vector.extract_strided_slice %get3A_102 {offsets = [0, 0], sizes = [512, 64], strides = [1, 1]} : vector<895x64xf32> to vector<512x64xf32>
    %dot_general3A_107 = arith.constant dense<0.000000e+00> : vector<384x64xf32>
    %dot_general3A_108 = tpu.matmul %mul3A_83, %slice3A_106, %dot_general3A_107 {dimension_numbers = #tpu.dot_dimension_numbers<[1], [0], [0], [1], [0, 0, 1, 1], [], []>, precision = #tpu.contract_precision<fp32>, transpose_lhs_hint = false} : vector<384x512xf32>, vector<512x64xf32>, vector<384x64xf32> -> vector<384x64xf32>
    %slice3A_109 = vector.extract_strided_slice %get3A_102 {offsets = [512, 0], sizes = [383, 64], strides = [1, 1]} : vector<895x64xf32> to vector<383x64xf32>
    %dot_general3A_110 = arith.constant dense<0.000000e+00> : vector<384x64xf32>
    %dot_general3A_111 = tpu.matmul %concatenate3A, %slice3A_109, %dot_general3A_110 {dimension_numbers = #tpu.dot_dimension_numbers<[1], [0], [0], [1], [0, 0, 1, 1], [], []>, precision = #tpu.contract_precision<fp32>, transpose_lhs_hint = false} : vector<384x383xf32>, vector<383x64xf32>, vector<384x64xf32> -> vector<384x64xf32>
    %add3A_112 = arith.addf %dot_general3A_108, %dot_general3A_111 : vector<384x64xf32>
    %get3A_113 = arith.constant 0 : index
    %get3A_114 = vector.load %arg5[%get3A_113] : memref<64xf32, #tpu.memory_space<vmem>>, vector<64xf32>
    %reshape3A = vector.shape_cast %get3A_114 : vector<64xf32> to vector<1x64xf32>
    %add3A_115 = vector.broadcast %reshape3A : vector<1x64xf32> to vector<384x64xf32>
    %add3A_116 = arith.addf %add3A_112, %add3A_115 : vector<384x64xf32>
    %gt3A_117 = arith.constant 0.000000e+00 : f32
    %gt3A_118 = vector.broadcast %gt3A_117 : f32 to vector<384x64xf32>
    %gt3A_119 = arith.cmpf ogt, %add3A_116, %gt3A_118 : vector<384x64xf32>
    %min3A_120 = arith.constant 0.000000e+00 : f32
    %min3A_121 = vector.broadcast %min3A_120 : f32 to vector<384x64xf32>
    %min3A_122 = arith.minimumf %add3A_116, %min3A_121 : vector<384x64xf32>
    %exp3A_123 = math.exp %min3A_122 : vector<384x64xf32>
    %sub3A_124 = arith.constant 1.000000e+00 : f32
    %sub3A_125 = vector.broadcast %sub3A_124 : f32 to vector<384x64xf32>
    %sub3A_126 = arith.subf %exp3A_123, %sub3A_125 : vector<384x64xf32>
    %select_n3A_127 = arith.select %gt3A_119, %add3A_116, %sub3A_126 : vector<384x64xi1>, vector<384x64xf32>
    %slice3A_128 = vector.extract_strided_slice %get3A_105 {offsets = [0, 0], sizes = [512, 64], strides = [1, 1]} : vector<1007x64xf32> to vector<512x64xf32>
    %dot_general3A_129 = arith.constant dense<0.000000e+00> : vector<496x64xf32>
    %dot_general3A_130 = tpu.matmul %mul3A_89, %slice3A_128, %dot_general3A_129 {dimension_numbers = #tpu.dot_dimension_numbers<[1], [0], [0], [1], [0, 0, 1, 1], [], []>, precision = #tpu.contract_precision<fp32>, transpose_lhs_hint = false} : vector<496x512xf32>, vector<512x64xf32>, vector<496x64xf32> -> vector<496x64xf32>
    %slice3A_131 = vector.extract_strided_slice %get3A_105 {offsets = [512, 0], sizes = [495, 64], strides = [1, 1]} : vector<1007x64xf32> to vector<495x64xf32>
    %dot_general3A_132 = arith.constant dense<0.000000e+00> : vector<496x64xf32>
    %dot_general3A_133 = tpu.matmul %concatenate3A_99, %slice3A_131, %dot_general3A_132 {dimension_numbers = #tpu.dot_dimension_numbers<[1], [0], [0], [1], [0, 0, 1, 1], [], []>, precision = #tpu.contract_precision<fp32>, transpose_lhs_hint = false} : vector<496x495xf32>, vector<495x64xf32>, vector<496x64xf32> -> vector<496x64xf32>
    %add3A_134 = arith.addf %dot_general3A_130, %dot_general3A_133 : vector<496x64xf32>
    %get3A_135 = arith.constant 0 : index
    %get3A_136 = vector.load %arg7[%get3A_135] : memref<64xf32, #tpu.memory_space<vmem>>, vector<64xf32>
    %reshape3A_137 = vector.shape_cast %get3A_136 : vector<64xf32> to vector<1x64xf32>
    %add3A_138 = vector.broadcast %reshape3A_137 : vector<1x64xf32> to vector<496x64xf32>
    %add3A_139 = arith.addf %add3A_134, %add3A_138 : vector<496x64xf32>
    %gt3A_140 = arith.constant 0.000000e+00 : f32
    %gt3A_141 = vector.broadcast %gt3A_140 : f32 to vector<496x64xf32>
    %gt3A_142 = arith.cmpf ogt, %add3A_139, %gt3A_141 : vector<496x64xf32>
    %min3A_143 = arith.constant 0.000000e+00 : f32
    %min3A_144 = vector.broadcast %min3A_143 : f32 to vector<496x64xf32>
    %min3A_145 = arith.minimumf %add3A_139, %min3A_144 : vector<496x64xf32>
    %exp3A_146 = math.exp %min3A_145 : vector<496x64xf32>
    %sub3A_147 = arith.constant 1.000000e+00 : f32
    %sub3A_148 = vector.broadcast %sub3A_147 : f32 to vector<496x64xf32>
    %sub3A_149 = arith.subf %exp3A_146, %sub3A_148 : vector<496x64xf32>
    %select_n3A_150 = arith.select %gt3A_142, %add3A_139, %sub3A_149 : vector<496x64xi1>, vector<496x64xf32>
    %slice3A_151 = vector.extract_strided_slice %select_n3A_127 {offsets = [0, 0], sizes = [383, 64], strides = [1, 1]} : vector<384x64xf32> to vector<383x64xf32>
    %slice3A_152 = vector.extract_strided_slice %select_n3A_150 {offsets = [0, 0], sizes = [495, 64], strides = [1, 1]} : vector<496x64xf32> to vector<495x64xf32>
    %concatenate3A_153 = tpu.concatenate %slice3A_151, %slice3A_152 in 0 : vector<383x64xf32>, vector<495x64xf32> -> vector<878x64xf32>
    %get3A_154 = arith.constant 0 : index
    %get3A_155 = arith.constant 0 : index
    %get3A_156 = vector.load %arg8[%get3A_154, %get3A_155] : memref<64x64xf32, #tpu.memory_space<vmem>>, vector<64x64xf32>
    %dot_general3A_157 = arith.constant dense<0.000000e+00> : vector<878x64xf32>
    %dot_general3A_158 = tpu.matmul %concatenate3A_153, %get3A_156, %dot_general3A_157 {dimension_numbers = #tpu.dot_dimension_numbers<[1], [0], [0], [1], [0, 0, 1, 1], [], []>, precision = #tpu.contract_precision<fp32>, transpose_lhs_hint = false} : vector<878x64xf32>, vector<64x64xf32>, vector<878x64xf32> -> vector<878x64xf32>
    %get3A_159 = arith.constant 0 : index
    %get3A_160 = vector.load %arg9[%get3A_159] : memref<64xf32, #tpu.memory_space<vmem>>, vector<64xf32>
    %reshape3A_161 = vector.shape_cast %get3A_160 : vector<64xf32> to vector<1x64xf32>
    %add3A_162 = vector.broadcast %reshape3A_161 : vector<1x64xf32> to vector<878x64xf32>
    %add3A_163 = arith.addf %dot_general3A_158, %add3A_162 : vector<878x64xf32>
    %gt3A_164 = arith.constant 0.000000e+00 : f32
    %gt3A_165 = vector.broadcast %gt3A_164 : f32 to vector<878x64xf32>
    %gt3A_166 = arith.cmpf ogt, %add3A_163, %gt3A_165 : vector<878x64xf32>
    %min3A_167 = arith.constant 0.000000e+00 : f32
    %min3A_168 = vector.broadcast %min3A_167 : f32 to vector<878x64xf32>
    %min3A_169 = arith.minimumf %add3A_163, %min3A_168 : vector<878x64xf32>
    %exp3A_170 = math.exp %min3A_169 : vector<878x64xf32>
    %sub3A_171 = arith.constant 1.000000e+00 : f32
    %sub3A_172 = vector.broadcast %sub3A_171 : f32 to vector<878x64xf32>
    %sub3A_173 = arith.subf %exp3A_170, %sub3A_172 : vector<878x64xf32>
    %select_n3A_174 = arith.select %gt3A_166, %add3A_163, %sub3A_173 : vector<878x64xi1>, vector<878x64xf32>
    %broadcast_in_dim3A_175 = arith.constant 0.000000e+00 : f32
    %broadcast_in_dim3A_176 = vector.broadcast %broadcast_in_dim3A_175 : f32 to vector<18x64xf32>
    %concatenate3A_177 = tpu.concatenate %select_n3A_174, %broadcast_in_dim3A_176 in 0 : vector<878x64xf32>, vector<18x64xf32> -> vector<896x64xf32>
    %transpose3A = tpu.transpose %concatenate3A_177, [1, 0] : vector<896x64xf32> -> vector<64x896xf32>
    %swap3A = arith.constant 0 : index
    %swap3A_178 = arith.constant 0 : index
    %swap3A_179 = vector.load %arg10[%swap3A, %swap3A_178] : memref<64x896xf32, #tpu.memory_space<vmem>>, vector<64x896xf32>
    tpu.vector_store %arg10[%swap3A, %swap3A_178], %transpose3A {strides = array<i32>} : memref<64x896xf32, #tpu.memory_space<vmem>>, vector<64x896xf32>,
    return
  }
}

</mosaic_0001>

<sc_bundles>
// kernel: kernel.6.cloned.1.call-start
scs
__scs_entry_jumppad:
0x0: {  	(pc) =	sbr.rel $0x88, $3  }
0x1: {  	(tag) =	ssettag $0x0;
	lr =	simm.s32 $0x1  }
0x2: {  	[smem:$0x3F8C] =	sst lr;
	_ =	strace $0xD0000000  }
0x3: {  	_ = 	snop  }
0x4: {  	_ = 	snop  }
0x5: {  	_ = 	snop  }
0x6: {  	_ = 	snop  }
0x7: {  	_ = 	snop  }
__scs_overlays_trampoline_lowered:
0x8: {  	[smem:$0x3F9B] =	sst s0  }
0x9: {  	[smem:$0x3F9C] =	sst s1  }
0xa: {  	[smem:$0x3F9D] =	sst s2  }
0xb: {  	[smem:$0x3F9E] =	sst s3  }
0xc: {  	[smem:$0x3F9F] =	sst s4  }
0xd: {  	[smem:$0x3FA0] =	sst s5  }
0xe: {  	[smem:$0x3FA1] =	sst s6  }
0xf: {  	[smem:$0x3FA2] =	sst s7  }
0x10: {  	[smem:$0x3FA3] =	sst s8  }
0x11: {  	[smem:$0x3FA4] =	sst s9;
	s0 =	simm.s32 @!p0 $0x0  }
0x12: {  	s1 =	sld [smem:$0x3F8A];
	s0 =	simm.s32 @p0 $0x1  }
0x13: {  	[smem:$0x3FA5] =	sst s0;
	s0 =	simm.s32 @!p1 $0x0  }
0x14: {  	s2 =	sld [smem:$0x3F89];
	s0 =	simm.s32 @p1 $0x1  }
0x15: {  	[smem:$0x3FA6] =	sst s0;
	s0 =	simm.s32 @!p2 $0x0  }
0x16: {  	s3 =	sld [smem:$0x3FDB];
	s0 =	simm.s32 @p2 $0x1  }
0x17: {  	s4 =	simm.s32 $0x1BF5;
	[smem:$0x3FA8] =	sst s0  }
0x18: {  	s0 =	sld [smem:$0x3F8B];
	_ =	swait.ge [sflag:s4], $0x0  }
0x19: {  	s7 =	sld [smem:$0x3F8C]  }
0x1a: {  	s8 =	sadd.s32 $0xFFFFE003, lr  }
0x1b: {  	s9 =	sadd.s32 $0xFFFFFEF7, lr;
	s5 =	simm.s32 $0xFFFFFFFF;
	p2 =	slt.u32 s8, $0xFFFFF086  }
0x1c: {  	p1 =	slt.u32 s9, $0xF7A;
	s5 =	simm.s32 @!p2 $0x0  }
0x1d: {  	s5 =	simm.s32 @p1 $0x1;
	p0 =	seq.s32 s7, s2  }
0x1e: {  	s7 =	smul.u32 @!p0 $0xF7A, s2;
	p2 =	seq.s32 @!p0 s5, $0x0  }
0x1f: {  	s9 =	smul.u32 $0xF7A, s1;
	s8 =	simm.s32 @!p0 $0x1BF5;
	p2 =	por !p2, p0  }
0x20: {  	[sflag:s8] =	ssyncset.s32 @!p0 $0xFFFFF086;
	s6 =	sadd.s32 @!p0 s3, s7;
	s7 =	simm.s32 @!p0 $0x108  }
0x21: {  	s3 =	sadd.s32 s3, s9;
	s6 =	sadd.s32 @!p0 $0x88, s6;
	s7 =	simm.s32 @p2 $0x1082  }
0x22: {  	[simem:s7], [sflag:s8] =	dma.local @!p0 [hbm:s6], $0xF7A  }
0x23: {  	s9 =	sor.u32 $0xD0000000, s2;
	s6 =	simm.s32 $0x108;
	_ =	swait.ge @!p0 [sflag:s8], $0x0  }
0x24: {  	s3 =	sadd.s32 $0x88, s3;
	s6 =	simm.s32 @!p1 $0x1082;
	[sflag:s4] =	ssyncset.s32 $0xFFFFF086  }
0x25: {  	[simem:s6], [sflag:s4] =	dma.local [hbm:s3], $0xF7A  }
0x26: {  	[smem:$0x3F8C] =	sst s1;
	(tag) =	ssettag s2;
	_ =	strace s9  }
0x27: {  	s1 =	sld [smem:$0x3F9C]  }
0x28: {  	s2 =	sld [smem:$0x3F9D]  }
0x29: {  	s4 =	sld [smem:$0x3F9F]  }
0x2a: {  	p0 =	seq.s32 s5, $0x0;
	s5 =	sld [smem:$0x3FA0]  }
0x2b: {  	s6 =	sld [smem:$0x3FA1]  }
0x2c: {  	s7 =	sld [smem:$0x3FA2]  }
0x2d: {  	s3 =	simm.s32 $0x108;
	s8 =	sld [smem:$0x3FA3]  }
0x2e: {  	s3 =	simm.s32 @!p0 $0x1082;
	s9 =	sld [smem:$0x3FA4]  }
0x2f: {  	lr =	sadd.s32 s0, s3;
	s0 =	sld [smem:$0x3F9B]  }
0x30: {  	s3 =	sld [smem:$0x3F9E]  }
0x31: {  	[smem:$0x3FA7] =	sst s10  }
0x32: {  	s10 =	sld [smem:$0x3FA5];
	_ =	sdelay $0x3  }
0x33: {  	p0 =	seq.s32 s10, $0x1;
	s10 =	sld [smem:$0x3FA7];
	_ =	sdelay $0x3  }
0x34: {  	[smem:$0x3FA7] =	sst s10  }
0x35: {  	s10 =	sld [smem:$0x3FA6];
	_ =	sdelay $0x3  }
0x36: {  	p1 =	seq.s32 s10, $0x1;
	s10 =	sld [smem:$0x3FA7];
	_ =	sdelay $0x3  }
0x37: {  	[smem:$0x3FA7] =	sst s10  }
0x38: {  	s10 =	sld [smem:$0x3FA8]  }
0x39: {  	_ = 	snop;
	(pc) =	sbr.ind lr, $3  }
0x3a: {  	_ = 	snop  }
0x3b: {  	_ = 	snop  }
0x3c: {  	p2 =	seq.s32 s10, $0x1;
	s10 =	sld [smem:$0x3FA7]  }
0x3d: {  	_ =	shalt  }
0x3e: {  	_ =	shalt  }
0x3f: {  	_ =	shalt  }
0x40: {  	_ =	shalt  }
0x41: {  	_ =	shalt  }
0x42: {  	_ =	shalt  }
0x43: {  	_ =	shalt  }
0x44: {  	_ =	shalt  }
0x45: {  	_ =	shalt  }
0x46: {  	_ =	shalt  }
0x47: {  	_ =	shalt  }
0x48: {  	_ =	shalt  }
0x49: {  	_ =	shalt  }
0x4a: {  	_ =	shalt  }
0x4b: {  	_ =	shalt  }
0x4c: {  	_ =	shalt  }
0x4d: {  	_ =	shalt  }
0x4e: {  	_ =	shalt  }
0x4f: {  	_ =	shalt  }
0x50: {  	_ =	shalt  }
0x51: {  	_ =	shalt  }
0x52: {  	_ =	shalt  }
0x53: {  	_ =	shalt  }
0x54: {  	_ =	shalt  }
0x55: {  	_ =	shalt  }
0x56: {  	_ =	shalt  }
0x57: {  	_ =	shalt  }
0x58: {  	_ =	shalt  }
0x59: {  	_ =	shalt  }
0x5a: {  	_ =	shalt  }
0x5b: {  	_ =	shalt  }
0x5c: {  	_ =	shalt  }
0x5d: {  	_ =	shalt  }
0x5e: {  	_ =	shalt  }
0x5f: {  	_ =	shalt  }
0x60: {  	_ =	shalt  }
0x61: {  	_ =	shalt  }
0x62: {  	_ =	shalt  }
0x63: {  	_ =	shalt  }
0x64: {  	_ =	shalt  }
0x65: {  	_ =	shalt  }
0x66: {  	_ =	shalt  }
0x67: {  	_ =	shalt  }
0x68: {  	_ =	shalt  }
0x69: {  	_ =	shalt  }
0x6a: {  	_ =	shalt  }
0x6b: {  	_ =	shalt  }
0x6c: {  	_ =	shalt  }
0x6d: {  	_ =	shalt  }
0x6e: {  	_ =	shalt  }
0x6f: {  	_ =	shalt  }
0x70: {  	_ =	shalt  }
0x71: {  	_ =	shalt  }
0x72: {  	_ =	shalt  }
0x73: {  	_ =	shalt  }
0x74: {  	_ =	shalt  }
0x75: {  	_ =	shalt  }
0x76: {  	_ =	shalt  }
0x77: {  	_ =	shalt  }
0x78: {  	_ =	shalt  }
0x79: {  	_ =	shalt  }
0x7a: {  	_ =	shalt  }
0x7b: {  	_ =	shalt  }
0x7c: {  	_ =	shalt  }
0x7d: {  	_ =	shalt  }
0x7e: {  	_ =	shalt  }
0x7f: {  	_ =	shalt  }
0x80: {  	_ =	shalt  }
0x81: {  	_ =	shalt  }
0x82: {  	_ =	shalt  }
0x83: {  	_ =	shalt  }
0x84: {  	_ =	shalt  }
0x85: {  	_ =	shalt  }
0x86: {  	_ =	shalt  }
0x87: {  	_ =	shalt  }
.Lfunc_end0:
.L_simem_size_0:
called_computation_lowered:
.L_overlay_start_0:
0x88: {  	s2 =	sld [smem:$0x3FD9]  }
0x89: {  	s3 =	sld [smem:$0x3FFE];
	_ =	sdelay $0x1  }
0x8a: {  	s1 =	srdreg.scid  }
0x8b: {  	s0 =	sand.u32 $0x1, s1  }
0x8c: {  	s17 =	sshll.u32 s0, $0xA;
	s2 =	sadd.s32 s3, s2  }
0x8d: {  	s2 =	sadd.s32 s2, s17  }
0x8e: {  	[smem:$0x3FB3] =	sst s2  }
0x8f: {  	_ = 	snop  }
0x90: {  	s2 =	sld [smem:$0x3FD0];
	(tm) =	ssettm $0x1  }
0x91: {  	s18 =	sld [smem:$0x3FFB];
	_ =	sdelay $0x3  }
0x92: {  	_ =	strace s18  }
0x93: {  	s3 =	sld [smem:$0x3FFC];
	_ =	sdelay $0x3  }
0x94: {  	_ =	strace s3  }
0x95: {  	s3 =	sld [smem:$0x3FFD];
	_ =	sdelay $0x3  }
0x96: {  	_ =	strace s3  }
0x97: {  	_ =	strace $0x8FFFFFFF  }
0x98: {  	s19 =	sld [smem:$0x3FDB];
	_ =	sdelay $0x1  }
0x99: {  	s4 =	simm.s32 $_scs_section_size  }
0x9a: {  	s5 =	simm.s32 $_size__tile_overlayer_lowered;
	s6 =	simm.s32 $_tile_overlayer_lowered  }
0x9b: {  	s22 =	simm.s32 $0x1BFF;
	s21 =	sshll.u32 s6, $0x1;
	s3 =	sadd.s32 s4, s19  }
0x9c: {  	s7 =	simm.s32 $0x0;
	s20 =	sshll.u32 s5, $0x1;
	s5 =	sadd.s32 s21, s3  }
0x9d: {  	[timem:s7], [sflag:s22] =	dma.local [hbm:s5], s20  }
0x9e: {  	_ =	swait.ge [sflag:s22], s20  }
0x9f: {  	s4 =	ssub.s32 $0x0, s20;
	[sflag:s22] =	ssyncset.done $0x0  }
0xa0: {  	[sflag:s22] =	ssyncadd.s32 s4;
	_ =	sdelay $0x1  }
0xa1: {  	s23 =	simm.s32 $0x1B8B  }
0xa2: {  	_ =	swait.ge [sflag:s23], $0x1  }
0xa3: {  	[sflag:s23] =	ssyncset.done $0x0  }
0xa4: {  	s25 =	simm.s32 $0x1B8E;
	s24 =	sld [smem:$0x3FFE];
	[sflag:s23] =	ssyncadd.s32 $0xFFFFFFFF  }
0xa5: {  	s26 =	simm.s32 $execute0_lowered;
	[smem:$0x3FD2] =	sst s25  }
0xa6: {  	s5 =	sshll.u32 s26, $0x1;
	_ =	strace $0x80000046;
	[dreg:$0x1] =	wrdreg $0xFFFFFFFF  }
0xa7: {  	s28 =	simm.s32 $_size_execute0_lowered;
	s3 =	sadd.s32 s3, s5;
	[dreg:$0x0] =	wrdreg $0x0  }
0xa8: {  	s5 =	sshll.u32 s28, $0x1;
	[dreg:$0x2] =	wrdreg s3  }
0xa9: {  	[dreg:$0x3] =	wrdreg s5  }
0xaa: {  	[dreg:$0x4] =	wrdreg $0xC0  }
0xab: {  	_ =	task [dreg:s7], $0x5FFFF  }
0xac: {  	[dreg:$0x1] =	wrdreg $0xFFFFFFFF  }
0xad: {  	[dreg:$0x0] =	wrdreg $0x60  }
0xae: {  	[dreg:$0x2] =	wrdreg s24  }
0xaf: {  	[dreg:$0x3] =	wrdreg s2  }
0xb0: {  	[dreg:$0x4] =	wrdreg $0x0  }
0xb1: {  	[dreg:$0x5] =	wrdreg $0x73800  }
0xb2: {  	[dreg:$0x6] =	wrdreg $0x9  }
0xb3: {  	_ =	task.clear_ibuf [dreg:s7], $0x7FFFF;
	_ =	strace $0x90000046  }
0xb4: {  	s29 =	simm.s32 $0x9;
	_ =	strace $0x80000048  }
0xb5: {  	_ =	swait.ge [sflag:s29], $0x1  }
0xb6: {  	[sflag:s29] =	ssyncadd.s32 $0xFFFFFFFF  }
0xb7: {  	_ =	strace $0x90000048  }
0xb8: {  	_ =	sfence  }
0xb9: {  	s30 =	sld [smem:$0x0];
	_ =	sdelay $0x2  }
0xba: {  	s31 =	sshll.u32 s1, $0xD;
	s1 =	sshrl.u32 s1, $0x2  }
0xbb: {  	s3 =	sand.u32 $0x4000, s31;
	s1 =	sadd.s32 s1, s30  }
0xbc: {  	s0 =	sor.u32 s3, s0;
	s1 =	sshll.u32 s1, $0x11  }
0xbd: {  	s0 =	sor.u32 s1, s0  }
0xbe: {  	s0 =	sadd.s32 $0x8F2B, s0  }
0xbf: {  	[sflag:s0] =	ssyncadd.remote.s32 $0x1  }
0xc0: {  	_ =	sfence.sel $0xFFFF  }
0xc1: {  	[dreg:$0x0] =	wrdreg $0xFFFFFFFF;
	(pc) =	sbr.abs _section_cstart, $3  }
0xc2: {  	[dreg:$0x1] =	wrdreg $0xFFFFFFFF  }
0xc3: {  	_ =	task.clear_ibuf [dreg:s7], $0x2FFFF;
	_ =	strace $0x9FFFFFFF  }
0xc4: {  	(tm) =	ssettm $0x7FFFFFFF  }
0xc5: {  	_ =	shalt  }
tec
execute0_lowered:
.L_overlay_start_1:
0x0: {  	(tag) =	ssettag $0x1  }
0x1: {  	s0 =	rddreg [dreg:$0x0]  }
0x2: {  	s1 =	rddreg [dreg:$0x1]  }
0x3: {  	s2 =	srdreg.scid;
	s3 =	rddreg [dreg:$0x2]  }
0x4: {  	s13 =	stileid.u32;
	s4 =	rddreg [dreg:$0x3];
	s7 =	simm.s32 $0x0  }
0x5: {  	s28 =	simm.s32 $0x16B00;
	s29 =	simm.s32 $0x1F300;
	s30 =	simm.s32 $0x1  }
0x6: {  	s31 =	simm.s32 $0x3;
	s2 =	sand.u32 $0x1, s2;
	[smem:$0x7FF] =	sst s7  }
0x7: {  	s16 =	smul.u32 $0x7380, s13;
	s7 =	sadd.s32 $0x14400, s0;
	s8 =	sadd.s32 $0x1800, s0  }
0x8: {  	s9 =	sadd.s32 $0x22800, s0;
	s17 =	sadd.s32 $0x25A00, s0;
	s5 =	sshll.u32 s2, $0x4  }
0x9: {  	s19 =	sshll.u32 s13, $0x6;
	s10 =	smul.u32 $0x73800, s2;
	s5 =	sor.u32 s13, s5  }
0xa: {  	_ =	strace $0x80000047;
	s2 =	ssub.s32 $0x2, s2;
	s6 =	smul.u32 $0x280, s5  }
0xb: {  	[dreg:$0x5] =	wrdreg s17;
	s18 =	sshrl.u32 s2, $0x1;
	s20 =	sadd.s32 s16, s3  }
0xc: {  	s10 =	sadd.s32 s16, s10;
	s2 =	ssub.s32 s2, s18;
	s11 =	sshrl.u32 s6, $0x3  }
0xd: {  	s5 =	sadd.s32 s16, s4;
	s26 =	smax.u32 s2, $0x1;
	s12 =	sadd.s32 s11, s0  }
0xe: {  	s10 =	sshrl.u32 s10, $0x3;
	[dreg:$0xc] =	wrdreg s26;
	s21 =	sadd.s32 $0x23200, s12  }
0xf: {  	s2 =	simm.s32 $0x5;
	s22 =	sadd.s32 $0x23C00, s12;
	[dreg:$0x6] =	wrdreg s21  }
0x10: {  	s26 =	simm.s32 $0x6;
	s23 =	sadd.s32 $0x25000, s12;
	[dreg:$0x7] =	wrdreg s22  }
0x11: {  	s0 =	sadd.s32 s10, s0;
	s24 =	sadd.s32 $0x24600, s12;
	[dreg:$0x8] =	wrdreg s23  }
0x12: {  	s11 =	sor.u32 $0x1C07, s19;
	s25 =	sadd.s32 $0x43800, s0;
	[dreg:$0x9] =	wrdreg s24  }
0x13: {  	v9 =	vlaneseq.u32;
	vm0 =	vmmov $0xff;
	v1 =	vimm.s32 $0x0;
	s19 =	sshrl.u32 s20, $0x3;
	s0 =	sadd.s32 $0x26A00, s0;
	[dreg:$0xa] =	wrdreg s25  }
0x14: {  	v2 =	vimm.s32 $0x1;
	v3 =	vimm.s32 $0x2;
	v4 =	vimm.s32 $0x3;
	s20 =	simm.s32 $0x7;
	s12 =	simm.s32 $0x0;
	[dreg:$0xb] =	wrdreg s0  }
0x15: {  	v5 =	vimm.s32 $0x4;
	v6 =	vimm.s32 $0x5;
	v7 =	vimm.s32 $0x6;
	s21 =	sshrl.u32 s5, $0x3;
	s23 =	simm.s32 $0x1F980;
	s24 =	simm.s32 $0x40  }
0x16: {  	v8 =	vimm.s32 $0x7;
	v0 =	vor.u32 $0x370, v9;
	v9 =	vadd.s32 $0x1EF, v9;
	s25 =	simm.s32 $0xE700;
	s0 =	simm.s32 $0x2;
	s5 =	simm.s32 $0x4  }
.LBB2_1:
0x17: {  	s10 =	rddreg [dreg:$0x5]  }
0x18: {  	[spmem:s19], [sflag:s11] =	dma.local [hbm:s10], $0xE70  }
0x19: {  	_ =	swait.ge [sflag:s20], $0xE70  }
0x1a: {  	[sflag:s20] =	ssyncset.done $0x0  }
0x1b: {  	[sflag:s20] =	ssyncadd.s32 $0xFFFFF190  }
0x1c: {  	[spmem:s21], [sflag:s11] =	dma.local [hbm:s10], $0xE70  }
0x1d: {  	_ =	swait.ge [sflag:s20], $0xE70  }
0x1e: {  	[sflag:s20] =	ssyncset.done $0x0  }
0x1f: {  	[sflag:s20] =	ssyncadd.s32 $0xFFFFF190  }
0x20: {  	[bflag:$0x0] =	sbarrier.arrive $0xFFFF  }
0x21: {  	s17 =	simm.s32 $0x0;
	s14 =	simm.s32 $0x1F700;
	s13 =	rddreg [dreg:$0x6]  }
0x22: {  	[tilespmem:s14], [sflag:$0x7] =	stream.linear.gather [hbm4b:s13+s17], $0x280, $0x38;
	[tilespmem:$0x1FC00] =	vst v63  }
0x23: {  	_ =	swait.ge [sflag:s20], $0x280  }
0x24: {  	[sflag:s20] =	ssyncset.done $0x0  }
0x25: {  	s18 =	rddreg [dreg:$0x7];
	[sflag:s20] =	ssyncadd.s32 $0xFFFFFD80  }
0x26: {  	[tilespmem:s23], [sflag:$0x7] =	stream.linear.gather [hbm4b:s18+s17], $0x280, $0x38;
	[tilespmem:$0x1FC00] =	vst v63  }
0x27: {  	_ =	swait.ge [sflag:s20], $0x280  }
0x28: {  	[sflag:s20] =	ssyncset.done $0x0  }
0x29: {  	[sflag:s20] =	ssyncadd.s32 $0xFFFFFD80  }
0x2a: {  	[tilespmem:s25], [sflag:$0x1] =	stream.indirect.gather [hbm4b:s7+s24], $0x210, s14, s24, $0xb8;
	[tilespmem:$0x1FC00] =	vst v63  }
0x2b: {  	s22 =	simm.s32 $0x1EF00;
	s13 =	simm.s32 $0x0  }
0x2c: {  	[tilespmem:s22], [sflag:$0x3] =	stream.indirect.gather [hbm4b:s1+s24], $0x10, s23, s24, $0xb8;
	[tilespmem:$0x1FC00] =	vst v63  }
.LBB2_2:
0x2d: {  	p0 =	seq.s32 s13, $0x0  }
0x2e: {  	s10 =	simm.s32 @!p0 $0x6  }
0x2f: {  	_ =	swait.ge @!p0 [sflag:s10], $0x8400  }
0x30: {  	s14 =	sshll.u32 s13, $0x7;
	[sflag:s10] =	ssyncset.done @!p0 $0x0  }
0x31: {  	s18 =	sadd.s32 $0x1F740, s14;
	[sflag:s10] =	ssyncadd.s32 @!p0 $0xFFFF7C00  }
0x32: {  	[tilespmem:s28], [sflag:$0x2] =	stream.indirect.gather [hbm4b:s7+s24], $0x210, s18, s24, $0xb8;
	[tilespmem:$0x1FC00] =	vst v63  }
0x33: {  	s22 =	sadd.s32 $0x1F9C0, s14  }
0x34: {  	[tilespmem:s29], [sflag:$0x4] =	stream.indirect.gather [hbm4b:s1+s24], $0x10, s22, s24, $0xb8;
	[tilespmem:$0x1FC00] =	vst v63  }
0x35: {  	_ =	swait.ge [sflag:s30], $0x8400  }
0x36: {  	[sflag:s30] =	ssyncset.done $0x0  }
0x37: {  	[sflag:s30] =	ssyncadd.s32 $0xFFFF7C00  }
0x38: {  	_ =	swait.ge [sflag:s31], $0x400  }
0x39: {  	[sflag:s31] =	ssyncset.done $0x0  }
0x3a: {  	[sflag:s31] =	ssyncadd.s32 $0xFFFFFC00  }
0x3b: {  	v10 =	vld [tilespmem:s14+$0x1F980]  }
0x3c: {  	v11 =	vld [tilespmem:s14+$0x1F990]  }
0x3d: {  	v12 =	vld [tilespmem:s14+$0x1F9A0]  }
0x3e: {  	v13 =	vld [tilespmem:s14+$0x1F9B0];
	_ =	sdelay $0x1  }
0x3f: {  	vm1 =	vlt.s32 v10, $0x36E  }
0x40: {  	v10 =	vsel vm1, v10, v0;
	vm1 =	vlt.s32 v11, $0x36E  }
0x41: {  	[tilespmem:s14+$0x1F980] =	vst v10;
	v10 =	vsel vm1, v11, v0;
	vm1 =	vlt.s32 v12, $0x36E  }
0x42: {  	[tilespmem:s14+$0x1F990] =	vst v10;
	v10 =	vsel vm1, v12, v0;
	vm1 =	vlt.s32 v13, $0x36E  }
0x43: {  	[tilespmem:s14+$0x1F9A0] =	vst v10;
	v10 =	vsel vm1, v13, v0  }
0x44: {  	s15 =	sshll.u32 s13, $0x1;
	s17 =	simm.s32 $0xE800;
	s16 =	sadd.s32 $0x1F980, s14;
	[tilespmem:s14+$0x1F9B0] =	vst v10  }
0x45: {  	s10 =	simm.s32 $0x40;
	s18 =	simm.s32 $0xE800;
	s22 =	simm.s32 $0x0;
	v10 =	vld [tilespmem:s17+$0x100]  }
.LBB2_3:
0x46: {  	p0 =	sne.s32 s10, $0xFC0;
	v11 =	vld [tilespmem:s22+$0x1EF00];
	_ =	sdelay $0x4  }
0x47: {  	v10 =	vadd.f32 v11, v10;
	v11 =	vld [tilespmem:s17+$0xFFFFFFF0]  }
0x48: {  	v12 =	vld [tilespmem:s17+$0xF0]  }
0x49: {  	v13 =	vmul.f32 $2.000000030e-01, v10;
	v14 =	vld [tilespmem:s17+$0xE0]  }
0x4a: {  	vm1 =	vge.f32 v10, $0.0e+00;
	v15 =	vld [tilespmem:s17+$0xD0]  }
0x4b: {  	v10 =	vsel vm1, v10, v13;
	v13 =	vld [tilespmem:s17+$0xC0]  }
0x4c: {  	v10 =	vmul.f32 $1.442695020e+00, v10;
	v16 =	vld [tilespmem:s17+$0xB0]  }
0x4d: {  	v17 =	vld [tilespmem:s17+$0xA0]  }
0x4e: {  	v18 =	vld [tilespmem:s17+$0x90];
	(erf) = vpow2.f32 v10  }
0x4f: {  	v10 =	vld [tilespmem:s17+$0x80]  }
0x50: {  	v19 =	vld [tilespmem:s17+$0x70]  }
0x51: {  	v20 =	vld [tilespmem:s17+$0x60]  }
0x52: {  	v21 =	vld [tilespmem:s17+$0x50]  }
0x53: {  	v22 =	vld [tilespmem:s17+$0x40]  }
0x54: {  	v23 =	vld [tilespmem:s17+$0x30]  }
0x55: {  	v24 =	vld [tilespmem:s17+$0x20]  }
0x56: {  	v25 =	vld [tilespmem:s17+$0x10]  }
0x57: {  	v26 =	vld [tilespmem:s17+$0x0];
	v27 =	vpop (erf)  }
0x58: {  	v28 =	vnsel vm0, $0x0, v27;
	v29 =	vld [tilespmem:s17+$0xFFFFFFE0];
	v30 =	vperm.xlane v27, v7;
	v31 =	vperm.xlane v27, v8  }
0x59: {  	v33 =	vperm.xlane v27, v5;
	v34 =	vperm.xlane v27, v6;
	v32 =	vld [tilespmem:s17+$0xFFFFFFD0];
	[tilespmem:s17+$0x100] =	vst v28  }
0x5a: {  	v28 =	vld [tilespmem:s17+$0xFFFFFFC0];
	v14 =	vmul.f32 v14, v31;
	v12 =	vmul.f32 v12, v31  }
0x5b: {  	v13 =	vmul.f32 v13, v31;
	v15 =	vmul.f32 v15, v31;
	v35 =	vld [tilespmem:s17+$0xFFFFFFB0]  }
0x5c: {  	v17 =	vmul.f32 v17, v30;
	v16 =	vmul.f32 v16, v30;
	v31 =	vld [tilespmem:s17+$0xFFFFFFA0];
	[tilespmem:s17+$0xF0] =	vst v12  }
0x5d: {  	v10 =	vmul.f32 v10, v30;
	v18 =	vmul.f32 v18, v30;
	v12 =	vld [tilespmem:s17+$0xFFFFFF90];
	[tilespmem:s17+$0xE0] =	vst v14  }
0x5e: {  	v20 =	vmul.f32 v20, v34;
	v19 =	vmul.f32 v19, v34;
	v14 =	vld [tilespmem:s17+$0xFFFFFF80];
	[tilespmem:s17+$0xD0] =	vst v15  }
0x5f: {  	v22 =	vmul.f32 v22, v34;
	v21 =	vmul.f32 v21, v34;
	v15 =	vld [tilespmem:s17+$0xFFFFFF70];
	[tilespmem:s17+$0xC0] =	vst v13  }
0x60: {  	v24 =	vmul.f32 v24, v33;
	v23 =	vmul.f32 v23, v33;
	v13 =	vld [tilespmem:s17+$0xFFFFFF60];
	[tilespmem:s17+$0xB0] =	vst v16  }
0x61: {  	v25 =	vmul.f32 v25, v33;
	v26 =	vmul.f32 v26, v33;
	v16 =	vld [tilespmem:s17+$0xFFFFFF50];
	[tilespmem:s17+$0xA0] =	vst v17  }
0x62: {  	v30 =	vperm.xlane v27, v3;
	v33 =	vperm.xlane v27, v4;
	v17 =	vld [tilespmem:s17+$0xFFFFFF40];
	[tilespmem:s17+$0x90] =	vst v18  }
0x63: {  	v18 =	vperm.xlane v27, v1;
	v27 =	vperm.xlane v27, v2;
	v34 =	vld [tilespmem:s17+$0xFFFFFF30];
	[tilespmem:s17+$0x80] =	vst v10  }
0x64: {  	v29 =	vmul.f32 v29, v33;
	v11 =	vmul.f32 v11, v33;
	v10 =	vld [tilespmem:s17+$0xFFFFFF20];
	[tilespmem:s17+$0x70] =	vst v19  }
0x65: {  	v32 =	vmul.f32 v32, v33;
	v28 =	vmul.f32 v28, v33;
	v19 =	vld [tilespmem:s17+$0xFFFFFF10];
	[tilespmem:s17+$0x60] =	vst v20  }
0x66: {  	v33 =	vmul.f32 v35, v30;
	v31 =	vmul.f32 v31, v30;
	v20 =	vld [tilespmem:s17+$0xFFFFFF00];
	[tilespmem:s17+$0x50] =	vst v21  }
0x67: {  	v12 =	vmul.f32 v12, v30;
	v14 =	vmul.f32 v14, v30;
	[tilespmem:s17+$0x40] =	vst v22  }
0x68: {  	v15 =	vmul.f32 v15, v27;
	v13 =	vmul.f32 v13, v27;
	[tilespmem:s17+$0x30] =	vst v23  }
0x69: {  	v16 =	vmul.f32 v16, v27;
	v17 =	vmul.f32 v17, v27;
	[tilespmem:s17+$0x20] =	vst v24  }
0x6a: {  	v21 =	vmul.f32 v34, v18;
	v10 =	vmul.f32 v10, v18;
	[tilespmem:s17+$0x10] =	vst v25  }
0x6b: {  	v20 =	vmul.f32 v20, v18;
	v18 =	vmul.f32 v19, v18;
	[tilespmem:s17+$0x0] =	vst v26  }
0x6c: {  	[tilespmem:s17+$0xFFFFFFF0] =	vst v11  }
0x6d: {  	[tilespmem:s17+$0xFFFFFFE0] =	vst v29  }
0x6e: {  	[tilespmem:s17+$0xFFFFFFD0] =	vst v32  }
0x6f: {  	[tilespmem:s17+$0xFFFFFFC0] =	vst v28  }
0x70: {  	[tilespmem:s17+$0xFFFFFFB0] =	vst v33  }
0x71: {  	[tilespmem:s17+$0xFFFFFFA0] =	vst v31  }
0x72: {  	[tilespmem:s17+$0xFFFFFF90] =	vst v12  }
0x73: {  	[tilespmem:s17+$0xFFFFFF80] =	vst v14  }
0x74: {  	[tilespmem:s17+$0xFFFFFF70] =	vst v15  }
0x75: {  	[tilespmem:s17+$0xFFFFFF60] =	vst v13  }
0x76: {  	[tilespmem:s17+$0xFFFFFF50] =	vst v16  }
.Ltmp0:
0x77: {  	[tilespmem:s17+$0xFFFFFF40] =	vst v17;
	(pc) =	sbr.rel @p0 .LBB2_3-.Ltmp0, $4  }
0x78: {  	[tilespmem:s17+$0xFFFFFF30] =	vst v21  }
0x79: {  	[tilespmem:s17+$0xFFFFFF20] =	vst v10  }
0x7a: {  	s17 =	sadd.s32 $0x210, s17;
	[tilespmem:s18+$0xFFFFFF10] =	vst v18  }
0x7b: {  	s22 =	sshra.s32 s10, $0x2;
	s10 =	sadd.s32 $0x40, s10;
	v10 =	vld [tilespmem:s17+$0x100];
	[tilespmem:s18+$0xFFFFFF00] =	vst v20;
	s18 =	smov.u32 s17  }
0x7c: {  	v11 =	vld [tilespmem:s22+$0x1EF00];
	_ =	sdelay $0x4  }
0x7d: {  	v10 =	vadd.f32 v11, v10;
	_ =	sdelay $0x1  }
0x7e: {  	v11 =	vmul.f32 $2.000000030e-01, v10  }
0x7f: {  	vm1 =	vge.f32 v10, $0.0e+00  }
0x80: {  	v10 =	vsel vm1, v10, v11  }
0x81: {  	v10 =	vmul.f32 $1.442695020e+00, v10;
	_ =	sdelay $0x1  }
0x82: {  	(erf) = vpow2.f32 v10;
	_ =	sdelay $0x6  }
0x83: {  	v10 =	vld [tilespmem:s17+$0xF0]  }
0x84: {  	v11 =	vld [tilespmem:s17+$0xE0]  }
0x85: {  	v12 =	vld [tilespmem:s17+$0xD0];
	v13 =	vpop (erf)  }
0x86: {  	v14 =	vld [tilespmem:s17+$0xC0];
	v15 =	vperm.xlane v13, v8  }
0x87: {  	v16 =	vld [tilespmem:s17+$0xB0]  }
0x88: {  	v17 =	vld [tilespmem:s17+$0xA0];
	v18 =	vnsel vm0, $0x0, v13;
	v10 =	vmul.f32 v10, v15  }
0x89: {  	v19 =	vld [tilespmem:s17+$0x90];
	[tilespmem:s17+$0x100] =	vst v18;
	v11 =	vmul.f32 v11, v15  }
0x8a: {  	v34 =	vld [tilespmem:s17+$0x80];
	v20 =	vperm.xlane v13, v7;
	v12 =	vmul.f32 v12, v15;
	[tilespmem:s17+$0xF0] =	vst v10  }
0x8b: {  	v40 =	vld [tilespmem:s17+$0x30];
	v14 =	vmul.f32 v14, v15;
	[tilespmem:s17+$0xE0] =	vst v11  }
0x8c: {  	v41 =	vld [tilespmem:s17+$0x20];
	v35 =	vmul.f32 v16, v20;
	[tilespmem:s17+$0xD0] =	vst v12  }
0x8d: {  	v42 =	vld [tilespmem:s17+$0x10];
	v37 =	vmul.f32 v17, v20;
	[tilespmem:s17+$0xC0] =	vst v14  }
0x8e: {  	v51 =	vld [tilespmem:s17+$0xFFFFFF90];
	v44 =	vperm.xlane v13, v5;
	v19 =	vmul.f32 v19, v20;
	[tilespmem:s17+$0xB0] =	vst v35  }
0x8f: {  	v18 =	vmul.f32 v34, v20;
	v10 =	vld [tilespmem:s17+$0x70];
	[tilespmem:s17+$0xA0] =	vst v37  }
0x90: {  	v39 =	vperm.xlane v13, v6;
	v15 =	vmul.f32 v40, v44;
	v11 =	vld [tilespmem:s17+$0x60];
	[tilespmem:s17+$0x90] =	vst v19  }
0x91: {  	v58 =	vld [tilespmem:s17+$0xFFFFFF20];
	v53 =	vperm.xlane v13, v3;
	v16 =	vmul.f32 v41, v44;
	[tilespmem:s17+$0x80] =	vst v18  }
0x92: {  	v36 =	vld [tilespmem:s17+$0x50];
	v48 =	vperm.xlane v13, v4;
	v47 =	vmul.f32 v42, v44;
	[tilespmem:s17+$0x30] =	vst v15  }
0x93: {  	v38 =	vld [tilespmem:s17+$0x40];
	v56 =	vperm.xlane v13, v2;
	v17 =	vmul.f32 v51, v53;
	[tilespmem:s17+$0x20] =	vst v16  }
0x94: {  	v43 =	vld [tilespmem:s17+$0x0];
	v13 =	vperm.xlane v13, v1;
	[tilespmem:s17+$0x10] =	vst v47;
	v10 =	vmul.f32 v10, v39  }
0x95: {  	v49 =	vld [tilespmem:s17+$0xFFFFFFB0];
	[tilespmem:s17+$0xFFFFFF90] =	vst v17;
	v11 =	vmul.f32 v11, v39  }
0x96: {  	v61 =	vmul.f32 v58, v13;
	[tilespmem:s17+$0x70] =	vst v10;
	v10 =	vld [tilespmem:s17+$0xFFFFFFF0]  }
0x97: {  	v12 =	vmul.f32 v36, v39;
	[tilespmem:s17+$0x60] =	vst v11;
	v11 =	vld [tilespmem:s17+$0xFFFFFFE0]  }
0x98: {  	v50 =	vld [tilespmem:s17+$0xFFFFFFA0];
	v14 =	vmul.f32 v38, v39;
	[tilespmem:s17+$0xFFFFFF20] =	vst v61  }
0x99: {  	v45 =	vld [tilespmem:s17+$0xFFFFFFD0];
	v18 =	vmul.f32 v43, v44;
	[tilespmem:s17+$0x50] =	vst v12  }
0x9a: {  	v46 =	vld [tilespmem:s17+$0xFFFFFFC0];
	v15 =	vmul.f32 v49, v53;
	[tilespmem:s17+$0x40] =	vst v14  }
0x9b: {  	v52 =	vld [tilespmem:s17+$0xFFFFFF80];
	[tilespmem:s17+$0x0] =	vst v18;
	v10 =	vmul.f32 v10, v48  }
0x9c: {  	v54 =	vld [tilespmem:s17+$0xFFFFFF50];
	[tilespmem:s17+$0xFFFFFFB0] =	vst v15;
	v11 =	vmul.f32 v11, v48  }
0x9d: {  	v16 =	vmul.f32 v50, v53;
	[tilespmem:s17+$0xFFFFFFF0] =	vst v10;
	v10 =	vld [tilespmem:s17+$0xFFFFFF70]  }
0x9e: {  	v12 =	vmul.f32 v45, v48;
	[tilespmem:s17+$0xFFFFFFE0] =	vst v11;
	v11 =	vld [tilespmem:s17+$0xFFFFFF60]  }
0x9f: {  	v55 =	vld [tilespmem:s17+$0xFFFFFF40];
	v14 =	vmul.f32 v46, v48;
	[tilespmem:s17+$0xFFFFFFA0] =	vst v16  }
0xa0: {  	v57 =	vld [tilespmem:s17+$0xFFFFFF30];
	v18 =	vmul.f32 v52, v53;
	[tilespmem:s17+$0xFFFFFFD0] =	vst v12  }
0xa1: {  	v59 =	vld [tilespmem:s17+$0xFFFFFF10];
	[tilespmem:s17+$0xFFFFFFC0] =	vst v14;
	v12 =	vmul.f32 v54, v56  }
0xa2: {  	v60 =	vld [tilespmem:s17+$0xFFFFFF00];
	[tilespmem:s17+$0xFFFFFF80] =	vst v18;
	v10 =	vmul.f32 v10, v56  }
0xa3: {  	[tilespmem:s17+$0xFFFFFF50] =	vst v12;
	v11 =	vmul.f32 v11, v56  }
0xa4: {  	[tilespmem:s17+$0xFFFFFF70] =	vst v10;
	v10 =	vmul.f32 v55, v56  }
0xa5: {  	[tilespmem:s17+$0xFFFFFF60] =	vst v11;
	v11 =	vmul.f32 v57, v13  }
0xa6: {  	[tilespmem:s17+$0xFFFFFF40] =	vst v10;
	v10 =	vmul.f32 v59, v13  }
0xa7: {  	[tilespmem:s17+$0xFFFFFF30] =	vst v11;
	v11 =	vmul.f32 v60, v13  }
0xa8: {  	[tilespmem:s18+$0xFFFFFF10] =	vst v10  }
0xa9: {  	s10 =	sor.u32 $0x1, s15;
	[tilespmem:s18+$0xFFFFFF00] =	vst v11  }
0xaa: {  	[spmem:s3] =	stream.indirect.scatter.add.f32 [tilespmem:s25], [sflag:$0x5], $0x210, s16, s24, $0xb8;
	[tilespmem:$0x1FC00] =	vst v63  }
0xab: {  	p0 =	sgt.u32 s10, $0x8;
	_ =	swait.ge [sflag:s2], $0x8400  }
0xac: {  	s15 =	sadd.s32 @!p0 $0x1F780, s14;
	[sflag:s2] =	ssyncset.done $0x0  }
0xad: {  	s17 =	simm.s32 @!p0 $0xE700;
	s16 =	simm.s32 @!p0 $0x40;
	[sflag:s2] =	ssyncadd.s32 $0xFFFF7C00  }
0xae: {  	[tilespmem:s17], [sflag:$0x1] =	stream.indirect.gather @!p0 [hbm4b:s7+s16], $0x210, s15, s16, $0xb8;
	[tilespmem:$0x1FC00] =	vst v63  }
0xaf: {  	s14 =	sadd.s32 @!p0 $0x1FA00, s14;
	s15 =	simm.s32 @!p0 $0x1EF00  }
0xb0: {  	[tilespmem:s15], [sflag:$0x3] =	stream.indirect.gather @!p0 [hbm4b:s1+s16], $0x10, s14, s16, $0xb8;
	[tilespmem:$0x1FC00] =	vst v63  }
0xb1: {  	_ =	swait.ge [sflag:s0], $0x8400  }
0xb2: {  	[sflag:s0] =	ssyncset.done $0x0  }
0xb3: {  	[sflag:s0] =	ssyncadd.s32 $0xFFFF7C00  }
0xb4: {  	_ =	swait.ge [sflag:s5], $0x400  }
0xb5: {  	s10 =	sshll.u32 s10, $0x6;
	[sflag:s5] =	ssyncset.done $0x0  }
0xb6: {  	s10 =	sand.u32 $0x3FFFFFC0, s10;
	[sflag:s5] =	ssyncadd.s32 $0xFFFFFC00  }
0xb7: {  	v10 =	vld [tilespmem:s10+$0x1F980]  }
0xb8: {  	v11 =	vld [tilespmem:s10+$0x1F990]  }
0xb9: {  	v62 =	vld [tilespmem:s10+$0x1F9A0]  }
0xba: {  	v63 =	vld [tilespmem:s10+$0x1F9B0];
	_ =	sdelay $0x1  }
0xbb: {  	vm1 =	vlt.s32 v10, $0x36E  }
0xbc: {  	v10 =	vsel vm1, v10, v0;
	vm1 =	vlt.s32 v11, $0x36E  }
0xbd: {  	[tilespmem:s10+$0x1F980] =	vst v10;
	v10 =	vsel vm1, v11, v0;
	vm1 =	vlt.s32 v62, $0x36E  }
0xbe: {  	[tilespmem:s10+$0x1F990] =	vst v10;
	v10 =	vsel vm1, v62, v0;
	vm1 =	vlt.s32 v63, $0x36E  }
0xbf: {  	[tilespmem:s10+$0x1F9A0] =	vst v10;
	v10 =	vsel vm1, v63, v0  }
0xc0: {  	s17 =	simm.s32 $0x0;
	s15 =	simm.s32 $0x16C00;
	[tilespmem:s10+$0x1F9B0] =	vst v10  }
0xc1: {  	s14 =	sadd.s32 $0x1F980, s10;
	s16 =	simm.s32 $0x16C00;
	s10 =	simm.s32 $0x40;
	v10 =	vld [tilespmem:s15+$0x100]  }
.LBB2_5:
0xc2: {  	p0 =	sne.s32 s10, $0xFC0;
	v11 =	vld [tilespmem:s17+$0x1F300];
	_ =	sdelay $0x4  }
0xc3: {  	v10 =	vadd.f32 v11, v10;
	v11 =	vld [tilespmem:s15+$0xFFFFFFF0]  }
0xc4: {  	v12 =	vld [tilespmem:s15+$0xF0]  }
0xc5: {  	v13 =	vmul.f32 $2.000000030e-01, v10;
	v14 =	vld [tilespmem:s15+$0xE0]  }
0xc6: {  	vm1 =	vge.f32 v10, $0.0e+00;
	v15 =	vld [tilespmem:s15+$0xD0]  }
0xc7: {  	v10 =	vsel vm1, v10, v13;
	v13 =	vld [tilespmem:s15+$0xC0]  }
0xc8: {  	v10 =	vmul.f32 $1.442695020e+00, v10;
	v16 =	vld [tilespmem:s15+$0xB0]  }
0xc9: {  	v17 =	vld [tilespmem:s15+$0xA0]  }
0xca: {  	v18 =	vld [tilespmem:s15+$0x90];
	(erf) = vpow2.f32 v10  }
0xcb: {  	v10 =	vld [tilespmem:s15+$0x80]  }
0xcc: {  	v19 =	vld [tilespmem:s15+$0x70]  }
0xcd: {  	v20 =	vld [tilespmem:s15+$0x60]  }
0xce: {  	v21 =	vld [tilespmem:s15+$0x50]  }
0xcf: {  	v22 =	vld [tilespmem:s15+$0x40]  }
0xd0: {  	v23 =	vld [tilespmem:s15+$0x30]  }
0xd1: {  	v24 =	vld [tilespmem:s15+$0x20]  }
0xd2: {  	v25 =	vld [tilespmem:s15+$0x10]  }
0xd3: {  	v26 =	vld [tilespmem:s15+$0x0];
	v27 =	vpop (erf)  }
0xd4: {  	v28 =	vnsel vm0, $0x0, v27;
	v29 =	vld [tilespmem:s15+$0xFFFFFFE0];
	v30 =	vperm.xlane v27, v7;
	v31 =	vperm.xlane v27, v8  }
0xd5: {  	v33 =	vperm.xlane v27, v5;
	v34 =	vperm.xlane v27, v6;
	v32 =	vld [tilespmem:s15+$0xFFFFFFD0];
	[tilespmem:s15+$0x100] =	vst v28  }
0xd6: {  	v28 =	vld [tilespmem:s15+$0xFFFFFFC0];
	v14 =	vmul.f32 v14, v31;
	v12 =	vmul.f32 v12, v31  }
0xd7: {  	v13 =	vmul.f32 v13, v31;
	v15 =	vmul.f32 v15, v31;
	v35 =	vld [tilespmem:s15+$0xFFFFFFB0]  }
0xd8: {  	v17 =	vmul.f32 v17, v30;
	v16 =	vmul.f32 v16, v30;
	v31 =	vld [tilespmem:s15+$0xFFFFFFA0];
	[tilespmem:s15+$0xF0] =	vst v12  }
0xd9: {  	v10 =	vmul.f32 v10, v30;
	v18 =	vmul.f32 v18, v30;
	v12 =	vld [tilespmem:s15+$0xFFFFFF90];
	[tilespmem:s15+$0xE0] =	vst v14  }
0xda: {  	v20 =	vmul.f32 v20, v34;
	v19 =	vmul.f32 v19, v34;
	v14 =	vld [tilespmem:s15+$0xFFFFFF80];
	[tilespmem:s15+$0xD0] =	vst v15  }
0xdb: {  	v22 =	vmul.f32 v22, v34;
	v21 =	vmul.f32 v21, v34;
	v15 =	vld [tilespmem:s15+$0xFFFFFF70];
	[tilespmem:s15+$0xC0] =	vst v13  }
0xdc: {  	v24 =	vmul.f32 v24, v33;
	v23 =	vmul.f32 v23, v33;
	v13 =	vld [tilespmem:s15+$0xFFFFFF60];
	[tilespmem:s15+$0xB0] =	vst v16  }
0xdd: {  	v25 =	vmul.f32 v25, v33;
	v26 =	vmul.f32 v26, v33;
	v16 =	vld [tilespmem:s15+$0xFFFFFF50];
	[tilespmem:s15+$0xA0] =	vst v17  }
0xde: {  	v30 =	vperm.xlane v27, v3;
	v33 =	vperm.xlane v27, v4;
	v17 =	vld [tilespmem:s15+$0xFFFFFF40];
	[tilespmem:s15+$0x90] =	vst v18  }
0xdf: {  	v18 =	vperm.xlane v27, v1;
	v27 =	vperm.xlane v27, v2;
	v34 =	vld [tilespmem:s15+$0xFFFFFF30];
	[tilespmem:s15+$0x80] =	vst v10  }
0xe0: {  	v29 =	vmul.f32 v29, v33;
	v11 =	vmul.f32 v11, v33;
	v10 =	vld [tilespmem:s15+$0xFFFFFF20];
	[tilespmem:s15+$0x70] =	vst v19  }
0xe1: {  	v32 =	vmul.f32 v32, v33;
	v28 =	vmul.f32 v28, v33;
	v19 =	vld [tilespmem:s15+$0xFFFFFF10];
	[tilespmem:s15+$0x60] =	vst v20  }
0xe2: {  	v33 =	vmul.f32 v35, v30;
	v31 =	vmul.f32 v31, v30;
	v20 =	vld [tilespmem:s15+$0xFFFFFF00];
	[tilespmem:s15+$0x50] =	vst v21  }
0xe3: {  	v12 =	vmul.f32 v12, v30;
	v14 =	vmul.f32 v14, v30;
	[tilespmem:s15+$0x40] =	vst v22  }
0xe4: {  	v15 =	vmul.f32 v15, v27;
	v13 =	vmul.f32 v13, v27;
	[tilespmem:s15+$0x30] =	vst v23  }
0xe5: {  	v16 =	vmul.f32 v16, v27;
	v17 =	vmul.f32 v17, v27;
	[tilespmem:s15+$0x20] =	vst v24  }
0xe6: {  	v21 =	vmul.f32 v34, v18;
	v10 =	vmul.f32 v10, v18;
	[tilespmem:s15+$0x10] =	vst v25  }
0xe7: {  	v20 =	vmul.f32 v20, v18;
	v18 =	vmul.f32 v19, v18;
	[tilespmem:s15+$0x0] =	vst v26  }
0xe8: {  	[tilespmem:s15+$0xFFFFFFF0] =	vst v11  }
0xe9: {  	[tilespmem:s15+$0xFFFFFFE0] =	vst v29  }
0xea: {  	[tilespmem:s15+$0xFFFFFFD0] =	vst v32  }
0xeb: {  	[tilespmem:s15+$0xFFFFFFC0] =	vst v28  }
0xec: {  	[tilespmem:s15+$0xFFFFFFB0] =	vst v33  }
0xed: {  	[tilespmem:s15+$0xFFFFFFA0] =	vst v31  }
0xee: {  	[tilespmem:s15+$0xFFFFFF90] =	vst v12  }
0xef: {  	[tilespmem:s15+$0xFFFFFF80] =	vst v14  }
0xf0: {  	[tilespmem:s15+$0xFFFFFF70] =	vst v15  }
0xf1: {  	[tilespmem:s15+$0xFFFFFF60] =	vst v13  }
0xf2: {  	[tilespmem:s15+$0xFFFFFF50] =	vst v16  }
.Ltmp1:
0xf3: {  	[tilespmem:s15+$0xFFFFFF40] =	vst v17;
	(pc) =	sbr.rel @p0 .LBB2_5-.Ltmp1, $4  }
0xf4: {  	[tilespmem:s15+$0xFFFFFF30] =	vst v21  }
0xf5: {  	[tilespmem:s15+$0xFFFFFF20] =	vst v10  }
0xf6: {  	s15 =	sadd.s32 $0x210, s15;
	[tilespmem:s16+$0xFFFFFF10] =	vst v18  }
0xf7: {  	s17 =	sshra.s32 s10, $0x2;
	s10 =	sadd.s32 $0x40, s10;
	v10 =	vld [tilespmem:s15+$0x100];
	[tilespmem:s16+$0xFFFFFF00] =	vst v20;
	s16 =	smov.u32 s15  }
0xf8: {  	v11 =	vld [tilespmem:s17+$0x1F300];
	_ =	sdelay $0x4  }
0xf9: {  	v10 =	vadd.f32 v11, v10;
	_ =	sdelay $0x1  }
0xfa: {  	v11 =	vmul.f32 $2.000000030e-01, v10  }
0xfb: {  	vm1 =	vge.f32 v10, $0.0e+00  }
0xfc: {  	v10 =	vsel vm1, v10, v11  }
0xfd: {  	v10 =	vmul.f32 $1.442695020e+00, v10;
	_ =	sdelay $0x1  }
0xfe: {  	(erf) = vpow2.f32 v10;
	_ =	sdelay $0x6  }
0xff: {  	v10 =	vld [tilespmem:s15+$0xF0]  }
0x100: {  	v11 =	vld [tilespmem:s15+$0xE0]  }
0x101: {  	v12 =	vld [tilespmem:s15+$0xD0];
	v13 =	vpop (erf)  }
0x102: {  	v14 =	vld [tilespmem:s15+$0xC0];
	v15 =	vperm.xlane v13, v8  }
0x103: {  	v16 =	vld [tilespmem:s15+$0xB0]  }
0x104: {  	v17 =	vld [tilespmem:s15+$0xA0];
	v18 =	vnsel vm0, $0x0, v13;
	v10 =	vmul.f32 v10, v15  }
0x105: {  	v19 =	vld [tilespmem:s15+$0x90];
	[tilespmem:s15+$0x100] =	vst v18;
	v11 =	vmul.f32 v11, v15  }
0x106: {  	v36 =	vld [tilespmem:s15+$0x80];
	v20 =	vperm.xlane v13, v7;
	v12 =	vmul.f32 v12, v15;
	[tilespmem:s15+$0xF0] =	vst v10  }
0x107: {  	v42 =	vld [tilespmem:s15+$0x30];
	v14 =	vmul.f32 v14, v15;
	[tilespmem:s15+$0xE0] =	vst v11  }
0x108: {  	v43 =	vld [tilespmem:s15+$0x20];
	v37 =	vmul.f32 v16, v20;
	[tilespmem:s15+$0xD0] =	vst v12  }
0x109: {  	v44 =	vld [tilespmem:s15+$0x10];
	v39 =	vmul.f32 v17, v20;
	[tilespmem:s15+$0xC0] =	vst v14  }
0x10a: {  	v53 =	vld [tilespmem:s15+$0xFFFFFF90];
	v46 =	vperm.xlane v13, v5;
	v19 =	vmul.f32 v19, v20;
	[tilespmem:s15+$0xB0] =	vst v37  }
0x10b: {  	v18 =	vmul.f32 v36, v20;
	v10 =	vld [tilespmem:s15+$0x70];
	[tilespmem:s15+$0xA0] =	vst v39  }
0x10c: {  	v41 =	vperm.xlane v13, v6;
	v15 =	vmul.f32 v42, v46;
	v11 =	vld [tilespmem:s15+$0x60];
	[tilespmem:s15+$0x90] =	vst v19  }
0x10d: {  	v60 =	vld [tilespmem:s15+$0xFFFFFF20];
	v55 =	vperm.xlane v13, v3;
	v16 =	vmul.f32 v43, v46;
	[tilespmem:s15+$0x80] =	vst v18  }
0x10e: {  	v38 =	vld [tilespmem:s15+$0x50];
	v50 =	vperm.xlane v13, v4;
	v49 =	vmul.f32 v44, v46;
	[tilespmem:s15+$0x30] =	vst v15  }
0x10f: {  	v40 =	vld [tilespmem:s15+$0x40];
	v58 =	vperm.xlane v13, v2;
	v17 =	vmul.f32 v53, v55;
	[tilespmem:s15+$0x20] =	vst v16  }
0x110: {  	v45 =	vld [tilespmem:s15+$0x0];
	v13 =	vperm.xlane v13, v1;
	[tilespmem:s15+$0x10] =	vst v49;
	v10 =	vmul.f32 v10, v41  }
0x111: {  	v51 =	vld [tilespmem:s15+$0xFFFFFFB0];
	[tilespmem:s15+$0xFFFFFF90] =	vst v17;
	v11 =	vmul.f32 v11, v41  }
0x112: {  	v63 =	vmul.f32 v60, v13;
	[tilespmem:s15+$0x70] =	vst v10;
	v10 =	vld [tilespmem:s15+$0xFFFFFFF0]  }
0x113: {  	v12 =	vmul.f32 v38, v41;
	[tilespmem:s15+$0x60] =	vst v11;
	v11 =	vld [tilespmem:s15+$0xFFFFFFE0]  }
0x114: {  	v52 =	vld [tilespmem:s15+$0xFFFFFFA0];
	v14 =	vmul.f32 v40, v41;
	[tilespmem:s15+$0xFFFFFF20] =	vst v63  }
0x115: {  	v47 =	vld [tilespmem:s15+$0xFFFFFFD0];
	v18 =	vmul.f32 v45, v46;
	[tilespmem:s15+$0x50] =	vst v12  }
0x116: {  	v48 =	vld [tilespmem:s15+$0xFFFFFFC0];
	v15 =	vmul.f32 v51, v55;
	[tilespmem:s15+$0x40] =	vst v14  }
0x117: {  	v54 =	vld [tilespmem:s15+$0xFFFFFF80];
	[tilespmem:s15+$0x0] =	vst v18;
	v10 =	vmul.f32 v10, v50  }
0x118: {  	v56 =	vld [tilespmem:s15+$0xFFFFFF50];
	[tilespmem:s15+$0xFFFFFFB0] =	vst v15;
	v11 =	vmul.f32 v11, v50  }
0x119: {  	v16 =	vmul.f32 v52, v55;
	[tilespmem:s15+$0xFFFFFFF0] =	vst v10;
	v10 =	vld [tilespmem:s15+$0xFFFFFF70]  }
0x11a: {  	v12 =	vmul.f32 v47, v50;
	[tilespmem:s15+$0xFFFFFFE0] =	vst v11;
	v11 =	vld [tilespmem:s15+$0xFFFFFF60]  }
0x11b: {  	v57 =	vld [tilespmem:s15+$0xFFFFFF40];
	v14 =	vmul.f32 v48, v50;
	[tilespmem:s15+$0xFFFFFFA0] =	vst v16  }
0x11c: {  	v59 =	vld [tilespmem:s15+$0xFFFFFF30];
	v18 =	vmul.f32 v54, v55;
	[tilespmem:s15+$0xFFFFFFD0] =	vst v12  }
0x11d: {  	v61 =	vld [tilespmem:s15+$0xFFFFFF10];
	[tilespmem:s15+$0xFFFFFFC0] =	vst v14;
	v12 =	vmul.f32 v56, v58  }
0x11e: {  	v62 =	vld [tilespmem:s15+$0xFFFFFF00];
	[tilespmem:s15+$0xFFFFFF80] =	vst v18;
	v10 =	vmul.f32 v10, v58  }
0x11f: {  	[tilespmem:s15+$0xFFFFFF50] =	vst v12;
	v11 =	vmul.f32 v11, v58  }
0x120: {  	s13 =	sadd.s32 $0x1, s13;
	[tilespmem:s15+$0xFFFFFF70] =	vst v10;
	v10 =	vmul.f32 v57, v58  }
0x121: {  	p0 =	sne.s32 s13, $0x5;
	[tilespmem:s15+$0xFFFFFF60] =	vst v11;
	v11 =	vmul.f32 v59, v13  }
.Ltmp2:
0x122: {  	[tilespmem:s15+$0xFFFFFF40] =	vst v10;
	v10 =	vmul.f32 v61, v13;
	(pc) =	sbr.rel @p0 .LBB2_2-.Ltmp2, $4  }
0x123: {  	[tilespmem:s15+$0xFFFFFF30] =	vst v11;
	v11 =	vmul.f32 v62, v13  }
0x124: {  	[tilespmem:s16+$0xFFFFFF10] =	vst v10  }
0x125: {  	[tilespmem:s16+$0xFFFFFF00] =	vst v11  }
0x126: {  	[spmem:s3] =	stream.indirect.scatter.add.f32 [tilespmem:s28], [sflag:$0x6], $0x210, s14, s24, $0xb8;
	[tilespmem:$0x1FC00] =	vst v63  }
0x127: {  	_ =	swait.ge [sflag:s26], $0x8400  }
0x128: {  	s13 =	simm.s32 $0x0;
	[sflag:s26] =	ssyncset.done $0x0  }
0x129: {  	s14 =	simm.s32 $0x1F700;
	s10 =	rddreg [dreg:$0x8];
	[sflag:s26] =	ssyncadd.s32 $0xFFFF7C00  }
0x12a: {  	[tilespmem:s14], [sflag:$0x7] =	stream.linear.gather [hbm4b:s10+s13], $0x280, $0x38;
	[tilespmem:$0x1FC00] =	vst v63  }
0x12b: {  	_ =	swait.ge [sflag:s20], $0x280  }
0x12c: {  	[sflag:s20] =	ssyncset.done $0x0  }
0x12d: {  	s18 =	rddreg [dreg:$0x9];
	[sflag:s20] =	ssyncadd.s32 $0xFFFFFD80  }
0x12e: {  	[tilespmem:s23], [sflag:$0x7] =	stream.linear.gather [hbm4b:s18+s13], $0x280, $0x38;
	[tilespmem:$0x1FC00] =	vst v63  }
0x12f: {  	_ =	swait.ge [sflag:s20], $0x280  }
0x130: {  	[sflag:s20] =	ssyncset.done $0x0  }
0x131: {  	[sflag:s20] =	ssyncadd.s32 $0xFFFFFD80  }
0x132: {  	[tilespmem:s25], [sflag:$0x1] =	stream.indirect.gather [hbm4b:s8+s24], $0x210, s14, s24, $0xb8;
	[tilespmem:$0x1FC00] =	vst v63  }
0x133: {  	s22 =	simm.s32 $0x1EF00  }
0x134: {  	[tilespmem:s22], [sflag:$0x3] =	stream.indirect.gather [hbm4b:s9+s24], $0x10, s23, s24, $0xb8;
	[tilespmem:$0x1FC00] =	vst v63  }
.LBB2_8:
0x135: {  	p0 =	seq.s32 s13, $0x0  }
0x136: {  	s10 =	simm.s32 @!p0 $0x6  }
0x137: {  	_ =	swait.ge @!p0 [sflag:s10], $0x8400  }
0x138: {  	s14 =	sshll.u32 s13, $0x7;
	[sflag:s10] =	ssyncset.done @!p0 $0x0  }
0x139: {  	s16 =	sadd.s32 $0x1F740, s14;
	[sflag:s10] =	ssyncadd.s32 @!p0 $0xFFFF7C00  }
0x13a: {  	[tilespmem:s28], [sflag:$0x2] =	stream.indirect.gather [hbm4b:s8+s24], $0x210, s16, s24, $0xb8;
	[tilespmem:$0x1FC00] =	vst v63  }
0x13b: {  	s17 =	sadd.s32 $0x1F9C0, s14  }
0x13c: {  	[tilespmem:s29], [sflag:$0x4] =	stream.indirect.gather [hbm4b:s9+s24], $0x10, s17, s24, $0xb8;
	[tilespmem:$0x1FC00] =	vst v63  }
0x13d: {  	_ =	swait.ge [sflag:s30], $0x8400  }
0x13e: {  	[sflag:s30] =	ssyncset.done $0x0  }
0x13f: {  	[sflag:s30] =	ssyncadd.s32 $0xFFFF7C00  }
0x140: {  	_ =	swait.ge [sflag:s31], $0x400  }
0x141: {  	[sflag:s31] =	ssyncset.done $0x0  }
0x142: {  	[sflag:s31] =	ssyncadd.s32 $0xFFFFFC00  }
0x143: {  	v10 =	vld [tilespmem:s14+$0x1F980]  }
0x144: {  	v11 =	vld [tilespmem:s14+$0x1F990]  }
0x145: {  	v13 =	vld [tilespmem:s14+$0x1F9A0]  }
0x146: {  	v15 =	vld [tilespmem:s14+$0x1F9B0];
	_ =	sdelay $0x3  }
0x147: {  	v12 =	vadd.s32 $0xFFFFFE81, v10;
	v14 =	vadd.s32 $0xFFFFFE81, v11;
	vm3 =	vlt.s32 v11, $0x17F  }
0x148: {  	v11 =	vadd.s32 $0x1FF, v11;
	v62 =	vadd.s32 $0xFFFFFE81, v13;
	v63 =	vadd.s32 $0xFFFFFE81, v15  }
0x149: {  	s18 =	sadd.s32 s6, s14;
	vm1 =	vlt.u32 v12, $0x1EF;
	vm2 =	vlt.u32 v14, $0x1EF;
	v11 =	vsel vm3, v11, v9  }
0x14a: {  	s15 =	sor.u32 $0x10, s18;
	v12 =	vsel vm1, v12, v9;
	vm1 =	vlt.s32 v10, $0x17F;
	v10 =	vadd.s32 $0x1FF, v10  }
0x14b: {  	p1 =	slt.u32 s15, $0x2710;
	v14 =	vsel vm2, v14, v9;
	vm2 =	vlt.s32 v13, $0x17F;
	v13 =	vadd.s32 $0x1FF, v13  }
0x14c: {  	p4 =	slt.u32 s18, $0x2710;
	v10 =	vsel vm1, v10, v9;
	v11 =	vpsel p1, v14, v11;
	vm1 =	vlt.u32 v62, $0x1EF  }
0x14d: {  	s22 =	sor.u32 $0x20, s18;
	v13 =	vsel vm2, v13, v9;
	vm2 =	vlt.s32 v15, $0x17F;
	v10 =	vpsel p4, v12, v10  }
0x14e: {  	p5 =	slt.u32 s22, $0x2710;
	s10 =	sor.u32 $0x30, s18;
	v12 =	vsel vm1, v62, v9;
	vm1 =	vlt.u32 v63, $0x1EF;
	[tilespmem:s14+$0x1F980] =	vst v10;
	v10 =	vadd.s32 $0x1FF, v15  }
0x14f: {  	p6 =	slt.u32 s10, $0x2710;
	[tilespmem:s14+$0x1F990] =	vst v11;
	v14 =	vsel vm1, v63, v9;
	v11 =	vpsel p5, v12, v13;
	v10 =	vsel vm2, v10, v9  }
0x150: {  	[tilespmem:s14+$0x1F9A0] =	vst v11;
	v10 =	vpsel p6, v14, v10  }
0x151: {  	s15 =	sshll.u32 s13, $0x1;
	s22 =	simm.s32 $0x0;
	s17 =	simm.s32 $0xE800;
	[tilespmem:s14+$0x1F9B0] =	vst v10  }
0x152: {  	s18 =	simm.s32 $0xE800;
	s16 =	sadd.s32 $0x1F980, s14;
	s10 =	simm.s32 $0x40;
	v10 =	vld [tilespmem:s17+$0x100]  }
.LBB2_9:
0x153: {  	p0 =	sne.s32 s10, $0xFC0;
	v11 =	vld [tilespmem:s22+$0x1EF00];
	_ =	sdelay $0x4  }
0x154: {  	v10 =	vadd.f32 v11, v10;
	v11 =	vld [tilespmem:s17+$0xFFFFFFF0]  }
0x155: {  	v12 =	vld [tilespmem:s17+$0xF0]  }
0x156: {  	v13 =	vmul.f32 $2.000000030e-01, v10;
	v14 =	vld [tilespmem:s17+$0xE0]  }
0x157: {  	vm1 =	vge.f32 v10, $0.0e+00;
	v15 =	vld [tilespmem:s17+$0xD0]  }
0x158: {  	v10 =	vsel vm1, v10, v13;
	v13 =	vld [tilespmem:s17+$0xC0]  }
0x159: {  	v10 =	vmul.f32 $1.442695020e+00, v10;
	v16 =	vld [tilespmem:s17+$0xB0]  }
0x15a: {  	v17 =	vld [tilespmem:s17+$0xA0]  }
0x15b: {  	v18 =	vld [tilespmem:s17+$0x90];
	(erf) = vpow2.f32 v10  }
0x15c: {  	v10 =	vld [tilespmem:s17+$0x80]  }
0x15d: {  	v19 =	vld [tilespmem:s17+$0x70]  }
0x15e: {  	v20 =	vld [tilespmem:s17+$0x60]  }
0x15f: {  	v21 =	vld [tilespmem:s17+$0x50]  }
0x160: {  	v22 =	vld [tilespmem:s17+$0x40]  }
0x161: {  	v23 =	vld [tilespmem:s17+$0x30]  }
0x162: {  	v24 =	vld [tilespmem:s17+$0x20]  }
0x163: {  	v25 =	vld [tilespmem:s17+$0x10]  }
0x164: {  	v26 =	vld [tilespmem:s17+$0x0];
	v27 =	vpop (erf)  }
0x165: {  	v28 =	vnsel vm0, $0x0, v27;
	v29 =	vld [tilespmem:s17+$0xFFFFFFE0];
	v30 =	vperm.xlane v27, v7;
	v31 =	vperm.xlane v27, v8  }
0x166: {  	v33 =	vperm.xlane v27, v5;
	v34 =	vperm.xlane v27, v6;
	v32 =	vld [tilespmem:s17+$0xFFFFFFD0];
	[tilespmem:s17+$0x100] =	vst v28  }
0x167: {  	v28 =	vld [tilespmem:s17+$0xFFFFFFC0];
	v14 =	vmul.f32 v14, v31;
	v12 =	vmul.f32 v12, v31  }
0x168: {  	v13 =	vmul.f32 v13, v31;
	v15 =	vmul.f32 v15, v31;
	v35 =	vld [tilespmem:s17+$0xFFFFFFB0]  }
0x169: {  	v17 =	vmul.f32 v17, v30;
	v16 =	vmul.f32 v16, v30;
	v31 =	vld [tilespmem:s17+$0xFFFFFFA0];
	[tilespmem:s17+$0xF0] =	vst v12  }
0x16a: {  	v10 =	vmul.f32 v10, v30;
	v18 =	vmul.f32 v18, v30;
	v12 =	vld [tilespmem:s17+$0xFFFFFF90];
	[tilespmem:s17+$0xE0] =	vst v14  }
0x16b: {  	v20 =	vmul.f32 v20, v34;
	v19 =	vmul.f32 v19, v34;
	v14 =	vld [tilespmem:s17+$0xFFFFFF80];
	[tilespmem:s17+$0xD0] =	vst v15  }
0x16c: {  	v22 =	vmul.f32 v22, v34;
	v21 =	vmul.f32 v21, v34;
	v15 =	vld [tilespmem:s17+$0xFFFFFF70];
	[tilespmem:s17+$0xC0] =	vst v13  }
0x16d: {  	v24 =	vmul.f32 v24, v33;
	v23 =	vmul.f32 v23, v33;
	v13 =	vld [tilespmem:s17+$0xFFFFFF60];
	[tilespmem:s17+$0xB0] =	vst v16  }
0x16e: {  	v25 =	vmul.f32 v25, v33;
	v26 =	vmul.f32 v26, v33;
	v16 =	vld [tilespmem:s17+$0xFFFFFF50];
	[tilespmem:s17+$0xA0] =	vst v17  }
0x16f: {  	v30 =	vperm.xlane v27, v3;
	v33 =	vperm.xlane v27, v4;
	v17 =	vld [tilespmem:s17+$0xFFFFFF40];
	[tilespmem:s17+$0x90] =	vst v18  }
0x170: {  	v18 =	vperm.xlane v27, v1;
	v27 =	vperm.xlane v27, v2;
	v34 =	vld [tilespmem:s17+$0xFFFFFF30];
	[tilespmem:s17+$0x80] =	vst v10  }
0x171: {  	v29 =	vmul.f32 v29, v33;
	v11 =	vmul.f32 v11, v33;
	v10 =	vld [tilespmem:s17+$0xFFFFFF20];
	[tilespmem:s17+$0x70] =	vst v19  }
0x172: {  	v32 =	vmul.f32 v32, v33;
	v28 =	vmul.f32 v28, v33;
	v19 =	vld [tilespmem:s17+$0xFFFFFF10];
	[tilespmem:s17+$0x60] =	vst v20  }
0x173: {  	v33 =	vmul.f32 v35, v30;
	v31 =	vmul.f32 v31, v30;
	v20 =	vld [tilespmem:s17+$0xFFFFFF00];
	[tilespmem:s17+$0x50] =	vst v21  }
0x174: {  	v12 =	vmul.f32 v12, v30;
	v14 =	vmul.f32 v14, v30;
	[tilespmem:s17+$0x40] =	vst v22  }
0x175: {  	v15 =	vmul.f32 v15, v27;
	v13 =	vmul.f32 v13, v27;
	[tilespmem:s17+$0x30] =	vst v23  }
0x176: {  	v16 =	vmul.f32 v16, v27;
	v17 =	vmul.f32 v17, v27;
	[tilespmem:s17+$0x20] =	vst v24  }
0x177: {  	v21 =	vmul.f32 v34, v18;
	v10 =	vmul.f32 v10, v18;
	[tilespmem:s17+$0x10] =	vst v25  }
0x178: {  	v20 =	vmul.f32 v20, v18;
	v18 =	vmul.f32 v19, v18;
	[tilespmem:s17+$0x0] =	vst v26  }
0x179: {  	[tilespmem:s17+$0xFFFFFFF0] =	vst v11  }
0x17a: {  	[tilespmem:s17+$0xFFFFFFE0] =	vst v29  }
0x17b: {  	[tilespmem:s17+$0xFFFFFFD0] =	vst v32  }
0x17c: {  	[tilespmem:s17+$0xFFFFFFC0] =	vst v28  }
0x17d: {  	[tilespmem:s17+$0xFFFFFFB0] =	vst v33  }
0x17e: {  	[tilespmem:s17+$0xFFFFFFA0] =	vst v31  }
0x17f: {  	[tilespmem:s17+$0xFFFFFF90] =	vst v12  }
0x180: {  	[tilespmem:s17+$0xFFFFFF80] =	vst v14  }
0x181: {  	[tilespmem:s17+$0xFFFFFF70] =	vst v15  }
0x182: {  	[tilespmem:s17+$0xFFFFFF60] =	vst v13  }
0x183: {  	[tilespmem:s17+$0xFFFFFF50] =	vst v16  }
.Ltmp3:
0x184: {  	[tilespmem:s17+$0xFFFFFF40] =	vst v17;
	(pc) =	sbr.rel @p0 .LBB2_9-.Ltmp3, $4  }
0x185: {  	[tilespmem:s17+$0xFFFFFF30] =	vst v21  }
0x186: {  	[tilespmem:s17+$0xFFFFFF20] =	vst v10  }
0x187: {  	s17 =	sadd.s32 $0x210, s17;
	[tilespmem:s18+$0xFFFFFF10] =	vst v18  }
0x188: {  	s22 =	sshra.s32 s10, $0x2;
	s10 =	sadd.s32 $0x40, s10;
	v10 =	vld [tilespmem:s17+$0x100];
	[tilespmem:s18+$0xFFFFFF00] =	vst v20;
	s18 =	smov.u32 s17  }
0x189: {  	v11 =	vld [tilespmem:s22+$0x1EF00];
	_ =	sdelay $0x4  }
0x18a: {  	v10 =	vadd.f32 v11, v10;
	_ =	sdelay $0x1  }
0x18b: {  	v11 =	vmul.f32 $2.000000030e-01, v10  }
0x18c: {  	vm1 =	vge.f32 v10, $0.0e+00  }
0x18d: {  	v10 =	vsel vm1, v10, v11  }
0x18e: {  	v10 =	vmul.f32 $1.442695020e+00, v10;
	_ =	sdelay $0x1  }
0x18f: {  	(erf) = vpow2.f32 v10;
	_ =	sdelay $0x6  }
0x190: {  	v10 =	vld [tilespmem:s17+$0xF0]  }
0x191: {  	v11 =	vld [tilespmem:s17+$0xE0]  }
0x192: {  	v12 =	vld [tilespmem:s17+$0xD0];
	v13 =	vpop (erf)  }
0x193: {  	v14 =	vld [tilespmem:s17+$0xC0];
	v15 =	vperm.xlane v13, v8  }
0x194: {  	v16 =	vld [tilespmem:s17+$0xB0]  }
0x195: {  	v17 =	vld [tilespmem:s17+$0xA0];
	v18 =	vnsel vm0, $0x0, v13;
	v10 =	vmul.f32 v10, v15  }
0x196: {  	v19 =	vld [tilespmem:s17+$0x90];
	[tilespmem:s17+$0x100] =	vst v18;
	v11 =	vmul.f32 v11, v15  }
0x197: {  	v30 =	vld [tilespmem:s17+$0x80];
	v20 =	vperm.xlane v13, v7;
	v12 =	vmul.f32 v12, v15;
	[tilespmem:s17+$0xF0] =	vst v10  }
0x198: {  	v36 =	vld [tilespmem:s17+$0x30];
	v14 =	vmul.f32 v14, v15;
	[tilespmem:s17+$0xE0] =	vst v11  }
0x199: {  	v37 =	vld [tilespmem:s17+$0x20];
	v31 =	vmul.f32 v16, v20;
	[tilespmem:s17+$0xD0] =	vst v12  }
0x19a: {  	v38 =	vld [tilespmem:s17+$0x10];
	v33 =	vmul.f32 v17, v20;
	[tilespmem:s17+$0xC0] =	vst v14  }
0x19b: {  	v47 =	vld [tilespmem:s17+$0xFFFFFF90];
	v40 =	vperm.xlane v13, v5;
	v19 =	vmul.f32 v19, v20;
	[tilespmem:s17+$0xB0] =	vst v31  }
0x19c: {  	v18 =	vmul.f32 v30, v20;
	v10 =	vld [tilespmem:s17+$0x70];
	[tilespmem:s17+$0xA0] =	vst v33  }
0x19d: {  	v35 =	vperm.xlane v13, v6;
	v15 =	vmul.f32 v36, v40;
	v11 =	vld [tilespmem:s17+$0x60];
	[tilespmem:s17+$0x90] =	vst v19  }
0x19e: {  	v54 =	vld [tilespmem:s17+$0xFFFFFF20];
	v49 =	vperm.xlane v13, v3;
	v16 =	vmul.f32 v37, v40;
	[tilespmem:s17+$0x80] =	vst v18  }
0x19f: {  	v32 =	vld [tilespmem:s17+$0x50];
	v44 =	vperm.xlane v13, v4;
	v43 =	vmul.f32 v38, v40;
	[tilespmem:s17+$0x30] =	vst v15  }
0x1a0: {  	v34 =	vld [tilespmem:s17+$0x40];
	v52 =	vperm.xlane v13, v2;
	v17 =	vmul.f32 v47, v49;
	[tilespmem:s17+$0x20] =	vst v16  }
0x1a1: {  	v39 =	vld [tilespmem:s17+$0x0];
	v13 =	vperm.xlane v13, v1;
	[tilespmem:s17+$0x10] =	vst v43;
	v10 =	vmul.f32 v10, v35  }
0x1a2: {  	v45 =	vld [tilespmem:s17+$0xFFFFFFB0];
	[tilespmem:s17+$0xFFFFFF90] =	vst v17;
	v11 =	vmul.f32 v11, v35  }
0x1a3: {  	v57 =	vmul.f32 v54, v13;
	[tilespmem:s17+$0x70] =	vst v10;
	v10 =	vld [tilespmem:s17+$0xFFFFFFF0]  }
0x1a4: {  	v12 =	vmul.f32 v32, v35;
	[tilespmem:s17+$0x60] =	vst v11;
	v11 =	vld [tilespmem:s17+$0xFFFFFFE0]  }
0x1a5: {  	v46 =	vld [tilespmem:s17+$0xFFFFFFA0];
	v14 =	vmul.f32 v34, v35;
	[tilespmem:s17+$0xFFFFFF20] =	vst v57  }
0x1a6: {  	v41 =	vld [tilespmem:s17+$0xFFFFFFD0];
	v18 =	vmul.f32 v39, v40;
	[tilespmem:s17+$0x50] =	vst v12  }
0x1a7: {  	v42 =	vld [tilespmem:s17+$0xFFFFFFC0];
	v15 =	vmul.f32 v45, v49;
	[tilespmem:s17+$0x40] =	vst v14  }
0x1a8: {  	v48 =	vld [tilespmem:s17+$0xFFFFFF80];
	[tilespmem:s17+$0x0] =	vst v18;
	v10 =	vmul.f32 v10, v44  }
0x1a9: {  	v50 =	vld [tilespmem:s17+$0xFFFFFF50];
	[tilespmem:s17+$0xFFFFFFB0] =	vst v15;
	v11 =	vmul.f32 v11, v44  }
0x1aa: {  	v16 =	vmul.f32 v46, v49;
	[tilespmem:s17+$0xFFFFFFF0] =	vst v10;
	v10 =	vld [tilespmem:s17+$0xFFFFFF70]  }
0x1ab: {  	v12 =	vmul.f32 v41, v44;
	[tilespmem:s17+$0xFFFFFFE0] =	vst v11;
	v11 =	vld [tilespmem:s17+$0xFFFFFF60]  }
0x1ac: {  	v51 =	vld [tilespmem:s17+$0xFFFFFF40];
	v14 =	vmul.f32 v42, v44;
	[tilespmem:s17+$0xFFFFFFA0] =	vst v16  }
0x1ad: {  	v53 =	vld [tilespmem:s17+$0xFFFFFF30];
	v18 =	vmul.f32 v48, v49;
	[tilespmem:s17+$0xFFFFFFD0] =	vst v12  }
0x1ae: {  	v55 =	vld [tilespmem:s17+$0xFFFFFF10];
	[tilespmem:s17+$0xFFFFFFC0] =	vst v14;
	v12 =	vmul.f32 v50, v52  }
0x1af: {  	v56 =	vld [tilespmem:s17+$0xFFFFFF00];
	[tilespmem:s17+$0xFFFFFF80] =	vst v18;
	v10 =	vmul.f32 v10, v52  }
0x1b0: {  	[tilespmem:s17+$0xFFFFFF50] =	vst v12;
	v11 =	vmul.f32 v11, v52  }
0x1b1: {  	[tilespmem:s17+$0xFFFFFF70] =	vst v10;
	v10 =	vmul.f32 v51, v52  }
0x1b2: {  	[tilespmem:s17+$0xFFFFFF60] =	vst v11;
	v11 =	vmul.f32 v53, v13  }
0x1b3: {  	[tilespmem:s17+$0xFFFFFF40] =	vst v10;
	v10 =	vmul.f32 v55, v13  }
0x1b4: {  	[tilespmem:s17+$0xFFFFFF30] =	vst v11;
	v11 =	vmul.f32 v56, v13  }
0x1b5: {  	[tilespmem:s18+$0xFFFFFF10] =	vst v10  }
0x1b6: {  	s10 =	sor.u32 $0x1, s15;
	[tilespmem:s18+$0xFFFFFF00] =	vst v11  }
0x1b7: {  	[spmem:s4] =	stream.indirect.scatter.add.f32 [tilespmem:s25], [sflag:$0x5], $0x210, s16, s24, $0xb8;
	[tilespmem:$0x1FC00] =	vst v63  }
0x1b8: {  	p0 =	sgt.u32 s10, $0x8;
	_ =	swait.ge [sflag:s2], $0x8400  }
0x1b9: {  	s15 =	sadd.s32 @!p0 $0x1F780, s14;
	[sflag:s2] =	ssyncset.done $0x0  }
0x1ba: {  	s17 =	simm.s32 @!p0 $0xE700;
	s16 =	simm.s32 @!p0 $0x40;
	[sflag:s2] =	ssyncadd.s32 $0xFFFF7C00  }
0x1bb: {  	[tilespmem:s17], [sflag:$0x1] =	stream.indirect.gather @!p0 [hbm4b:s8+s16], $0x210, s15, s16, $0xb8;
	[tilespmem:$0x1FC00] =	vst v63  }
0x1bc: {  	s14 =	sadd.s32 @!p0 $0x1FA00, s14;
	s15 =	simm.s32 @!p0 $0x1EF00  }
0x1bd: {  	[tilespmem:s15], [sflag:$0x3] =	stream.indirect.gather @!p0 [hbm4b:s9+s16], $0x10, s14, s16, $0xb8;
	[tilespmem:$0x1FC00] =	vst v63  }
0x1be: {  	_ =	swait.ge [sflag:s0], $0x8400  }
0x1bf: {  	[sflag:s0] =	ssyncset.done $0x0  }
0x1c0: {  	[sflag:s0] =	ssyncadd.s32 $0xFFFF7C00  }
0x1c1: {  	_ =	swait.ge [sflag:s5], $0x400  }
0x1c2: {  	[sflag:s5] =	ssyncset.done $0x0  }
0x1c3: {  	s10 =	sshll.u32 s10, $0x6;
	[sflag:s5] =	ssyncadd.s32 $0xFFFFFC00  }
0x1c4: {  	v10 =	vld [tilespmem:s10+$0x1F980]  }
0x1c5: {  	v11 =	vld [tilespmem:s10+$0x1F990]  }
0x1c6: {  	v59 =	vld [tilespmem:s10+$0x1F9A0]  }
0x1c7: {  	v61 =	vld [tilespmem:s10+$0x1F9B0];
	_ =	sdelay $0x2  }
0x1c8: {  	v58 =	vadd.s32 $0xFFFFFE81, v10;
	v60 =	vadd.s32 $0xFFFFFE81, v11;
	vm3 =	vlt.s32 v11, $0x17F  }
0x1c9: {  	v11 =	vadd.s32 $0x1FF, v11;
	v62 =	vadd.s32 $0xFFFFFE81, v59;
	v13 =	vadd.s32 $0x1FF, v59  }
0x1ca: {  	s17 =	sadd.s32 s6, s10;
	v63 =	vadd.s32 $0xFFFFFE81, v61;
	vm1 =	vlt.u32 v58, $0x1EF;
	vm2 =	vlt.u32 v60, $0x1EF  }
0x1cb: {  	s18 =	sor.u32 $0x10, s17;
	v11 =	vsel vm3, v11, v9;
	v12 =	vsel vm1, v58, v9;
	vm1 =	vlt.s32 v10, $0x17F  }
0x1cc: {  	p1 =	slt.u32 s18, $0x2710;
	v10 =	vadd.s32 $0x1FF, v10;
	v14 =	vsel vm2, v60, v9;
	vm2 =	vlt.s32 v59, $0x17F  }
0x1cd: {  	p4 =	slt.u32 s17, $0x2710;
	v10 =	vsel vm1, v10, v9;
	v11 =	vpsel p1, v14, v11;
	vm1 =	vlt.u32 v62, $0x1EF  }
0x1ce: {  	s22 =	sor.u32 $0x20, s17;
	v13 =	vsel vm2, v13, v9;
	vm2 =	vlt.s32 v61, $0x17F;
	v10 =	vpsel p4, v12, v10  }
0x1cf: {  	p5 =	slt.u32 s22, $0x2710;
	s14 =	sor.u32 $0x30, s17;
	v12 =	vsel vm1, v62, v9;
	vm1 =	vlt.u32 v63, $0x1EF;
	[tilespmem:s10+$0x1F980] =	vst v10;
	v10 =	vadd.s32 $0x1FF, v61  }
0x1d0: {  	p6 =	slt.u32 s14, $0x2710;
	[tilespmem:s10+$0x1F990] =	vst v11;
	v14 =	vsel vm1, v63, v9;
	v11 =	vpsel p5, v12, v13;
	v10 =	vsel vm2, v10, v9  }
0x1d1: {  	[tilespmem:s10+$0x1F9A0] =	vst v11;
	v10 =	vpsel p6, v14, v10  }
0x1d2: {  	s15 =	simm.s32 $0x16C00;
	s17 =	simm.s32 $0x0;
	[tilespmem:s10+$0x1F9B0] =	vst v10  }
0x1d3: {  	s16 =	simm.s32 $0x16C00;
	s14 =	sadd.s32 $0x1F980, s10;
	s10 =	simm.s32 $0x40;
	v10 =	vld [tilespmem:s15+$0x100]  }
.LBB2_11:
0x1d4: {  	p0 =	sne.s32 s10, $0xFC0;
	v11 =	vld [tilespmem:s17+$0x1F300];
	_ =	sdelay $0x4  }
0x1d5: {  	v10 =	vadd.f32 v11, v10;
	v11 =	vld [tilespmem:s15+$0xFFFFFFF0]  }
0x1d6: {  	v12 =	vld [tilespmem:s15+$0xF0]  }
0x1d7: {  	v13 =	vmul.f32 $2.000000030e-01, v10;
	v14 =	vld [tilespmem:s15+$0xE0]  }
0x1d8: {  	vm1 =	vge.f32 v10, $0.0e+00;
	v15 =	vld [tilespmem:s15+$0xD0]  }
0x1d9: {  	v10 =	vsel vm1, v10, v13;
	v13 =	vld [tilespmem:s15+$0xC0]  }
0x1da: {  	v10 =	vmul.f32 $1.442695020e+00, v10;
	v16 =	vld [tilespmem:s15+$0xB0]  }
0x1db: {  	v17 =	vld [tilespmem:s15+$0xA0]  }
0x1dc: {  	v18 =	vld [tilespmem:s15+$0x90];
	(erf) = vpow2.f32 v10  }
0x1dd: {  	v10 =	vld [tilespmem:s15+$0x80]  }
0x1de: {  	v19 =	vld [tilespmem:s15+$0x70]  }
0x1df: {  	v20 =	vld [tilespmem:s15+$0x60]  }
0x1e0: {  	v21 =	vld [tilespmem:s15+$0x50]  }
0x1e1: {  	v22 =	vld [tilespmem:s15+$0x40]  }
0x1e2: {  	v23 =	vld [tilespmem:s15+$0x30]  }
0x1e3: {  	v24 =	vld [tilespmem:s15+$0x20]  }
0x1e4: {  	v25 =	vld [tilespmem:s15+$0x10]  }
0x1e5: {  	v26 =	vld [tilespmem:s15+$0x0];
	v27 =	vpop (erf)  }
0x1e6: {  	v28 =	vnsel vm0, $0x0, v27;
	v29 =	vld [tilespmem:s15+$0xFFFFFFE0];
	v30 =	vperm.xlane v27, v7;
	v31 =	vperm.xlane v27, v8  }
0x1e7: {  	v33 =	vperm.xlane v27, v5;
	v34 =	vperm.xlane v27, v6;
	v32 =	vld [tilespmem:s15+$0xFFFFFFD0];
	[tilespmem:s15+$0x100] =	vst v28  }
0x1e8: {  	v28 =	vld [tilespmem:s15+$0xFFFFFFC0];
	v14 =	vmul.f32 v14, v31;
	v12 =	vmul.f32 v12, v31  }
0x1e9: {  	v13 =	vmul.f32 v13, v31;
	v15 =	vmul.f32 v15, v31;
	v35 =	vld [tilespmem:s15+$0xFFFFFFB0]  }
0x1ea: {  	v17 =	vmul.f32 v17, v30;
	v16 =	vmul.f32 v16, v30;
	v31 =	vld [tilespmem:s15+$0xFFFFFFA0];
	[tilespmem:s15+$0xF0] =	vst v12  }
0x1eb: {  	v10 =	vmul.f32 v10, v30;
	v18 =	vmul.f32 v18, v30;
	v12 =	vld [tilespmem:s15+$0xFFFFFF90];
	[tilespmem:s15+$0xE0] =	vst v14  }
0x1ec: {  	v20 =	vmul.f32 v20, v34;
	v19 =	vmul.f32 v19, v34;
	v14 =	vld [tilespmem:s15+$0xFFFFFF80];
	[tilespmem:s15+$0xD0] =	vst v15  }
0x1ed: {  	v22 =	vmul.f32 v22, v34;
	v21 =	vmul.f32 v21, v34;
	v15 =	vld [tilespmem:s15+$0xFFFFFF70];
	[tilespmem:s15+$0xC0] =	vst v13  }
0x1ee: {  	v24 =	vmul.f32 v24, v33;
	v23 =	vmul.f32 v23, v33;
	v13 =	vld [tilespmem:s15+$0xFFFFFF60];
	[tilespmem:s15+$0xB0] =	vst v16  }
0x1ef: {  	v25 =	vmul.f32 v25, v33;
	v26 =	vmul.f32 v26, v33;
	v16 =	vld [tilespmem:s15+$0xFFFFFF50];
	[tilespmem:s15+$0xA0] =	vst v17  }
0x1f0: {  	v30 =	vperm.xlane v27, v3;
	v33 =	vperm.xlane v27, v4;
	v17 =	vld [tilespmem:s15+$0xFFFFFF40];
	[tilespmem:s15+$0x90] =	vst v18  }
0x1f1: {  	v18 =	vperm.xlane v27, v1;
	v27 =	vperm.xlane v27, v2;
	v34 =	vld [tilespmem:s15+$0xFFFFFF30];
	[tilespmem:s15+$0x80] =	vst v10  }
0x1f2: {  	v29 =	vmul.f32 v29, v33;
	v11 =	vmul.f32 v11, v33;
	v10 =	vld [tilespmem:s15+$0xFFFFFF20];
	[tilespmem:s15+$0x70] =	vst v19  }
0x1f3: {  	v32 =	vmul.f32 v32, v33;
	v28 =	vmul.f32 v28, v33;
	v19 =	vld [tilespmem:s15+$0xFFFFFF10];
	[tilespmem:s15+$0x60] =	vst v20  }
0x1f4: {  	v33 =	vmul.f32 v35, v30;
	v31 =	vmul.f32 v31, v30;
	v20 =	vld [tilespmem:s15+$0xFFFFFF00];
	[tilespmem:s15+$0x50] =	vst v21  }
0x1f5: {  	v12 =	vmul.f32 v12, v30;
	v14 =	vmul.f32 v14, v30;
	[tilespmem:s15+$0x40] =	vst v22  }
0x1f6: {  	v15 =	vmul.f32 v15, v27;
	v13 =	vmul.f32 v13, v27;
	[tilespmem:s15+$0x30] =	vst v23  }
0x1f7: {  	v16 =	vmul.f32 v16, v27;
	v17 =	vmul.f32 v17, v27;
	[tilespmem:s15+$0x20] =	vst v24  }
0x1f8: {  	v21 =	vmul.f32 v34, v18;
	v10 =	vmul.f32 v10, v18;
	[tilespmem:s15+$0x10] =	vst v25  }
0x1f9: {  	v20 =	vmul.f32 v20, v18;
	v18 =	vmul.f32 v19, v18;
	[tilespmem:s15+$0x0] =	vst v26  }
0x1fa: {  	[tilespmem:s15+$0xFFFFFFF0] =	vst v11  }
0x1fb: {  	[tilespmem:s15+$0xFFFFFFE0] =	vst v29  }
0x1fc: {  	[tilespmem:s15+$0xFFFFFFD0] =	vst v32  }
0x1fd: {  	[tilespmem:s15+$0xFFFFFFC0] =	vst v28  }
0x1fe: {  	[tilespmem:s15+$0xFFFFFFB0] =	vst v33  }
0x1ff: {  	[tilespmem:s15+$0xFFFFFFA0] =	vst v31  }
0x200: {  	[tilespmem:s15+$0xFFFFFF90] =	vst v12  }
0x201: {  	[tilespmem:s15+$0xFFFFFF80] =	vst v14  }
0x202: {  	[tilespmem:s15+$0xFFFFFF70] =	vst v15  }
0x203: {  	[tilespmem:s15+$0xFFFFFF60] =	vst v13  }
0x204: {  	[tilespmem:s15+$0xFFFFFF50] =	vst v16  }
.Ltmp4:
0x205: {  	[tilespmem:s15+$0xFFFFFF40] =	vst v17;
	(pc) =	sbr.rel @p0 .LBB2_11-.Ltmp4, $4  }
0x206: {  	[tilespmem:s15+$0xFFFFFF30] =	vst v21  }
0x207: {  	[tilespmem:s15+$0xFFFFFF20] =	vst v10  }
0x208: {  	s15 =	sadd.s32 $0x210, s15;
	[tilespmem:s16+$0xFFFFFF10] =	vst v18  }
0x209: {  	s17 =	sshra.s32 s10, $0x2;
	s10 =	sadd.s32 $0x40, s10;
	v10 =	vld [tilespmem:s15+$0x100];
	[tilespmem:s16+$0xFFFFFF00] =	vst v20;
	s16 =	smov.u32 s15  }
0x20a: {  	v11 =	vld [tilespmem:s17+$0x1F300];
	_ =	sdelay $0x4  }
0x20b: {  	v10 =	vadd.f32 v11, v10;
	_ =	sdelay $0x1  }
0x20c: {  	v11 =	vmul.f32 $2.000000030e-01, v10  }
0x20d: {  	vm1 =	vge.f32 v10, $0.0e+00  }
0x20e: {  	v10 =	vsel vm1, v10, v11  }
0x20f: {  	v10 =	vmul.f32 $1.442695020e+00, v10;
	_ =	sdelay $0x1  }
0x210: {  	(erf) = vpow2.f32 v10;
	_ =	sdelay $0x6  }
0x211: {  	v10 =	vld [tilespmem:s15+$0xF0]  }
0x212: {  	v11 =	vld [tilespmem:s15+$0xE0]  }
0x213: {  	v12 =	vld [tilespmem:s15+$0xD0];
	v13 =	vpop (erf)  }
0x214: {  	v14 =	vld [tilespmem:s15+$0xC0];
	v15 =	vperm.xlane v13, v8  }
0x215: {  	v16 =	vld [tilespmem:s15+$0xB0]  }
0x216: {  	v17 =	vld [tilespmem:s15+$0xA0];
	v18 =	vnsel vm0, $0x0, v13;
	v10 =	vmul.f32 v10, v15  }
0x217: {  	v19 =	vld [tilespmem:s15+$0x90];
	[tilespmem:s15+$0x100] =	vst v18;
	v11 =	vmul.f32 v11, v15  }
0x218: {  	v36 =	vld [tilespmem:s15+$0x80];
	v20 =	vperm.xlane v13, v7;
	v12 =	vmul.f32 v12, v15;
	[tilespmem:s15+$0xF0] =	vst v10  }
0x219: {  	v42 =	vld [tilespmem:s15+$0x30];
	v14 =	vmul.f32 v14, v15;
	[tilespmem:s15+$0xE0] =	vst v11  }
0x21a: {  	v43 =	vld [tilespmem:s15+$0x20];
	v37 =	vmul.f32 v16, v20;
	[tilespmem:s15+$0xD0] =	vst v12  }
0x21b: {  	v44 =	vld [tilespmem:s15+$0x10];
	v39 =	vmul.f32 v17, v20;
	[tilespmem:s15+$0xC0] =	vst v14  }
0x21c: {  	v53 =	vld [tilespmem:s15+$0xFFFFFF90];
	v46 =	vperm.xlane v13, v5;
	v19 =	vmul.f32 v19, v20;
	[tilespmem:s15+$0xB0] =	vst v37  }
0x21d: {  	v18 =	vmul.f32 v36, v20;
	v10 =	vld [tilespmem:s15+$0x70];
	[tilespmem:s15+$0xA0] =	vst v39  }
0x21e: {  	v41 =	vperm.xlane v13, v6;
	v15 =	vmul.f32 v42, v46;
	v11 =	vld [tilespmem:s15+$0x60];
	[tilespmem:s15+$0x90] =	vst v19  }
0x21f: {  	v60 =	vld [tilespmem:s15+$0xFFFFFF20];
	v55 =	vperm.xlane v13, v3;
	v16 =	vmul.f32 v43, v46;
	[tilespmem:s15+$0x80] =	vst v18  }
0x220: {  	v38 =	vld [tilespmem:s15+$0x50];
	v50 =	vperm.xlane v13, v4;
	v49 =	vmul.f32 v44, v46;
	[tilespmem:s15+$0x30] =	vst v15  }
0x221: {  	v40 =	vld [tilespmem:s15+$0x40];
	v58 =	vperm.xlane v13, v2;
	v17 =	vmul.f32 v53, v55;
	[tilespmem:s15+$0x20] =	vst v16  }
0x222: {  	v45 =	vld [tilespmem:s15+$0x0];
	v13 =	vperm.xlane v13, v1;
	[tilespmem:s15+$0x10] =	vst v49;
	v10 =	vmul.f32 v10, v41  }
0x223: {  	v51 =	vld [tilespmem:s15+$0xFFFFFFB0];
	[tilespmem:s15+$0xFFFFFF90] =	vst v17;
	v11 =	vmul.f32 v11, v41  }
0x224: {  	v63 =	vmul.f32 v60, v13;
	[tilespmem:s15+$0x70] =	vst v10;
	v10 =	vld [tilespmem:s15+$0xFFFFFFF0]  }
0x225: {  	v12 =	vmul.f32 v38, v41;
	[tilespmem:s15+$0x60] =	vst v11;
	v11 =	vld [tilespmem:s15+$0xFFFFFFE0]  }
0x226: {  	v52 =	vld [tilespmem:s15+$0xFFFFFFA0];
	v14 =	vmul.f32 v40, v41;
	[tilespmem:s15+$0xFFFFFF20] =	vst v63  }
0x227: {  	v47 =	vld [tilespmem:s15+$0xFFFFFFD0];
	v18 =	vmul.f32 v45, v46;
	[tilespmem:s15+$0x50] =	vst v12  }
0x228: {  	v48 =	vld [tilespmem:s15+$0xFFFFFFC0];
	v15 =	vmul.f32 v51, v55;
	[tilespmem:s15+$0x40] =	vst v14  }
0x229: {  	v54 =	vld [tilespmem:s15+$0xFFFFFF80];
	[tilespmem:s15+$0x0] =	vst v18;
	v10 =	vmul.f32 v10, v50  }
0x22a: {  	v56 =	vld [tilespmem:s15+$0xFFFFFF50];
	[tilespmem:s15+$0xFFFFFFB0] =	vst v15;
	v11 =	vmul.f32 v11, v50  }
0x22b: {  	v16 =	vmul.f32 v52, v55;
	[tilespmem:s15+$0xFFFFFFF0] =	vst v10;
	v10 =	vld [tilespmem:s15+$0xFFFFFF70]  }
0x22c: {  	v12 =	vmul.f32 v47, v50;
	[tilespmem:s15+$0xFFFFFFE0] =	vst v11;
	v11 =	vld [tilespmem:s15+$0xFFFFFF60]  }
0x22d: {  	v57 =	vld [tilespmem:s15+$0xFFFFFF40];
	v14 =	vmul.f32 v48, v50;
	[tilespmem:s15+$0xFFFFFFA0] =	vst v16  }
0x22e: {  	v59 =	vld [tilespmem:s15+$0xFFFFFF30];
	v18 =	vmul.f32 v54, v55;
	[tilespmem:s15+$0xFFFFFFD0] =	vst v12  }
0x22f: {  	v61 =	vld [tilespmem:s15+$0xFFFFFF10];
	[tilespmem:s15+$0xFFFFFFC0] =	vst v14;
	v12 =	vmul.f32 v56, v58  }
0x230: {  	v62 =	vld [tilespmem:s15+$0xFFFFFF00];
	[tilespmem:s15+$0xFFFFFF80] =	vst v18;
	v10 =	vmul.f32 v10, v58  }
0x231: {  	[tilespmem:s15+$0xFFFFFF50] =	vst v12;
	v11 =	vmul.f32 v11, v58  }
0x232: {  	s13 =	sadd.s32 $0x1, s13;
	[tilespmem:s15+$0xFFFFFF70] =	vst v10;
	v10 =	vmul.f32 v57, v58  }
0x233: {  	p0 =	sne.s32 s13, $0x5;
	[tilespmem:s15+$0xFFFFFF60] =	vst v11;
	v11 =	vmul.f32 v59, v13  }
.Ltmp5:
0x234: {  	[tilespmem:s15+$0xFFFFFF40] =	vst v10;
	v10 =	vmul.f32 v61, v13;
	(pc) =	sbr.rel @p0 .LBB2_8-.Ltmp5, $4  }
0x235: {  	[tilespmem:s15+$0xFFFFFF30] =	vst v11;
	v11 =	vmul.f32 v62, v13  }
0x236: {  	[tilespmem:s16+$0xFFFFFF10] =	vst v10  }
0x237: {  	[tilespmem:s16+$0xFFFFFF00] =	vst v11  }
0x238: {  	[spmem:s4] =	stream.indirect.scatter.add.f32 [tilespmem:s28], [sflag:$0x6], $0x210, s14, s24, $0xb8;
	[tilespmem:$0x1FC00] =	vst v63  }
0x239: {  	_ =	swait.ge [sflag:s26], $0x8400  }
0x23a: {  	[sflag:s26] =	ssyncset.done $0x0  }
0x23b: {  	[sflag:s26] =	ssyncadd.s32 $0xFFFF7C00  }
0x23c: {  	[bflag:$0x0] =	sbarrier.arrive $0xFFFF  }
0x23d: {  	s10 =	rddreg [dreg:$0xa]  }
0x23e: {  	[hbm:s10], [sflag:s11] =	dma.local [spmem:s19], $0xE70  }
0x23f: {  	_ =	swait.ge [sflag:s20], $0xE70  }
0x240: {  	[sflag:s20] =	ssyncset.done $0x0  }
0x241: {  	s18 =	rddreg [dreg:$0xb];
	[sflag:s20] =	ssyncadd.s32 $0xFFFFF190  }
0x242: {  	[hbm:s18], [sflag:s11] =	dma.local [spmem:s21], $0xE70  }
0x243: {  	_ =	swait.ge [sflag:s20], $0xE70  }
0x244: {  	s12 =	sadd.s32 $0x1, s12;
	s22 =	rddreg [dreg:$0xc]  }
0x245: {  	p0 =	sne.s32 s12, s22  }
.Ltmp6:
0x246: {  	_ = 	snop;
	(pc) =	sbr.rel @p0 .LBB2_1-.Ltmp6, $3  }
0x247: {  	_ =	sdelay $0x1  }
0x248: {  	[sflag:s20] =	ssyncset.done $0x0  }
0x249: {  	[sflag:s20] =	ssyncadd.s32 $0xFFFFF190  }
0x24a: {  	_ =	sfence.sel $0x180000  }
0x24b: {  	[bflag:$0x0] =	sbarrier.arrive $0xFFFF  }
0x24c: {  	_ =	strace $0x90000047  }
0x24d: {  	s0 =	stileid.u32;
	[bflag:$0x2] =	sbarrier.arrive $0xFFFF  }
0x24e: {  	p0 =	sne.s32 s0, $0x0;
	s0 =	rddreg [dreg:$0x4]  }
0x24f: {  	s0 =	sadd.s32 @!p0 $0x100000, s0  }
0x250: {  	[sflag:s0] =	ssyncadd.tile.s32 @!p0 $0x1;
	_ =	shalt  }
.Lfunc_end2:
_tile_overlayer_lowered:
.L_overlay_start_2:
0x251: {  	(tag) =	ssettag $0x2  }
0x252: {  	s0 =	rddreg [dreg:$0x0];
	s2 =	stileid.u32  }
0x253: {  	s1 =	rddreg [dreg:$0x1];
	p0 =	sne.s32 s2, $0x0  }
0x254: {  	s3 =	rddreg [dreg:$0x2];
	[bflag:$0x3] =	sbarrier.arrive $0xFFFF;
	s2 =	simm.s32 @!p0 $0x1C07  }
0x255: {  	[timem:s3], [sflag:s2] =	dma.local @!p0 [hbm:s0], s1  }
0x256: {  	s0 =	simm.s32 @!p0 $0x7  }
0x257: {  	_ =	swait.ge @!p0 [sflag:s0], s1  }
0x258: {  	s1 =	ssub.s32 @!p0 $0x0, s1;
	[sflag:s0] =	ssyncset.done @!p0 $0x0  }
0x259: {  	[sflag:s0] =	ssyncadd.s32 @!p0 s1  }
0x25a: {  	[bflag:$0x3] =	sbarrier.arrive $0xFFFF  }
0x25b: {  	_ =	shalt  }

// kernel: kernel.9.cloned.1.call-start
scs
__scs_entry_jumppad:
0x0: {  	(pc) =	sbr.rel $0x88, $3  }
0x1: {  	(tag) =	ssettag $0x0;
	lr =	simm.s32 $0x1  }
0x2: {  	[smem:$0x3F8C] =	sst lr;
	_ =	strace $0xD0000000  }
0x3: {  	_ = 	snop  }
0x4: {  	_ = 	snop  }
0x5: {  	_ = 	snop  }
0x6: {  	_ = 	snop  }
0x7: {  	_ = 	snop  }
__scs_overlays_trampoline_lowered:
0x8: {  	[smem:$0x3F9B] =	sst s0  }
0x9: {  	[smem:$0x3F9C] =	sst s1  }
0xa: {  	[smem:$0x3F9D] =	sst s2  }
0xb: {  	[smem:$0x3F9E] =	sst s3  }
0xc: {  	[smem:$0x3F9F] =	sst s4  }
0xd: {  	[smem:$0x3FA0] =	sst s5  }
0xe: {  	[smem:$0x3FA1] =	sst s6  }
0xf: {  	[smem:$0x3FA2] =	sst s7  }
0x10: {  	[smem:$0x3FA3] =	sst s8  }
0x11: {  	[smem:$0x3FA4] =	sst s9;
	s0 =	simm.s32 @!p0 $0x0  }
0x12: {  	s1 =	sld [smem:$0x3F8A];
	s0 =	simm.s32 @p0 $0x1  }
0x13: {  	[smem:$0x3FA5] =	sst s0;
	s0 =	simm.s32 @!p1 $0x0  }
0x14: {  	s2 =	sld [smem:$0x3F89];
	s0 =	simm.s32 @p1 $0x1  }
0x15: {  	[smem:$0x3FA6] =	sst s0;
	s0 =	simm.s32 @!p2 $0x0  }
0x16: {  	s3 =	sld [smem:$0x3FDB];
	s0 =	simm.s32 @p2 $0x1  }
0x17: {  	s4 =	simm.s32 $0x1BF5;
	[smem:$0x3FA8] =	sst s0  }
0x18: {  	s0 =	sld [smem:$0x3F8B];
	_ =	swait.ge [sflag:s4], $0x0  }
0x19: {  	s7 =	sld [smem:$0x3F8C]  }
0x1a: {  	s8 =	sadd.s32 $0xFFFFE003, lr  }
0x1b: {  	s9 =	sadd.s32 $0xFFFFFEF7, lr;
	s5 =	simm.s32 $0xFFFFFFFF;
	p2 =	slt.u32 s8, $0xFFFFF086  }
0x1c: {  	p1 =	slt.u32 s9, $0xF7A;
	s5 =	simm.s32 @!p2 $0x0  }
0x1d: {  	s5 =	simm.s32 @p1 $0x1;
	p0 =	seq.s32 s7, s2  }
0x1e: {  	s7 =	smul.u32 @!p0 $0xF7A, s2;
	p2 =	seq.s32 @!p0 s5, $0x0  }
0x1f: {  	s9 =	smul.u32 $0xF7A, s1;
	s8 =	simm.s32 @!p0 $0x1BF5;
	p2 =	por !p2, p0  }
0x20: {  	[sflag:s8] =	ssyncset.s32 @!p0 $0xFFFFF086;
	s6 =	sadd.s32 @!p0 s3, s7;
	s7 =	simm.s32 @!p0 $0x108  }
0x21: {  	s3 =	sadd.s32 s3, s9;
	s6 =	sadd.s32 @!p0 $0x88, s6;
	s7 =	simm.s32 @p2 $0x1082  }
0x22: {  	[simem:s7], [sflag:s8] =	dma.local @!p0 [hbm:s6], $0xF7A  }
0x23: {  	s9 =	sor.u32 $0xD0000000, s2;
	s6 =	simm.s32 $0x108;
	_ =	swait.ge @!p0 [sflag:s8], $0x0  }
0x24: {  	s3 =	sadd.s32 $0x88, s3;
	s6 =	simm.s32 @!p1 $0x1082;
	[sflag:s4] =	ssyncset.s32 $0xFFFFF086  }
0x25: {  	[simem:s6], [sflag:s4] =	dma.local [hbm:s3], $0xF7A  }
0x26: {  	[smem:$0x3F8C] =	sst s1;
	(tag) =	ssettag s2;
	_ =	strace s9  }
0x27: {  	s1 =	sld [smem:$0x3F9C]  }
0x28: {  	s2 =	sld [smem:$0x3F9D]  }
0x29: {  	s4 =	sld [smem:$0x3F9F]  }
0x2a: {  	p0 =	seq.s32 s5, $0x0;
	s5 =	sld [smem:$0x3FA0]  }
0x2b: {  	s6 =	sld [smem:$0x3FA1]  }
0x2c: {  	s7 =	sld [smem:$0x3FA2]  }
0x2d: {  	s3 =	simm.s32 $0x108;
	s8 =	sld [smem:$0x3FA3]  }
0x2e: {  	s3 =	simm.s32 @!p0 $0x1082;
	s9 =	sld [smem:$0x3FA4]  }
0x2f: {  	lr =	sadd.s32 s0, s3;
	s0 =	sld [smem:$0x3F9B]  }
0x30: {  	s3 =	sld [smem:$0x3F9E]  }
0x31: {  	[smem:$0x3FA7] =	sst s10  }
0x32: {  	s10 =	sld [smem:$0x3FA5];
	_ =	sdelay $0x3  }
0x33: {  	p0 =	seq.s32 s10, $0x1;
	s10 =	sld [smem:$0x3FA7];
	_ =	sdelay $0x3  }
0x34: {  	[smem:$0x3FA7] =	sst s10  }
0x35: {  	s10 =	sld [smem:$0x3FA6];
	_ =	sdelay $0x3  }
0x36: {  	p1 =	seq.s32 s10, $0x1;
	s10 =	sld [smem:$0x3FA7];
	_ =	sdelay $0x3  }
0x37: {  	[smem:$0x3FA7] =	sst s10  }
0x38: {  	s10 =	sld [smem:$0x3FA8]  }
0x39: {  	_ = 	snop;
	(pc) =	sbr.ind lr, $3  }
0x3a: {  	_ = 	snop  }
0x3b: {  	_ = 	snop  }
0x3c: {  	p2 =	seq.s32 s10, $0x1;
	s10 =	sld [smem:$0x3FA7]  }
0x3d: {  	_ =	shalt  }
0x3e: {  	_ =	shalt  }
0x3f: {  	_ =	shalt  }
0x40: {  	_ =	shalt  }
0x41: {  	_ =	shalt  }
0x42: {  	_ =	shalt  }
0x43: {  	_ =	shalt  }
0x44: {  	_ =	shalt  }
0x45: {  	_ =	shalt  }
0x46: {  	_ =	shalt  }
0x47: {  	_ =	shalt  }
0x48: {  	_ =	shalt  }
0x49: {  	_ =	shalt  }
0x4a: {  	_ =	shalt  }
0x4b: {  	_ =	shalt  }
0x4c: {  	_ =	shalt  }
0x4d: {  	_ =	shalt  }
0x4e: {  	_ =	shalt  }
0x4f: {  	_ =	shalt  }
0x50: {  	_ =	shalt  }
0x51: {  	_ =	shalt  }
0x52: {  	_ =	shalt  }
0x53: {  	_ =	shalt  }
0x54: {  	_ =	shalt  }
0x55: {  	_ =	shalt  }
0x56: {  	_ =	shalt  }
0x57: {  	_ =	shalt  }
0x58: {  	_ =	shalt  }
0x59: {  	_ =	shalt  }
0x5a: {  	_ =	shalt  }
0x5b: {  	_ =	shalt  }
0x5c: {  	_ =	shalt  }
0x5d: {  	_ =	shalt  }
0x5e: {  	_ =	shalt  }
0x5f: {  	_ =	shalt  }
0x60: {  	_ =	shalt  }
0x61: {  	_ =	shalt  }
0x62: {  	_ =	shalt  }
0x63: {  	_ =	shalt  }
0x64: {  	_ =	shalt  }
0x65: {  	_ =	shalt  }
0x66: {  	_ =	shalt  }
0x67: {  	_ =	shalt  }
0x68: {  	_ =	shalt  }
0x69: {  	_ =	shalt  }
0x6a: {  	_ =	shalt  }
0x6b: {  	_ =	shalt  }
0x6c: {  	_ =	shalt  }
0x6d: {  	_ =	shalt  }
0x6e: {  	_ =	shalt  }
0x6f: {  	_ =	shalt  }
0x70: {  	_ =	shalt  }
0x71: {  	_ =	shalt  }
0x72: {  	_ =	shalt  }
0x73: {  	_ =	shalt  }
0x74: {  	_ =	shalt  }
0x75: {  	_ =	shalt  }
0x76: {  	_ =	shalt  }
0x77: {  	_ =	shalt  }
0x78: {  	_ =	shalt  }
0x79: {  	_ =	shalt  }
0x7a: {  	_ =	shalt  }
0x7b: {  	_ =	shalt  }
0x7c: {  	_ =	shalt  }
0x7d: {  	_ =	shalt  }
0x7e: {  	_ =	shalt  }
0x7f: {  	_ =	shalt  }
0x80: {  	_ =	shalt  }
0x81: {  	_ =	shalt  }
0x82: {  	_ =	shalt  }
0x83: {  	_ =	shalt  }
0x84: {  	_ =	shalt  }
0x85: {  	_ =	shalt  }
0x86: {  	_ =	shalt  }
0x87: {  	_ =	shalt  }
.Lfunc_end0:
.L_simem_size_0:
called_computation.1_lowered:
.L_overlay_start_0:
0x88: {  	s2 =	sld [smem:$0x3FD9]  }
0x89: {  	s3 =	sld [smem:$0x3FFE];
	_ =	sdelay $0x1  }
0x8a: {  	s1 =	srdreg.scid  }
0x8b: {  	s0 =	sand.u32 $0x1, s1  }
0x8c: {  	s17 =	sshll.u32 s0, $0xA;
	s2 =	sadd.s32 s3, s2  }
0x8d: {  	s2 =	sadd.s32 s2, s17  }
0x8e: {  	[smem:$0x3FB3] =	sst s2  }
0x8f: {  	_ = 	snop  }
0x90: {  	s2 =	sld [smem:$0x3FC2]  }
0x91: {  	s18 =	sld [smem:$0x3FC1]  }
0x92: {  	s4 =	sld [smem:$0x3FD0];
	(tm) =	ssettm $0x1  }
0x93: {  	s5 =	sld [smem:$0x3FFB];
	_ =	sdelay $0x3  }
0x94: {  	_ =	strace s5  }
0x95: {  	s5 =	sld [smem:$0x3FFC];
	_ =	sdelay $0x3  }
0x96: {  	_ =	strace s5  }
0x97: {  	s5 =	sld [smem:$0x3FFD];
	_ =	sdelay $0x3  }
0x98: {  	_ =	strace s5  }
0x99: {  	_ =	strace $0x8FFFFFFF  }
0x9a: {  	s19 =	sld [smem:$0x3FDB];
	_ =	sdelay $0x1  }
0x9b: {  	s6 =	simm.s32 $_scs_section_size  }
0x9c: {  	s7 =	simm.s32 $_size__tile_overlayer_lowered;
	s8 =	simm.s32 $_tile_overlayer_lowered  }
0x9d: {  	s22 =	simm.s32 $0x1BFF;
	s21 =	sshll.u32 s8, $0x1;
	s5 =	sadd.s32 s6, s19  }
0x9e: {  	s9 =	simm.s32 $0x0;
	s20 =	sshll.u32 s7, $0x1;
	s7 =	sadd.s32 s21, s5  }
0x9f: {  	[timem:s9], [sflag:s22] =	dma.local [hbm:s7], s20  }
0xa0: {  	_ =	swait.ge [sflag:s22], s20  }
0xa1: {  	s6 =	ssub.s32 $0x0, s20;
	[sflag:s22] =	ssyncset.done $0x0  }
0xa2: {  	[sflag:s22] =	ssyncadd.s32 s6;
	_ =	sdelay $0x1  }
0xa3: {  	s23 =	simm.s32 $0x1B8B  }
0xa4: {  	_ =	swait.ge [sflag:s23], $0x1  }
0xa5: {  	[sflag:s23] =	ssyncset.done $0x0  }
0xa6: {  	s25 =	simm.s32 $0x1B8E;
	s24 =	sld [smem:$0x3FFE];
	[sflag:s23] =	ssyncadd.s32 $0xFFFFFFFF  }
0xa7: {  	s26 =	simm.s32 $execute0_lowered;
	[smem:$0x3FD2] =	sst s25  }
0xa8: {  	s7 =	sshll.u32 s26, $0x1;
	_ =	strace $0x80000049;
	[dreg:$0x1] =	wrdreg $0xFFFFFFFF  }
0xa9: {  	s28 =	simm.s32 $_size_execute0_lowered;
	s5 =	sadd.s32 s5, s7;
	[dreg:$0x0] =	wrdreg $0x0  }
0xaa: {  	s7 =	sshll.u32 s28, $0x1;
	[dreg:$0x2] =	wrdreg s5  }
0xab: {  	[dreg:$0x3] =	wrdreg s7  }
0xac: {  	[dreg:$0x4] =	wrdreg $0xC0  }
0xad: {  	_ =	task [dreg:s9], $0x5FFFF  }
0xae: {  	[dreg:$0x1] =	wrdreg $0xFFFFFFFF  }
0xaf: {  	[dreg:$0x0] =	wrdreg $0x60  }
0xb0: {  	[dreg:$0x2] =	wrdreg s24  }
0xb1: {  	[dreg:$0x3] =	wrdreg s2  }
0xb2: {  	[dreg:$0x4] =	wrdreg s18  }
0xb3: {  	[dreg:$0x5] =	wrdreg s4  }
0xb4: {  	[dreg:$0x6] =	wrdreg $0x9  }
0xb5: {  	_ =	task.clear_ibuf [dreg:s9], $0x7FFFF;
	_ =	strace $0x90000049  }
0xb6: {  	s29 =	simm.s32 $0x9;
	_ =	strace $0x8000004B  }
0xb7: {  	_ =	swait.ge [sflag:s29], $0x1  }
0xb8: {  	[sflag:s29] =	ssyncadd.s32 $0xFFFFFFFF  }
0xb9: {  	_ =	strace $0x9000004B  }
0xba: {  	_ =	sfence  }
0xbb: {  	s30 =	sld [smem:$0x0];
	_ =	sdelay $0x2  }
0xbc: {  	s31 =	sshll.u32 s1, $0xD;
	s1 =	sshrl.u32 s1, $0x2  }
0xbd: {  	s3 =	sand.u32 $0x4000, s31;
	s1 =	sadd.s32 s1, s30  }
0xbe: {  	s0 =	sor.u32 s3, s0;
	s1 =	sshll.u32 s1, $0x11  }
0xbf: {  	s0 =	sor.u32 s1, s0  }
0xc0: {  	s0 =	sadd.s32 $0x8F2B, s0  }
0xc1: {  	[sflag:s0] =	ssyncadd.remote.s32 $0x1  }
0xc2: {  	_ =	sfence.sel $0xFFFF  }
0xc3: {  	[dreg:$0x0] =	wrdreg $0xFFFFFFFF;
	(pc) =	sbr.abs _section_cstart, $3  }
0xc4: {  	[dreg:$0x1] =	wrdreg $0xFFFFFFFF  }
0xc5: {  	_ =	task.clear_ibuf [dreg:s9], $0x2FFFF;
	_ =	strace $0x9FFFFFFF  }
0xc6: {  	(tm) =	ssettm $0x7FFFFFFF  }
0xc7: {  	_ =	shalt  }
tec
execute0_lowered:
.L_overlay_start_1:
0x0: {  	(tag) =	ssettag $0x1  }
0x1: {  	s3 =	rddreg [dreg:$0x0]  }
0x2: {  	s4 =	rddreg [dreg:$0x1]  }
0x3: {  	s5 =	rddreg [dreg:$0x2]  }
0x4: {  	s6 =	rddreg [dreg:$0x3]  }
0x5: {  	s0 =	rddreg [dreg:$0x4];
	s1 =	simm.s32 $0x0  }
0x6: {  	s2 =	srdreg.scid;
	s11 =	simm.s32 $0xE400;
	s12 =	simm.s32 $0x0  }
0x7: {  	[smem:$0x7FF] =	sst s1;
	s7 =	sand.u32 $0x1, s2;
	s2 =	stileid.u32  }
0x8: {  	s3 =	sadd.s32 $0x1800, s3;
	_ =	strace $0x8000004A;
	s8 =	ssub.s32 $0x2, s7  }
0x9: {  	s7 =	sshll.u32 s7, $0xA;
	s10 =	sshll.u32 s2, $0x6;
	s9 =	sshrl.u32 s8, $0x1  }
0xa: {  	s7 =	sor.u32 s10, s7;
	s10 =	simm.s32 $0xE200;
	s8 =	ssub.s32 s8, s9  }
0xb: {  	s4 =	sadd.s32 s4, s7;
	s5 =	sadd.s32 s5, s7;
	s6 =	sadd.s32 s6, s7  }
0xc: {  	s9 =	simm.s32 $0xE000;
	s7 =	smax.u32 s8, $0x1;
	s8 =	simm.s32 $0x1  }
.LBB2_1:
0xd: {  	[tilespmem:s1], [sflag:$0x1] =	stream.linear.gather [hbm4b:s3+s1], $0xE000, $0x38;
	[tilespmem:$0xE600] =	vst v63  }
0xe: {  	_ =	swait.ge [sflag:s8], $0xE000  }
0xf: {  	[sflag:s8] =	ssyncset.done $0x0  }
0x10: {  	[sflag:s8] =	ssyncadd.s32 $0xFFFF2000  }
0x11: {  	[tilespmem:s9], [sflag:$0x1] =	stream.linear.gather [hbm4b:s4+s1], $0x200, $0x38;
	[tilespmem:$0xE600] =	vst v63  }
0x12: {  	_ =	swait.ge [sflag:s8], $0x200  }
0x13: {  	[sflag:s8] =	ssyncset.done $0x0  }
0x14: {  	[sflag:s8] =	ssyncadd.s32 $0xFFFFFE00  }
0x15: {  	[tilespmem:s10], [sflag:$0x1] =	stream.linear.gather [hbm4b:s5+s1], $0x200, $0x38;
	[tilespmem:$0xE600] =	vst v63  }
0x16: {  	_ =	swait.ge [sflag:s8], $0x200  }
0x17: {  	[sflag:s8] =	ssyncset.done $0x0  }
0x18: {  	s13 =	simm.s32 $0x0;
	[sflag:s8] =	ssyncadd.s32 $0xFFFFFE00  }
0x19: {  	v11 =	vld [tilespmem:s13+$0xE000];
	_ =	sdelay $0x4  }
0x1a: {  	v10 =	vld [tilespmem:s13+$0xE200];
	v0 =	vadd.s32 $0xD200, v11;
	_ =	sdelay $0x4  }
0x1b: {  	v50 =	vld.idx.msk [tilespmem:v0+s1+$0x0], $0xffff;
	v0 =	vadd.s32 $0xD900, v10;
	_ =	sdelay $0x4  }
0x1c: {  	v62 =	vld.idx.msk [tilespmem:v0+s1+$0x0], $0xffff;
	v0 =	vadd.s32 $0xCB00, v10;
	_ =	sdelay $0x3  }
0x1d: {  	v5 =	vadd.s32 $0xC400, v11  }
0x1e: {  	v0 =	vld.idx.msk [tilespmem:v0+s1+$0x0], $0xffff;
	_ =	sdelay $0x2  }
0x1f: {  	v4 =	vadd.s32 $0xD900, v11  }
0x20: {  	v56 =	vld.idx.msk [tilespmem:v5+s1+$0x0], $0xffff;
	v5 =	vadd.s32 $0xB600, v11  }
0x21: {  	[tilespmem:$0x1FD00] =	vst v0;
	v0 =	vadd.s32 $0xBD00, v10;
	_ =	sdelay $0x2  }
0x22: {  	v4 =	vld.idx.msk [tilespmem:v4+s1+$0x0], $0xffff  }
0x23: {  	v60 =	vld.idx.msk [tilespmem:v5+s1+$0x0], $0xffff  }
0x24: {  	v5 =	vadd.s32 $0xA800, v11;
	v0 =	vld.idx.msk [tilespmem:v0+s1+$0x0], $0xffff;
	_ =	sdelay $0x3  }
0x25: {  	[tilespmem:$0x1FCE0] =	vst v4;
	v4 =	vadd.s32 $0xCB00, v11  }
0x26: {  	[tilespmem:$0x1FD50] =	vst v0;
	v0 =	vld.idx.msk [tilespmem:v5+s1+$0x0], $0xffff;
	_ =	sdelay $0x3  }
0x27: {  	v4 =	vld.idx.msk [tilespmem:v4+s1+$0x0], $0xffff  }
0x28: {  	[tilespmem:$0x1FD60] =	vst v0;
	v0 =	vadd.s32 $0xAF00, v10;
	_ =	sdelay $0x3  }
0x29: {  	[tilespmem:$0x1FCF0] =	vst v4;
	v4 =	vadd.s32 $0xBD00, v11  }
0x2a: {  	v5 =	vadd.s32 $0x9A00, v11;
	v0 =	vld.idx.msk [tilespmem:v0+s1+$0x0], $0xffff;
	_ =	sdelay $0x3  }
0x2b: {  	v4 =	vld.idx.msk [tilespmem:v4+s1+$0x0], $0xffff  }
0x2c: {  	[tilespmem:$0x1FDB0] =	vst v0;
	v0 =	vld.idx.msk [tilespmem:v5+s1+$0x0], $0xffff;
	_ =	sdelay $0x3  }
0x2d: {  	[tilespmem:$0x1FD40] =	vst v4;
	v4 =	vadd.s32 $0xAF00, v11  }
0x2e: {  	[tilespmem:$0x1FDC0] =	vst v0;
	v0 =	vadd.s32 $0xA100, v10;
	_ =	sdelay $0x3  }
0x2f: {  	v4 =	vld.idx.msk [tilespmem:v4+s1+$0x0], $0xffff  }
0x30: {  	v5 =	vadd.s32 $0x8C00, v11;
	v0 =	vld.idx.msk [tilespmem:v0+s1+$0x0], $0xffff;
	_ =	sdelay $0x3  }
0x31: {  	[tilespmem:$0x1FDA0] =	vst v4;
	v4 =	vadd.s32 $0xA100, v11  }
0x32: {  	[tilespmem:$0x1FE10] =	vst v0;
	v0 =	vld.idx.msk [tilespmem:v5+s1+$0x0], $0xffff;
	_ =	sdelay $0x3  }
0x33: {  	v4 =	vld.idx.msk [tilespmem:v4+s1+$0x0], $0xffff  }
0x34: {  	[tilespmem:$0x1FE20] =	vst v0;
	v0 =	vadd.s32 $0x9300, v10;
	_ =	sdelay $0x3  }
0x35: {  	[tilespmem:$0x1FE00] =	vst v4;
	v4 =	vadd.s32 $0x9300, v11  }
0x36: {  	v0 =	vld.idx.msk [tilespmem:v0+s1+$0x0], $0xffff;
	_ =	sdelay $0x1  }
0x37: {  	v1 =	vadd.s32 $0xD200, v10  }
0x38: {  	v2 =	vadd.s32 $0xD580, v11  }
0x39: {  	v4 =	vld.idx.msk [tilespmem:v4+s1+$0x0], $0xffff;
	v5 =	vadd.s32 $0x7E00, v11  }
0x3a: {  	[tilespmem:$0x1FE70] =	vst v0;
	v0 =	vadd.s32 $0x8500, v10  }
0x3b: {  	v3 =	vadd.s32 $0xD580, v10  }
0x3c: {  	v7 =	vadd.s32 $0x6200, v10;
	v51 =	vld.idx.msk [tilespmem:v1+s1+$0x0], $0xffff  }
0x3d: {  	v1 =	vadd.s32 $0xC400, v10;
	v54 =	vld.idx.msk [tilespmem:v2+s1+$0x0], $0xffff  }
0x3e: {  	[tilespmem:$0x1FE60] =	vst v4;
	v4 =	vadd.s32 $0x8500, v11;
	v61 =	vld.idx.msk [tilespmem:v5+s1+$0x0], $0xffff  }
0x3f: {  	v5 =	vadd.s32 $0x7000, v11;
	v0 =	vld.idx.msk [tilespmem:v0+s1+$0x0], $0xffff  }
0x40: {  	v55 =	vld.idx.msk [tilespmem:v3+s1+$0x0], $0xffff;
	v3 =	vadd.s32 $0xC780, v10  }
0x41: {  	v8 =	vadd.s32 $0x6580, v11;
	v7 =	vld.idx.msk [tilespmem:v7+s1+$0x0], $0xffff  }
0x42: {  	v57 =	vld.idx.msk [tilespmem:v1+s1+$0x0], $0xffff;
	v1 =	vadd.s32 $0xB600, v10  }
0x43: {  	v2 =	vadd.s32 $0xC780, v11;
	v4 =	vld.idx.msk [tilespmem:v4+s1+$0x0], $0xffff  }
0x44: {  	[tilespmem:$0x1FEA0] =	vst v0;
	v0 =	vld.idx.msk [tilespmem:v5+s1+$0x0], $0xffff;
	v5 =	vadd.s32 $0x7700, v10  }
0x45: {  	v59 =	vld.idx.msk [tilespmem:v3+s1+$0x0], $0xffff;
	v3 =	vadd.s32 $0xB980, v10  }
0x46: {  	v9 =	vadd.s32 $0x6580, v10;
	v8 =	vld.idx.msk [tilespmem:v8+s1+$0x0], $0xffff  }
0x47: {  	v12 =	vadd.s32 $0x5400, v11;
	v1 =	vld.idx.msk [tilespmem:v1+s1+$0x0], $0xffff  }
0x48: {  	v58 =	vld.idx.msk [tilespmem:v2+s1+$0x0], $0xffff;
	[tilespmem:$0x1FE90] =	vst v4;
	v4 =	vadd.s32 $0x7700, v11  }
0x49: {  	v6 =	vadd.s32 $0x6200, v11;
	v5 =	vld.idx.msk [tilespmem:v5+s1+$0x0], $0xffff  }
0x4a: {  	v2 =	vadd.s32 $0xB980, v11;
	v3 =	vld.idx.msk [tilespmem:v3+s1+$0x0], $0xffff  }
0x4b: {  	v13 =	vadd.s32 $0x5400, v10;
	v9 =	vld.idx.msk [tilespmem:v9+s1+$0x0], $0xffff  }
0x4c: {  	v12 =	vld.idx.msk [tilespmem:v12+s1+$0x0], $0xffff;
	[tilespmem:$0x1FD10] =	vst v1;
	v1 =	vadd.s32 $0xA800, v10  }
0x4d: {  	v14 =	vadd.s32 $0x5780, v11;
	v4 =	vld.idx.msk [tilespmem:v4+s1+$0x0], $0xffff  }
0x4e: {  	[tilespmem:$0x1FED0] =	vst v5;
	v5 =	vld.idx.msk [tilespmem:v6+s1+$0x0], $0xffff;
	v6 =	vadd.s32 $0x6900, v10  }
0x4f: {  	v2 =	vld.idx.msk [tilespmem:v2+s1+$0x0], $0xffff;
	[tilespmem:$0x1FD30] =	vst v3;
	v3 =	vadd.s32 $0xAB80, v10  }
0x50: {  	v15 =	vadd.s32 $0x5780, v10;
	v16 =	vld.idx.msk [tilespmem:v13+s1+$0x0], $0xffff  }
0x51: {  	v17 =	vadd.s32 $0x4600, v11;
	v1 =	vld.idx.msk [tilespmem:v1+s1+$0x0], $0xffff  }
0x52: {  	v18 =	vld.idx.msk [tilespmem:v14+s1+$0x0], $0xffff;
	[tilespmem:$0x1FEC0] =	vst v4;
	v4 =	vadd.s32 $0x6900, v11  }
0x53: {  	v21 =	vadd.s32 $0x2300, v11;
	v6 =	vld.idx.msk [tilespmem:v6+s1+$0x0], $0xffff  }
0x54: {  	v24 =	vadd.s32 $0xDC80, v11;
	[tilespmem:$0x1FD20] =	vst v2;
	v2 =	vadd.s32 $0xAB80, v11;
	v3 =	vld.idx.msk [tilespmem:v3+s1+$0x0], $0xffff  }
0x55: {  	[tilespmem:$0x1FF60] =	vst v24;
	v19 =	vld.idx.msk [tilespmem:v15+s1+$0x0], $0xffff;
	v14 =	vadd.s32 $0x4980, v11  }
0x56: {  	v24 =	vadd.s32 $0xCE80, v11;
	v20 =	vld.idx.msk [tilespmem:v17+s1+$0x0], $0xffff;
	[tilespmem:$0x1FD70] =	vst v1;
	v1 =	vadd.s32 $0x9A00, v10  }
0x57: {  	v29 =	vadd.s32 $0x1180, v11;
	[tilespmem:$0x1FF70] =	vst v24;
	v4 =	vld.idx.msk [tilespmem:v4+s1+$0x0], $0xffff  }
0x58: {  	v32 =	vld.idx.msk [tilespmem:v21+s1+$0x0], $0xffff;
	[tilespmem:$0x1FEF0] =	vst v6;
	v6 =	vadd.s32 $0x5B00, v10  }
0x59: {  	v24 =	vadd.s32 $0xDC80, v10;
	v2 =	vld.idx.msk [tilespmem:v2+s1+$0x0], $0xffff;
	[tilespmem:$0x1FD90] =	vst v3;
	v3 =	vadd.s32 $0x9D80, v10  }
0x5a: {  	[tilespmem:$0x1FF80] =	vst v24;
	v24 =	vadd.s32 $0xE00, v10;
	v23 =	vld.idx.msk [tilespmem:v14+s1+$0x0], $0xffff  }
0x5b: {  	v14 =	vadd.s32 $0x3800, v10;
	v1 =	vld.idx.msk [tilespmem:v1+s1+$0x0], $0xffff  }
0x5c: {  	v47 =	vld.idx.msk [tilespmem:v29+s1+$0x0], $0xffff;
	[tilespmem:$0x1FEE0] =	vst v4;
	v4 =	vadd.s32 $0x5B00, v11  }
0x5d: {  	v13 =	vadd.s32 $0x4600, v10;
	v6 =	vld.idx.msk [tilespmem:v6+s1+$0x0], $0xffff  }
0x5e: {  	[tilespmem:$0x1FD80] =	vst v2;
	v2 =	vadd.s32 $0x9D80, v11;
	v3 =	vld.idx.msk [tilespmem:v3+s1+$0x0], $0xffff  }
0x5f: {  	v15 =	vadd.s32 $0x4D00, v10;
	v44 =	vld.idx.msk [tilespmem:v24+s1+$0x0], $0xffff  }
0x60: {  	v27 =	vld.idx.msk [tilespmem:v14+s1+$0x0], $0xffff;
	[tilespmem:$0x1FDD0] =	vst v1;
	v1 =	vadd.s32 $0x8C00, v10  }
0x61: {  	v14 =	vadd.s32 $0x2A00, v11;
	v4 =	vld.idx.msk [tilespmem:v4+s1+$0x0], $0xffff  }
0x62: {  	v22 =	vld.idx.msk [tilespmem:v13+s1+$0x0], $0xffff;
	[tilespmem:$0x1FF10] =	vst v6;
	v6 =	vadd.s32 $0x4D00, v11  }
0x63: {  	v2 =	vld.idx.msk [tilespmem:v2+s1+$0x0], $0xffff;
	[tilespmem:$0x1FDF0] =	vst v3;
	v3 =	vadd.s32 $0x8F80, v10  }
0x64: {  	v17 =	vadd.s32 $0x1F80, v10;
	v15 =	vld.idx.msk [tilespmem:v15+s1+$0x0], $0xffff  }
0x65: {  	v13 =	vadd.s32 $0x3800, v11;
	v1 =	vld.idx.msk [tilespmem:v1+s1+$0x0], $0xffff  }
0x66: {  	v33 =	vld.idx.msk [tilespmem:v14+s1+$0x0], $0xffff;
	[tilespmem:$0x1FF00] =	vst v4;
	v4 =	vadd.s32 $0x4980, v10  }
0x67: {  	v14 =	vadd.s32 $0x3100, v10;
	v6 =	vld.idx.msk [tilespmem:v6+s1+$0x0], $0xffff  }
0x68: {  	[tilespmem:$0x1FDE0] =	vst v2;
	v2 =	vadd.s32 $0x8F80, v11;
	v3 =	vld.idx.msk [tilespmem:v3+s1+$0x0], $0xffff  }
0x69: {  	v42 =	vld.idx.msk [tilespmem:v17+s1+$0x0], $0xffff;
	[tilespmem:$0x1FF30] =	vst v15;
	v15 =	vadd.s32 $0x3F00, v11  }
0x6a: {  	v26 =	vld.idx.msk [tilespmem:v13+s1+$0x0], $0xffff;
	[tilespmem:$0x1FE30] =	vst v1;
	v1 =	vadd.s32 $0x7E00, v10  }
0x6b: {  	v25 =	vld.idx.msk [tilespmem:v4+s1+$0x0], $0xffff;
	v4 =	vadd.s32 $0x3B80, v11  }
0x6c: {  	v14 =	vld.idx.msk [tilespmem:v14+s1+$0x0], $0xffff;
	[tilespmem:$0x1FF20] =	vst v6;
	v6 =	vadd.s32 $0x3B80, v10  }
0x6d: {  	v2 =	vld.idx.msk [tilespmem:v2+s1+$0x0], $0xffff;
	[tilespmem:$0x1FE50] =	vst v3;
	v3 =	vadd.s32 $0x8180, v10  }
0x6e: {  	v13 =	vadd.s32 $0x3F00, v10;
	[tilespmem:$0x1FEB0] =	vst v0;
	v0 =	vld.idx.msk [tilespmem:v15+s1+$0x0], $0xffff  }
0x6f: {  	v63 =	vld.idx.msk [tilespmem:v1+s1+$0x0], $0xffff;
	v15 =	vadd.s32 $0x2D80, v10  }
0x70: {  	v28 =	vld.idx.msk [tilespmem:v4+s1+$0x0], $0xffff;
	v4 =	vadd.s32 $0x2A00, v10  }
0x71: {  	v30 =	vld.idx.msk [tilespmem:v6+s1+$0x0], $0xffff;
	v6 =	vadd.s32 $0x2D80, v11  }
0x72: {  	[tilespmem:$0x1FE40] =	vst v2;
	v2 =	vadd.s32 $0x8180, v11;
	v3 =	vld.idx.msk [tilespmem:v3+s1+$0x0], $0xffff  }
0x73: {  	v1 =	vadd.s32 $0x7000, v10;
	[tilespmem:$0x1FF40] =	vst v0;
	v0 =	vld.idx.msk [tilespmem:v13+s1+$0x0], $0xffff  }
0x74: {  	v38 =	vld.idx.msk [tilespmem:v15+s1+$0x0], $0xffff;
	v15 =	vadd.s32 $0x1F80, v11  }
0x75: {  	v34 =	vld.idx.msk [tilespmem:v4+s1+$0x0], $0xffff;
	v4 =	vadd.s32 $0x1C00, v11  }
0x76: {  	v36 =	vld.idx.msk [tilespmem:v6+s1+$0x0], $0xffff;
	v6 =	vadd.s32 $0x1C00, v10  }
0x77: {  	v52 =	vld.idx.msk [tilespmem:v2+s1+$0x0], $0xffff;
	v2 =	vadd.s32 $0x7380, v11  }
0x78: {  	[tilespmem:$0x1FE80] =	vst v3;
	v3 =	vadd.s32 $0x7380, v10;
	v1 =	vld.idx.msk [tilespmem:v1+s1+$0x0], $0xffff  }
0x79: {  	v13 =	vadd.s32 $0x3100, v11;
	[tilespmem:$0x1FF50] =	vst v0;
	v41 =	vld.idx.msk [tilespmem:v15+s1+$0x0], $0xffff;
	v15 =	vadd.s32 $0xC080, v11  }
0x7a: {  	v0 =	vadd.s32 $0xA480, v11;
	[tilespmem:$0x1FF90] =	vst v15;
	v39 =	vld.idx.msk [tilespmem:v4+s1+$0x0], $0xffff;
	v4 =	vadd.s32 $0x2300, v10  }
0x7b: {  	v45 =	vadd.s32 $0x1180, v10;
	v15 =	vadd.s32 $0xCE80, v10;
	[tilespmem:$0x1FFD0] =	vst v0;
	v40 =	vld.idx.msk [tilespmem:v6+s1+$0x0], $0xffff;
	v6 =	vadd.s32 $0xE00, v11  }
0x7c: {  	v46 =	vadd.s32 $0x1500, v11;
	v48 =	vadd.s32 $0x1500, v10;
	v2 =	vld.idx.msk [tilespmem:v2+s1+$0x0], $0xffff;
	v0 =	vadd.s32 $0xA480, v10;
	[tilespmem:$0x1FFA0] =	vst v15  }
0x7d: {  	v37 =	vadd.s32 $0x5E80, v11;
	v31 =	vadd.s32 $0x6C80, v11;
	v3 =	vld.idx.msk [tilespmem:v3+s1+$0x0], $0xffff;
	v15 =	vadd.s32 $0xB280, v11;
	[tilespmem:$0x1FFF0] =	vst v0  }
0x7e: {  	v21 =	vadd.s32 $0x7A80, v10;
	v29 =	vadd.s32 $0x6C80, v10;
	v13 =	vld.idx.msk [tilespmem:v13+s1+$0x0], $0xffff;
	[tilespmem:$0x1FFB0] =	vst v15;
	v15 =	vadd.s32 $0xC080, v10  }
0x7f: {  	v24 =	vadd.s32 $0x7A80, v11;
	v17 =	vadd.s32 $0x8880, v10;
	[tilespmem:$0x1FFC0] =	vst v15;
	v15 =	vadd.s32 $0xB280, v10;
	v35 =	vld.idx.msk [tilespmem:v4+s1+$0x0], $0xffff  }
0x80: {  	s14 =	simm.s32 $0x40;
	[tilespmem:$0x1FFE0] =	vst v15;
	v15 =	vadd.s32 $0x8880, v11;
	v4 =	vadd.s32 $0x9680, v11;
	v43 =	vld.idx.msk [tilespmem:v6+s1+$0x0], $0xffff;
	v6 =	vadd.s32 $0x9680, v10  }
.LBB2_2:
0x81: {  	v0 =	vmul.f32 v51, v50;
	_ =	sdelay $0x1  }
0x82: {  	[tilespmem:$0x1FCC0] =	vst v0;
	v0 =	vmul.f32 v55, v54;
	_ =	sdelay $0x1  }
0x83: {  	[tilespmem:$0x1FCD0] =	vst v0;
	v0 =	vmul.f32 v57, v56;
	_ =	sdelay $0x1  }
0x84: {  	[tilespmem:$0x1FC90] =	vst v0;
	v0 =	vmul.f32 v59, v58;
	v58 =	vld [tilespmem:$0x1FD10];
	_ =	sdelay $0x2  }
0x85: {  	[tilespmem:$0x1FCB0] =	vst v62;
	v62 =	vld [tilespmem:$0x1FD60]  }
0x86: {  	v59 =	vld [tilespmem:$0x1FD20]  }
0x87: {  	[tilespmem:$0x1FCA0] =	vst v0;
	v0 =	vmul.f32 v58, v60;
	v60 =	vld [tilespmem:$0x1FD30]  }
0x88: {  	v56 =	vld.idx.msk [tilespmem:v48+s1+$0x0], $0xffff  }
0x89: {  	v48 =	vld [tilespmem:$0x1FD70];
	_ =	sdelay $0x1  }
0x8a: {  	v50 =	vld [tilespmem:$0x1FD80]  }
0x8b: {  	[tilespmem:$0x1FC70] =	vst v0;
	v0 =	vmul.f32 v60, v59;
	v59 =	vld [tilespmem:$0x1FD90]  }
0x8c: {  	v60 =	vld [tilespmem:$0x1FDC0]  }
0x8d: {  	[tilespmem:$0x1FC80] =	vst v0;
	v0 =	vmul.f32 v48, v62;
	v62 =	vld [tilespmem:$0x1FDD0]  }
0x8e: {  	v53 =	vld.idx.msk [tilespmem:v45+s1+$0x0], $0xffff  }
0x8f: {  	v45 =	vld [tilespmem:$0x1FE20]  }
0x90: {  	v54 =	vld.idx.msk [tilespmem:v46+s1+$0x0], $0xffff  }
0x91: {  	[tilespmem:$0x1FC50] =	vst v0;
	v0 =	vmul.f32 v59, v50;
	v50 =	vld [tilespmem:$0x1FDE0]  }
0x92: {  	v49 =	vadd.s32 $0x380, v11;
	v46 =	vmul.f32 v62, v60;
	v60 =	vld [tilespmem:$0x1FDF0]  }
0x93: {  	v62 =	vld [tilespmem:$0x1FE30];
	_ =	sdelay $0x2  }
0x94: {  	[tilespmem:$0x1FC60] =	vst v0;
	v0 =	vmov v52;
	v52 =	vmov v63;
	v63 =	vmov v61;
	v61 =	vld [tilespmem:$0x1FE50]  }
0x95: {  	[tilespmem:$0x1FC40] =	vst v46;
	v46 =	vmul.f32 v60, v50;
	v60 =	vld.idx.msk [tilespmem:v49+s1+$0x0], $0xffff  }
0x96: {  	v51 =	vadd.s32 $0x380, v10;
	v49 =	vmul.f32 v62, v45;
	v45 =	vld [tilespmem:$0x1FE40];
	_ =	sdelay $0x4  }
0x97: {  	v45 =	vmul.f32 v61, v45;
	v61 =	vld.idx.msk [tilespmem:v51+s1+$0x0], $0xffff  }
0x98: {  	v12 =	vmul.f32 v16, v12;
	v51 =	vmul.f32 v52, v63;
	v63 =	vld [tilespmem:$0x1FE80]  }
0x99: {  	v16 =	vmul.f32 v19, v18;
	v19 =	vadd.s32 $0x3480, v11;
	v13 =	vmul.f32 v14, v13;
	v14 =	vld.idx.msk [tilespmem:v37+s1+$0x0], $0xffff  }
0x9a: {  	v24 =	vld.idx.msk [tilespmem:v24+s1+$0x0], $0xffff;
	v55 =	vadd.s32 $0x700, v11  }
0x9b: {  	v15 =	vld.idx.msk [tilespmem:v15+s1+$0x0], $0xffff  }
0x9c: {  	v57 =	vld.idx.msk [tilespmem:v10+s1+$0x0], $0xffff;
	v59 =	vadd.s32 $0xA80, v11  }
0x9d: {  	v58 =	vadd.s32 $0x700, v10;
	v52 =	vmul.f32 v63, v0;
	v0 =	vld [tilespmem:$0x1FEB0]  }
0x9e: {  	v19 =	vld.idx.msk [tilespmem:v19+s1+$0x0], $0xffff;
	v50 =	vadd.s32 $0xA80, v10  }
0x9f: {  	v20 =	vmul.f32 v22, v20;
	v55 =	vld.idx.msk [tilespmem:v55+s1+$0x0], $0xffff;
	v62 =	vadd.s32 $0x1880, v11  }
0xa0: {  	v22 =	vmul.f32 v25, v23;
	v26 =	vmul.f32 v27, v26;
	v48 =	vld.idx.msk [tilespmem:v11+s1+$0x0], $0xffff;
	v63 =	vadd.s32 $0x1880, v10  }
0xa1: {  	v5 =	vmul.f32 v7, v5;
	v7 =	vmul.f32 v9, v8;
	v9 =	vadd.s32 $0x2680, v10;
	v8 =	vld.idx.msk [tilespmem:v59+s1+$0x0], $0xffff  }
0xa2: {  	v0 =	vmul.f32 v1, v0;
	v1 =	vmul.f32 v3, v2;
	v2 =	vld.idx.msk [tilespmem:v58+s1+$0x0], $0xffff;
	v3 =	vadd.s32 $0x2680, v11  }
0xa3: {  	v25 =	vadd.s32 $0x3480, v10;
	v27 =	vmul.f32 v30, v28;
	v30 =	vmul.f32 v34, v33;
	v18 =	vld.idx.msk [tilespmem:v50+s1+$0x0], $0xffff  }
0xa4: {  	v33 =	vmul.f32 v38, v36;
	v34 =	vadd.s32 $0x4280, v11;
	v36 =	vmul.f32 v40, v39;
	v23 =	vld.idx.msk [tilespmem:v62+s1+$0x0], $0xffff  }
0xa5: {  	v38 =	vmul.f32 v42, v41;
	v53 =	vmul.f32 v53, v47;
	v28 =	vld.idx.msk [tilespmem:v63+s1+$0x0], $0xffff;
	v63 =	vadd.s32 $0x4280, v10  }
0xa6: {  	v9 =	vld.idx.msk [tilespmem:v9+s1+$0x0], $0xffff;
	v59 =	vmul.f32 v61, v60;
	v11 =	vadd.s32 $0x5080, v11;
	v58 =	vmul.f32 v57, v48  }
0xa7: {  	v60 =	vadd.s32 $0x5080, v10;
	v10 =	vadd.s32 $0x5E80, v10;
	v3 =	vld.idx.msk [tilespmem:v3+s1+$0x0], $0xffff;
	v2 =	vmul.f32 v2, v55  }
0xa8: {  	v50 =	vmul.f32 v44, v43;
	v8 =	vmul.f32 v18, v8;
	v18 =	vld.idx.msk [tilespmem:v25+s1+$0x0], $0xffff;
	v25 =	vadd.f32 $0.0e+00, v58  }
0xa9: {  	v34 =	vld.idx.msk [tilespmem:v34+s1+$0x0], $0xffff;
	v62 =	vmul.f32 v56, v54;
	v61 =	vadd.f32 $0.0e+00, v59;
	v2 =	vadd.f32 $0.0e+00, v2  }
0xaa: {  	v8 =	vadd.f32 $0.0e+00, v8;
	v25 =	vadd.f32 v50, v25;
	v23 =	vmul.f32 v28, v23;
	v28 =	vld.idx.msk [tilespmem:v63+s1+$0x0], $0xffff  }
0xab: {  	v32 =	vmul.f32 v35, v32;
	v63 =	vadd.f32 v53, v61;
	v11 =	vld.idx.msk [tilespmem:v11+s1+$0x0], $0xffff;
	v2 =	vadd.f32 v62, v2  }
0xac: {  	v10 =	vld.idx.msk [tilespmem:v10+s1+$0x0], $0xffff;
	v8 =	vadd.f32 v23, v8;
	v23 =	vadd.f32 v36, v25;
	v3 =	vmul.f32 v9, v3  }
0xad: {  	v25 =	vadd.f32 v38, v63;
	v9 =	vld.idx.msk [tilespmem:v60+s1+$0x0], $0xffff;
	v2 =	vadd.f32 v32, v2  }
0xae: {  	v3 =	vadd.f32 v3, v8;
	v8 =	vmul.f32 v18, v19;
	v18 =	vadd.f32 v30, v23;
	v23 =	vld [tilespmem:$0x1FF40]  }
0xaf: {  	v19 =	vadd.f32 v33, v25;
	v25 =	vld [tilespmem:$0x1FF50]  }
0xb0: {  	v2 =	vadd.f32 v13, v2;
	v13 =	vld.idx.msk [tilespmem:v29+s1+$0x0], $0xffff  }
0xb1: {  	v3 =	vadd.f32 v8, v3;
	v8 =	vmul.f32 v28, v34;
	v18 =	vadd.f32 v26, v18;
	v26 =	vld [tilespmem:$0x1FF20]  }
0xb2: {  	v19 =	vadd.f32 v27, v19;
	v27 =	vld [tilespmem:$0x1FF30]  }
0xb3: {  	v3 =	vadd.f32 v8, v3;
	v8 =	vmul.f32 v9, v11;
	v9 =	vld.idx.msk [tilespmem:v21+s1+$0x0], $0xffff  }
0xb4: {  	v11 =	vadd.f32 v20, v18;
	v18 =	vadd.f32 v22, v19;
	v19 =	vld [tilespmem:$0x1FF00]  }
0xb5: {  	v20 =	vld [tilespmem:$0x1FF10]  }
0xb6: {  	v23 =	vmul.f32 v25, v23;
	v25 =	vld.idx.msk [tilespmem:v31+s1+$0x0], $0xffff  }
0xb7: {  	v3 =	vadd.f32 v8, v3;
	v8 =	vmul.f32 v10, v14;
	v10 =	vld.idx.msk [tilespmem:v17+s1+$0x0], $0xffff  }
0xb8: {  	v11 =	vadd.f32 v12, v11;
	v14 =	vld [tilespmem:$0x1FEE0]  }
0xb9: {  	v12 =	vadd.f32 v16, v18;
	v16 =	vld [tilespmem:$0x1FEF0]  }
0xba: {  	v5 =	vadd.f32 v5, v11;
	v11 =	vld [tilespmem:$0x1FEC0]  }
0xbb: {  	v26 =	vmul.f32 v27, v26;
	v2 =	vadd.f32 v23, v2;
	v7 =	vadd.f32 v7, v12;
	v12 =	vld [tilespmem:$0x1FED0]  }
0xbc: {  	v3 =	vadd.f32 v8, v3;
	v19 =	vmul.f32 v20, v19;
	v0 =	vadd.f32 v0, v5;
	v5 =	vld [tilespmem:$0x1FE90]  }
0xbd: {  	v2 =	vadd.f32 v26, v2;
	v8 =	vmul.f32 v13, v25;
	v1 =	vadd.f32 v1, v7;
	v7 =	vld [tilespmem:$0x1FEA0]  }
0xbe: {  	v13 =	vld [tilespmem:$0x1FE70];
	v14 =	vmul.f32 v16, v14  }
0xbf: {  	v2 =	vadd.f32 v19, v2;
	v3 =	vadd.f32 v8, v3;
	v8 =	vmul.f32 v9, v24;
	v9 =	vld [tilespmem:$0x1FFF0]  }
0xc0: {  	v11 =	vmul.f32 v12, v11;
	v12 =	vld [tilespmem:$0x1FFD0]  }
0xc1: {  	v2 =	vadd.f32 v14, v2;
	v3 =	vadd.f32 v8, v3;
	v8 =	vmul.f32 v10, v15;
	v10 =	vld [tilespmem:$0x1FFE0]  }
0xc2: {  	v5 =	vmul.f32 v7, v5;
	v7 =	vld [tilespmem:$0x1FFB0]  }
0xc3: {  	v2 =	vadd.f32 v11, v2;
	v11 =	vld [tilespmem:$0x1FE60]  }
0xc4: {  	v4 =	vld.idx.msk [tilespmem:v4+s1+$0x0], $0xffff  }
0xc5: {  	v6 =	vld.idx.msk [tilespmem:v6+s1+$0x0], $0xffff  }
0xc6: {  	v2 =	vadd.f32 v5, v2;
	v5 =	vld [tilespmem:$0x1FFC0]  }
0xc7: {  	v9 =	vld.idx.msk [tilespmem:v9+s1+$0x0], $0xffff  }
0xc8: {  	v11 =	vmul.f32 v13, v11;
	v13 =	vld [tilespmem:$0x1FF90]  }
0xc9: {  	v12 =	vld.idx.msk [tilespmem:v12+s1+$0x0], $0xffff  }
0xca: {  	v10 =	vld.idx.msk [tilespmem:v10+s1+$0x0], $0xffff  }
0xcb: {  	v7 =	vld.idx.msk [tilespmem:v7+s1+$0x0], $0xffff  }
0xcc: {  	v4 =	vmul.f32 v6, v4;
	v3 =	vadd.f32 v8, v3;
	_ =	sdelay $0x1  }
0xcd: {  	v3 =	vadd.f32 v4, v3;
	v2 =	vadd.f32 v11, v2;
	v11 =	vld [tilespmem:$0x1FC40];
	v4 =	vmul.f32 v9, v12  }
0xce: {  	v0 =	vadd.f32 v51, v0;
	v5 =	vld.idx.msk [tilespmem:v5+s1+$0x0], $0xffff  }
0xcf: {  	v3 =	vadd.f32 v4, v3;
	v4 =	vmul.f32 v10, v7;
	v7 =	vld [tilespmem:$0x1FC50]  }
0xd0: {  	v0 =	vadd.f32 v49, v0;
	v13 =	vld.idx.msk [tilespmem:v13+s1+$0x0], $0xffff;
	_ =	sdelay $0x1  }
0xd1: {  	v6 =	vld [tilespmem:$0x1FE00];
	v0 =	vadd.f32 v11, v0  }
0xd2: {  	v1 =	vadd.f32 v52, v1;
	v8 =	vld [tilespmem:$0x1FE10]  }
0xd3: {  	v0 =	vadd.f32 v7, v0;
	v7 =	vld [tilespmem:$0x1FC60]  }
0xd4: {  	v1 =	vadd.f32 v45, v1;
	v3 =	vadd.f32 v4, v3;
	v4 =	vmul.f32 v5, v13;
	v5 =	vld [tilespmem:$0x1FC70]  }
0xd5: {  	v12 =	vld [tilespmem:$0x1FDB0]  }
0xd6: {  	v1 =	vadd.f32 v46, v1;
	v11 =	vld [tilespmem:$0x1FDA0]  }
0xd7: {  	v10 =	vld [tilespmem:$0x1FD50]  }
0xd8: {  	v1 =	vadd.f32 v7, v1;
	v7 =	vld [tilespmem:$0x1FD40]  }
0xd9: {  	v0 =	vadd.f32 v5, v0;
	v5 =	vld [tilespmem:$0x1FC80]  }
0xda: {  	v6 =	vmul.f32 v8, v6;
	v8 =	vld [tilespmem:$0x1FF70]  }
0xdb: {  	v9 =	vld [tilespmem:$0x1FFA0]  }
0xdc: {  	v2 =	vadd.f32 v6, v2;
	v11 =	vmul.f32 v12, v11  }
0xdd: {  	v6 =	vld [tilespmem:$0x1FF80]  }
0xde: {  	v2 =	vadd.f32 v11, v2;
	v7 =	vmul.f32 v10, v7;
	v1 =	vadd.f32 v5, v1;
	v5 =	vld [tilespmem:$0x1FD00]  }
0xdf: {  	v10 =	vld [tilespmem:$0x1FCF0]  }
0xe0: {  	v2 =	vadd.f32 v7, v2;
	v7 =	vld [tilespmem:$0x1FC90]  }
0xe1: {  	v12 =	vld [tilespmem:$0x1FF60]  }
0xe2: {  	v8 =	vld.idx.msk [tilespmem:v8+s1+$0x0], $0xffff  }
0xe3: {  	v9 =	vld.idx.msk [tilespmem:v9+s1+$0x0], $0xffff;
	_ =	sdelay $0x1  }
0xe4: {  	v5 =	vmul.f32 v5, v10;
	v0 =	vadd.f32 v7, v0;
	v7 =	vld [tilespmem:$0x1FCA0]  }
0xe5: {  	v6 =	vld.idx.msk [tilespmem:v6+s1+$0x0], $0xffff  }
0xe6: {  	v2 =	vadd.f32 v5, v2;
	v5 =	vld [tilespmem:$0x1FCC0]  }
0xe7: {  	v3 =	vadd.f32 v4, v3;
	v4 =	vmul.f32 v9, v8;
	v8 =	vld [tilespmem:$0x1FCB0]  }
0xe8: {  	v12 =	vld.idx.msk [tilespmem:v12+s1+$0x0], $0xffff  }
0xe9: {  	v1 =	vadd.f32 v7, v1;
	v7 =	vld [tilespmem:$0x1FCE0];
	_ =	sdelay $0x1  }
0xea: {  	v0 =	vadd.f32 v5, v0;
	v5 =	vld [tilespmem:$0x1FCD0];
	_ =	sdelay $0x1  }
0xeb: {  	v3 =	vadd.f32 v4, v3;
	v4 =	vmul.f32 v6, v12  }
0xec: {  	v7 =	vmul.f32 v8, v7  }
0xed: {  	v3 =	vadd.f32 v4, v3  }
0xee: {  	v1 =	vadd.f32 v5, v1;
	v2 =	vadd.f32 v7, v2;
	_ =	sdelay $0x1  }
0xef: {  	v0 =	vadd.f32 v1, v0;
	v1 =	vadd.f32 v3, v2;
	_ =	sdelay $0x1  }
0xf0: {  	v0 =	vadd.f32 v1, v0;
	_ =	sdelay $0x1  }
0xf1: {  	v0 =	vsub.f32 $0.0e+00, v0;
	_ =	sdelay $0x1  }
0xf2: {  	v0 =	vmul.f32 $1.442695020e+00, v0;
	_ =	sdelay $0x1  }
0xf3: {  	(erf) = vpow2.f32 v0;
	_ =	sdelay $0x8  }
0xf4: {  	v0 =	vpop (erf)  }
0xf5: {  	v0 =	vadd.f32 $1.000000000e+00, v0;
	_ =	sdelay $0x1  }
0xf6: {  	s15 =	sshra.s32 s14, $0x2;
	(erf) = vrcp.f32 v0  }
0xf7: {  	v11 =	vld [tilespmem:s15+$0xE000];
	_ =	sdelay $0x4  }
0xf8: {  	v10 =	vld [tilespmem:s15+$0xE200];
	v0 =	vadd.s32 $0xD200, v11;
	_ =	sdelay $0x2  }
0xf9: {  	v4 =	vpop (erf)  }
0xfa: {  	[tilespmem:s13+$0xE400] =	vst v4  }
0xfb: {  	v50 =	vld.idx.msk [tilespmem:v0+s1+$0x0], $0xffff;
	v0 =	vadd.s32 $0xD900, v10;
	_ =	sdelay $0x4  }
0xfc: {  	v62 =	vld.idx.msk [tilespmem:v0+s1+$0x0], $0xffff;
	v0 =	vadd.s32 $0xCB00, v10;
	_ =	sdelay $0x3  }
0xfd: {  	v4 =	vadd.s32 $0xC400, v11  }
0xfe: {  	v0 =	vld.idx.msk [tilespmem:v0+s1+$0x0], $0xffff;
	_ =	sdelay $0x3  }
0xff: {  	v56 =	vld.idx.msk [tilespmem:v4+s1+$0x0], $0xffff;
	v4 =	vadd.s32 $0xB600, v11  }
0x100: {  	[tilespmem:$0x1FD00] =	vst v0;
	v0 =	vadd.s32 $0xBD00, v10;
	_ =	sdelay $0x3  }
0x101: {  	v60 =	vld.idx.msk [tilespmem:v4+s1+$0x0], $0xffff  }
0x102: {  	v4 =	vadd.s32 $0xA800, v11;
	v0 =	vld.idx.msk [tilespmem:v0+s1+$0x0], $0xffff;
	_ =	sdelay $0x2  }
0x103: {  	v5 =	vadd.s32 $0xD900, v11;
	_ =	sdelay $0x1  }
0x104: {  	[tilespmem:$0x1FD50] =	vst v0;
	v0 =	vld.idx.msk [tilespmem:v4+s1+$0x0], $0xffff;
	_ =	sdelay $0x2  }
0x105: {  	v5 =	vld.idx.msk [tilespmem:v5+s1+$0x0], $0xffff;
	_ =	sdelay $0x1  }
0x106: {  	[tilespmem:$0x1FD60] =	vst v0;
	v0 =	vadd.s32 $0xAF00, v10;
	_ =	sdelay $0x2  }
0x107: {  	[tilespmem:$0x1FCE0] =	vst v5;
	v5 =	vadd.s32 $0xCB00, v11;
	_ =	sdelay $0x1  }
0x108: {  	v4 =	vadd.s32 $0x9A00, v11;
	v0 =	vld.idx.msk [tilespmem:v0+s1+$0x0], $0xffff;
	_ =	sdelay $0x2  }
0x109: {  	v5 =	vld.idx.msk [tilespmem:v5+s1+$0x0], $0xffff;
	_ =	sdelay $0x1  }
0x10a: {  	[tilespmem:$0x1FDB0] =	vst v0;
	v0 =	vld.idx.msk [tilespmem:v4+s1+$0x0], $0xffff;
	_ =	sdelay $0x2  }
0x10b: {  	[tilespmem:$0x1FCF0] =	vst v5;
	v5 =	vadd.s32 $0xBD00, v11;
	_ =	sdelay $0x1  }
0x10c: {  	[tilespmem:$0x1FDC0] =	vst v0;
	v0 =	vadd.s32 $0xA100, v10;
	_ =	sdelay $0x2  }
0x10d: {  	v5 =	vld.idx.msk [tilespmem:v5+s1+$0x0], $0xffff;
	_ =	sdelay $0x1  }
0x10e: {  	v4 =	vadd.s32 $0x8C00, v11;
	v0 =	vld.idx.msk [tilespmem:v0+s1+$0x0], $0xffff;
	_ =	sdelay $0x2  }
0x10f: {  	[tilespmem:$0x1FD40] =	vst v5;
	v5 =	vadd.s32 $0xAF00, v11;
	_ =	sdelay $0x1  }
0x110: {  	[tilespmem:$0x1FE10] =	vst v0;
	v0 =	vld.idx.msk [tilespmem:v4+s1+$0x0], $0xffff;
	_ =	sdelay $0x2  }
0x111: {  	v5 =	vld.idx.msk [tilespmem:v5+s1+$0x0], $0xffff  }
0x112: {  	v1 =	vadd.s32 $0xD200, v10  }
0x113: {  	[tilespmem:$0x1FE20] =	vst v0;
	v0 =	vadd.s32 $0x9300, v10  }
0x114: {  	v2 =	vadd.s32 $0xD580, v11  }
0x115: {  	v3 =	vadd.s32 $0xD580, v10  }
0x116: {  	[tilespmem:$0x1FDA0] =	vst v5;
	v5 =	vadd.s32 $0xA100, v11  }
0x117: {  	v7 =	vadd.s32 $0x6200, v10;
	v51 =	vld.idx.msk [tilespmem:v1+s1+$0x0], $0xffff  }
0x118: {  	v8 =	vadd.s32 $0x6580, v11;
	v0 =	vld.idx.msk [tilespmem:v0+s1+$0x0], $0xffff  }
0x119: {  	v9 =	vadd.s32 $0x6580, v10;
	v54 =	vld.idx.msk [tilespmem:v2+s1+$0x0], $0xffff  }
0x11a: {  	v12 =	vadd.s32 $0x6900, v11;
	v55 =	vld.idx.msk [tilespmem:v3+s1+$0x0], $0xffff  }
0x11b: {  	v13 =	vadd.s32 $0x5400, v10;
	v5 =	vld.idx.msk [tilespmem:v5+s1+$0x0], $0xffff  }
0x11c: {  	v7 =	vld.idx.msk [tilespmem:v7+s1+$0x0], $0xffff;
	v4 =	vadd.s32 $0x7E00, v11  }
0x11d: {  	v8 =	vld.idx.msk [tilespmem:v8+s1+$0x0], $0xffff;
	[tilespmem:$0x1FE70] =	vst v0;
	v0 =	vadd.s32 $0x8500, v10  }
0x11e: {  	v1 =	vadd.s32 $0xC400, v10;
	v9 =	vld.idx.msk [tilespmem:v9+s1+$0x0], $0xffff  }
0x11f: {  	v3 =	vadd.s32 $0xC780, v10;
	v12 =	vld.idx.msk [tilespmem:v12+s1+$0x0], $0xffff  }
0x120: {  	v16 =	vld.idx.msk [tilespmem:v13+s1+$0x0], $0xffff;
	[tilespmem:$0x1FE00] =	vst v5;
	v5 =	vadd.s32 $0x9300, v11  }
0x121: {  	v2 =	vadd.s32 $0xC780, v11;
	v61 =	vld.idx.msk [tilespmem:v4+s1+$0x0], $0xffff  }
0x122: {  	v4 =	vadd.s32 $0x7000, v11;
	v0 =	vld.idx.msk [tilespmem:v0+s1+$0x0], $0xffff  }
0x123: {  	v57 =	vld.idx.msk [tilespmem:v1+s1+$0x0], $0xffff;
	v1 =	vadd.s32 $0xB600, v10  }
0x124: {  	v59 =	vld.idx.msk [tilespmem:v3+s1+$0x0], $0xffff;
	v3 =	vadd.s32 $0xB980, v10  }
0x125: {  	v14 =	vadd.s32 $0x5780, v11;
	v5 =	vld.idx.msk [tilespmem:v5+s1+$0x0], $0xffff  }
0x126: {  	v15 =	vadd.s32 $0x5780, v10;
	v58 =	vld.idx.msk [tilespmem:v2+s1+$0x0], $0xffff  }
0x127: {  	[tilespmem:$0x1FEA0] =	vst v0;
	v0 =	vld.idx.msk [tilespmem:v4+s1+$0x0], $0xffff;
	v4 =	vadd.s32 $0x7700, v10  }
0x128: {  	v2 =	vadd.s32 $0xB980, v11;
	v1 =	vld.idx.msk [tilespmem:v1+s1+$0x0], $0xffff  }
0x129: {  	v17 =	vadd.s32 $0x5B00, v11;
	v3 =	vld.idx.msk [tilespmem:v3+s1+$0x0], $0xffff  }
0x12a: {  	v18 =	vld.idx.msk [tilespmem:v14+s1+$0x0], $0xffff;
	[tilespmem:$0x1FE60] =	vst v5;
	v5 =	vadd.s32 $0x8500, v11  }
0x12b: {  	v21 =	vadd.s32 $0x1C00, v10;
	v19 =	vld.idx.msk [tilespmem:v15+s1+$0x0], $0xffff  }
0x12c: {  	v24 =	vadd.s32 $0x1F80, v11;
	v4 =	vld.idx.msk [tilespmem:v4+s1+$0x0], $0xffff  }
0x12d: {  	v2 =	vld.idx.msk [tilespmem:v2+s1+$0x0], $0xffff;
	[tilespmem:$0x1FD10] =	vst v1;
	v1 =	vadd.s32 $0xA800, v10  }
0x12e: {  	v17 =	vld.idx.msk [tilespmem:v17+s1+$0x0], $0xffff;
	[tilespmem:$0x1FD30] =	vst v3;
	v3 =	vadd.s32 $0xAB80, v10  }
0x12f: {  	v29 =	vadd.s32 $0x1180, v11;
	v5 =	vld.idx.msk [tilespmem:v5+s1+$0x0], $0xffff  }
0x130: {  	v13 =	vadd.s32 $0x4600, v10;
	v40 =	vld.idx.msk [tilespmem:v21+s1+$0x0], $0xffff  }
0x131: {  	v41 =	vld.idx.msk [tilespmem:v24+s1+$0x0], $0xffff;
	[tilespmem:$0x1FED0] =	vst v4;
	v4 =	vadd.s32 $0x6900, v10  }
0x132: {  	[tilespmem:$0x1FD20] =	vst v2;
	v2 =	vadd.s32 $0xAB80, v11;
	v1 =	vld.idx.msk [tilespmem:v1+s1+$0x0], $0xffff  }
0x133: {  	v14 =	vadd.s32 $0x4980, v11;
	v3 =	vld.idx.msk [tilespmem:v3+s1+$0x0], $0xffff  }
0x134: {  	v21 =	vadd.s32 $0xCE80, v11;
	v47 =	vld.idx.msk [tilespmem:v29+s1+$0x0], $0xffff;
	[tilespmem:$0x1FE90] =	vst v5;
	v5 =	vadd.s32 $0x7700, v11  }
0x135: {  	v15 =	vadd.s32 $0x4980, v10;
	[tilespmem:$0x1FF70] =	vst v21;
	v21 =	vadd.s32 $0xDC80, v10;
	v22 =	vld.idx.msk [tilespmem:v13+s1+$0x0], $0xffff  }
0x136: {  	[tilespmem:$0x1FF80] =	vst v21;
	v21 =	vadd.s32 $0xE00, v10;
	v4 =	vld.idx.msk [tilespmem:v4+s1+$0x0], $0xffff  }
0x137: {  	v2 =	vld.idx.msk [tilespmem:v2+s1+$0x0], $0xffff;
	[tilespmem:$0x1FD70] =	vst v1;
	v1 =	vadd.s32 $0x9A00, v10  }
0x138: {  	v23 =	vld.idx.msk [tilespmem:v14+s1+$0x0], $0xffff;
	[tilespmem:$0x1FD90] =	vst v3;
	v3 =	vadd.s32 $0x9D80, v10  }
0x139: {  	v6 =	vadd.s32 $0x6200, v11;
	v5 =	vld.idx.msk [tilespmem:v5+s1+$0x0], $0xffff  }
0x13a: {  	[tilespmem:$0x1FF00] =	vst v17;
	v17 =	vadd.s32 $0x4D00, v11;
	v25 =	vld.idx.msk [tilespmem:v15+s1+$0x0], $0xffff  }
0x13b: {  	v44 =	vld.idx.msk [tilespmem:v21+s1+$0x0], $0xffff;
	[tilespmem:$0x1FEF0] =	vst v4;
	v4 =	vadd.s32 $0x5B00, v10  }
0x13c: {  	[tilespmem:$0x1FD80] =	vst v2;
	v2 =	vadd.s32 $0x9D80, v11;
	v1 =	vld.idx.msk [tilespmem:v1+s1+$0x0], $0xffff  }
0x13d: {  	v13 =	vadd.s32 $0x3800, v10;
	v3 =	vld.idx.msk [tilespmem:v3+s1+$0x0], $0xffff  }
0x13e: {  	[tilespmem:$0x1FEC0] =	vst v5;
	v5 =	vld.idx.msk [tilespmem:v6+s1+$0x0], $0xffff;
	v6 =	vadd.s32 $0x5400, v11  }
0x13f: {  	v15 =	vadd.s32 $0x3B80, v10;
	v17 =	vld.idx.msk [tilespmem:v17+s1+$0x0], $0xffff  }
0x140: {  	v14 =	vadd.s32 $0x3B80, v11;
	v4 =	vld.idx.msk [tilespmem:v4+s1+$0x0], $0xffff  }
0x141: {  	v2 =	vld.idx.msk [tilespmem:v2+s1+$0x0], $0xffff;
	[tilespmem:$0x1FDD0] =	vst v1;
	v1 =	vadd.s32 $0x8C00, v10  }
0x142: {  	v27 =	vld.idx.msk [tilespmem:v13+s1+$0x0], $0xffff;
	[tilespmem:$0x1FDF0] =	vst v3;
	v3 =	vadd.s32 $0x8F80, v10  }
0x143: {  	[tilespmem:$0x1FEE0] =	vst v12;
	v12 =	vld.idx.msk [tilespmem:v6+s1+$0x0], $0xffff;
	v6 =	vadd.s32 $0x4600, v11  }
0x144: {  	v30 =	vld.idx.msk [tilespmem:v15+s1+$0x0], $0xffff;
	v15 =	vadd.s32 $0x2D80, v10  }
0x145: {  	v28 =	vld.idx.msk [tilespmem:v14+s1+$0x0], $0xffff;
	[tilespmem:$0x1FF10] =	vst v4;
	v4 =	vadd.s32 $0x4D00, v10  }
0x146: {  	[tilespmem:$0x1FDE0] =	vst v2;
	v2 =	vadd.s32 $0x8F80, v11;
	v1 =	vld.idx.msk [tilespmem:v1+s1+$0x0], $0xffff  }
0x147: {  	v13 =	vadd.s32 $0x2A00, v10;
	v3 =	vld.idx.msk [tilespmem:v3+s1+$0x0], $0xffff  }
0x148: {  	v20 =	vld.idx.msk [tilespmem:v6+s1+$0x0], $0xffff;
	v6 =	vadd.s32 $0x3800, v11  }
0x149: {  	v14 =	vadd.s32 $0x2D80, v11;
	v38 =	vld.idx.msk [tilespmem:v15+s1+$0x0], $0xffff  }
0x14a: {  	[tilespmem:$0x1FF20] =	vst v17;
	v17 =	vadd.s32 $0x3F00, v11;
	v4 =	vld.idx.msk [tilespmem:v4+s1+$0x0], $0xffff  }
0x14b: {  	v15 =	vadd.s32 $0x1F80, v10;
	v2 =	vld.idx.msk [tilespmem:v2+s1+$0x0], $0xffff  }
0x14c: {  	v34 =	vld.idx.msk [tilespmem:v13+s1+$0x0], $0xffff;
	[tilespmem:$0x1FE50] =	vst v3;
	v3 =	vadd.s32 $0x8180, v10  }
0x14d: {  	[tilespmem:$0x1FE30] =	vst v1;
	v26 =	vld.idx.msk [tilespmem:v6+s1+$0x0], $0xffff;
	v6 =	vadd.s32 $0x2A00, v11  }
0x14e: {  	v36 =	vld.idx.msk [tilespmem:v14+s1+$0x0], $0xffff;
	v1 =	vadd.s32 $0x7E00, v10;
	[tilespmem:$0x1FEB0] =	vst v0  }
0x14f: {  	v0 =	vld.idx.msk [tilespmem:v17+s1+$0x0], $0xffff;
	[tilespmem:$0x1FF30] =	vst v4;
	v4 =	vadd.s32 $0x3F00, v10  }
0x150: {  	v42 =	vld.idx.msk [tilespmem:v15+s1+$0x0], $0xffff;
	[tilespmem:$0x1FE40] =	vst v2;
	v2 =	vadd.s32 $0x8180, v11  }
0x151: {  	v3 =	vld.idx.msk [tilespmem:v3+s1+$0x0], $0xffff;
	v17 =	vadd.s32 $0x3100, v11  }
0x152: {  	v33 =	vld.idx.msk [tilespmem:v6+s1+$0x0], $0xffff;
	v6 =	vadd.s32 $0x1C00, v11  }
0x153: {  	v63 =	vld.idx.msk [tilespmem:v1+s1+$0x0], $0xffff;
	v1 =	vadd.s32 $0x7000, v10  }
0x154: {  	v24 =	vadd.s32 $0xC080, v11;
	[tilespmem:$0x1FF40] =	vst v0;
	v0 =	vld.idx.msk [tilespmem:v4+s1+$0x0], $0xffff;
	v4 =	vadd.s32 $0x3100, v10  }
0x155: {  	[tilespmem:$0x1FF90] =	vst v24;
	v52 =	vld.idx.msk [tilespmem:v2+s1+$0x0], $0xffff;
	v2 =	vadd.s32 $0x7380, v11  }
0x156: {  	v24 =	vadd.s32 $0xCE80, v10;
	[tilespmem:$0x1FE80] =	vst v3;
	v3 =	vadd.s32 $0x7380, v10;
	v13 =	vld.idx.msk [tilespmem:v17+s1+$0x0], $0xffff  }
0x157: {  	[tilespmem:$0x1FFA0] =	vst v24;
	v17 =	vadd.s32 $0x2300, v11;
	v39 =	vld.idx.msk [tilespmem:v6+s1+$0x0], $0xffff;
	v6 =	vadd.s32 $0xDC80, v11  }
0x158: {  	v15 =	vadd.s32 $0xB280, v11;
	v1 =	vld.idx.msk [tilespmem:v1+s1+$0x0], $0xffff;
	[tilespmem:$0x1FF60] =	vst v6;
	v6 =	vadd.s32 $0xE00, v11  }
0x159: {  	p0 =	sne.s32 s14, $0x7C0;
	[tilespmem:$0x1FFB0] =	vst v15;
	v15 =	vadd.s32 $0xC080, v10;
	v14 =	vld.idx.msk [tilespmem:v4+s1+$0x0], $0xffff;
	v4 =	vadd.s32 $0x2300, v10  }
.Ltmp0:
0x15a: {  	v46 =	vadd.s32 $0x1500, v11;
	v37 =	vadd.s32 $0x5E80, v11;
	[tilespmem:$0x1FFC0] =	vst v15;
	v15 =	vadd.s32 $0xB280, v10;
	v2 =	vld.idx.msk [tilespmem:v2+s1+$0x0], $0xffff;
	(pc) =	sbr.rel @p0 .LBB2_2-.Ltmp0, $4  }
0x15b: {  	v31 =	vadd.s32 $0x6C80, v11;
	v45 =	vadd.s32 $0x1180, v10;
	v48 =	vadd.s32 $0x1500, v10;
	[tilespmem:$0x1FFE0] =	vst v15;
	v3 =	vld.idx.msk [tilespmem:v3+s1+$0x0], $0xffff  }
0x15c: {  	v29 =	vadd.s32 $0x6C80, v10;
	v24 =	vadd.s32 $0x7A80, v11;
	v32 =	vld.idx.msk [tilespmem:v17+s1+$0x0], $0xffff;
	[tilespmem:$0x1FF50] =	vst v0;
	v0 =	vadd.s32 $0xA480, v11  }
0x15d: {  	v21 =	vadd.s32 $0x7A80, v10;
	v15 =	vadd.s32 $0x8880, v11;
	v43 =	vld.idx.msk [tilespmem:v6+s1+$0x0], $0xffff;
	[tilespmem:$0x1FFD0] =	vst v0;
	v0 =	vadd.s32 $0xA480, v10  }
0x15e: {  	s14 =	sadd.s32 $0x40, s14;
	s13 =	smov.u32 s15;
	v17 =	vadd.s32 $0x8880, v10;
	v6 =	vadd.s32 $0x9680, v10;
	[tilespmem:$0x1FFF0] =	vst v0;
	v35 =	vld.idx.msk [tilespmem:v4+s1+$0x0], $0xffff;
	v4 =	vadd.s32 $0x9680, v11  }
0x15f: {  	_ =	sdelay $0x3  }
0x160: {  	v0 =	vmul.f32 v51, v50;
	v51 =	vld.idx.msk [tilespmem:v45+s1+$0x0], $0xffff  }
0x161: {  	v58 =	vmul.f32 v59, v58;
	v59 =	vld [tilespmem:$0x1FD10]  }
0x162: {  	v55 =	vmul.f32 v55, v54;
	v54 =	vld.idx.msk [tilespmem:v46+s1+$0x0], $0xffff  }
0x163: {  	v57 =	vmul.f32 v57, v56;
	v56 =	vld [tilespmem:$0x1FD30]  }
0x164: {  	v48 =	vld.idx.msk [tilespmem:v48+s1+$0x0], $0xffff  }
0x165: {  	v8 =	vmul.f32 v9, v8;
	v9 =	vmul.f32 v16, v12;
	v12 =	vld.idx.msk [tilespmem:v10+s1+$0x0], $0xffff  }
0x166: {  	v16 =	vmul.f32 v19, v18;
	[tilespmem:$0x1FC20] =	vst v0;
	v0 =	vld [tilespmem:$0x1FD20]  }
0x167: {  	v18 =	vmul.f32 v22, v20;
	v22 =	vmul.f32 v25, v23;
	[tilespmem:$0x1FC10] =	vst v58;
	v58 =	vld [tilespmem:$0x1FD60]  }
0x168: {  	v23 =	vmul.f32 v27, v26;
	v60 =	vmul.f32 v59, v60;
	v59 =	vld [tilespmem:$0x1FD70]  }
0x169: {  	v27 =	vmul.f32 v30, v28;
	v28 =	vmul.f32 v34, v33;
	v4 =	vld.idx.msk [tilespmem:v4+s1+$0x0], $0xffff  }
0x16a: {  	v34 =	vmul.f32 v38, v36;
	v36 =	vmul.f32 v40, v39;
	v6 =	vld.idx.msk [tilespmem:v6+s1+$0x0], $0xffff  }
0x16b: {  	[tilespmem:$0x1FC00] =	vst v57;
	v40 =	vmul.f32 v44, v43;
	v43 =	vld.idx.msk [tilespmem:v31+s1+$0x0], $0xffff;
	v57 =	vmul.f32 v56, v0  }
0x16c: {  	[tilespmem:$0x1FBE0] =	vst v60;
	v0 =	vld [tilespmem:$0x1FD80]  }
0x16d: {  	v49 =	vadd.s32 $0x380, v11;
	[tilespmem:$0x1FBF0] =	vst v57;
	v57 =	vld [tilespmem:$0x1FD90];
	v60 =	vmul.f32 v59, v58  }
0x16e: {  	v59 =	vld [tilespmem:$0x1FDC0]  }
0x16f: {  	[tilespmem:$0x1FBC0] =	vst v60;
	v60 =	vld [tilespmem:$0x1FDD0]  }
0x170: {  	v50 =	vadd.s32 $0x380, v10;
	v44 =	vld [tilespmem:$0x1FF20]  }
0x171: {  	v53 =	vadd.s32 $0x700, v11;
	v31 =	vld [tilespmem:$0x1FFB0]  }
0x172: {  	v49 =	vld.idx.msk [tilespmem:v49+s1+$0x0], $0xffff  }
0x173: {  	v26 =	vadd.s32 $0x2680, v10;
	v58 =	vmul.f32 v57, v0;
	v0 =	vld [tilespmem:$0x1FDE0]  }
0x174: {  	v45 =	vmul.f32 v60, v59;
	v60 =	vld [tilespmem:$0x1FDF0]  }
0x175: {  	v50 =	vld.idx.msk [tilespmem:v50+s1+$0x0], $0xffff  }
0x176: {  	v39 =	vmul.f32 v42, v41;
	v41 =	vadd.s32 $0x4280, v11;
	v53 =	vld.idx.msk [tilespmem:v53+s1+$0x0], $0xffff  }
0x177: {  	v59 =	vmul.f32 v63, v61;
	v61 =	vld [tilespmem:$0x1FE80]  }
0x178: {  	v26 =	vld.idx.msk [tilespmem:v26+s1+$0x0], $0xffff  }
0x179: {  	v56 =	vadd.s32 $0xA80, v11;
	v46 =	vmul.f32 v60, v0;
	v0 =	vld [tilespmem:$0x1FE20]  }
0x17a: {  	v60 =	vld [tilespmem:$0x1FE30]  }
0x17b: {  	v41 =	vld.idx.msk [tilespmem:v41+s1+$0x0], $0xffff  }
0x17c: {  	v2 =	vmul.f32 v3, v2;
	v52 =	vmul.f32 v61, v52;
	v61 =	vld.idx.msk [tilespmem:v11+s1+$0x0], $0xffff  }
0x17d: {  	v3 =	vmul.f32 v7, v5;
	v7 =	vadd.s32 $0x1880, v10;
	v42 =	vmul.f32 v51, v47;
	v47 =	vld [tilespmem:$0x1FF30]  }
0x17e: {  	v5 =	vld.idx.msk [tilespmem:v56+s1+$0x0], $0xffff;
	v56 =	vadd.s32 $0x3480, v11  }
0x17f: {  	v57 =	vmul.f32 v60, v0;
	v0 =	vld [tilespmem:$0x1FE40]  }
0x180: {  	v60 =	vld [tilespmem:$0x1FE50]  }
0x181: {  	[tilespmem:$0x1FC30] =	vst v55;
	v55 =	vadd.s32 $0x700, v10;
	v63 =	vld [tilespmem:$0x1FEB0];
	v12 =	vmul.f32 v12, v61  }
0x182: {  	v7 =	vld.idx.msk [tilespmem:v7+s1+$0x0], $0xffff;
	v50 =	vmul.f32 v50, v49  }
0x183: {  	v51 =	vadd.s32 $0x5080, v11;
	v33 =	vld.idx.msk [tilespmem:v56+s1+$0x0], $0xffff;
	v12 =	vadd.f32 $0.0e+00, v12  }
0x184: {  	v56 =	vadd.f32 $0.0e+00, v50;
	v50 =	vld.idx.msk [tilespmem:v24+s1+$0x0], $0xffff  }
0x185: {  	[tilespmem:$0x1FBD0] =	vst v58;
	v24 =	vld [tilespmem:$0x1FED0];
	v12 =	vadd.f32 v40, v12;
	v58 =	vmul.f32 v60, v0;
	v60 =	vadd.s32 $0xA80, v10  }
0x186: {  	v0 =	vmul.f32 v1, v63;
	v1 =	vld.idx.msk [tilespmem:v55+s1+$0x0], $0xffff;
	v55 =	vadd.s32 $0x1880, v11  }
0x187: {  	v40 =	vld [tilespmem:$0x1FF50];
	v63 =	vadd.s32 $0x2680, v11;
	v12 =	vadd.f32 v36, v12  }
0x188: {  	v11 =	vld.idx.msk [tilespmem:v51+s1+$0x0], $0xffff  }
0x189: {  	v12 =	vadd.f32 v28, v12;
	v28 =	vld [tilespmem:$0x1FEA0]  }
0x18a: {  	v25 =	vld.idx.msk [tilespmem:v60+s1+$0x0], $0xffff  }
0x18b: {  	v55 =	vld.idx.msk [tilespmem:v55+s1+$0x0], $0xffff  }
0x18c: {  	v60 =	vadd.s32 $0x3480, v10;
	v61 =	vld.idx.msk [tilespmem:v63+s1+$0x0], $0xffff;
	v1 =	vmul.f32 v1, v53  }
0x18d: {  	v63 =	vadd.s32 $0x4280, v10;
	v53 =	vmul.f32 v48, v54;
	v48 =	vld.idx.msk [tilespmem:v29+s1+$0x0], $0xffff  }
0x18e: {  	v54 =	vadd.s32 $0x5080, v10;
	v12 =	vadd.f32 v23, v12;
	v23 =	vld [tilespmem:$0x1FEC0];
	v1 =	vadd.f32 $0.0e+00, v1  }
0x18f: {  	v29 =	vld [tilespmem:$0x1FFF0]  }
0x190: {  	v1 =	vadd.f32 v53, v1;
	v53 =	vld [tilespmem:$0x1FF00]  }
0x191: {  	v7 =	vmul.f32 v7, v55;
	v55 =	vld.idx.msk [tilespmem:v60+s1+$0x0], $0xffff  }
0x192: {  	v38 =	vadd.f32 v42, v56;
	v20 =	vld.idx.msk [tilespmem:v63+s1+$0x0], $0xffff  }
0x193: {  	v32 =	vmul.f32 v35, v32;
	v35 =	vld.idx.msk [tilespmem:v54+s1+$0x0], $0xffff  }
0x194: {  	v63 =	vadd.f32 v39, v38;
	v38 =	vld.idx.msk [tilespmem:v37+s1+$0x0], $0xffff  }
0x195: {  	v39 =	vld [tilespmem:$0x1FF40]  }
0x196: {  	v54 =	vld [tilespmem:$0x1FF10]  }
0x197: {  	v60 =	vadd.s32 $0x5E80, v10;
	v37 =	vld [tilespmem:$0x1FE00]  }
0x198: {  	v1 =	vadd.f32 v32, v1;
	v32 =	vld [tilespmem:$0x1FE60]  }
0x199: {  	v19 =	vadd.f32 v34, v63;
	v63 =	vld [tilespmem:$0x1FEE0]  }
0x19a: {  	v34 =	vld [tilespmem:$0x1FFE0]  }
0x19b: {  	v19 =	vadd.f32 v27, v19;
	v27 =	vld [tilespmem:$0x1FE90]  }
0x19c: {  	v10 =	vld.idx.msk [tilespmem:v60+s1+$0x0], $0xffff  }
0x19d: {  	v36 =	vmul.f32 v55, v33;
	v55 =	vld.idx.msk [tilespmem:v21+s1+$0x0], $0xffff  }
0x19e: {  	v60 =	vld.idx.msk [tilespmem:v15+s1+$0x0], $0xffff  }
0x19f: {  	v12 =	vadd.f32 v18, v12;
	v21 =	vld.idx.msk [tilespmem:v17+s1+$0x0], $0xffff  }
0x1a0: {  	v33 =	vld [tilespmem:$0x1FE70]  }
0x1a1: {  	v9 =	vadd.f32 v9, v12;
	v61 =	vmul.f32 v26, v61;
	v26 =	vmul.f32 v40, v39;
	v39 =	vld [tilespmem:$0x1FFC0]  }
0x1a2: {  	v42 =	vmul.f32 v20, v41;
	v41 =	vld [tilespmem:$0x1FF70]  }
0x1a3: {  	v5 =	vmul.f32 v25, v5;
	v3 =	vadd.f32 v3, v9;
	v20 =	vmul.f32 v47, v44;
	v44 =	vld [tilespmem:$0x1FFA0]  }
0x1a4: {  	v47 =	vld [tilespmem:$0x1FBC0]  }
0x1a5: {  	v5 =	vadd.f32 $0.0e+00, v5;
	v0 =	vadd.f32 v0, v3;
	v18 =	vmul.f32 v54, v53;
	v53 =	vld [tilespmem:$0x1FBE0]  }
0x1a6: {  	v13 =	vmul.f32 v14, v13;
	v54 =	vld [tilespmem:$0x1FBF0]  }
0x1a7: {  	v5 =	vadd.f32 v7, v5;
	v0 =	vadd.f32 v59, v0;
	v59 =	vld [tilespmem:$0x1FC10]  }
0x1a8: {  	v1 =	vadd.f32 v13, v1;
	v51 =	vadd.f32 v22, v19;
	v22 =	vmul.f32 v48, v43;
	v43 =	vld [tilespmem:$0x1FDB0]  }
0x1a9: {  	v5 =	vadd.f32 v61, v5;
	v48 =	vld [tilespmem:$0x1FBD0]  }
0x1aa: {  	v1 =	vadd.f32 v26, v1;
	v26 =	vld [tilespmem:$0x1FFD0]  }
0x1ab: {  	v5 =	vadd.f32 v36, v5;
	v36 =	vld [tilespmem:$0x1FF90]  }
0x1ac: {  	v61 =	vadd.f32 v16, v51;
	v51 =	vld [tilespmem:$0x1FF80]  }
0x1ad: {  	v1 =	vadd.f32 v20, v1;
	v20 =	vld [tilespmem:$0x1FEF0]  }
0x1ae: {  	v12 =	vld.idx.msk [tilespmem:v34+s1+$0x0], $0xffff  }
0x1af: {  	v56 =	vmul.f32 v10, v38;
	v38 =	vld [tilespmem:$0x1FE10]  }
0x1b0: {  	v5 =	vadd.f32 v42, v5;
	v42 =	vld [tilespmem:$0x1FDA0]  }
0x1b1: {  	v8 =	vadd.f32 v8, v61;
	v25 =	vmul.f32 v55, v50;
	v50 =	vld [tilespmem:$0x1FD50]  }
0x1b2: {  	v49 =	vmul.f32 v35, v11;
	v55 =	vld [tilespmem:$0x1FD00]  }
0x1b3: {  	v30 =	vmul.f32 v21, v60;
	v60 =	vld [tilespmem:$0x1FCE0];
	v2 =	vadd.f32 v2, v8  }
0x1b4: {  	v5 =	vadd.f32 v49, v5;
	v8 =	vld.idx.msk [tilespmem:v29+s1+$0x0], $0xffff  }
0x1b5: {  	v49 =	vld [tilespmem:$0x1FD40];
	v2 =	vadd.f32 v52, v2  }
0x1b6: {  	v1 =	vadd.f32 v18, v1;
	v7 =	vld.idx.msk [tilespmem:v39+s1+$0x0], $0xffff;
	v14 =	vmul.f32 v20, v63;
	v5 =	vadd.f32 v56, v5  }
0x1b7: {  	v56 =	vld [tilespmem:$0x1FCF0];
	v2 =	vadd.f32 v58, v2  }
0x1b8: {  	v9 =	vmul.f32 v24, v23;
	v11 =	vld.idx.msk [tilespmem:v26+s1+$0x0], $0xffff;
	v1 =	vadd.f32 v14, v1;
	v5 =	vadd.f32 v22, v5  }
0x1b9: {  	v2 =	vadd.f32 v46, v2;
	v46 =	vld [tilespmem:$0x1FF60]  }
0x1ba: {  	v3 =	vmul.f32 v28, v27;
	v63 =	vld [tilespmem:$0x1FC30];
	v1 =	vadd.f32 v9, v1;
	v5 =	vadd.f32 v25, v5  }
0x1bb: {  	v4 =	vmul.f32 v6, v4;
	v0 =	vadd.f32 v57, v0;
	v9 =	vld.idx.msk [tilespmem:v31+s1+$0x0], $0xffff  }
0x1bc: {  	v10 =	vmul.f32 v33, v32;
	v1 =	vadd.f32 v3, v1;
	v35 =	vadd.f32 v30, v5;
	v5 =	vld.idx.msk [tilespmem:v36+s1+$0x0], $0xffff  }
0x1bd: {  	v0 =	vadd.f32 v45, v0;
	v6 =	vmul.f32 v38, v37;
	v58 =	vld [tilespmem:$0x1FC00]  }
0x1be: {  	v40 =	vmul.f32 v8, v11;
	v8 =	vld.idx.msk [tilespmem:v41+s1+$0x0], $0xffff;
	v1 =	vadd.f32 v10, v1;
	v3 =	vadd.f32 v4, v35  }
0x1bf: {  	v0 =	vadd.f32 v47, v0;
	v11 =	vld.idx.msk [tilespmem:v44+s1+$0x0], $0xffff;
	v10 =	vmul.f32 v43, v42  }
0x1c0: {  	v45 =	vmul.f32 v12, v9;
	v12 =	vld.idx.msk [tilespmem:v51+s1+$0x0], $0xffff;
	v1 =	vadd.f32 v6, v1;
	v3 =	vadd.f32 v40, v3  }
0x1c1: {  	v2 =	vadd.f32 v48, v2;
	v9 =	vmul.f32 v50, v49;
	v52 =	vmul.f32 v7, v5;
	v6 =	vld.idx.msk [tilespmem:v46+s1+$0x0], $0xffff  }
0x1c2: {  	v7 =	vmul.f32 v62, v60;
	v62 =	vld [tilespmem:$0x1FC20];
	v1 =	vadd.f32 v10, v1;
	v3 =	vadd.f32 v45, v3  }
0x1c3: {  	v0 =	vadd.f32 v53, v0;
	v2 =	vadd.f32 v54, v2;
	v5 =	vmul.f32 v55, v56  }
0x1c4: {  	v57 =	vmul.f32 v11, v8;
	v1 =	vadd.f32 v9, v1;
	v3 =	vadd.f32 v52, v3  }
0x1c5: {  	v0 =	vadd.f32 v58, v0;
	v2 =	vadd.f32 v59, v2  }
0x1c6: {  	v1 =	vadd.f32 v5, v1;
	v3 =	vadd.f32 v57, v3;
	v61 =	vmul.f32 v12, v6  }
0x1c7: {  	v2 =	vadd.f32 v63, v2;
	v0 =	vadd.f32 v62, v0  }
0x1c8: {  	v1 =	vadd.f32 v7, v1;
	v3 =	vadd.f32 v61, v3;
	_ =	sdelay $0x1  }
0x1c9: {  	v0 =	vadd.f32 v2, v0;
	v1 =	vadd.f32 v3, v1;
	_ =	sdelay $0x1  }
0x1ca: {  	v0 =	vadd.f32 v1, v0;
	_ =	sdelay $0x1  }
0x1cb: {  	v0 =	vsub.f32 $0.0e+00, v0;
	_ =	sdelay $0x1  }
0x1cc: {  	v0 =	vmul.f32 $1.442695020e+00, v0;
	_ =	sdelay $0x1  }
0x1cd: {  	(erf) = vpow2.f32 v0;
	_ =	sdelay $0x8  }
0x1ce: {  	v0 =	vpop (erf)  }
0x1cf: {  	v0 =	vadd.f32 $1.000000000e+00, v0;
	_ =	sdelay $0x1  }
0x1d0: {  	(erf) = vrcp.f32 v0;
	_ =	sdelay $0x7  }
0x1d1: {  	s12 =	sadd.s32 $0x1, s12  }
0x1d2: {  	p0 =	sne.s32 s12, s7;
	v0 =	vpop (erf)  }
.Ltmp1:
0x1d3: {  	[tilespmem:s13+$0xE400] =	vst v0;
	(pc) =	sbr.rel @p0 .LBB2_1-.Ltmp1, $4  }
0x1d4: {  	[hbm4b:s6+s1] =	stream.linear.scatter [tilespmem:s11], [sflag:$0x1], $0x200, $0x38;
	[tilespmem:$0xE600] =	vst v63  }
0x1d5: {  	_ =	swait.ge [sflag:s8], $0x200  }
0x1d6: {  	[sflag:s8] =	ssyncset.done $0x0  }
0x1d7: {  	[sflag:s8] =	ssyncadd.s32 $0xFFFFFE00  }
0x1d8: {  	_ =	sfence.sel $0x180000  }
0x1d9: {  	[bflag:$0x0] =	sbarrier.arrive $0xFFFF  }
0x1da: {  	p0 =	sne.s32 s2, $0x0;
	_ =	strace $0x9000004A  }
0x1db: {  	s0 =	sadd.s32 @!p0 $0x100000, s0;
	[bflag:$0x2] =	sbarrier.arrive $0xFFFF  }
0x1dc: {  	[sflag:s0] =	ssyncadd.tile.s32 @!p0 $0x1;
	_ =	shalt  }
.Lfunc_end2:
_tile_overlayer_lowered:
.L_overlay_start_2:
0x1dd: {  	(tag) =	ssettag $0x2  }
0x1de: {  	s0 =	rddreg [dreg:$0x0];
	s2 =	stileid.u32  }
0x1df: {  	s1 =	rddreg [dreg:$0x1];
	p0 =	sne.s32 s2, $0x0  }
0x1e0: {  	s3 =	rddreg [dreg:$0x2];
	[bflag:$0x3] =	sbarrier.arrive $0xFFFF;
	s2 =	simm.s32 @!p0 $0x1C01  }
0x1e1: {  	[timem:s3], [sflag:s2] =	dma.local @!p0 [hbm:s0], s1  }
0x1e2: {  	s0 =	simm.s32 @!p0 $0x1  }
0x1e3: {  	_ =	swait.ge @!p0 [sflag:s0], s1  }
0x1e4: {  	s1 =	ssub.s32 @!p0 $0x0, s1;
	[sflag:s0] =	ssyncset.done @!p0 $0x0  }
0x1e5: {  	[sflag:s0] =	ssyncadd.s32 @!p0 s1  }
0x1e6: {  	[bflag:$0x3] =	sbarrier.arrive $0xFFFF  }
0x1e7: {  	_ =	shalt  }

</sc_bundles>
